<compile_context>
chip_gen: v7x
topology: tpu7x:2x2x1
jax: 0.10.2.dev20260603
libtpu: 0.0.44.dev20260713+nightly
codegen_flags: <defaults>
</compile_context>

<pallas_src>
import functools

import jax
import jax.numpy as jnp
from jax import lax
from jax.experimental import pallas as pl
from jax.experimental.pallas import tpu as pltpu
from jax.experimental.pallas import tpu_sc as plsc

NC = 2
NS = 16
NW = NC * NS
CH = 80
GRP = 25


def _sc_agg_body(rpt, hr_hbm, row_hbm, col_hbm, out_hbm,
                 row_v, col_v, ga, gb, gc, agg_sh, sema, semb, semc):
  cid = lax.axis_index("c")
  sid = lax.axis_index("s")
  wid = sid * NC + cid
  bufs = (ga, gb, gc)
  sems = (sema, semb, semc)

  def fire(b, j):
    pltpu.async_copy(hr_hbm.at[row_v.at[j]], bufs[b], sems[b])

  def wait_scatter(b, j):
    pltpu.make_async_copy(hr_hbm.at[row_v.at[0]], bufs[b], sems[b]).wait()
    pltpu.sync_copy(bufs[b], agg_sh.at[col_v.at[j]], add=True)

  zeros = jnp.zeros((16,), jnp.float32)
  zr, zc = ga.shape

  def zero_body(r, _):
    for c8 in range(zc // 16):
      ga[r, pl.ds(c8 * 16, 16)] = zeros
    return ()
  lax.fori_loop(0, zr, zero_body, ())

  myrow = sid * rpt
  for t in range(rpt // zr):
    pltpu.sync_copy(ga, agg_sh.at[pl.ds(myrow + t * zr, zr)])
  rem = rpt % zr
  if rem:
    pltpu.sync_copy(ga.at[pl.ds(0, rem)],
                    agg_sh.at[pl.ds(myrow + (rpt // zr) * zr, rem)])

  plsc.subcore_barrier()

  ngrp = row_hbm.shape[1]
  grp = row_hbm.shape[2]

  def group_body(g, _):
    pltpu.sync_copy(row_hbm.at[wid, g], row_v)
    pltpu.sync_copy(col_hbm.at[wid, g], col_v)

    for b in range(3):
      fire(b, b)

    def tri_body(i, _):
      j = 3 * i
      wait_scatter(0, j)
      fire(0, j + 3)
      wait_scatter(1, j + 1)
      fire(1, j + 4)
      wait_scatter(2, j + 2)
      fire(2, j + 5)
      return ()
    lax.fori_loop(0, (grp - 4) // 3, tri_body, ())

    wait_scatter(0, grp - 4)
    fire(0, grp - 1)
    wait_scatter(1, grp - 3)
    wait_scatter(2, grp - 2)
    wait_scatter(0, grp - 1)
    return ()
  lax.fori_loop(0, ngrp, group_body, ())

  plsc.subcore_barrier()
  pltpu.sync_copy(agg_sh.at[pl.ds(myrow, rpt)],
                  out_hbm.at[cid, pl.ds(myrow, rpt)])


def _sc_agg(hr, row4, col4):
  n, d = hr.shape
  n2 = -(-n // (NS * 128)) * (NS * 128)
  rpt = n2 // NS
  mesh = plsc.VectorSubcoreMesh(core_axis_name="c", subcore_axis_name="s",
                                num_cores=NC, num_subcores=NS)
  body = functools.partial(_sc_agg_body, rpt)
  fn = pl.kernel(
      body,
      out_type=jax.ShapeDtypeStruct((NC, n2, d), jnp.float32),
      mesh=mesh,
      scratch_types=[
          pltpu.VMEM((GRP, CH), jnp.int32),
          pltpu.VMEM((GRP, CH), jnp.int32),
          pltpu.VMEM((CH, d), jnp.float32),
          pltpu.VMEM((CH, d), jnp.float32),
          pltpu.VMEM((CH, d), jnp.float32),
          pltpu.VMEM_SHARED((n2, d), jnp.float32),
          pltpu.SemaphoreType.DMA,
          pltpu.SemaphoreType.DMA,
          pltpu.SemaphoreType.DMA,
      ],
  )
  return fn(hr, row4, col4)


def _k0_body(x_ref, w_ref, b_ref, h_ref, hr_ref):
  h = jnp.dot(x_ref[...], w_ref[...],
              preferred_element_type=jnp.float32) + b_ref[...]
  h_ref[...] = h
  hr_ref[...] = jnp.maximum(h, 0.0)


def _k1_body(ope_ref, h_ref, agg_ref, w_ref, b_ref, u_ref, s_ref):
  t = ope_ref[...] * h_ref[...] + agg_ref[0] + agg_ref[1]
  u = jnp.dot(t, w_ref[...], preferred_element_type=jnp.float32) + b_ref[...]
  u_ref[...] = u
  s = jnp.concatenate([jnp.sum(u, 0, keepdims=True),
                       jnp.sum(u * u, 0, keepdims=True)], axis=0)

  @pl.when(pl.program_id(0) == 0)
  def _():
    s_ref[...] = s

  @pl.when(pl.program_id(0) != 0)
  def _():
    s_ref[...] = s_ref[...] + s


def _k2_body(n_rows, u_ref, s_ref, g_ref, be_ref, w_ref, b_ref, v_ref, s2_ref):
  mean = s_ref[0:1, :] * (1.0 / n_rows)
  var = s_ref[1:2, :] * (1.0 / n_rows) - mean * mean
  scale = g_ref[...] * lax.rsqrt(var + 1e-5)
  shift = be_ref[...] - mean * scale
  un = jnp.maximum(u_ref[...] * scale + shift, 0.0)
  v = jnp.dot(un, w_ref[...], preferred_element_type=jnp.float32) + b_ref[...]
  v_ref[...] = v
  s2 = jnp.concatenate([jnp.sum(v, 0, keepdims=True),
                        jnp.sum(v * v, 0, keepdims=True)], axis=0)

  @pl.when(pl.program_id(0) == 0)
  def _():
    s2_ref[...] = s2

  @pl.when(pl.program_id(0) != 0)
  def _():
    s2_ref[...] = s2_ref[...] + s2


def _k3_body(do_relu, n_rows, v_ref, s_ref, g_ref, be_ref, h_ref):
  mean = s_ref[0:1, :] * (1.0 / n_rows)
  var = s_ref[1:2, :] * (1.0 / n_rows) - mean * mean
  scale = g_ref[...] * lax.rsqrt(var + 1e-5)
  shift = be_ref[...] - mean * scale
  h = v_ref[...] * scale + shift
  if do_relu:
    h = jnp.maximum(h, 0.0)
  h_ref[...] = h


_SEQ = pltpu.CompilerParams(dimension_semantics=("arbitrary",))


def _row_block(bn, d):
  return pl.BlockSpec((bn, d), lambda i: (i, 0))


def _full(shape):
  return pl.BlockSpec(shape, lambda i: tuple(0 for _ in shape))


def _k0(x, wt, b, bn):
  n, d = x.shape
  return pl.pallas_call(
      _k0_body,
      grid=(n // bn,),
      in_specs=[_row_block(bn, d), _full(wt.shape), _full(b.shape)],
      out_specs=[_row_block(bn, d), _row_block(bn, d)],
      out_shape=[jax.ShapeDtypeStruct((n, d), jnp.float32)] * 2,
      compiler_params=_SEQ,
  )(x, wt, b)


def _k1(ope, h, agg, wt, b, bn):
  n, d = h.shape
  d2 = wt.shape[1]
  return pl.pallas_call(
      _k1_body,
      grid=(n // bn,),
      in_specs=[_full(ope.shape), _row_block(bn, d),
                pl.BlockSpec((2, bn, d), lambda i: (0, i, 0)),
                _full(wt.shape), _full(b.shape)],
      out_specs=[_row_block(bn, d2), _full((2, d2))],
      out_shape=[jax.ShapeDtypeStruct((n, d2), jnp.float32),
                 jax.ShapeDtypeStruct((2, d2), jnp.float32)],
      compiler_params=_SEQ,
  )(ope, h, agg, wt, b)


def _k2(u, s, g, be, wt, b, bn):
  n, d2 = u.shape
  d = wt.shape[1]
  return pl.pallas_call(
      functools.partial(_k2_body, float(n)),
      grid=(n // bn,),
      in_specs=[_row_block(bn, d2), _full((2, d2)), _full(g.shape),
                _full(be.shape), _full(wt.shape), _full(b.shape)],
      out_specs=[_row_block(bn, d), _full((2, d))],
      out_shape=[jax.ShapeDtypeStruct((n, d), jnp.float32),
                 jax.ShapeDtypeStruct((2, d), jnp.float32)],
      compiler_params=_SEQ,
  )(u, s, g, be, wt, b)


def _k3(v, s, g, be, do_relu, bn):
  n, d = v.shape
  return pl.pallas_call(
      functools.partial(_k3_body, do_relu, float(n)),
      grid=(n // bn,),
      in_specs=[_row_block(bn, d), _full((2, d)), _full(g.shape),
                _full(be.shape)],
      out_specs=_row_block(bn, d),
      out_shape=jax.ShapeDtypeStruct((n, d), jnp.float32),
      compiler_params=_SEQ,
  )(v, s, g, be)


def kernel(x, edge_index, fc_w, fc_b, eps, W1, b1, g1, be1, W2, b2, gno, bno):
  n, d = x.shape
  e = edge_index.shape[1]
  nl = W1.shape[0]
  bn = n

  epw = e // NW
  gsz = GRP * CH
  epw_pad = -(-epw // gsz) * gsz
  ngrp = epw_pad // gsz
  pad = epw_pad - epw
  row2 = edge_index[0].reshape(NW, epw)
  col2 = edge_index[1].reshape(NW, epw)
  if pad:
    n2 = -(-n // (NS * 128)) * (NS * 128)
    padcol = n + (jnp.arange(pad, dtype=jnp.int32) % (n2 - n))
    row2 = jnp.concatenate([row2, jnp.zeros((NW, pad), jnp.int32)], axis=1)
    col2 = jnp.concatenate(
        [col2, jnp.broadcast_to(padcol, (NW, pad))], axis=1)
  row4 = row2.reshape(NW, ngrp, GRP, CH)
  col4 = col2.reshape(NW, ngrp, GRP, CH)

  h, hr = _k0(x, fc_w.T, fc_b.reshape(1, d), bn)
  for l in range(nl):
    agg = _sc_agg(hr if l == 0 else h, row4, col4)
    ope = jnp.broadcast_to(1.0 + eps[l], (1, d))
    u, s1 = _k1(ope, h, agg, W1[l].T, b1[l].reshape(1, -1), bn)
    v, s2 = _k2(u, s1, g1[l].reshape(1, -1), be1[l].reshape(1, -1),
                W2[l].T, b2[l].reshape(1, -1), bn)
    h = _k3(v, s2, gno[l].reshape(1, -1), bno[l].reshape(1, -1), l < nl - 1, bn)
  return h

# --- scband reference (transcript-rebuilt; emitter-appended) ---
"""Pipeline reference for scband-gnn-8057358647777 (READ-ONLY COPY).

The authoritative reference and input builder live on the scoring server;
editing this copy changes nothing except your own understanding.
"""

import jax, jax.numpy as jnp
import numpy as np

N, E, D, L = 10000, 320000, 128, 3

def setup_inputs(seed: int = 0) -> dict:
    key = jax.random.key(seed)
    ks = jax.random.split(key, 8)
    inp = {}
    inp["x"] = jax.random.normal(ks[0], (N, D), dtype=jnp.float32)
    inp["edge_index"] = jax.random.randint(ks[1], (2, E), 0, N, dtype=jnp.int32)
    inp["fc_w"] = jax.random.normal(ks[2], (D, D), dtype=jnp.float32) * 0.05
    inp["fc_b"] = jnp.zeros((D,), dtype=jnp.float32)
    inp["eps"] = jnp.zeros((L,), dtype=jnp.float32)
    inp["W1"] = jax.random.normal(ks[3], (L, 2 * D, D), dtype=jnp.float32) * 0.05
    inp["b1"] = jnp.zeros((L, 2 * D), dtype=jnp.float32)
    inp["g1"] = jnp.ones((L, 2 * D), dtype=jnp.float32)
    inp["be1"] = jnp.zeros((L, 2 * D), dtype=jnp.float32)
    inp["W2"] = jax.random.normal(ks[4], (L, D, 2 * D), dtype=jnp.float32) * 0.05
    inp["b2"] = jnp.zeros((L, D), dtype=jnp.float32)
    inp["gno"] = jnp.ones((L, D), dtype=jnp.float32)
    inp["bno"] = jnp.zeros((L, D), dtype=jnp.float32)
    return inp

def _bn(h, gamma, beta):
    # torch BatchNorm1d in training mode: batch stats, biased variance, eps=1e-5
    mean = h.mean(axis=0)
    var = h.var(axis=0)
    return gamma * (h - mean) * jax.lax.rsqrt(var + 1e-5) + beta

def reference(x, edge_index, fc_w, fc_b, eps, W1, b1, g1, be1, W2, b2, gno, bno):
    row = edge_index[0]
    col = edge_index[1]
    # fc_in
    h = x @ fc_w.T + fc_b
    nl = W1.shape[0]
    for l in range(nl):
        # GINConv (use_edge_attr=False): message = relu(x_j), aggr='add' into dst node
        msg = jax.nn.relu(h[row])
        agg = jnp.zeros_like(h).at[col].add(msg)
        t = (1.0 + eps[l]) * h + agg
        # mlp: Linear(d,2d) -> BatchNorm1d(2d) -> ReLU -> Linear(2d,d)
        t = t @ W1[l].T + b1[l]
        t = _bn(t, g1[l], be1[l])
        t = jax.nn.relu(t)
        t = t @ W2[l].T + b2[l]
        # outer BatchNorm1d(d)
        h = _bn(t, gno[l], bno[l])
        # dropout=0.0 -> no-op; relu on all but last layer
        if l < nl - 1:
            h = jax.nn.relu(h)
    return h

if __name__ == "__main__":
    import jax
    _d = setup_inputs()
    print(jax.jit(kernel)(*tuple(_d.values())))

</pallas_src>

<mosaic_0001>
#map = affine_map<(d0, d1) -> (0, 0)>
#map1 = affine_map<(d0, d1) -> (0, 0, 0, 0)>
#map2 = affine_map<(d0, d1) -> (0, 0, 0)>
module attributes {stable_mosaic.version = 14 : i64} {
  func.func @_sc_agg_body(%arg0: i32, %arg1: i32, %arg2: memref<10000x128xf32, #tpu.memory_space<hbm>>, %arg3: memref<32x5x25x80xi32, #tpu.memory_space<hbm>>, %arg4: memref<32x5x25x80xi32, #tpu.memory_space<hbm>>, %arg5: memref<2x10240x128xf32, #tpu.memory_space<hbm>>, %arg6: memref<25x80xi32, #tpu.memory_space<vmem>>, %arg7: memref<25x80xi32, #tpu.memory_space<vmem>>, %arg8: memref<80x128xf32, #tpu.memory_space<vmem>>, %arg9: memref<80x128xf32, #tpu.memory_space<vmem>>, %arg10: memref<80x128xf32, #tpu.memory_space<vmem>>, %arg11: memref<10240x128xf32, #tpu.memory_space<vmem_shared>>, %arg12: memref<!tpu.dma_semaphore, #tpu.memory_space<semaphore_mem>>, %arg13: memref<!tpu.dma_semaphore, #tpu.memory_space<semaphore_mem>>, %arg14: memref<!tpu.dma_semaphore, #tpu.memory_space<semaphore_mem>>) attributes {dimension_semantics = [#tpu.dimension_semantics<core_parallel>, #tpu.dimension_semantics<subcore_parallel>], iteration_bounds = array<i64: 2, 16>, scalar_prefetch = 0 : i64, scratch_operands = 9 : i64, tpu.core_type = #tpu.core_type<sc_vector_subcore>, window_params = [{transform_indices = #map}, {transform_indices = #map1}, {transform_indices = #map1}, {transform_indices = #map2}]} {
    %mul3A = arith.constant 2 : i32
    %mul3A_0 = arith.muli %arg1, %mul3A : i32
    %add3A = arith.addi %mul3A_0, %arg0 : i32
    %broadcast_in_dim3A = arith.constant 0.000000e+00 : f32
    %broadcast_in_dim3A_1 = vector.broadcast %broadcast_in_dim3A : f32 to vector<16xf32>
    %scan3A = arith.constant 0 : i32
    %scan3A_2 = arith.constant 80 : i32
    %scan3A_3 = arith.addi %scan3A, %scan3A_2 : i32
    %scan3A_4 = arith.constant 1 : i32
    scf.for %scan3A_30 = %scan3A to %scan3A_3 step %scan3A_4  : i32 {
      %swap3A = arith.index_cast %scan3A_30 : i32 to index
      %swap3A_31 = arith.constant 0 : index
      %swap3A_32 = tpu.vector_load %arg8[%swap3A, %swap3A_31] {strides = array<i32>} : memref<80x128xf32, #tpu.memory_space<vmem>>, vector<1x16xf32>,
      %swap3A_33 = vector.shape_cast %swap3A_32 : vector<1x16xf32> to vector<16xf32>
      %swap3A_34 = vector.shape_cast %broadcast_in_dim3A_1 : vector<16xf32> to vector<1x16xf32>
      tpu.vector_store %arg8[%swap3A, %swap3A_31], %swap3A_34 {strides = array<i32>} : memref<80x128xf32, #tpu.memory_space<vmem>>, vector<1x16xf32>,
      %swap3A_35 = arith.index_cast %scan3A_30 : i32 to index
      %swap3A_36 = arith.constant 16 : index
      %swap3A_37 = tpu.vector_load %arg8[%swap3A_35, %swap3A_36] {strides = array<i32>} : memref<80x128xf32, #tpu.memory_space<vmem>>, vector<1x16xf32>,
      %swap3A_38 = vector.shape_cast %swap3A_37 : vector<1x16xf32> to vector<16xf32>
      %swap3A_39 = vector.shape_cast %broadcast_in_dim3A_1 : vector<16xf32> to vector<1x16xf32>
      tpu.vector_store %arg8[%swap3A_35, %swap3A_36], %swap3A_39 {strides = array<i32>} : memref<80x128xf32, #tpu.memory_space<vmem>>, vector<1x16xf32>,
      %swap3A_40 = arith.index_cast %scan3A_30 : i32 to index
      %swap3A_41 = arith.constant 32 : index
      %swap3A_42 = tpu.vector_load %arg8[%swap3A_40, %swap3A_41] {strides = array<i32>} : memref<80x128xf32, #tpu.memory_space<vmem>>, vector<1x16xf32>,
      %swap3A_43 = vector.shape_cast %swap3A_42 : vector<1x16xf32> to vector<16xf32>
      %swap3A_44 = vector.shape_cast %broadcast_in_dim3A_1 : vector<16xf32> to vector<1x16xf32>
      tpu.vector_store %arg8[%swap3A_40, %swap3A_41], %swap3A_44 {strides = array<i32>} : memref<80x128xf32, #tpu.memory_space<vmem>>, vector<1x16xf32>,
      %swap3A_45 = arith.index_cast %scan3A_30 : i32 to index
      %swap3A_46 = arith.constant 48 : index
      %swap3A_47 = tpu.vector_load %arg8[%swap3A_45, %swap3A_46] {strides = array<i32>} : memref<80x128xf32, #tpu.memory_space<vmem>>, vector<1x16xf32>,
      %swap3A_48 = vector.shape_cast %swap3A_47 : vector<1x16xf32> to vector<16xf32>
      %swap3A_49 = vector.shape_cast %broadcast_in_dim3A_1 : vector<16xf32> to vector<1x16xf32>
      tpu.vector_store %arg8[%swap3A_45, %swap3A_46], %swap3A_49 {strides = array<i32>} : memref<80x128xf32, #tpu.memory_space<vmem>>, vector<1x16xf32>,
      %swap3A_50 = arith.index_cast %scan3A_30 : i32 to index
      %swap3A_51 = arith.constant 64 : index
      %swap3A_52 = tpu.vector_load %arg8[%swap3A_50, %swap3A_51] {strides = array<i32>} : memref<80x128xf32, #tpu.memory_space<vmem>>, vector<1x16xf32>,
      %swap3A_53 = vector.shape_cast %swap3A_52 : vector<1x16xf32> to vector<16xf32>
      %swap3A_54 = vector.shape_cast %broadcast_in_dim3A_1 : vector<16xf32> to vector<1x16xf32>
      tpu.vector_store %arg8[%swap3A_50, %swap3A_51], %swap3A_54 {strides = array<i32>} : memref<80x128xf32, #tpu.memory_space<vmem>>, vector<1x16xf32>,
      %swap3A_55 = arith.index_cast %scan3A_30 : i32 to index
      %swap3A_56 = arith.constant 80 : index
      %swap3A_57 = tpu.vector_load %arg8[%swap3A_55, %swap3A_56] {strides = array<i32>} : memref<80x128xf32, #tpu.memory_space<vmem>>, vector<1x16xf32>,
      %swap3A_58 = vector.shape_cast %swap3A_57 : vector<1x16xf32> to vector<16xf32>
      %swap3A_59 = vector.shape_cast %broadcast_in_dim3A_1 : vector<16xf32> to vector<1x16xf32>
      tpu.vector_store %arg8[%swap3A_55, %swap3A_56], %swap3A_59 {strides = array<i32>} : memref<80x128xf32, #tpu.memory_space<vmem>>, vector<1x16xf32>,
      %swap3A_60 = arith.index_cast %scan3A_30 : i32 to index
      %swap3A_61 = arith.constant 96 : index
      %swap3A_62 = tpu.vector_load %arg8[%swap3A_60, %swap3A_61] {strides = array<i32>} : memref<80x128xf32, #tpu.memory_space<vmem>>, vector<1x16xf32>,
      %swap3A_63 = vector.shape_cast %swap3A_62 : vector<1x16xf32> to vector<16xf32>
      %swap3A_64 = vector.shape_cast %broadcast_in_dim3A_1 : vector<16xf32> to vector<1x16xf32>
      tpu.vector_store %arg8[%swap3A_60, %swap3A_61], %swap3A_64 {strides = array<i32>} : memref<80x128xf32, #tpu.memory_space<vmem>>, vector<1x16xf32>,
      %swap3A_65 = arith.index_cast %scan3A_30 : i32 to index
      %swap3A_66 = arith.constant 112 : index
      %swap3A_67 = tpu.vector_load %arg8[%swap3A_65, %swap3A_66] {strides = array<i32>} : memref<80x128xf32, #tpu.memory_space<vmem>>, vector<1x16xf32>,
      %swap3A_68 = vector.shape_cast %swap3A_67 : vector<1x16xf32> to vector<16xf32>
      %swap3A_69 = vector.shape_cast %broadcast_in_dim3A_1 : vector<16xf32> to vector<1x16xf32>
      tpu.vector_store %arg8[%swap3A_65, %swap3A_66], %swap3A_69 {strides = array<i32>} : memref<80x128xf32, #tpu.memory_space<vmem>>, vector<1x16xf32>,
    }
    %scan3A_5 = arith.constant 80 : i32
    %mul3A_6 = arith.constant 640 : i32
    %mul3A_7 = arith.muli %arg1, %mul3A_6 : i32
    %add3A_8 = arith.constant 0 : i32
    %add3A_9 = arith.addi %mul3A_7, %add3A_8 : i32
    "tpu.region"() ({
      %run_scoped3A = tpu.sem_alloc : memref<!tpu.dma_semaphore, #tpu.memory_space<semaphore_mem>>
      %dma_start3A = arith.constant 0 : i32
      %dma_start3A_30 = tpu.memref_slice %arg11[%add3A_9, %dma_start3A] : memref<10240x128xf32, #tpu.memory_space<vmem_shared>> -> memref<80x128xf32, #tpu.memory_space<vmem_shared>>
      %dma_start3A_31 = arith.constant 0 : i32
      %dma_start3A_32 = tpu.memref_slice %arg11[%add3A_9, %dma_start3A_31] : memref<10240x128xf32, #tpu.memory_space<vmem_shared>> -> memref<80x128xf32, #tpu.memory_space<vmem_shared>>
      tpu.enqueue_dma source(%arg8 : memref<80x128xf32, #tpu.memory_space<vmem>>) target(%dma_start3A_32 : memref<80x128xf32, #tpu.memory_space<vmem_shared>>) target_semaphore(%run_scoped3A : memref<!tpu.dma_semaphore, #tpu.memory_space<semaphore_mem>>)
      %dma_wait3A = arith.constant 0 : i32
      %dma_wait3A_33 = tpu.memref_slice %arg11[%add3A_9, %dma_wait3A] : memref<10240x128xf32, #tpu.memory_space<vmem_shared>> -> memref<80x128xf32, #tpu.memory_space<vmem_shared>>
      %dma_wait3A_34 = arith.constant 0 : i32
      %dma_wait3A_35 = tpu.memref_slice %arg11[%add3A_9, %dma_wait3A_34] : memref<10240x128xf32, #tpu.memory_space<vmem_shared>> -> memref<80x128xf32, #tpu.memory_space<vmem_shared>>
      tpu.wait_dma2 semaphore(%run_scoped3A : memref<!tpu.dma_semaphore, #tpu.memory_space<semaphore_mem>>) src(%arg8 : memref<80x128xf32, #tpu.memory_space<vmem>>) dst(%dma_wait3A_35 : memref<80x128xf32, #tpu.memory_space<vmem_shared>>)
      tpu.yield
    }) : () -> ()
    %add3A_10 = arith.constant 80 : i32
    %add3A_11 = arith.addi %mul3A_7, %add3A_10 : i32
    "tpu.region"() ({
      %run_scoped3A = tpu.sem_alloc : memref<!tpu.dma_semaphore, #tpu.memory_space<semaphore_mem>>
      %dma_start3A = arith.constant 0 : i32
      %dma_start3A_30 = tpu.memref_slice %arg11[%add3A_11, %dma_start3A] : memref<10240x128xf32, #tpu.memory_space<vmem_shared>> -> memref<80x128xf32, #tpu.memory_space<vmem_shared>>
      %dma_start3A_31 = arith.constant 0 : i32
      %dma_start3A_32 = tpu.memref_slice %arg11[%add3A_11, %dma_start3A_31] : memref<10240x128xf32, #tpu.memory_space<vmem_shared>> -> memref<80x128xf32, #tpu.memory_space<vmem_shared>>
      tpu.enqueue_dma source(%arg8 : memref<80x128xf32, #tpu.memory_space<vmem>>) target(%dma_start3A_32 : memref<80x128xf32, #tpu.memory_space<vmem_shared>>) target_semaphore(%run_scoped3A : memref<!tpu.dma_semaphore, #tpu.memory_space<semaphore_mem>>)
      %dma_wait3A = arith.constant 0 : i32
      %dma_wait3A_33 = tpu.memref_slice %arg11[%add3A_11, %dma_wait3A] : memref<10240x128xf32, #tpu.memory_space<vmem_shared>> -> memref<80x128xf32, #tpu.memory_space<vmem_shared>>
      %dma_wait3A_34 = arith.constant 0 : i32
      %dma_wait3A_35 = tpu.memref_slice %arg11[%add3A_11, %dma_wait3A_34] : memref<10240x128xf32, #tpu.memory_space<vmem_shared>> -> memref<80x128xf32, #tpu.memory_space<vmem_shared>>
      tpu.wait_dma2 semaphore(%run_scoped3A : memref<!tpu.dma_semaphore, #tpu.memory_space<semaphore_mem>>) src(%arg8 : memref<80x128xf32, #tpu.memory_space<vmem>>) dst(%dma_wait3A_35 : memref<80x128xf32, #tpu.memory_space<vmem_shared>>)
      tpu.yield
    }) : () -> ()
    %add3A_12 = arith.constant 160 : i32
    %add3A_13 = arith.addi %mul3A_7, %add3A_12 : i32
    "tpu.region"() ({
      %run_scoped3A = tpu.sem_alloc : memref<!tpu.dma_semaphore, #tpu.memory_space<semaphore_mem>>
      %dma_start3A = arith.constant 0 : i32
      %dma_start3A_30 = tpu.memref_slice %arg11[%add3A_13, %dma_start3A] : memref<10240x128xf32, #tpu.memory_space<vmem_shared>> -> memref<80x128xf32, #tpu.memory_space<vmem_shared>>
      %dma_start3A_31 = arith.constant 0 : i32
      %dma_start3A_32 = tpu.memref_slice %arg11[%add3A_13, %dma_start3A_31] : memref<10240x128xf32, #tpu.memory_space<vmem_shared>> -> memref<80x128xf32, #tpu.memory_space<vmem_shared>>
      tpu.enqueue_dma source(%arg8 : memref<80x128xf32, #tpu.memory_space<vmem>>) target(%dma_start3A_32 : memref<80x128xf32, #tpu.memory_space<vmem_shared>>) target_semaphore(%run_scoped3A : memref<!tpu.dma_semaphore, #tpu.memory_space<semaphore_mem>>)
      %dma_wait3A = arith.constant 0 : i32
      %dma_wait3A_33 = tpu.memref_slice %arg11[%add3A_13, %dma_wait3A] : memref<10240x128xf32, #tpu.memory_space<vmem_shared>> -> memref<80x128xf32, #tpu.memory_space<vmem_shared>>
      %dma_wait3A_34 = arith.constant 0 : i32
      %dma_wait3A_35 = tpu.memref_slice %arg11[%add3A_13, %dma_wait3A_34] : memref<10240x128xf32, #tpu.memory_space<vmem_shared>> -> memref<80x128xf32, #tpu.memory_space<vmem_shared>>
      tpu.wait_dma2 semaphore(%run_scoped3A : memref<!tpu.dma_semaphore, #tpu.memory_space<semaphore_mem>>) src(%arg8 : memref<80x128xf32, #tpu.memory_space<vmem>>) dst(%dma_wait3A_35 : memref<80x128xf32, #tpu.memory_space<vmem_shared>>)
      tpu.yield
    }) : () -> ()
    %add3A_14 = arith.constant 240 : i32
    %add3A_15 = arith.addi %mul3A_7, %add3A_14 : i32
    "tpu.region"() ({
      %run_scoped3A = tpu.sem_alloc : memref<!tpu.dma_semaphore, #tpu.memory_space<semaphore_mem>>
      %dma_start3A = arith.constant 0 : i32
      %dma_start3A_30 = tpu.memref_slice %arg11[%add3A_15, %dma_start3A] : memref<10240x128xf32, #tpu.memory_space<vmem_shared>> -> memref<80x128xf32, #tpu.memory_space<vmem_shared>>
      %dma_start3A_31 = arith.constant 0 : i32
      %dma_start3A_32 = tpu.memref_slice %arg11[%add3A_15, %dma_start3A_31] : memref<10240x128xf32, #tpu.memory_space<vmem_shared>> -> memref<80x128xf32, #tpu.memory_space<vmem_shared>>
      tpu.enqueue_dma source(%arg8 : memref<80x128xf32, #tpu.memory_space<vmem>>) target(%dma_start3A_32 : memref<80x128xf32, #tpu.memory_space<vmem_shared>>) target_semaphore(%run_scoped3A : memref<!tpu.dma_semaphore, #tpu.memory_space<semaphore_mem>>)
      %dma_wait3A = arith.constant 0 : i32
      %dma_wait3A_33 = tpu.memref_slice %arg11[%add3A_15, %dma_wait3A] : memref<10240x128xf32, #tpu.memory_space<vmem_shared>> -> memref<80x128xf32, #tpu.memory_space<vmem_shared>>
      %dma_wait3A_34 = arith.constant 0 : i32
      %dma_wait3A_35 = tpu.memref_slice %arg11[%add3A_15, %dma_wait3A_34] : memref<10240x128xf32, #tpu.memory_space<vmem_shared>> -> memref<80x128xf32, #tpu.memory_space<vmem_shared>>
      tpu.wait_dma2 semaphore(%run_scoped3A : memref<!tpu.dma_semaphore, #tpu.memory_space<semaphore_mem>>) src(%arg8 : memref<80x128xf32, #tpu.memory_space<vmem>>) dst(%dma_wait3A_35 : memref<80x128xf32, #tpu.memory_space<vmem_shared>>)
      tpu.yield
    }) : () -> ()
    %add3A_16 = arith.constant 320 : i32
    %add3A_17 = arith.addi %mul3A_7, %add3A_16 : i32
    "tpu.region"() ({
      %run_scoped3A = tpu.sem_alloc : memref<!tpu.dma_semaphore, #tpu.memory_space<semaphore_mem>>
      %dma_start3A = arith.constant 0 : i32
      %dma_start3A_30 = tpu.memref_slice %arg11[%add3A_17, %dma_start3A] : memref<10240x128xf32, #tpu.memory_space<vmem_shared>> -> memref<80x128xf32, #tpu.memory_space<vmem_shared>>
      %dma_start3A_31 = arith.constant 0 : i32
      %dma_start3A_32 = tpu.memref_slice %arg11[%add3A_17, %dma_start3A_31] : memref<10240x128xf32, #tpu.memory_space<vmem_shared>> -> memref<80x128xf32, #tpu.memory_space<vmem_shared>>
      tpu.enqueue_dma source(%arg8 : memref<80x128xf32, #tpu.memory_space<vmem>>) target(%dma_start3A_32 : memref<80x128xf32, #tpu.memory_space<vmem_shared>>) target_semaphore(%run_scoped3A : memref<!tpu.dma_semaphore, #tpu.memory_space<semaphore_mem>>)
      %dma_wait3A = arith.constant 0 : i32
      %dma_wait3A_33 = tpu.memref_slice %arg11[%add3A_17, %dma_wait3A] : memref<10240x128xf32, #tpu.memory_space<vmem_shared>> -> memref<80x128xf32, #tpu.memory_space<vmem_shared>>
      %dma_wait3A_34 = arith.constant 0 : i32
      %dma_wait3A_35 = tpu.memref_slice %arg11[%add3A_17, %dma_wait3A_34] : memref<10240x128xf32, #tpu.memory_space<vmem_shared>> -> memref<80x128xf32, #tpu.memory_space<vmem_shared>>
      tpu.wait_dma2 semaphore(%run_scoped3A : memref<!tpu.dma_semaphore, #tpu.memory_space<semaphore_mem>>) src(%arg8 : memref<80x128xf32, #tpu.memory_space<vmem>>) dst(%dma_wait3A_35 : memref<80x128xf32, #tpu.memory_space<vmem_shared>>)
      tpu.yield
    }) : () -> ()
    %add3A_18 = arith.constant 400 : i32
    %add3A_19 = arith.addi %mul3A_7, %add3A_18 : i32
    "tpu.region"() ({
      %run_scoped3A = tpu.sem_alloc : memref<!tpu.dma_semaphore, #tpu.memory_space<semaphore_mem>>
      %dma_start3A = arith.constant 0 : i32
      %dma_start3A_30 = tpu.memref_slice %arg11[%add3A_19, %dma_start3A] : memref<10240x128xf32, #tpu.memory_space<vmem_shared>> -> memref<80x128xf32, #tpu.memory_space<vmem_shared>>
      %dma_start3A_31 = arith.constant 0 : i32
      %dma_start3A_32 = tpu.memref_slice %arg11[%add3A_19, %dma_start3A_31] : memref<10240x128xf32, #tpu.memory_space<vmem_shared>> -> memref<80x128xf32, #tpu.memory_space<vmem_shared>>
      tpu.enqueue_dma source(%arg8 : memref<80x128xf32, #tpu.memory_space<vmem>>) target(%dma_start3A_32 : memref<80x128xf32, #tpu.memory_space<vmem_shared>>) target_semaphore(%run_scoped3A : memref<!tpu.dma_semaphore, #tpu.memory_space<semaphore_mem>>)
      %dma_wait3A = arith.constant 0 : i32
      %dma_wait3A_33 = tpu.memref_slice %arg11[%add3A_19, %dma_wait3A] : memref<10240x128xf32, #tpu.memory_space<vmem_shared>> -> memref<80x128xf32, #tpu.memory_space<vmem_shared>>
      %dma_wait3A_34 = arith.constant 0 : i32
      %dma_wait3A_35 = tpu.memref_slice %arg11[%add3A_19, %dma_wait3A_34] : memref<10240x128xf32, #tpu.memory_space<vmem_shared>> -> memref<80x128xf32, #tpu.memory_space<vmem_shared>>
      tpu.wait_dma2 semaphore(%run_scoped3A : memref<!tpu.dma_semaphore, #tpu.memory_space<semaphore_mem>>) src(%arg8 : memref<80x128xf32, #tpu.memory_space<vmem>>) dst(%dma_wait3A_35 : memref<80x128xf32, #tpu.memory_space<vmem_shared>>)
      tpu.yield
    }) : () -> ()
    %add3A_20 = arith.constant 480 : i32
    %add3A_21 = arith.addi %mul3A_7, %add3A_20 : i32
    "tpu.region"() ({
      %run_scoped3A = tpu.sem_alloc : memref<!tpu.dma_semaphore, #tpu.memory_space<semaphore_mem>>
      %dma_start3A = arith.constant 0 : i32
      %dma_start3A_30 = tpu.memref_slice %arg11[%add3A_21, %dma_start3A] : memref<10240x128xf32, #tpu.memory_space<vmem_shared>> -> memref<80x128xf32, #tpu.memory_space<vmem_shared>>
      %dma_start3A_31 = arith.constant 0 : i32
      %dma_start3A_32 = tpu.memref_slice %arg11[%add3A_21, %dma_start3A_31] : memref<10240x128xf32, #tpu.memory_space<vmem_shared>> -> memref<80x128xf32, #tpu.memory_space<vmem_shared>>
      tpu.enqueue_dma source(%arg8 : memref<80x128xf32, #tpu.memory_space<vmem>>) target(%dma_start3A_32 : memref<80x128xf32, #tpu.memory_space<vmem_shared>>) target_semaphore(%run_scoped3A : memref<!tpu.dma_semaphore, #tpu.memory_space<semaphore_mem>>)
      %dma_wait3A = arith.constant 0 : i32
      %dma_wait3A_33 = tpu.memref_slice %arg11[%add3A_21, %dma_wait3A] : memref<10240x128xf32, #tpu.memory_space<vmem_shared>> -> memref<80x128xf32, #tpu.memory_space<vmem_shared>>
      %dma_wait3A_34 = arith.constant 0 : i32
      %dma_wait3A_35 = tpu.memref_slice %arg11[%add3A_21, %dma_wait3A_34] : memref<10240x128xf32, #tpu.memory_space<vmem_shared>> -> memref<80x128xf32, #tpu.memory_space<vmem_shared>>
      tpu.wait_dma2 semaphore(%run_scoped3A : memref<!tpu.dma_semaphore, #tpu.memory_space<semaphore_mem>>) src(%arg8 : memref<80x128xf32, #tpu.memory_space<vmem>>) dst(%dma_wait3A_35 : memref<80x128xf32, #tpu.memory_space<vmem_shared>>)
      tpu.yield
    }) : () -> ()
    %add3A_22 = arith.constant 560 : i32
    %add3A_23 = arith.addi %mul3A_7, %add3A_22 : i32
    "tpu.region"() ({
      %run_scoped3A = tpu.sem_alloc : memref<!tpu.dma_semaphore, #tpu.memory_space<semaphore_mem>>
      %dma_start3A = arith.constant 0 : i32
      %dma_start3A_30 = tpu.memref_slice %arg11[%add3A_23, %dma_start3A] : memref<10240x128xf32, #tpu.memory_space<vmem_shared>> -> memref<80x128xf32, #tpu.memory_space<vmem_shared>>
      %dma_start3A_31 = arith.constant 0 : i32
      %dma_start3A_32 = tpu.memref_slice %arg11[%add3A_23, %dma_start3A_31] : memref<10240x128xf32, #tpu.memory_space<vmem_shared>> -> memref<80x128xf32, #tpu.memory_space<vmem_shared>>
      tpu.enqueue_dma source(%arg8 : memref<80x128xf32, #tpu.memory_space<vmem>>) target(%dma_start3A_32 : memref<80x128xf32, #tpu.memory_space<vmem_shared>>) target_semaphore(%run_scoped3A : memref<!tpu.dma_semaphore, #tpu.memory_space<semaphore_mem>>)
      %dma_wait3A = arith.constant 0 : i32
      %dma_wait3A_33 = tpu.memref_slice %arg11[%add3A_23, %dma_wait3A] : memref<10240x128xf32, #tpu.memory_space<vmem_shared>> -> memref<80x128xf32, #tpu.memory_space<vmem_shared>>
      %dma_wait3A_34 = arith.constant 0 : i32
      %dma_wait3A_35 = tpu.memref_slice %arg11[%add3A_23, %dma_wait3A_34] : memref<10240x128xf32, #tpu.memory_space<vmem_shared>> -> memref<80x128xf32, #tpu.memory_space<vmem_shared>>
      tpu.wait_dma2 semaphore(%run_scoped3A : memref<!tpu.dma_semaphore, #tpu.memory_space<semaphore_mem>>) src(%arg8 : memref<80x128xf32, #tpu.memory_space<vmem>>) dst(%dma_wait3A_35 : memref<80x128xf32, #tpu.memory_space<vmem_shared>>)
      tpu.yield
    }) : () -> ()
    %barrier3A = arith.constant 0 : index
    tpu.barrier barrier_id(%barrier3A)
    %scan3A_24 = arith.constant 0 : i32
    %scan3A_25 = arith.constant 5 : i32
    %scan3A_26 = arith.addi %scan3A_24, %scan3A_25 : i32
    %scan3A_27 = arith.constant 1 : i32
    scf.for %scan3A_30 = %scan3A_24 to %scan3A_26 step %scan3A_27  : i32 {
      "tpu.region"() ({
        %run_scoped3A_93 = tpu.sem_alloc : memref<!tpu.dma_semaphore, #tpu.memory_space<semaphore_mem>>
        %dma_start3A_94 = arith.constant 0 : i32
        %dma_start3A_95 = arith.constant 0 : i32
        %dma_start3A_96 = tpu.memref_slice %arg3[%add3A, %scan3A_30, %dma_start3A_94, %dma_start3A_95] : memref<32x5x25x80xi32, #tpu.memory_space<hbm>> -> memref<1x1x25x80xi32, #tpu.memory_space<hbm>>
        %dma_start3A_97 = tpu.memref_squeeze %dma_start3A_96 : memref<1x1x25x80xi32, #tpu.memory_space<hbm>> -> memref<25x80xi32, #tpu.memory_space<hbm>>
        %dma_start3A_98 = arith.constant 0 : i32
        %dma_start3A_99 = arith.constant 0 : i32
        %dma_start3A_100 = tpu.memref_slice %arg3[%add3A, %scan3A_30, %dma_start3A_98, %dma_start3A_99] : memref<32x5x25x80xi32, #tpu.memory_space<hbm>> -> memref<1x1x25x80xi32, #tpu.memory_space<hbm>>
        %dma_start3A_101 = tpu.memref_squeeze %dma_start3A_100 : memref<1x1x25x80xi32, #tpu.memory_space<hbm>> -> memref<25x80xi32, #tpu.memory_space<hbm>>
        tpu.enqueue_dma source(%dma_start3A_101 : memref<25x80xi32, #tpu.memory_space<hbm>>) target(%arg6 : memref<25x80xi32, #tpu.memory_space<vmem>>) target_semaphore(%run_scoped3A_93 : memref<!tpu.dma_semaphore, #tpu.memory_space<semaphore_mem>>)
        %dma_wait3A_102 = arith.constant 0 : i32
        %dma_wait3A_103 = arith.constant 0 : i32
        %dma_wait3A_104 = tpu.memref_slice %arg3[%add3A, %scan3A_30, %dma_wait3A_102, %dma_wait3A_103] : memref<32x5x25x80xi32, #tpu.memory_space<hbm>> -> memref<1x1x25x80xi32, #tpu.memory_space<hbm>>
        %dma_wait3A_105 = tpu.memref_squeeze %dma_wait3A_104 : memref<1x1x25x80xi32, #tpu.memory_space<hbm>> -> memref<25x80xi32, #tpu.memory_space<hbm>>
        %dma_wait3A_106 = arith.constant 0 : i32
        %dma_wait3A_107 = arith.constant 0 : i32
        %dma_wait3A_108 = tpu.memref_slice %arg3[%add3A, %scan3A_30, %dma_wait3A_106, %dma_wait3A_107] : memref<32x5x25x80xi32, #tpu.memory_space<hbm>> -> memref<1x1x25x80xi32, #tpu.memory_space<hbm>>
        %dma_wait3A_109 = tpu.memref_squeeze %dma_wait3A_108 : memref<1x1x25x80xi32, #tpu.memory_space<hbm>> -> memref<25x80xi32, #tpu.memory_space<hbm>>
        tpu.wait_dma2 semaphore(%run_scoped3A_93 : memref<!tpu.dma_semaphore, #tpu.memory_space<semaphore_mem>>) src(%dma_wait3A_109 : memref<25x80xi32, #tpu.memory_space<hbm>>) dst(%arg6 : memref<25x80xi32, #tpu.memory_space<vmem>>)
        tpu.yield
      }) : () -> ()
      "tpu.region"() ({
        %run_scoped3A_93 = tpu.sem_alloc : memref<!tpu.dma_semaphore, #tpu.memory_space<semaphore_mem>>
        %dma_start3A_94 = arith.constant 0 : i32
        %dma_start3A_95 = arith.constant 0 : i32
        %dma_start3A_96 = tpu.memref_slice %arg4[%add3A, %scan3A_30, %dma_start3A_94, %dma_start3A_95] : memref<32x5x25x80xi32, #tpu.memory_space<hbm>> -> memref<1x1x25x80xi32, #tpu.memory_space<hbm>>
        %dma_start3A_97 = tpu.memref_squeeze %dma_start3A_96 : memref<1x1x25x80xi32, #tpu.memory_space<hbm>> -> memref<25x80xi32, #tpu.memory_space<hbm>>
        %dma_start3A_98 = arith.constant 0 : i32
        %dma_start3A_99 = arith.constant 0 : i32
        %dma_start3A_100 = tpu.memref_slice %arg4[%add3A, %scan3A_30, %dma_start3A_98, %dma_start3A_99] : memref<32x5x25x80xi32, #tpu.memory_space<hbm>> -> memref<1x1x25x80xi32, #tpu.memory_space<hbm>>
        %dma_start3A_101 = tpu.memref_squeeze %dma_start3A_100 : memref<1x1x25x80xi32, #tpu.memory_space<hbm>> -> memref<25x80xi32, #tpu.memory_space<hbm>>
        tpu.enqueue_dma source(%dma_start3A_101 : memref<25x80xi32, #tpu.memory_space<hbm>>) target(%arg7 : memref<25x80xi32, #tpu.memory_space<vmem>>) target_semaphore(%run_scoped3A_93 : memref<!tpu.dma_semaphore, #tpu.memory_space<semaphore_mem>>)
        %dma_wait3A_102 = arith.constant 0 : i32
        %dma_wait3A_103 = arith.constant 0 : i32
        %dma_wait3A_104 = tpu.memref_slice %arg4[%add3A, %scan3A_30, %dma_wait3A_102, %dma_wait3A_103] : memref<32x5x25x80xi32, #tpu.memory_space<hbm>> -> memref<1x1x25x80xi32, #tpu.memory_space<hbm>>
        %dma_wait3A_105 = tpu.memref_squeeze %dma_wait3A_104 : memref<1x1x25x80xi32, #tpu.memory_space<hbm>> -> memref<25x80xi32, #tpu.memory_space<hbm>>
        %dma_wait3A_106 = arith.constant 0 : i32
        %dma_wait3A_107 = arith.constant 0 : i32
        %dma_wait3A_108 = tpu.memref_slice %arg4[%add3A, %scan3A_30, %dma_wait3A_106, %dma_wait3A_107] : memref<32x5x25x80xi32, #tpu.memory_space<hbm>> -> memref<1x1x25x80xi32, #tpu.memory_space<hbm>>
        %dma_wait3A_109 = tpu.memref_squeeze %dma_wait3A_108 : memref<1x1x25x80xi32, #tpu.memory_space<hbm>> -> memref<25x80xi32, #tpu.memory_space<hbm>>
        tpu.wait_dma2 semaphore(%run_scoped3A_93 : memref<!tpu.dma_semaphore, #tpu.memory_space<semaphore_mem>>) src(%dma_wait3A_109 : memref<25x80xi32, #tpu.memory_space<hbm>>) dst(%arg7 : memref<25x80xi32, #tpu.memory_space<vmem>>)
        tpu.yield
      }) : () -> ()
      %dma_start3A = arith.constant 0 : i32
      %dma_start3A_31 = arith.constant 0 : i32
      %dma_start3A_32 = tpu.memref_slice %arg6[%dma_start3A, %dma_start3A_31] : memref<25x80xi32, #tpu.memory_space<vmem>> -> memref<1x80xi32, #tpu.memory_space<vmem>>
      %dma_start3A_33 = tpu.memref_squeeze %dma_start3A_32 : memref<1x80xi32, #tpu.memory_space<vmem>> -> memref<80xi32, #tpu.memory_space<vmem>>
      %dma_start3A_34 = arith.constant 0 : i32
      %dma_start3A_35 = arith.constant 0 : i32
      %dma_start3A_36 = tpu.memref_slice %arg2[%dma_start3A_34, %dma_start3A_35] : memref<10000x128xf32, #tpu.memory_space<hbm>> -> memref<10000x128xf32, #tpu.memory_space<hbm>>
      tpu.enqueue_indirect_dma source(%dma_start3A_36 : memref<10000x128xf32, #tpu.memory_space<hbm>>) target(%arg8 : memref<80x128xf32, #tpu.memory_space<vmem>>) offsets(%dma_start3A_33 : memref<80xi32, #tpu.memory_space<vmem>>) semaphore(%arg12 : memref<!tpu.dma_semaphore, #tpu.memory_space<semaphore_mem>>)
      %dma_start3A_37 = arith.constant 1 : i32
      %dma_start3A_38 = arith.constant 0 : i32
      %dma_start3A_39 = tpu.memref_slice %arg6[%dma_start3A_37, %dma_start3A_38] : memref<25x80xi32, #tpu.memory_space<vmem>> -> memref<1x80xi32, #tpu.memory_space<vmem>>
      %dma_start3A_40 = tpu.memref_squeeze %dma_start3A_39 : memref<1x80xi32, #tpu.memory_space<vmem>> -> memref<80xi32, #tpu.memory_space<vmem>>
      %dma_start3A_41 = arith.constant 0 : i32
      %dma_start3A_42 = arith.constant 0 : i32
      %dma_start3A_43 = tpu.memref_slice %arg2[%dma_start3A_41, %dma_start3A_42] : memref<10000x128xf32, #tpu.memory_space<hbm>> -> memref<10000x128xf32, #tpu.memory_space<hbm>>
      tpu.enqueue_indirect_dma source(%dma_start3A_43 : memref<10000x128xf32, #tpu.memory_space<hbm>>) target(%arg9 : memref<80x128xf32, #tpu.memory_space<vmem>>) offsets(%dma_start3A_40 : memref<80xi32, #tpu.memory_space<vmem>>) semaphore(%arg13 : memref<!tpu.dma_semaphore, #tpu.memory_space<semaphore_mem>>)
      %dma_start3A_44 = arith.constant 2 : i32
      %dma_start3A_45 = arith.constant 0 : i32
      %dma_start3A_46 = tpu.memref_slice %arg6[%dma_start3A_44, %dma_start3A_45] : memref<25x80xi32, #tpu.memory_space<vmem>> -> memref<1x80xi32, #tpu.memory_space<vmem>>
      %dma_start3A_47 = tpu.memref_squeeze %dma_start3A_46 : memref<1x80xi32, #tpu.memory_space<vmem>> -> memref<80xi32, #tpu.memory_space<vmem>>
      %dma_start3A_48 = arith.constant 0 : i32
      %dma_start3A_49 = arith.constant 0 : i32
      %dma_start3A_50 = tpu.memref_slice %arg2[%dma_start3A_48, %dma_start3A_49] : memref<10000x128xf32, #tpu.memory_space<hbm>> -> memref<10000x128xf32, #tpu.memory_space<hbm>>
      tpu.enqueue_indirect_dma source(%dma_start3A_50 : memref<10000x128xf32, #tpu.memory_space<hbm>>) target(%arg10 : memref<80x128xf32, #tpu.memory_space<vmem>>) offsets(%dma_start3A_47 : memref<80xi32, #tpu.memory_space<vmem>>) semaphore(%arg14 : memref<!tpu.dma_semaphore, #tpu.memory_space<semaphore_mem>>)
      %scan3A_51 = arith.constant 0 : i32
      %scan3A_52 = arith.constant 7 : i32
      %scan3A_53 = arith.addi %scan3A_51, %scan3A_52 : i32
      %scan3A_54 = arith.constant 1 : i32
      scf.for %scan3A_93 = %scan3A_51 to %scan3A_53 step %scan3A_54  : i32 {
        %mul3A_94 = arith.constant 3 : i32
        %mul3A_95 = arith.muli %mul3A_94, %scan3A_93 : i32
        %dma_wait3A_96 = arith.constant 0 : i32
        %dma_wait3A_97 = arith.constant 0 : i32
        %dma_wait3A_98 = tpu.memref_slice %arg6[%dma_wait3A_96, %dma_wait3A_97] : memref<25x80xi32, #tpu.memory_space<vmem>> -> memref<1x80xi32, #tpu.memory_space<vmem>>
        %dma_wait3A_99 = tpu.memref_squeeze %dma_wait3A_98 : memref<1x80xi32, #tpu.memory_space<vmem>> -> memref<80xi32, #tpu.memory_space<vmem>>
        %dma_wait3A_100 = arith.constant 0 : i32
        %dma_wait3A_101 = arith.constant 0 : i32
        %dma_wait3A_102 = tpu.memref_slice %arg2[%dma_wait3A_100, %dma_wait3A_101] : memref<10000x128xf32, #tpu.memory_space<hbm>> -> memref<10000x128xf32, #tpu.memory_space<hbm>>
        tpu.wait_indirect_dma semaphore(%arg12 : memref<!tpu.dma_semaphore, #tpu.memory_space<semaphore_mem>>) src(%dma_wait3A_102 : memref<10000x128xf32, #tpu.memory_space<hbm>>) dst(%arg8 : memref<80x128xf32, #tpu.memory_space<vmem>>)
        "tpu.region"() ({
          %run_scoped3A_145 = tpu.sem_alloc : memref<!tpu.dma_semaphore, #tpu.memory_space<semaphore_mem>>
          %dma_start3A_146 = arith.constant 0 : i32
          %dma_start3A_147 = tpu.memref_slice %arg7[%mul3A_95, %dma_start3A_146] : memref<25x80xi32, #tpu.memory_space<vmem>> -> memref<1x80xi32, #tpu.memory_space<vmem>>
          %dma_start3A_148 = tpu.memref_squeeze %dma_start3A_147 : memref<1x80xi32, #tpu.memory_space<vmem>> -> memref<80xi32, #tpu.memory_space<vmem>>
          %dma_start3A_149 = arith.constant 0 : i32
          %dma_start3A_150 = arith.constant 0 : i32
          %dma_start3A_151 = tpu.memref_slice %arg11[%dma_start3A_149, %dma_start3A_150] : memref<10240x128xf32, #tpu.memory_space<vmem_shared>> -> memref<10240x128xf32, #tpu.memory_space<vmem_shared>>
          tpu.enqueue_indirect_dma source(%arg8 : memref<80x128xf32, #tpu.memory_space<vmem>>) target(%dma_start3A_151 : memref<10240x128xf32, #tpu.memory_space<vmem_shared>>) offsets(%dma_start3A_148 : memref<80xi32, #tpu.memory_space<vmem>>) semaphore(%run_scoped3A_145 : memref<!tpu.dma_semaphore, #tpu.memory_space<semaphore_mem>>) {add = true}
          %dma_wait3A_152 = arith.constant 0 : i32
          %dma_wait3A_153 = tpu.memref_slice %arg7[%mul3A_95, %dma_wait3A_152] : memref<25x80xi32, #tpu.memory_space<vmem>> -> memref<1x80xi32, #tpu.memory_space<vmem>>
          %dma_wait3A_154 = tpu.memref_squeeze %dma_wait3A_153 : memref<1x80xi32, #tpu.memory_space<vmem>> -> memref<80xi32, #tpu.memory_space<vmem>>
          %dma_wait3A_155 = arith.constant 0 : i32
          %dma_wait3A_156 = arith.constant 0 : i32
          %dma_wait3A_157 = tpu.memref_slice %arg11[%dma_wait3A_155, %dma_wait3A_156] : memref<10240x128xf32, #tpu.memory_space<vmem_shared>> -> memref<10240x128xf32, #tpu.memory_space<vmem_shared>>
          tpu.wait_indirect_dma semaphore(%run_scoped3A_145 : memref<!tpu.dma_semaphore, #tpu.memory_space<semaphore_mem>>) src(%arg8 : memref<80x128xf32, #tpu.memory_space<vmem>>) dst(%dma_wait3A_157 : memref<10240x128xf32, #tpu.memory_space<vmem_shared>>)
          tpu.yield
        }) : () -> ()
        %add3A_103 = arith.constant 3 : i32
        %add3A_104 = arith.addi %mul3A_95, %add3A_103 : i32
        %dma_start3A_105 = arith.constant 0 : i32
        %dma_start3A_106 = tpu.memref_slice %arg6[%add3A_104, %dma_start3A_105] : memref<25x80xi32, #tpu.memory_space<vmem>> -> memref<1x80xi32, #tpu.memory_space<vmem>>
        %dma_start3A_107 = tpu.memref_squeeze %dma_start3A_106 : memref<1x80xi32, #tpu.memory_space<vmem>> -> memref<80xi32, #tpu.memory_space<vmem>>
        %dma_start3A_108 = arith.constant 0 : i32
        %dma_start3A_109 = arith.constant 0 : i32
        %dma_start3A_110 = tpu.memref_slice %arg2[%dma_start3A_108, %dma_start3A_109] : memref<10000x128xf32, #tpu.memory_space<hbm>> -> memref<10000x128xf32, #tpu.memory_space<hbm>>
        tpu.enqueue_indirect_dma source(%dma_start3A_110 : memref<10000x128xf32, #tpu.memory_space<hbm>>) target(%arg8 : memref<80x128xf32, #tpu.memory_space<vmem>>) offsets(%dma_start3A_107 : memref<80xi32, #tpu.memory_space<vmem>>) semaphore(%arg12 : memref<!tpu.dma_semaphore, #tpu.memory_space<semaphore_mem>>)
        %add3A_111 = arith.constant 1 : i32
        %add3A_112 = arith.addi %mul3A_95, %add3A_111 : i32
        %dma_wait3A_113 = arith.constant 0 : i32
        %dma_wait3A_114 = arith.constant 0 : i32
        %dma_wait3A_115 = tpu.memref_slice %arg6[%dma_wait3A_113, %dma_wait3A_114] : memref<25x80xi32, #tpu.memory_space<vmem>> -> memref<1x80xi32, #tpu.memory_space<vmem>>
        %dma_wait3A_116 = tpu.memref_squeeze %dma_wait3A_115 : memref<1x80xi32, #tpu.memory_space<vmem>> -> memref<80xi32, #tpu.memory_space<vmem>>
        %dma_wait3A_117 = arith.constant 0 : i32
        %dma_wait3A_118 = arith.constant 0 : i32
        %dma_wait3A_119 = tpu.memref_slice %arg2[%dma_wait3A_117, %dma_wait3A_118] : memref<10000x128xf32, #tpu.memory_space<hbm>> -> memref<10000x128xf32, #tpu.memory_space<hbm>>
        tpu.wait_indirect_dma semaphore(%arg13 : memref<!tpu.dma_semaphore, #tpu.memory_space<semaphore_mem>>) src(%dma_wait3A_119 : memref<10000x128xf32, #tpu.memory_space<hbm>>) dst(%arg9 : memref<80x128xf32, #tpu.memory_space<vmem>>)
        "tpu.region"() ({
          %run_scoped3A_145 = tpu.sem_alloc : memref<!tpu.dma_semaphore, #tpu.memory_space<semaphore_mem>>
          %dma_start3A_146 = arith.constant 0 : i32
          %dma_start3A_147 = tpu.memref_slice %arg7[%add3A_112, %dma_start3A_146] : memref<25x80xi32, #tpu.memory_space<vmem>> -> memref<1x80xi32, #tpu.memory_space<vmem>>
          %dma_start3A_148 = tpu.memref_squeeze %dma_start3A_147 : memref<1x80xi32, #tpu.memory_space<vmem>> -> memref<80xi32, #tpu.memory_space<vmem>>
          %dma_start3A_149 = arith.constant 0 : i32
          %dma_start3A_150 = arith.constant 0 : i32
          %dma_start3A_151 = tpu.memref_slice %arg11[%dma_start3A_149, %dma_start3A_150] : memref<10240x128xf32, #tpu.memory_space<vmem_shared>> -> memref<10240x128xf32, #tpu.memory_space<vmem_shared>>
          tpu.enqueue_indirect_dma source(%arg9 : memref<80x128xf32, #tpu.memory_space<vmem>>) target(%dma_start3A_151 : memref<10240x128xf32, #tpu.memory_space<vmem_shared>>) offsets(%dma_start3A_148 : memref<80xi32, #tpu.memory_space<vmem>>) semaphore(%run_scoped3A_145 : memref<!tpu.dma_semaphore, #tpu.memory_space<semaphore_mem>>) {add = true}
          %dma_wait3A_152 = arith.constant 0 : i32
          %dma_wait3A_153 = tpu.memref_slice %arg7[%add3A_112, %dma_wait3A_152] : memref<25x80xi32, #tpu.memory_space<vmem>> -> memref<1x80xi32, #tpu.memory_space<vmem>>
          %dma_wait3A_154 = tpu.memref_squeeze %dma_wait3A_153 : memref<1x80xi32, #tpu.memory_space<vmem>> -> memref<80xi32, #tpu.memory_space<vmem>>
          %dma_wait3A_155 = arith.constant 0 : i32
          %dma_wait3A_156 = arith.constant 0 : i32
          %dma_wait3A_157 = tpu.memref_slice %arg11[%dma_wait3A_155, %dma_wait3A_156] : memref<10240x128xf32, #tpu.memory_space<vmem_shared>> -> memref<10240x128xf32, #tpu.memory_space<vmem_shared>>
          tpu.wait_indirect_dma semaphore(%run_scoped3A_145 : memref<!tpu.dma_semaphore, #tpu.memory_space<semaphore_mem>>) src(%arg9 : memref<80x128xf32, #tpu.memory_space<vmem>>) dst(%dma_wait3A_157 : memref<10240x128xf32, #tpu.memory_space<vmem_shared>>)
          tpu.yield
        }) : () -> ()
        %add3A_120 = arith.constant 4 : i32
        %add3A_121 = arith.addi %mul3A_95, %add3A_120 : i32
        %dma_start3A_122 = arith.constant 0 : i32
        %dma_start3A_123 = tpu.memref_slice %arg6[%add3A_121, %dma_start3A_122] : memref<25x80xi32, #tpu.memory_space<vmem>> -> memref<1x80xi32, #tpu.memory_space<vmem>>
        %dma_start3A_124 = tpu.memref_squeeze %dma_start3A_123 : memref<1x80xi32, #tpu.memory_space<vmem>> -> memref<80xi32, #tpu.memory_space<vmem>>
        %dma_start3A_125 = arith.constant 0 : i32
        %dma_start3A_126 = arith.constant 0 : i32
        %dma_start3A_127 = tpu.memref_slice %arg2[%dma_start3A_125, %dma_start3A_126] : memref<10000x128xf32, #tpu.memory_space<hbm>> -> memref<10000x128xf32, #tpu.memory_space<hbm>>
        tpu.enqueue_indirect_dma source(%dma_start3A_127 : memref<10000x128xf32, #tpu.memory_space<hbm>>) target(%arg9 : memref<80x128xf32, #tpu.memory_space<vmem>>) offsets(%dma_start3A_124 : memref<80xi32, #tpu.memory_space<vmem>>) semaphore(%arg13 : memref<!tpu.dma_semaphore, #tpu.memory_space<semaphore_mem>>)
        %add3A_128 = arith.constant 2 : i32
        %add3A_129 = arith.addi %mul3A_95, %add3A_128 : i32
        %dma_wait3A_130 = arith.constant 0 : i32
        %dma_wait3A_131 = arith.constant 0 : i32
        %dma_wait3A_132 = tpu.memref_slice %arg6[%dma_wait3A_130, %dma_wait3A_131] : memref<25x80xi32, #tpu.memory_space<vmem>> -> memref<1x80xi32, #tpu.memory_space<vmem>>
        %dma_wait3A_133 = tpu.memref_squeeze %dma_wait3A_132 : memref<1x80xi32, #tpu.memory_space<vmem>> -> memref<80xi32, #tpu.memory_space<vmem>>
        %dma_wait3A_134 = arith.constant 0 : i32
        %dma_wait3A_135 = arith.constant 0 : i32
        %dma_wait3A_136 = tpu.memref_slice %arg2[%dma_wait3A_134, %dma_wait3A_135] : memref<10000x128xf32, #tpu.memory_space<hbm>> -> memref<10000x128xf32, #tpu.memory_space<hbm>>
        tpu.wait_indirect_dma semaphore(%arg14 : memref<!tpu.dma_semaphore, #tpu.memory_space<semaphore_mem>>) src(%dma_wait3A_136 : memref<10000x128xf32, #tpu.memory_space<hbm>>) dst(%arg10 : memref<80x128xf32, #tpu.memory_space<vmem>>)
        "tpu.region"() ({
          %run_scoped3A_145 = tpu.sem_alloc : memref<!tpu.dma_semaphore, #tpu.memory_space<semaphore_mem>>
          %dma_start3A_146 = arith.constant 0 : i32
          %dma_start3A_147 = tpu.memref_slice %arg7[%add3A_129, %dma_start3A_146] : memref<25x80xi32, #tpu.memory_space<vmem>> -> memref<1x80xi32, #tpu.memory_space<vmem>>
          %dma_start3A_148 = tpu.memref_squeeze %dma_start3A_147 : memref<1x80xi32, #tpu.memory_space<vmem>> -> memref<80xi32, #tpu.memory_space<vmem>>
          %dma_start3A_149 = arith.constant 0 : i32
          %dma_start3A_150 = arith.constant 0 : i32
          %dma_start3A_151 = tpu.memref_slice %arg11[%dma_start3A_149, %dma_start3A_150] : memref<10240x128xf32, #tpu.memory_space<vmem_shared>> -> memref<10240x128xf32, #tpu.memory_space<vmem_shared>>
          tpu.enqueue_indirect_dma source(%arg10 : memref<80x128xf32, #tpu.memory_space<vmem>>) target(%dma_start3A_151 : memref<10240x128xf32, #tpu.memory_space<vmem_shared>>) offsets(%dma_start3A_148 : memref<80xi32, #tpu.memory_space<vmem>>) semaphore(%run_scoped3A_145 : memref<!tpu.dma_semaphore, #tpu.memory_space<semaphore_mem>>) {add = true}
          %dma_wait3A_152 = arith.constant 0 : i32
          %dma_wait3A_153 = tpu.memref_slice %arg7[%add3A_129, %dma_wait3A_152] : memref<25x80xi32, #tpu.memory_space<vmem>> -> memref<1x80xi32, #tpu.memory_space<vmem>>
          %dma_wait3A_154 = tpu.memref_squeeze %dma_wait3A_153 : memref<1x80xi32, #tpu.memory_space<vmem>> -> memref<80xi32, #tpu.memory_space<vmem>>
          %dma_wait3A_155 = arith.constant 0 : i32
          %dma_wait3A_156 = arith.constant 0 : i32
          %dma_wait3A_157 = tpu.memref_slice %arg11[%dma_wait3A_155, %dma_wait3A_156] : memref<10240x128xf32, #tpu.memory_space<vmem_shared>> -> memref<10240x128xf32, #tpu.memory_space<vmem_shared>>
          tpu.wait_indirect_dma semaphore(%run_scoped3A_145 : memref<!tpu.dma_semaphore, #tpu.memory_space<semaphore_mem>>) src(%arg10 : memref<80x128xf32, #tpu.memory_space<vmem>>) dst(%dma_wait3A_157 : memref<10240x128xf32, #tpu.memory_space<vmem_shared>>)
          tpu.yield
        }) : () -> ()
        %add3A_137 = arith.constant 5 : i32
        %add3A_138 = arith.addi %mul3A_95, %add3A_137 : i32
        %dma_start3A_139 = arith.constant 0 : i32
        %dma_start3A_140 = tpu.memref_slice %arg6[%add3A_138, %dma_start3A_139] : memref<25x80xi32, #tpu.memory_space<vmem>> -> memref<1x80xi32, #tpu.memory_space<vmem>>
        %dma_start3A_141 = tpu.memref_squeeze %dma_start3A_140 : memref<1x80xi32, #tpu.memory_space<vmem>> -> memref<80xi32, #tpu.memory_space<vmem>>
        %dma_start3A_142 = arith.constant 0 : i32
        %dma_start3A_143 = arith.constant 0 : i32
        %dma_start3A_144 = tpu.memref_slice %arg2[%dma_start3A_142, %dma_start3A_143] : memref<10000x128xf32, #tpu.memory_space<hbm>> -> memref<10000x128xf32, #tpu.memory_space<hbm>>
        tpu.enqueue_indirect_dma source(%dma_start3A_144 : memref<10000x128xf32, #tpu.memory_space<hbm>>) target(%arg10 : memref<80x128xf32, #tpu.memory_space<vmem>>) offsets(%dma_start3A_141 : memref<80xi32, #tpu.memory_space<vmem>>) semaphore(%arg14 : memref<!tpu.dma_semaphore, #tpu.memory_space<semaphore_mem>>)
      }
      %scan3A_55 = arith.constant 7 : i32
      %dma_wait3A = arith.constant 0 : i32
      %dma_wait3A_56 = arith.constant 0 : i32
      %dma_wait3A_57 = tpu.memref_slice %arg6[%dma_wait3A, %dma_wait3A_56] : memref<25x80xi32, #tpu.memory_space<vmem>> -> memref<1x80xi32, #tpu.memory_space<vmem>>
      %dma_wait3A_58 = tpu.memref_squeeze %dma_wait3A_57 : memref<1x80xi32, #tpu.memory_space<vmem>> -> memref<80xi32, #tpu.memory_space<vmem>>
      %dma_wait3A_59 = arith.constant 0 : i32
      %dma_wait3A_60 = arith.constant 0 : i32
      %dma_wait3A_61 = tpu.memref_slice %arg2[%dma_wait3A_59, %dma_wait3A_60] : memref<10000x128xf32, #tpu.memory_space<hbm>> -> memref<10000x128xf32, #tpu.memory_space<hbm>>
      tpu.wait_indirect_dma semaphore(%arg12 : memref<!tpu.dma_semaphore, #tpu.memory_space<semaphore_mem>>) src(%dma_wait3A_61 : memref<10000x128xf32, #tpu.memory_space<hbm>>) dst(%arg8 : memref<80x128xf32, #tpu.memory_space<vmem>>)
      %run_scoped3A = arith.constant 21 : i32
      "tpu.region"() ({
        %run_scoped3A_93 = tpu.sem_alloc : memref<!tpu.dma_semaphore, #tpu.memory_space<semaphore_mem>>
        %dma_start3A_94 = arith.constant 0 : i32
        %dma_start3A_95 = tpu.memref_slice %arg7[%run_scoped3A, %dma_start3A_94] : memref<25x80xi32, #tpu.memory_space<vmem>> -> memref<1x80xi32, #tpu.memory_space<vmem>>
        %dma_start3A_96 = tpu.memref_squeeze %dma_start3A_95 : memref<1x80xi32, #tpu.memory_space<vmem>> -> memref<80xi32, #tpu.memory_space<vmem>>
        %dma_start3A_97 = arith.constant 0 : i32
        %dma_start3A_98 = arith.constant 0 : i32
        %dma_start3A_99 = tpu.memref_slice %arg11[%dma_start3A_97, %dma_start3A_98] : memref<10240x128xf32, #tpu.memory_space<vmem_shared>> -> memref<10240x128xf32, #tpu.memory_space<vmem_shared>>
        tpu.enqueue_indirect_dma source(%arg8 : memref<80x128xf32, #tpu.memory_space<vmem>>) target(%dma_start3A_99 : memref<10240x128xf32, #tpu.memory_space<vmem_shared>>) offsets(%dma_start3A_96 : memref<80xi32, #tpu.memory_space<vmem>>) semaphore(%run_scoped3A_93 : memref<!tpu.dma_semaphore, #tpu.memory_space<semaphore_mem>>) {add = true}
        %dma_wait3A_100 = arith.constant 0 : i32
        %dma_wait3A_101 = tpu.memref_slice %arg7[%run_scoped3A, %dma_wait3A_100] : memref<25x80xi32, #tpu.memory_space<vmem>> -> memref<1x80xi32, #tpu.memory_space<vmem>>
        %dma_wait3A_102 = tpu.memref_squeeze %dma_wait3A_101 : memref<1x80xi32, #tpu.memory_space<vmem>> -> memref<80xi32, #tpu.memory_space<vmem>>
        %dma_wait3A_103 = arith.constant 0 : i32
        %dma_wait3A_104 = arith.constant 0 : i32
        %dma_wait3A_105 = tpu.memref_slice %arg11[%dma_wait3A_103, %dma_wait3A_104] : memref<10240x128xf32, #tpu.memory_space<vmem_shared>> -> memref<10240x128xf32, #tpu.memory_space<vmem_shared>>
        tpu.wait_indirect_dma semaphore(%run_scoped3A_93 : memref<!tpu.dma_semaphore, #tpu.memory_space<semaphore_mem>>) src(%arg8 : memref<80x128xf32, #tpu.memory_space<vmem>>) dst(%dma_wait3A_105 : memref<10240x128xf32, #tpu.memory_space<vmem_shared>>)
        tpu.yield
      }) : () -> ()
      %dma_start3A_62 = arith.constant 24 : i32
      %dma_start3A_63 = arith.constant 0 : i32
      %dma_start3A_64 = tpu.memref_slice %arg6[%dma_start3A_62, %dma_start3A_63] : memref<25x80xi32, #tpu.memory_space<vmem>> -> memref<1x80xi32, #tpu.memory_space<vmem>>
      %dma_start3A_65 = tpu.memref_squeeze %dma_start3A_64 : memref<1x80xi32, #tpu.memory_space<vmem>> -> memref<80xi32, #tpu.memory_space<vmem>>
      %dma_start3A_66 = arith.constant 0 : i32
      %dma_start3A_67 = arith.constant 0 : i32
      %dma_start3A_68 = tpu.memref_slice %arg2[%dma_start3A_66, %dma_start3A_67] : memref<10000x128xf32, #tpu.memory_space<hbm>> -> memref<10000x128xf32, #tpu.memory_space<hbm>>
      tpu.enqueue_indirect_dma source(%dma_start3A_68 : memref<10000x128xf32, #tpu.memory_space<hbm>>) target(%arg8 : memref<80x128xf32, #tpu.memory_space<vmem>>) offsets(%dma_start3A_65 : memref<80xi32, #tpu.memory_space<vmem>>) semaphore(%arg12 : memref<!tpu.dma_semaphore, #tpu.memory_space<semaphore_mem>>)
      %dma_wait3A_69 = arith.constant 0 : i32
      %dma_wait3A_70 = arith.constant 0 : i32
      %dma_wait3A_71 = tpu.memref_slice %arg6[%dma_wait3A_69, %dma_wait3A_70] : memref<25x80xi32, #tpu.memory_space<vmem>> -> memref<1x80xi32, #tpu.memory_space<vmem>>
      %dma_wait3A_72 = tpu.memref_squeeze %dma_wait3A_71 : memref<1x80xi32, #tpu.memory_space<vmem>> -> memref<80xi32, #tpu.memory_space<vmem>>
      %dma_wait3A_73 = arith.constant 0 : i32
      %dma_wait3A_74 = arith.constant 0 : i32
      %dma_wait3A_75 = tpu.memref_slice %arg2[%dma_wait3A_73, %dma_wait3A_74] : memref<10000x128xf32, #tpu.memory_space<hbm>> -> memref<10000x128xf32, #tpu.memory_space<hbm>>
      tpu.wait_indirect_dma semaphore(%arg13 : memref<!tpu.dma_semaphore, #tpu.memory_space<semaphore_mem>>) src(%dma_wait3A_75 : memref<10000x128xf32, #tpu.memory_space<hbm>>) dst(%arg9 : memref<80x128xf32, #tpu.memory_space<vmem>>)
      %run_scoped3A_76 = arith.constant 22 : i32
      "tpu.region"() ({
        %run_scoped3A_93 = tpu.sem_alloc : memref<!tpu.dma_semaphore, #tpu.memory_space<semaphore_mem>>
        %dma_start3A_94 = arith.constant 0 : i32
        %dma_start3A_95 = tpu.memref_slice %arg7[%run_scoped3A_76, %dma_start3A_94] : memref<25x80xi32, #tpu.memory_space<vmem>> -> memref<1x80xi32, #tpu.memory_space<vmem>>
        %dma_start3A_96 = tpu.memref_squeeze %dma_start3A_95 : memref<1x80xi32, #tpu.memory_space<vmem>> -> memref<80xi32, #tpu.memory_space<vmem>>
        %dma_start3A_97 = arith.constant 0 : i32
        %dma_start3A_98 = arith.constant 0 : i32
        %dma_start3A_99 = tpu.memref_slice %arg11[%dma_start3A_97, %dma_start3A_98] : memref<10240x128xf32, #tpu.memory_space<vmem_shared>> -> memref<10240x128xf32, #tpu.memory_space<vmem_shared>>
        tpu.enqueue_indirect_dma source(%arg9 : memref<80x128xf32, #tpu.memory_space<vmem>>) target(%dma_start3A_99 : memref<10240x128xf32, #tpu.memory_space<vmem_shared>>) offsets(%dma_start3A_96 : memref<80xi32, #tpu.memory_space<vmem>>) semaphore(%run_scoped3A_93 : memref<!tpu.dma_semaphore, #tpu.memory_space<semaphore_mem>>) {add = true}
        %dma_wait3A_100 = arith.constant 0 : i32
        %dma_wait3A_101 = tpu.memref_slice %arg7[%run_scoped3A_76, %dma_wait3A_100] : memref<25x80xi32, #tpu.memory_space<vmem>> -> memref<1x80xi32, #tpu.memory_space<vmem>>
        %dma_wait3A_102 = tpu.memref_squeeze %dma_wait3A_101 : memref<1x80xi32, #tpu.memory_space<vmem>> -> memref<80xi32, #tpu.memory_space<vmem>>
        %dma_wait3A_103 = arith.constant 0 : i32
        %dma_wait3A_104 = arith.constant 0 : i32
        %dma_wait3A_105 = tpu.memref_slice %arg11[%dma_wait3A_103, %dma_wait3A_104] : memref<10240x128xf32, #tpu.memory_space<vmem_shared>> -> memref<10240x128xf32, #tpu.memory_space<vmem_shared>>
        tpu.wait_indirect_dma semaphore(%run_scoped3A_93 : memref<!tpu.dma_semaphore, #tpu.memory_space<semaphore_mem>>) src(%arg9 : memref<80x128xf32, #tpu.memory_space<vmem>>) dst(%dma_wait3A_105 : memref<10240x128xf32, #tpu.memory_space<vmem_shared>>)
        tpu.yield
      }) : () -> ()
      %dma_wait3A_77 = arith.constant 0 : i32
      %dma_wait3A_78 = arith.constant 0 : i32
      %dma_wait3A_79 = tpu.memref_slice %arg6[%dma_wait3A_77, %dma_wait3A_78] : memref<25x80xi32, #tpu.memory_space<vmem>> -> memref<1x80xi32, #tpu.memory_space<vmem>>
      %dma_wait3A_80 = tpu.memref_squeeze %dma_wait3A_79 : memref<1x80xi32, #tpu.memory_space<vmem>> -> memref<80xi32, #tpu.memory_space<vmem>>
      %dma_wait3A_81 = arith.constant 0 : i32
      %dma_wait3A_82 = arith.constant 0 : i32
      %dma_wait3A_83 = tpu.memref_slice %arg2[%dma_wait3A_81, %dma_wait3A_82] : memref<10000x128xf32, #tpu.memory_space<hbm>> -> memref<10000x128xf32, #tpu.memory_space<hbm>>
      tpu.wait_indirect_dma semaphore(%arg14 : memref<!tpu.dma_semaphore, #tpu.memory_space<semaphore_mem>>) src(%dma_wait3A_83 : memref<10000x128xf32, #tpu.memory_space<hbm>>) dst(%arg10 : memref<80x128xf32, #tpu.memory_space<vmem>>)
      %run_scoped3A_84 = arith.constant 23 : i32
      "tpu.region"() ({
        %run_scoped3A_93 = tpu.sem_alloc : memref<!tpu.dma_semaphore, #tpu.memory_space<semaphore_mem>>
        %dma_start3A_94 = arith.constant 0 : i32
        %dma_start3A_95 = tpu.memref_slice %arg7[%run_scoped3A_84, %dma_start3A_94] : memref<25x80xi32, #tpu.memory_space<vmem>> -> memref<1x80xi32, #tpu.memory_space<vmem>>
        %dma_start3A_96 = tpu.memref_squeeze %dma_start3A_95 : memref<1x80xi32, #tpu.memory_space<vmem>> -> memref<80xi32, #tpu.memory_space<vmem>>
        %dma_start3A_97 = arith.constant 0 : i32
        %dma_start3A_98 = arith.constant 0 : i32
        %dma_start3A_99 = tpu.memref_slice %arg11[%dma_start3A_97, %dma_start3A_98] : memref<10240x128xf32, #tpu.memory_space<vmem_shared>> -> memref<10240x128xf32, #tpu.memory_space<vmem_shared>>
        tpu.enqueue_indirect_dma source(%arg10 : memref<80x128xf32, #tpu.memory_space<vmem>>) target(%dma_start3A_99 : memref<10240x128xf32, #tpu.memory_space<vmem_shared>>) offsets(%dma_start3A_96 : memref<80xi32, #tpu.memory_space<vmem>>) semaphore(%run_scoped3A_93 : memref<!tpu.dma_semaphore, #tpu.memory_space<semaphore_mem>>) {add = true}
        %dma_wait3A_100 = arith.constant 0 : i32
        %dma_wait3A_101 = tpu.memref_slice %arg7[%run_scoped3A_84, %dma_wait3A_100] : memref<25x80xi32, #tpu.memory_space<vmem>> -> memref<1x80xi32, #tpu.memory_space<vmem>>
        %dma_wait3A_102 = tpu.memref_squeeze %dma_wait3A_101 : memref<1x80xi32, #tpu.memory_space<vmem>> -> memref<80xi32, #tpu.memory_space<vmem>>
        %dma_wait3A_103 = arith.constant 0 : i32
        %dma_wait3A_104 = arith.constant 0 : i32
        %dma_wait3A_105 = tpu.memref_slice %arg11[%dma_wait3A_103, %dma_wait3A_104] : memref<10240x128xf32, #tpu.memory_space<vmem_shared>> -> memref<10240x128xf32, #tpu.memory_space<vmem_shared>>
        tpu.wait_indirect_dma semaphore(%run_scoped3A_93 : memref<!tpu.dma_semaphore, #tpu.memory_space<semaphore_mem>>) src(%arg10 : memref<80x128xf32, #tpu.memory_space<vmem>>) dst(%dma_wait3A_105 : memref<10240x128xf32, #tpu.memory_space<vmem_shared>>)
        tpu.yield
      }) : () -> ()
      %dma_wait3A_85 = arith.constant 0 : i32
      %dma_wait3A_86 = arith.constant 0 : i32
      %dma_wait3A_87 = tpu.memref_slice %arg6[%dma_wait3A_85, %dma_wait3A_86] : memref<25x80xi32, #tpu.memory_space<vmem>> -> memref<1x80xi32, #tpu.memory_space<vmem>>
      %dma_wait3A_88 = tpu.memref_squeeze %dma_wait3A_87 : memref<1x80xi32, #tpu.memory_space<vmem>> -> memref<80xi32, #tpu.memory_space<vmem>>
      %dma_wait3A_89 = arith.constant 0 : i32
      %dma_wait3A_90 = arith.constant 0 : i32
      %dma_wait3A_91 = tpu.memref_slice %arg2[%dma_wait3A_89, %dma_wait3A_90] : memref<10000x128xf32, #tpu.memory_space<hbm>> -> memref<10000x128xf32, #tpu.memory_space<hbm>>
      tpu.wait_indirect_dma semaphore(%arg12 : memref<!tpu.dma_semaphore, #tpu.memory_space<semaphore_mem>>) src(%dma_wait3A_91 : memref<10000x128xf32, #tpu.memory_space<hbm>>) dst(%arg8 : memref<80x128xf32, #tpu.memory_space<vmem>>)
      %run_scoped3A_92 = arith.constant 24 : i32
      "tpu.region"() ({
        %run_scoped3A_93 = tpu.sem_alloc : memref<!tpu.dma_semaphore, #tpu.memory_space<semaphore_mem>>
        %dma_start3A_94 = arith.constant 0 : i32
        %dma_start3A_95 = tpu.memref_slice %arg7[%run_scoped3A_92, %dma_start3A_94] : memref<25x80xi32, #tpu.memory_space<vmem>> -> memref<1x80xi32, #tpu.memory_space<vmem>>
        %dma_start3A_96 = tpu.memref_squeeze %dma_start3A_95 : memref<1x80xi32, #tpu.memory_space<vmem>> -> memref<80xi32, #tpu.memory_space<vmem>>
        %dma_start3A_97 = arith.constant 0 : i32
        %dma_start3A_98 = arith.constant 0 : i32
        %dma_start3A_99 = tpu.memref_slice %arg11[%dma_start3A_97, %dma_start3A_98] : memref<10240x128xf32, #tpu.memory_space<vmem_shared>> -> memref<10240x128xf32, #tpu.memory_space<vmem_shared>>
        tpu.enqueue_indirect_dma source(%arg8 : memref<80x128xf32, #tpu.memory_space<vmem>>) target(%dma_start3A_99 : memref<10240x128xf32, #tpu.memory_space<vmem_shared>>) offsets(%dma_start3A_96 : memref<80xi32, #tpu.memory_space<vmem>>) semaphore(%run_scoped3A_93 : memref<!tpu.dma_semaphore, #tpu.memory_space<semaphore_mem>>) {add = true}
        %dma_wait3A_100 = arith.constant 0 : i32
        %dma_wait3A_101 = tpu.memref_slice %arg7[%run_scoped3A_92, %dma_wait3A_100] : memref<25x80xi32, #tpu.memory_space<vmem>> -> memref<1x80xi32, #tpu.memory_space<vmem>>
        %dma_wait3A_102 = tpu.memref_squeeze %dma_wait3A_101 : memref<1x80xi32, #tpu.memory_space<vmem>> -> memref<80xi32, #tpu.memory_space<vmem>>
        %dma_wait3A_103 = arith.constant 0 : i32
        %dma_wait3A_104 = arith.constant 0 : i32
        %dma_wait3A_105 = tpu.memref_slice %arg11[%dma_wait3A_103, %dma_wait3A_104] : memref<10240x128xf32, #tpu.memory_space<vmem_shared>> -> memref<10240x128xf32, #tpu.memory_space<vmem_shared>>
        tpu.wait_indirect_dma semaphore(%run_scoped3A_93 : memref<!tpu.dma_semaphore, #tpu.memory_space<semaphore_mem>>) src(%arg8 : memref<80x128xf32, #tpu.memory_space<vmem>>) dst(%dma_wait3A_105 : memref<10240x128xf32, #tpu.memory_space<vmem_shared>>)
        tpu.yield
      }) : () -> ()
    }
    %scan3A_28 = arith.constant 5 : i32
    %barrier3A_29 = arith.constant 0 : index
    tpu.barrier barrier_id(%barrier3A_29)
    "tpu.region"() ({
      %run_scoped3A = tpu.sem_alloc : memref<!tpu.dma_semaphore, #tpu.memory_space<semaphore_mem>>
      %dma_start3A = arith.constant 0 : i32
      %dma_start3A_30 = tpu.memref_slice %arg5[%arg0, %mul3A_7, %dma_start3A] : memref<2x10240x128xf32, #tpu.memory_space<hbm>> -> memref<1x640x128xf32, #tpu.memory_space<hbm>>
      %dma_start3A_31 = tpu.memref_squeeze %dma_start3A_30 : memref<1x640x128xf32, #tpu.memory_space<hbm>> -> memref<640x128xf32, #tpu.memory_space<hbm>>
      %dma_start3A_32 = arith.constant 0 : i32
      %dma_start3A_33 = tpu.memref_slice %arg11[%mul3A_7, %dma_start3A_32] : memref<10240x128xf32, #tpu.memory_space<vmem_shared>> -> memref<640x128xf32, #tpu.memory_space<vmem_shared>>
      tpu.enqueue_dma source(%dma_start3A_33 : memref<640x128xf32, #tpu.memory_space<vmem_shared>>) target(%dma_start3A_31 : memref<640x128xf32, #tpu.memory_space<hbm>>) target_semaphore(%run_scoped3A : memref<!tpu.dma_semaphore, #tpu.memory_space<semaphore_mem>>)
      %dma_wait3A = arith.constant 0 : i32
      %dma_wait3A_34 = tpu.memref_slice %arg5[%arg0, %mul3A_7, %dma_wait3A] : memref<2x10240x128xf32, #tpu.memory_space<hbm>> -> memref<1x640x128xf32, #tpu.memory_space<hbm>>
      %dma_wait3A_35 = tpu.memref_squeeze %dma_wait3A_34 : memref<1x640x128xf32, #tpu.memory_space<hbm>> -> memref<640x128xf32, #tpu.memory_space<hbm>>
      %dma_wait3A_36 = arith.constant 0 : i32
      %dma_wait3A_37 = tpu.memref_slice %arg11[%mul3A_7, %dma_wait3A_36] : memref<10240x128xf32, #tpu.memory_space<vmem_shared>> -> memref<640x128xf32, #tpu.memory_space<vmem_shared>>
      tpu.wait_dma2 semaphore(%run_scoped3A : memref<!tpu.dma_semaphore, #tpu.memory_space<semaphore_mem>>) src(%dma_wait3A_37 : memref<640x128xf32, #tpu.memory_space<vmem_shared>>) dst(%dma_wait3A_35 : memref<640x128xf32, #tpu.memory_space<hbm>>)
      tpu.yield
    }) : () -> ()
    return
  }
}

#map = affine_map<(d0, d1) -> (0, 0)>
#map1 = affine_map<(d0, d1) -> (0, 0, 0, 0)>
#map2 = affine_map<(d0, d1) -> (0, 0, 0)>
module attributes {stable_mosaic.version = 14 : i64} {
  func.func @_sc_agg_body(%arg0: i32, %arg1: i32, %arg2: memref<10000x128xf32, #tpu.memory_space<hbm>>, %arg3: memref<32x5x25x80xi32, #tpu.memory_space<hbm>>, %arg4: memref<32x5x25x80xi32, #tpu.memory_space<hbm>>, %arg5: memref<2x10240x128xf32, #tpu.memory_space<hbm>>, %arg6: memref<25x80xi32, #tpu.memory_space<vmem>>, %arg7: memref<25x80xi32, #tpu.memory_space<vmem>>, %arg8: memref<80x128xf32, #tpu.memory_space<vmem>>, %arg9: memref<80x128xf32, #tpu.memory_space<vmem>>, %arg10: memref<80x128xf32, #tpu.memory_space<vmem>>, %arg11: memref<10240x128xf32, #tpu.memory_space<vmem_shared>>, %arg12: memref<!tpu.dma_semaphore, #tpu.memory_space<semaphore_mem>>, %arg13: memref<!tpu.dma_semaphore, #tpu.memory_space<semaphore_mem>>, %arg14: memref<!tpu.dma_semaphore, #tpu.memory_space<semaphore_mem>>) attributes {dimension_semantics = [#tpu.dimension_semantics<core_parallel>, #tpu.dimension_semantics<subcore_parallel>], iteration_bounds = array<i64: 2, 16>, scalar_prefetch = 0 : i64, scratch_operands = 9 : i64, tpu.core_type = #tpu.core_type<sc_vector_subcore>, window_params = [{transform_indices = #map}, {transform_indices = #map1}, {transform_indices = #map1}, {transform_indices = #map2}]} {
    %mul3A = arith.constant 2 : i32
    %mul3A_0 = arith.muli %arg1, %mul3A : i32
    %add3A = arith.addi %mul3A_0, %arg0 : i32
    %broadcast_in_dim3A = arith.constant 0.000000e+00 : f32
    %broadcast_in_dim3A_1 = vector.broadcast %broadcast_in_dim3A : f32 to vector<16xf32>
    %scan3A = arith.constant 0 : i32
    %scan3A_2 = arith.constant 80 : i32
    %scan3A_3 = arith.addi %scan3A, %scan3A_2 : i32
    %scan3A_4 = arith.constant 1 : i32
    scf.for %scan3A_30 = %scan3A to %scan3A_3 step %scan3A_4  : i32 {
      %swap3A = arith.index_cast %scan3A_30 : i32 to index
      %swap3A_31 = arith.constant 0 : index
      %swap3A_32 = tpu.vector_load %arg8[%swap3A, %swap3A_31] {strides = array<i32>} : memref<80x128xf32, #tpu.memory_space<vmem>>, vector<1x16xf32>,
      %swap3A_33 = vector.shape_cast %swap3A_32 : vector<1x16xf32> to vector<16xf32>
      %swap3A_34 = vector.shape_cast %broadcast_in_dim3A_1 : vector<16xf32> to vector<1x16xf32>
      tpu.vector_store %arg8[%swap3A, %swap3A_31], %swap3A_34 {strides = array<i32>} : memref<80x128xf32, #tpu.memory_space<vmem>>, vector<1x16xf32>,
      %swap3A_35 = arith.index_cast %scan3A_30 : i32 to index
      %swap3A_36 = arith.constant 16 : index
      %swap3A_37 = tpu.vector_load %arg8[%swap3A_35, %swap3A_36] {strides = array<i32>} : memref<80x128xf32, #tpu.memory_space<vmem>>, vector<1x16xf32>,
      %swap3A_38 = vector.shape_cast %swap3A_37 : vector<1x16xf32> to vector<16xf32>
      %swap3A_39 = vector.shape_cast %broadcast_in_dim3A_1 : vector<16xf32> to vector<1x16xf32>
      tpu.vector_store %arg8[%swap3A_35, %swap3A_36], %swap3A_39 {strides = array<i32>} : memref<80x128xf32, #tpu.memory_space<vmem>>, vector<1x16xf32>,
      %swap3A_40 = arith.index_cast %scan3A_30 : i32 to index
      %swap3A_41 = arith.constant 32 : index
      %swap3A_42 = tpu.vector_load %arg8[%swap3A_40, %swap3A_41] {strides = array<i32>} : memref<80x128xf32, #tpu.memory_space<vmem>>, vector<1x16xf32>,
      %swap3A_43 = vector.shape_cast %swap3A_42 : vector<1x16xf32> to vector<16xf32>
      %swap3A_44 = vector.shape_cast %broadcast_in_dim3A_1 : vector<16xf32> to vector<1x16xf32>
      tpu.vector_store %arg8[%swap3A_40, %swap3A_41], %swap3A_44 {strides = array<i32>} : memref<80x128xf32, #tpu.memory_space<vmem>>, vector<1x16xf32>,
      %swap3A_45 = arith.index_cast %scan3A_30 : i32 to index
      %swap3A_46 = arith.constant 48 : index
      %swap3A_47 = tpu.vector_load %arg8[%swap3A_45, %swap3A_46] {strides = array<i32>} : memref<80x128xf32, #tpu.memory_space<vmem>>, vector<1x16xf32>,
      %swap3A_48 = vector.shape_cast %swap3A_47 : vector<1x16xf32> to vector<16xf32>
      %swap3A_49 = vector.shape_cast %broadcast_in_dim3A_1 : vector<16xf32> to vector<1x16xf32>
      tpu.vector_store %arg8[%swap3A_45, %swap3A_46], %swap3A_49 {strides = array<i32>} : memref<80x128xf32, #tpu.memory_space<vmem>>, vector<1x16xf32>,
      %swap3A_50 = arith.index_cast %scan3A_30 : i32 to index
      %swap3A_51 = arith.constant 64 : index
      %swap3A_52 = tpu.vector_load %arg8[%swap3A_50, %swap3A_51] {strides = array<i32>} : memref<80x128xf32, #tpu.memory_space<vmem>>, vector<1x16xf32>,
      %swap3A_53 = vector.shape_cast %swap3A_52 : vector<1x16xf32> to vector<16xf32>
      %swap3A_54 = vector.shape_cast %broadcast_in_dim3A_1 : vector<16xf32> to vector<1x16xf32>
      tpu.vector_store %arg8[%swap3A_50, %swap3A_51], %swap3A_54 {strides = array<i32>} : memref<80x128xf32, #tpu.memory_space<vmem>>, vector<1x16xf32>,
      %swap3A_55 = arith.index_cast %scan3A_30 : i32 to index
      %swap3A_56 = arith.constant 80 : index
      %swap3A_57 = tpu.vector_load %arg8[%swap3A_55, %swap3A_56] {strides = array<i32>} : memref<80x128xf32, #tpu.memory_space<vmem>>, vector<1x16xf32>,
      %swap3A_58 = vector.shape_cast %swap3A_57 : vector<1x16xf32> to vector<16xf32>
      %swap3A_59 = vector.shape_cast %broadcast_in_dim3A_1 : vector<16xf32> to vector<1x16xf32>
      tpu.vector_store %arg8[%swap3A_55, %swap3A_56], %swap3A_59 {strides = array<i32>} : memref<80x128xf32, #tpu.memory_space<vmem>>, vector<1x16xf32>,
      %swap3A_60 = arith.index_cast %scan3A_30 : i32 to index
      %swap3A_61 = arith.constant 96 : index
      %swap3A_62 = tpu.vector_load %arg8[%swap3A_60, %swap3A_61] {strides = array<i32>} : memref<80x128xf32, #tpu.memory_space<vmem>>, vector<1x16xf32>,
      %swap3A_63 = vector.shape_cast %swap3A_62 : vector<1x16xf32> to vector<16xf32>
      %swap3A_64 = vector.shape_cast %broadcast_in_dim3A_1 : vector<16xf32> to vector<1x16xf32>
      tpu.vector_store %arg8[%swap3A_60, %swap3A_61], %swap3A_64 {strides = array<i32>} : memref<80x128xf32, #tpu.memory_space<vmem>>, vector<1x16xf32>,
      %swap3A_65 = arith.index_cast %scan3A_30 : i32 to index
      %swap3A_66 = arith.constant 112 : index
      %swap3A_67 = tpu.vector_load %arg8[%swap3A_65, %swap3A_66] {strides = array<i32>} : memref<80x128xf32, #tpu.memory_space<vmem>>, vector<1x16xf32>,
      %swap3A_68 = vector.shape_cast %swap3A_67 : vector<1x16xf32> to vector<16xf32>
      %swap3A_69 = vector.shape_cast %broadcast_in_dim3A_1 : vector<16xf32> to vector<1x16xf32>
      tpu.vector_store %arg8[%swap3A_65, %swap3A_66], %swap3A_69 {strides = array<i32>} : memref<80x128xf32, #tpu.memory_space<vmem>>, vector<1x16xf32>,
    }
    %scan3A_5 = arith.constant 80 : i32
    %mul3A_6 = arith.constant 640 : i32
    %mul3A_7 = arith.muli %arg1, %mul3A_6 : i32
    %add3A_8 = arith.constant 0 : i32
    %add3A_9 = arith.addi %mul3A_7, %add3A_8 : i32
    "tpu.region"() ({
      %run_scoped3A = tpu.sem_alloc : memref<!tpu.dma_semaphore, #tpu.memory_space<semaphore_mem>>
      %dma_start3A = arith.constant 0 : i32
      %dma_start3A_30 = tpu.memref_slice %arg11[%add3A_9, %dma_start3A] : memref<10240x128xf32, #tpu.memory_space<vmem_shared>> -> memref<80x128xf32, #tpu.memory_space<vmem_shared>>
      %dma_start3A_31 = arith.constant 0 : i32
      %dma_start3A_32 = tpu.memref_slice %arg11[%add3A_9, %dma_start3A_31] : memref<10240x128xf32, #tpu.memory_space<vmem_shared>> -> memref<80x128xf32, #tpu.memory_space<vmem_shared>>
      tpu.enqueue_dma source(%arg8 : memref<80x128xf32, #tpu.memory_space<vmem>>) target(%dma_start3A_32 : memref<80x128xf32, #tpu.memory_space<vmem_shared>>) target_semaphore(%run_scoped3A : memref<!tpu.dma_semaphore, #tpu.memory_space<semaphore_mem>>)
      %dma_wait3A = arith.constant 0 : i32
      %dma_wait3A_33 = tpu.memref_slice %arg11[%add3A_9, %dma_wait3A] : memref<10240x128xf32, #tpu.memory_space<vmem_shared>> -> memref<80x128xf32, #tpu.memory_space<vmem_shared>>
      %dma_wait3A_34 = arith.constant 0 : i32
      %dma_wait3A_35 = tpu.memref_slice %arg11[%add3A_9, %dma_wait3A_34] : memref<10240x128xf32, #tpu.memory_space<vmem_shared>> -> memref<80x128xf32, #tpu.memory_space<vmem_shared>>
      tpu.wait_dma2 semaphore(%run_scoped3A : memref<!tpu.dma_semaphore, #tpu.memory_space<semaphore_mem>>) src(%arg8 : memref<80x128xf32, #tpu.memory_space<vmem>>) dst(%dma_wait3A_35 : memref<80x128xf32, #tpu.memory_space<vmem_shared>>)
      tpu.yield
    }) : () -> ()
    %add3A_10 = arith.constant 80 : i32
    %add3A_11 = arith.addi %mul3A_7, %add3A_10 : i32
    "tpu.region"() ({
      %run_scoped3A = tpu.sem_alloc : memref<!tpu.dma_semaphore, #tpu.memory_space<semaphore_mem>>
      %dma_start3A = arith.constant 0 : i32
      %dma_start3A_30 = tpu.memref_slice %arg11[%add3A_11, %dma_start3A] : memref<10240x128xf32, #tpu.memory_space<vmem_shared>> -> memref<80x128xf32, #tpu.memory_space<vmem_shared>>
      %dma_start3A_31 = arith.constant 0 : i32
      %dma_start3A_32 = tpu.memref_slice %arg11[%add3A_11, %dma_start3A_31] : memref<10240x128xf32, #tpu.memory_space<vmem_shared>> -> memref<80x128xf32, #tpu.memory_space<vmem_shared>>
      tpu.enqueue_dma source(%arg8 : memref<80x128xf32, #tpu.memory_space<vmem>>) target(%dma_start3A_32 : memref<80x128xf32, #tpu.memory_space<vmem_shared>>) target_semaphore(%run_scoped3A : memref<!tpu.dma_semaphore, #tpu.memory_space<semaphore_mem>>)
      %dma_wait3A = arith.constant 0 : i32
      %dma_wait3A_33 = tpu.memref_slice %arg11[%add3A_11, %dma_wait3A] : memref<10240x128xf32, #tpu.memory_space<vmem_shared>> -> memref<80x128xf32, #tpu.memory_space<vmem_shared>>
      %dma_wait3A_34 = arith.constant 0 : i32
      %dma_wait3A_35 = tpu.memref_slice %arg11[%add3A_11, %dma_wait3A_34] : memref<10240x128xf32, #tpu.memory_space<vmem_shared>> -> memref<80x128xf32, #tpu.memory_space<vmem_shared>>
      tpu.wait_dma2 semaphore(%run_scoped3A : memref<!tpu.dma_semaphore, #tpu.memory_space<semaphore_mem>>) src(%arg8 : memref<80x128xf32, #tpu.memory_space<vmem>>) dst(%dma_wait3A_35 : memref<80x128xf32, #tpu.memory_space<vmem_shared>>)
      tpu.yield
    }) : () -> ()
    %add3A_12 = arith.constant 160 : i32
    %add3A_13 = arith.addi %mul3A_7, %add3A_12 : i32
    "tpu.region"() ({
      %run_scoped3A = tpu.sem_alloc : memref<!tpu.dma_semaphore, #tpu.memory_space<semaphore_mem>>
      %dma_start3A = arith.constant 0 : i32
      %dma_start3A_30 = tpu.memref_slice %arg11[%add3A_13, %dma_start3A] : memref<10240x128xf32, #tpu.memory_space<vmem_shared>> -> memref<80x128xf32, #tpu.memory_space<vmem_shared>>
      %dma_start3A_31 = arith.constant 0 : i32
      %dma_start3A_32 = tpu.memref_slice %arg11[%add3A_13, %dma_start3A_31] : memref<10240x128xf32, #tpu.memory_space<vmem_shared>> -> memref<80x128xf32, #tpu.memory_space<vmem_shared>>
      tpu.enqueue_dma source(%arg8 : memref<80x128xf32, #tpu.memory_space<vmem>>) target(%dma_start3A_32 : memref<80x128xf32, #tpu.memory_space<vmem_shared>>) target_semaphore(%run_scoped3A : memref<!tpu.dma_semaphore, #tpu.memory_space<semaphore_mem>>)
      %dma_wait3A = arith.constant 0 : i32
      %dma_wait3A_33 = tpu.memref_slice %arg11[%add3A_13, %dma_wait3A] : memref<10240x128xf32, #tpu.memory_space<vmem_shared>> -> memref<80x128xf32, #tpu.memory_space<vmem_shared>>
      %dma_wait3A_34 = arith.constant 0 : i32
      %dma_wait3A_35 = tpu.memref_slice %arg11[%add3A_13, %dma_wait3A_34] : memref<10240x128xf32, #tpu.memory_space<vmem_shared>> -> memref<80x128xf32, #tpu.memory_space<vmem_shared>>
      tpu.wait_dma2 semaphore(%run_scoped3A : memref<!tpu.dma_semaphore, #tpu.memory_space<semaphore_mem>>) src(%arg8 : memref<80x128xf32, #tpu.memory_space<vmem>>) dst(%dma_wait3A_35 : memref<80x128xf32, #tpu.memory_space<vmem_shared>>)
      tpu.yield
    }) : () -> ()
    %add3A_14 = arith.constant 240 : i32
    %add3A_15 = arith.addi %mul3A_7, %add3A_14 : i32
    "tpu.region"() ({
      %run_scoped3A = tpu.sem_alloc : memref<!tpu.dma_semaphore, #tpu.memory_space<semaphore_mem>>
      %dma_start3A = arith.constant 0 : i32
      %dma_start3A_30 = tpu.memref_slice %arg11[%add3A_15, %dma_start3A] : memref<10240x128xf32, #tpu.memory_space<vmem_shared>> -> memref<80x128xf32, #tpu.memory_space<vmem_shared>>
      %dma_start3A_31 = arith.constant 0 : i32
      %dma_start3A_32 = tpu.memref_slice %arg11[%add3A_15, %dma_start3A_31] : memref<10240x128xf32, #tpu.memory_space<vmem_shared>> -> memref<80x128xf32, #tpu.memory_space<vmem_shared>>
      tpu.enqueue_dma source(%arg8 : memref<80x128xf32, #tpu.memory_space<vmem>>) target(%dma_start3A_32 : memref<80x128xf32, #tpu.memory_space<vmem_shared>>) target_semaphore(%run_scoped3A : memref<!tpu.dma_semaphore, #tpu.memory_space<semaphore_mem>>)
      %dma_wait3A = arith.constant 0 : i32
      %dma_wait3A_33 = tpu.memref_slice %arg11[%add3A_15, %dma_wait3A] : memref<10240x128xf32, #tpu.memory_space<vmem_shared>> -> memref<80x128xf32, #tpu.memory_space<vmem_shared>>
      %dma_wait3A_34 = arith.constant 0 : i32
      %dma_wait3A_35 = tpu.memref_slice %arg11[%add3A_15, %dma_wait3A_34] : memref<10240x128xf32, #tpu.memory_space<vmem_shared>> -> memref<80x128xf32, #tpu.memory_space<vmem_shared>>
      tpu.wait_dma2 semaphore(%run_scoped3A : memref<!tpu.dma_semaphore, #tpu.memory_space<semaphore_mem>>) src(%arg8 : memref<80x128xf32, #tpu.memory_space<vmem>>) dst(%dma_wait3A_35 : memref<80x128xf32, #tpu.memory_space<vmem_shared>>)
      tpu.yield
    }) : () -> ()
    %add3A_16 = arith.constant 320 : i32
    %add3A_17 = arith.addi %mul3A_7, %add3A_16 : i32
    "tpu.region"() ({
      %run_scoped3A = tpu.sem_alloc : memref<!tpu.dma_semaphore, #tpu.memory_space<semaphore_mem>>
      %dma_start3A = arith.constant 0 : i32
      %dma_start3A_30 = tpu.memref_slice %arg11[%add3A_17, %dma_start3A] : memref<10240x128xf32, #tpu.memory_space<vmem_shared>> -> memref<80x128xf32, #tpu.memory_space<vmem_shared>>
      %dma_start3A_31 = arith.constant 0 : i32
      %dma_start3A_32 = tpu.memref_slice %arg11[%add3A_17, %dma_start3A_31] : memref<10240x128xf32, #tpu.memory_space<vmem_shared>> -> memref<80x128xf32, #tpu.memory_space<vmem_shared>>
      tpu.enqueue_dma source(%arg8 : memref<80x128xf32, #tpu.memory_space<vmem>>) target(%dma_start3A_32 : memref<80x128xf32, #tpu.memory_space<vmem_shared>>) target_semaphore(%run_scoped3A : memref<!tpu.dma_semaphore, #tpu.memory_space<semaphore_mem>>)
      %dma_wait3A = arith.constant 0 : i32
      %dma_wait3A_33 = tpu.memref_slice %arg11[%add3A_17, %dma_wait3A] : memref<10240x128xf32, #tpu.memory_space<vmem_shared>> -> memref<80x128xf32, #tpu.memory_space<vmem_shared>>
      %dma_wait3A_34 = arith.constant 0 : i32
      %dma_wait3A_35 = tpu.memref_slice %arg11[%add3A_17, %dma_wait3A_34] : memref<10240x128xf32, #tpu.memory_space<vmem_shared>> -> memref<80x128xf32, #tpu.memory_space<vmem_shared>>
      tpu.wait_dma2 semaphore(%run_scoped3A : memref<!tpu.dma_semaphore, #tpu.memory_space<semaphore_mem>>) src(%arg8 : memref<80x128xf32, #tpu.memory_space<vmem>>) dst(%dma_wait3A_35 : memref<80x128xf32, #tpu.memory_space<vmem_shared>>)
      tpu.yield
    }) : () -> ()
    %add3A_18 = arith.constant 400 : i32
    %add3A_19 = arith.addi %mul3A_7, %add3A_18 : i32
    "tpu.region"() ({
      %run_scoped3A = tpu.sem_alloc : memref<!tpu.dma_semaphore, #tpu.memory_space<semaphore_mem>>
      %dma_start3A = arith.constant 0 : i32
      %dma_start3A_30 = tpu.memref_slice %arg11[%add3A_19, %dma_start3A] : memref<10240x128xf32, #tpu.memory_space<vmem_shared>> -> memref<80x128xf32, #tpu.memory_space<vmem_shared>>
      %dma_start3A_31 = arith.constant 0 : i32
      %dma_start3A_32 = tpu.memref_slice %arg11[%add3A_19, %dma_start3A_31] : memref<10240x128xf32, #tpu.memory_space<vmem_shared>> -> memref<80x128xf32, #tpu.memory_space<vmem_shared>>
      tpu.enqueue_dma source(%arg8 : memref<80x128xf32, #tpu.memory_space<vmem>>) target(%dma_start3A_32 : memref<80x128xf32, #tpu.memory_space<vmem_shared>>) target_semaphore(%run_scoped3A : memref<!tpu.dma_semaphore, #tpu.memory_space<semaphore_mem>>)
      %dma_wait3A = arith.constant 0 : i32
      %dma_wait3A_33 = tpu.memref_slice %arg11[%add3A_19, %dma_wait3A] : memref<10240x128xf32, #tpu.memory_space<vmem_shared>> -> memref<80x128xf32, #tpu.memory_space<vmem_shared>>
      %dma_wait3A_34 = arith.constant 0 : i32
      %dma_wait3A_35 = tpu.memref_slice %arg11[%add3A_19, %dma_wait3A_34] : memref<10240x128xf32, #tpu.memory_space<vmem_shared>> -> memref<80x128xf32, #tpu.memory_space<vmem_shared>>
      tpu.wait_dma2 semaphore(%run_scoped3A : memref<!tpu.dma_semaphore, #tpu.memory_space<semaphore_mem>>) src(%arg8 : memref<80x128xf32, #tpu.memory_space<vmem>>) dst(%dma_wait3A_35 : memref<80x128xf32, #tpu.memory_space<vmem_shared>>)
      tpu.yield
    }) : () -> ()
    %add3A_20 = arith.constant 480 : i32
    %add3A_21 = arith.addi %mul3A_7, %add3A_20 : i32
    "tpu.region"() ({
      %run_scoped3A = tpu.sem_alloc : memref<!tpu.dma_semaphore, #tpu.memory_space<semaphore_mem>>
      %dma_start3A = arith.constant 0 : i32
      %dma_start3A_30 = tpu.memref_slice %arg11[%add3A_21, %dma_start3A] : memref<10240x128xf32, #tpu.memory_space<vmem_shared>> -> memref<80x128xf32, #tpu.memory_space<vmem_shared>>
      %dma_start3A_31 = arith.constant 0 : i32
      %dma_start3A_32 = tpu.memref_slice %arg11[%add3A_21, %dma_start3A_31] : memref<10240x128xf32, #tpu.memory_space<vmem_shared>> -> memref<80x128xf32, #tpu.memory_space<vmem_shared>>
      tpu.enqueue_dma source(%arg8 : memref<80x128xf32, #tpu.memory_space<vmem>>) target(%dma_start3A_32 : memref<80x128xf32, #tpu.memory_space<vmem_shared>>) target_semaphore(%run_scoped3A : memref<!tpu.dma_semaphore, #tpu.memory_space<semaphore_mem>>)
      %dma_wait3A = arith.constant 0 : i32
      %dma_wait3A_33 = tpu.memref_slice %arg11[%add3A_21, %dma_wait3A] : memref<10240x128xf32, #tpu.memory_space<vmem_shared>> -> memref<80x128xf32, #tpu.memory_space<vmem_shared>>
      %dma_wait3A_34 = arith.constant 0 : i32
      %dma_wait3A_35 = tpu.memref_slice %arg11[%add3A_21, %dma_wait3A_34] : memref<10240x128xf32, #tpu.memory_space<vmem_shared>> -> memref<80x128xf32, #tpu.memory_space<vmem_shared>>
      tpu.wait_dma2 semaphore(%run_scoped3A : memref<!tpu.dma_semaphore, #tpu.memory_space<semaphore_mem>>) src(%arg8 : memref<80x128xf32, #tpu.memory_space<vmem>>) dst(%dma_wait3A_35 : memref<80x128xf32, #tpu.memory_space<vmem_shared>>)
      tpu.yield
    }) : () -> ()
    %add3A_22 = arith.constant 560 : i32
    %add3A_23 = arith.addi %mul3A_7, %add3A_22 : i32
    "tpu.region"() ({
      %run_scoped3A = tpu.sem_alloc : memref<!tpu.dma_semaphore, #tpu.memory_space<semaphore_mem>>
      %dma_start3A = arith.constant 0 : i32
      %dma_start3A_30 = tpu.memref_slice %arg11[%add3A_23, %dma_start3A] : memref<10240x128xf32, #tpu.memory_space<vmem_shared>> -> memref<80x128xf32, #tpu.memory_space<vmem_shared>>
      %dma_start3A_31 = arith.constant 0 : i32
      %dma_start3A_32 = tpu.memref_slice %arg11[%add3A_23, %dma_start3A_31] : memref<10240x128xf32, #tpu.memory_space<vmem_shared>> -> memref<80x128xf32, #tpu.memory_space<vmem_shared>>
      tpu.enqueue_dma source(%arg8 : memref<80x128xf32, #tpu.memory_space<vmem>>) target(%dma_start3A_32 : memref<80x128xf32, #tpu.memory_space<vmem_shared>>) target_semaphore(%run_scoped3A : memref<!tpu.dma_semaphore, #tpu.memory_space<semaphore_mem>>)
      %dma_wait3A = arith.constant 0 : i32
      %dma_wait3A_33 = tpu.memref_slice %arg11[%add3A_23, %dma_wait3A] : memref<10240x128xf32, #tpu.memory_space<vmem_shared>> -> memref<80x128xf32, #tpu.memory_space<vmem_shared>>
      %dma_wait3A_34 = arith.constant 0 : i32
      %dma_wait3A_35 = tpu.memref_slice %arg11[%add3A_23, %dma_wait3A_34] : memref<10240x128xf32, #tpu.memory_space<vmem_shared>> -> memref<80x128xf32, #tpu.memory_space<vmem_shared>>
      tpu.wait_dma2 semaphore(%run_scoped3A : memref<!tpu.dma_semaphore, #tpu.memory_space<semaphore_mem>>) src(%arg8 : memref<80x128xf32, #tpu.memory_space<vmem>>) dst(%dma_wait3A_35 : memref<80x128xf32, #tpu.memory_space<vmem_shared>>)
      tpu.yield
    }) : () -> ()
    %barrier3A = arith.constant 0 : index
    tpu.barrier barrier_id(%barrier3A)
    %scan3A_24 = arith.constant 0 : i32
    %scan3A_25 = arith.constant 5 : i32
    %scan3A_26 = arith.addi %scan3A_24, %scan3A_25 : i32
    %scan3A_27 = arith.constant 1 : i32
    scf.for %scan3A_30 = %scan3A_24 to %scan3A_26 step %scan3A_27  : i32 {
      "tpu.region"() ({
        %run_scoped3A_93 = tpu.sem_alloc : memref<!tpu.dma_semaphore, #tpu.memory_space<semaphore_mem>>
        %dma_start3A_94 = arith.constant 0 : i32
        %dma_start3A_95 = arith.constant 0 : i32
        %dma_start3A_96 = tpu.memref_slice %arg3[%add3A, %scan3A_30, %dma_start3A_94, %dma_start3A_95] : memref<32x5x25x80xi32, #tpu.memory_space<hbm>> -> memref<1x1x25x80xi32, #tpu.memory_space<hbm>>
        %dma_start3A_97 = tpu.memref_squeeze %dma_start3A_96 : memref<1x1x25x80xi32, #tpu.memory_space<hbm>> -> memref<25x80xi32, #tpu.memory_space<hbm>>
        %dma_start3A_98 = arith.constant 0 : i32
        %dma_start3A_99 = arith.constant 0 : i32
        %dma_start3A_100 = tpu.memref_slice %arg3[%add3A, %scan3A_30, %dma_start3A_98, %dma_start3A_99] : memref<32x5x25x80xi32, #tpu.memory_space<hbm>> -> memref<1x1x25x80xi32, #tpu.memory_space<hbm>>
        %dma_start3A_101 = tpu.memref_squeeze %dma_start3A_100 : memref<1x1x25x80xi32, #tpu.memory_space<hbm>> -> memref<25x80xi32, #tpu.memory_space<hbm>>
        tpu.enqueue_dma source(%dma_start3A_101 : memref<25x80xi32, #tpu.memory_space<hbm>>) target(%arg6 : memref<25x80xi32, #tpu.memory_space<vmem>>) target_semaphore(%run_scoped3A_93 : memref<!tpu.dma_semaphore, #tpu.memory_space<semaphore_mem>>)
        %dma_wait3A_102 = arith.constant 0 : i32
        %dma_wait3A_103 = arith.constant 0 : i32
        %dma_wait3A_104 = tpu.memref_slice %arg3[%add3A, %scan3A_30, %dma_wait3A_102, %dma_wait3A_103] : memref<32x5x25x80xi32, #tpu.memory_space<hbm>> -> memref<1x1x25x80xi32, #tpu.memory_space<hbm>>
        %dma_wait3A_105 = tpu.memref_squeeze %dma_wait3A_104 : memref<1x1x25x80xi32, #tpu.memory_space<hbm>> -> memref<25x80xi32, #tpu.memory_space<hbm>>
        %dma_wait3A_106 = arith.constant 0 : i32
        %dma_wait3A_107 = arith.constant 0 : i32
        %dma_wait3A_108 = tpu.memref_slice %arg3[%add3A, %scan3A_30, %dma_wait3A_106, %dma_wait3A_107] : memref<32x5x25x80xi32, #tpu.memory_space<hbm>> -> memref<1x1x25x80xi32, #tpu.memory_space<hbm>>
        %dma_wait3A_109 = tpu.memref_squeeze %dma_wait3A_108 : memref<1x1x25x80xi32, #tpu.memory_space<hbm>> -> memref<25x80xi32, #tpu.memory_space<hbm>>
        tpu.wait_dma2 semaphore(%run_scoped3A_93 : memref<!tpu.dma_semaphore, #tpu.memory_space<semaphore_mem>>) src(%dma_wait3A_109 : memref<25x80xi32, #tpu.memory_space<hbm>>) dst(%arg6 : memref<25x80xi32, #tpu.memory_space<vmem>>)
        tpu.yield
      }) : () -> ()
      "tpu.region"() ({
        %run_scoped3A_93 = tpu.sem_alloc : memref<!tpu.dma_semaphore, #tpu.memory_space<semaphore_mem>>
        %dma_start3A_94 = arith.constant 0 : i32
        %dma_start3A_95 = arith.constant 0 : i32
        %dma_start3A_96 = tpu.memref_slice %arg4[%add3A, %scan3A_30, %dma_start3A_94, %dma_start3A_95] : memref<32x5x25x80xi32, #tpu.memory_space<hbm>> -> memref<1x1x25x80xi32, #tpu.memory_space<hbm>>
        %dma_start3A_97 = tpu.memref_squeeze %dma_start3A_96 : memref<1x1x25x80xi32, #tpu.memory_space<hbm>> -> memref<25x80xi32, #tpu.memory_space<hbm>>
        %dma_start3A_98 = arith.constant 0 : i32
        %dma_start3A_99 = arith.constant 0 : i32
        %dma_start3A_100 = tpu.memref_slice %arg4[%add3A, %scan3A_30, %dma_start3A_98, %dma_start3A_99] : memref<32x5x25x80xi32, #tpu.memory_space<hbm>> -> memref<1x1x25x80xi32, #tpu.memory_space<hbm>>
        %dma_start3A_101 = tpu.memref_squeeze %dma_start3A_100 : memref<1x1x25x80xi32, #tpu.memory_space<hbm>> -> memref<25x80xi32, #tpu.memory_space<hbm>>
        tpu.enqueue_dma source(%dma_start3A_101 : memref<25x80xi32, #tpu.memory_space<hbm>>) target(%arg7 : memref<25x80xi32, #tpu.memory_space<vmem>>) target_semaphore(%run_scoped3A_93 : memref<!tpu.dma_semaphore, #tpu.memory_space<semaphore_mem>>)
        %dma_wait3A_102 = arith.constant 0 : i32
        %dma_wait3A_103 = arith.constant 0 : i32
        %dma_wait3A_104 = tpu.memref_slice %arg4[%add3A, %scan3A_30, %dma_wait3A_102, %dma_wait3A_103] : memref<32x5x25x80xi32, #tpu.memory_space<hbm>> -> memref<1x1x25x80xi32, #tpu.memory_space<hbm>>
        %dma_wait3A_105 = tpu.memref_squeeze %dma_wait3A_104 : memref<1x1x25x80xi32, #tpu.memory_space<hbm>> -> memref<25x80xi32, #tpu.memory_space<hbm>>
        %dma_wait3A_106 = arith.constant 0 : i32
        %dma_wait3A_107 = arith.constant 0 : i32
        %dma_wait3A_108 = tpu.memref_slice %arg4[%add3A, %scan3A_30, %dma_wait3A_106, %dma_wait3A_107] : memref<32x5x25x80xi32, #tpu.memory_space<hbm>> -> memref<1x1x25x80xi32, #tpu.memory_space<hbm>>
        %dma_wait3A_109 = tpu.memref_squeeze %dma_wait3A_108 : memref<1x1x25x80xi32, #tpu.memory_space<hbm>> -> memref<25x80xi32, #tpu.memory_space<hbm>>
        tpu.wait_dma2 semaphore(%run_scoped3A_93 : memref<!tpu.dma_semaphore, #tpu.memory_space<semaphore_mem>>) src(%dma_wait3A_109 : memref<25x80xi32, #tpu.memory_space<hbm>>) dst(%arg7 : memref<25x80xi32, #tpu.memory_space<vmem>>)
        tpu.yield
      }) : () -> ()
      %dma_start3A = arith.constant 0 : i32
      %dma_start3A_31 = arith.constant 0 : i32
      %dma_start3A_32 = tpu.memref_slice %arg6[%dma_start3A, %dma_start3A_31] : memref<25x80xi32, #tpu.memory_space<vmem>> -> memref<1x80xi32, #tpu.memory_space<vmem>>
      %dma_start3A_33 = tpu.memref_squeeze %dma_start3A_32 : memref<1x80xi32, #tpu.memory_space<vmem>> -> memref<80xi32, #tpu.memory_space<vmem>>
      %dma_start3A_34 = arith.constant 0 : i32
      %dma_start3A_35 = arith.constant 0 : i32
      %dma_start3A_36 = tpu.memref_slice %arg2[%dma_start3A_34, %dma_start3A_35] : memref<10000x128xf32, #tpu.memory_space<hbm>> -> memref<10000x128xf32, #tpu.memory_space<hbm>>
      tpu.enqueue_indirect_dma source(%dma_start3A_36 : memref<10000x128xf32, #tpu.memory_space<hbm>>) target(%arg8 : memref<80x128xf32, #tpu.memory_space<vmem>>) offsets(%dma_start3A_33 : memref<80xi32, #tpu.memory_space<vmem>>) semaphore(%arg12 : memref<!tpu.dma_semaphore, #tpu.memory_space<semaphore_mem>>)
      %dma_start3A_37 = arith.constant 1 : i32
      %dma_start3A_38 = arith.constant 0 : i32
      %dma_start3A_39 = tpu.memref_slice %arg6[%dma_start3A_37, %dma_start3A_38] : memref<25x80xi32, #tpu.memory_space<vmem>> -> memref<1x80xi32, #tpu.memory_space<vmem>>
      %dma_start3A_40 = tpu.memref_squeeze %dma_start3A_39 : memref<1x80xi32, #tpu.memory_space<vmem>> -> memref<80xi32, #tpu.memory_space<vmem>>
      %dma_start3A_41 = arith.constant 0 : i32
      %dma_start3A_42 = arith.constant 0 : i32
      %dma_start3A_43 = tpu.memref_slice %arg2[%dma_start3A_41, %dma_start3A_42] : memref<10000x128xf32, #tpu.memory_space<hbm>> -> memref<10000x128xf32, #tpu.memory_space<hbm>>
      tpu.enqueue_indirect_dma source(%dma_start3A_43 : memref<10000x128xf32, #tpu.memory_space<hbm>>) target(%arg9 : memref<80x128xf32, #tpu.memory_space<vmem>>) offsets(%dma_start3A_40 : memref<80xi32, #tpu.memory_space<vmem>>) semaphore(%arg13 : memref<!tpu.dma_semaphore, #tpu.memory_space<semaphore_mem>>)
      %dma_start3A_44 = arith.constant 2 : i32
      %dma_start3A_45 = arith.constant 0 : i32
      %dma_start3A_46 = tpu.memref_slice %arg6[%dma_start3A_44, %dma_start3A_45] : memref<25x80xi32, #tpu.memory_space<vmem>> -> memref<1x80xi32, #tpu.memory_space<vmem>>
      %dma_start3A_47 = tpu.memref_squeeze %dma_start3A_46 : memref<1x80xi32, #tpu.memory_space<vmem>> -> memref<80xi32, #tpu.memory_space<vmem>>
      %dma_start3A_48 = arith.constant 0 : i32
      %dma_start3A_49 = arith.constant 0 : i32
      %dma_start3A_50 = tpu.memref_slice %arg2[%dma_start3A_48, %dma_start3A_49] : memref<10000x128xf32, #tpu.memory_space<hbm>> -> memref<10000x128xf32, #tpu.memory_space<hbm>>
      tpu.enqueue_indirect_dma source(%dma_start3A_50 : memref<10000x128xf32, #tpu.memory_space<hbm>>) target(%arg10 : memref<80x128xf32, #tpu.memory_space<vmem>>) offsets(%dma_start3A_47 : memref<80xi32, #tpu.memory_space<vmem>>) semaphore(%arg14 : memref<!tpu.dma_semaphore, #tpu.memory_space<semaphore_mem>>)
      %scan3A_51 = arith.constant 0 : i32
      %scan3A_52 = arith.constant 7 : i32
      %scan3A_53 = arith.addi %scan3A_51, %scan3A_52 : i32
      %scan3A_54 = arith.constant 1 : i32
      scf.for %scan3A_93 = %scan3A_51 to %scan3A_53 step %scan3A_54  : i32 {
        %mul3A_94 = arith.constant 3 : i32
        %mul3A_95 = arith.muli %mul3A_94, %scan3A_93 : i32
        %dma_wait3A_96 = arith.constant 0 : i32
        %dma_wait3A_97 = arith.constant 0 : i32
        %dma_wait3A_98 = tpu.memref_slice %arg6[%dma_wait3A_96, %dma_wait3A_97] : memref<25x80xi32, #tpu.memory_space<vmem>> -> memref<1x80xi32, #tpu.memory_space<vmem>>
        %dma_wait3A_99 = tpu.memref_squeeze %dma_wait3A_98 : memref<1x80xi32, #tpu.memory_space<vmem>> -> memref<80xi32, #tpu.memory_space<vmem>>
        %dma_wait3A_100 = arith.constant 0 : i32
        %dma_wait3A_101 = arith.constant 0 : i32
        %dma_wait3A_102 = tpu.memref_slice %arg2[%dma_wait3A_100, %dma_wait3A_101] : memref<10000x128xf32, #tpu.memory_space<hbm>> -> memref<10000x128xf32, #tpu.memory_space<hbm>>
        tpu.wait_indirect_dma semaphore(%arg12 : memref<!tpu.dma_semaphore, #tpu.memory_space<semaphore_mem>>) src(%dma_wait3A_102 : memref<10000x128xf32, #tpu.memory_space<hbm>>) dst(%arg8 : memref<80x128xf32, #tpu.memory_space<vmem>>)
        "tpu.region"() ({
          %run_scoped3A_145 = tpu.sem_alloc : memref<!tpu.dma_semaphore, #tpu.memory_space<semaphore_mem>>
          %dma_start3A_146 = arith.constant 0 : i32
          %dma_start3A_147 = tpu.memref_slice %arg7[%mul3A_95, %dma_start3A_146] : memref<25x80xi32, #tpu.memory_space<vmem>> -> memref<1x80xi32, #tpu.memory_space<vmem>>
          %dma_start3A_148 = tpu.memref_squeeze %dma_start3A_147 : memref<1x80xi32, #tpu.memory_space<vmem>> -> memref<80xi32, #tpu.memory_space<vmem>>
          %dma_start3A_149 = arith.constant 0 : i32
          %dma_start3A_150 = arith.constant 0 : i32
          %dma_start3A_151 = tpu.memref_slice %arg11[%dma_start3A_149, %dma_start3A_150] : memref<10240x128xf32, #tpu.memory_space<vmem_shared>> -> memref<10240x128xf32, #tpu.memory_space<vmem_shared>>
          tpu.enqueue_indirect_dma source(%arg8 : memref<80x128xf32, #tpu.memory_space<vmem>>) target(%dma_start3A_151 : memref<10240x128xf32, #tpu.memory_space<vmem_shared>>) offsets(%dma_start3A_148 : memref<80xi32, #tpu.memory_space<vmem>>) semaphore(%run_scoped3A_145 : memref<!tpu.dma_semaphore, #tpu.memory_space<semaphore_mem>>) {add = true}
          %dma_wait3A_152 = arith.constant 0 : i32
          %dma_wait3A_153 = tpu.memref_slice %arg7[%mul3A_95, %dma_wait3A_152] : memref<25x80xi32, #tpu.memory_space<vmem>> -> memref<1x80xi32, #tpu.memory_space<vmem>>
          %dma_wait3A_154 = tpu.memref_squeeze %dma_wait3A_153 : memref<1x80xi32, #tpu.memory_space<vmem>> -> memref<80xi32, #tpu.memory_space<vmem>>
          %dma_wait3A_155 = arith.constant 0 : i32
          %dma_wait3A_156 = arith.constant 0 : i32
          %dma_wait3A_157 = tpu.memref_slice %arg11[%dma_wait3A_155, %dma_wait3A_156] : memref<10240x128xf32, #tpu.memory_space<vmem_shared>> -> memref<10240x128xf32, #tpu.memory_space<vmem_shared>>
          tpu.wait_indirect_dma semaphore(%run_scoped3A_145 : memref<!tpu.dma_semaphore, #tpu.memory_space<semaphore_mem>>) src(%arg8 : memref<80x128xf32, #tpu.memory_space<vmem>>) dst(%dma_wait3A_157 : memref<10240x128xf32, #tpu.memory_space<vmem_shared>>)
          tpu.yield
        }) : () -> ()
        %add3A_103 = arith.constant 3 : i32
        %add3A_104 = arith.addi %mul3A_95, %add3A_103 : i32
        %dma_start3A_105 = arith.constant 0 : i32
        %dma_start3A_106 = tpu.memref_slice %arg6[%add3A_104, %dma_start3A_105] : memref<25x80xi32, #tpu.memory_space<vmem>> -> memref<1x80xi32, #tpu.memory_space<vmem>>
        %dma_start3A_107 = tpu.memref_squeeze %dma_start3A_106 : memref<1x80xi32, #tpu.memory_space<vmem>> -> memref<80xi32, #tpu.memory_space<vmem>>
        %dma_start3A_108 = arith.constant 0 : i32
        %dma_start3A_109 = arith.constant 0 : i32
        %dma_start3A_110 = tpu.memref_slice %arg2[%dma_start3A_108, %dma_start3A_109] : memref<10000x128xf32, #tpu.memory_space<hbm>> -> memref<10000x128xf32, #tpu.memory_space<hbm>>
        tpu.enqueue_indirect_dma source(%dma_start3A_110 : memref<10000x128xf32, #tpu.memory_space<hbm>>) target(%arg8 : memref<80x128xf32, #tpu.memory_space<vmem>>) offsets(%dma_start3A_107 : memref<80xi32, #tpu.memory_space<vmem>>) semaphore(%arg12 : memref<!tpu.dma_semaphore, #tpu.memory_space<semaphore_mem>>)
        %add3A_111 = arith.constant 1 : i32
        %add3A_112 = arith.addi %mul3A_95, %add3A_111 : i32
        %dma_wait3A_113 = arith.constant 0 : i32
        %dma_wait3A_114 = arith.constant 0 : i32
        %dma_wait3A_115 = tpu.memref_slice %arg6[%dma_wait3A_113, %dma_wait3A_114] : memref<25x80xi32, #tpu.memory_space<vmem>> -> memref<1x80xi32, #tpu.memory_space<vmem>>
        %dma_wait3A_116 = tpu.memref_squeeze %dma_wait3A_115 : memref<1x80xi32, #tpu.memory_space<vmem>> -> memref<80xi32, #tpu.memory_space<vmem>>
        %dma_wait3A_117 = arith.constant 0 : i32
        %dma_wait3A_118 = arith.constant 0 : i32
        %dma_wait3A_119 = tpu.memref_slice %arg2[%dma_wait3A_117, %dma_wait3A_118] : memref<10000x128xf32, #tpu.memory_space<hbm>> -> memref<10000x128xf32, #tpu.memory_space<hbm>>
        tpu.wait_indirect_dma semaphore(%arg13 : memref<!tpu.dma_semaphore, #tpu.memory_space<semaphore_mem>>) src(%dma_wait3A_119 : memref<10000x128xf32, #tpu.memory_space<hbm>>) dst(%arg9 : memref<80x128xf32, #tpu.memory_space<vmem>>)
        "tpu.region"() ({
          %run_scoped3A_145 = tpu.sem_alloc : memref<!tpu.dma_semaphore, #tpu.memory_space<semaphore_mem>>
          %dma_start3A_146 = arith.constant 0 : i32
          %dma_start3A_147 = tpu.memref_slice %arg7[%add3A_112, %dma_start3A_146] : memref<25x80xi32, #tpu.memory_space<vmem>> -> memref<1x80xi32, #tpu.memory_space<vmem>>
          %dma_start3A_148 = tpu.memref_squeeze %dma_start3A_147 : memref<1x80xi32, #tpu.memory_space<vmem>> -> memref<80xi32, #tpu.memory_space<vmem>>
          %dma_start3A_149 = arith.constant 0 : i32
          %dma_start3A_150 = arith.constant 0 : i32
          %dma_start3A_151 = tpu.memref_slice %arg11[%dma_start3A_149, %dma_start3A_150] : memref<10240x128xf32, #tpu.memory_space<vmem_shared>> -> memref<10240x128xf32, #tpu.memory_space<vmem_shared>>
          tpu.enqueue_indirect_dma source(%arg9 : memref<80x128xf32, #tpu.memory_space<vmem>>) target(%dma_start3A_151 : memref<10240x128xf32, #tpu.memory_space<vmem_shared>>) offsets(%dma_start3A_148 : memref<80xi32, #tpu.memory_space<vmem>>) semaphore(%run_scoped3A_145 : memref<!tpu.dma_semaphore, #tpu.memory_space<semaphore_mem>>) {add = true}
          %dma_wait3A_152 = arith.constant 0 : i32
          %dma_wait3A_153 = tpu.memref_slice %arg7[%add3A_112, %dma_wait3A_152] : memref<25x80xi32, #tpu.memory_space<vmem>> -> memref<1x80xi32, #tpu.memory_space<vmem>>
          %dma_wait3A_154 = tpu.memref_squeeze %dma_wait3A_153 : memref<1x80xi32, #tpu.memory_space<vmem>> -> memref<80xi32, #tpu.memory_space<vmem>>
          %dma_wait3A_155 = arith.constant 0 : i32
          %dma_wait3A_156 = arith.constant 0 : i32
          %dma_wait3A_157 = tpu.memref_slice %arg11[%dma_wait3A_155, %dma_wait3A_156] : memref<10240x128xf32, #tpu.memory_space<vmem_shared>> -> memref<10240x128xf32, #tpu.memory_space<vmem_shared>>
          tpu.wait_indirect_dma semaphore(%run_scoped3A_145 : memref<!tpu.dma_semaphore, #tpu.memory_space<semaphore_mem>>) src(%arg9 : memref<80x128xf32, #tpu.memory_space<vmem>>) dst(%dma_wait3A_157 : memref<10240x128xf32, #tpu.memory_space<vmem_shared>>)
          tpu.yield
        }) : () -> ()
        %add3A_120 = arith.constant 4 : i32
        %add3A_121 = arith.addi %mul3A_95, %add3A_120 : i32
        %dma_start3A_122 = arith.constant 0 : i32
        %dma_start3A_123 = tpu.memref_slice %arg6[%add3A_121, %dma_start3A_122] : memref<25x80xi32, #tpu.memory_space<vmem>> -> memref<1x80xi32, #tpu.memory_space<vmem>>
        %dma_start3A_124 = tpu.memref_squeeze %dma_start3A_123 : memref<1x80xi32, #tpu.memory_space<vmem>> -> memref<80xi32, #tpu.memory_space<vmem>>
        %dma_start3A_125 = arith.constant 0 : i32
        %dma_start3A_126 = arith.constant 0 : i32
        %dma_start3A_127 = tpu.memref_slice %arg2[%dma_start3A_125, %dma_start3A_126] : memref<10000x128xf32, #tpu.memory_space<hbm>> -> memref<10000x128xf32, #tpu.memory_space<hbm>>
        tpu.enqueue_indirect_dma source(%dma_start3A_127 : memref<10000x128xf32, #tpu.memory_space<hbm>>) target(%arg9 : memref<80x128xf32, #tpu.memory_space<vmem>>) offsets(%dma_start3A_124 : memref<80xi32, #tpu.memory_space<vmem>>) semaphore(%arg13 : memref<!tpu.dma_semaphore, #tpu.memory_space<semaphore_mem>>)
        %add3A_128 = arith.constant 2 : i32
        %add3A_129 = arith.addi %mul3A_95, %add3A_128 : i32
        %dma_wait3A_130 = arith.constant 0 : i32
        %dma_wait3A_131 = arith.constant 0 : i32
        %dma_wait3A_132 = tpu.memref_slice %arg6[%dma_wait3A_130, %dma_wait3A_131] : memref<25x80xi32, #tpu.memory_space<vmem>> -> memref<1x80xi32, #tpu.memory_space<vmem>>
        %dma_wait3A_133 = tpu.memref_squeeze %dma_wait3A_132 : memref<1x80xi32, #tpu.memory_space<vmem>> -> memref<80xi32, #tpu.memory_space<vmem>>
        %dma_wait3A_134 = arith.constant 0 : i32
        %dma_wait3A_135 = arith.constant 0 : i32
        %dma_wait3A_136 = tpu.memref_slice %arg2[%dma_wait3A_134, %dma_wait3A_135] : memref<10000x128xf32, #tpu.memory_space<hbm>> -> memref<10000x128xf32, #tpu.memory_space<hbm>>
        tpu.wait_indirect_dma semaphore(%arg14 : memref<!tpu.dma_semaphore, #tpu.memory_space<semaphore_mem>>) src(%dma_wait3A_136 : memref<10000x128xf32, #tpu.memory_space<hbm>>) dst(%arg10 : memref<80x128xf32, #tpu.memory_space<vmem>>)
        "tpu.region"() ({
          %run_scoped3A_145 = tpu.sem_alloc : memref<!tpu.dma_semaphore, #tpu.memory_space<semaphore_mem>>
          %dma_start3A_146 = arith.constant 0 : i32
          %dma_start3A_147 = tpu.memref_slice %arg7[%add3A_129, %dma_start3A_146] : memref<25x80xi32, #tpu.memory_space<vmem>> -> memref<1x80xi32, #tpu.memory_space<vmem>>
          %dma_start3A_148 = tpu.memref_squeeze %dma_start3A_147 : memref<1x80xi32, #tpu.memory_space<vmem>> -> memref<80xi32, #tpu.memory_space<vmem>>
          %dma_start3A_149 = arith.constant 0 : i32
          %dma_start3A_150 = arith.constant 0 : i32
          %dma_start3A_151 = tpu.memref_slice %arg11[%dma_start3A_149, %dma_start3A_150] : memref<10240x128xf32, #tpu.memory_space<vmem_shared>> -> memref<10240x128xf32, #tpu.memory_space<vmem_shared>>
          tpu.enqueue_indirect_dma source(%arg10 : memref<80x128xf32, #tpu.memory_space<vmem>>) target(%dma_start3A_151 : memref<10240x128xf32, #tpu.memory_space<vmem_shared>>) offsets(%dma_start3A_148 : memref<80xi32, #tpu.memory_space<vmem>>) semaphore(%run_scoped3A_145 : memref<!tpu.dma_semaphore, #tpu.memory_space<semaphore_mem>>) {add = true}
          %dma_wait3A_152 = arith.constant 0 : i32
          %dma_wait3A_153 = tpu.memref_slice %arg7[%add3A_129, %dma_wait3A_152] : memref<25x80xi32, #tpu.memory_space<vmem>> -> memref<1x80xi32, #tpu.memory_space<vmem>>
          %dma_wait3A_154 = tpu.memref_squeeze %dma_wait3A_153 : memref<1x80xi32, #tpu.memory_space<vmem>> -> memref<80xi32, #tpu.memory_space<vmem>>
          %dma_wait3A_155 = arith.constant 0 : i32
          %dma_wait3A_156 = arith.constant 0 : i32
          %dma_wait3A_157 = tpu.memref_slice %arg11[%dma_wait3A_155, %dma_wait3A_156] : memref<10240x128xf32, #tpu.memory_space<vmem_shared>> -> memref<10240x128xf32, #tpu.memory_space<vmem_shared>>
          tpu.wait_indirect_dma semaphore(%run_scoped3A_145 : memref<!tpu.dma_semaphore, #tpu.memory_space<semaphore_mem>>) src(%arg10 : memref<80x128xf32, #tpu.memory_space<vmem>>) dst(%dma_wait3A_157 : memref<10240x128xf32, #tpu.memory_space<vmem_shared>>)
          tpu.yield
        }) : () -> ()
        %add3A_137 = arith.constant 5 : i32
        %add3A_138 = arith.addi %mul3A_95, %add3A_137 : i32
        %dma_start3A_139 = arith.constant 0 : i32
        %dma_start3A_140 = tpu.memref_slice %arg6[%add3A_138, %dma_start3A_139] : memref<25x80xi32, #tpu.memory_space<vmem>> -> memref<1x80xi32, #tpu.memory_space<vmem>>
        %dma_start3A_141 = tpu.memref_squeeze %dma_start3A_140 : memref<1x80xi32, #tpu.memory_space<vmem>> -> memref<80xi32, #tpu.memory_space<vmem>>
        %dma_start3A_142 = arith.constant 0 : i32
        %dma_start3A_143 = arith.constant 0 : i32
        %dma_start3A_144 = tpu.memref_slice %arg2[%dma_start3A_142, %dma_start3A_143] : memref<10000x128xf32, #tpu.memory_space<hbm>> -> memref<10000x128xf32, #tpu.memory_space<hbm>>
        tpu.enqueue_indirect_dma source(%dma_start3A_144 : memref<10000x128xf32, #tpu.memory_space<hbm>>) target(%arg10 : memref<80x128xf32, #tpu.memory_space<vmem>>) offsets(%dma_start3A_141 : memref<80xi32, #tpu.memory_space<vmem>>) semaphore(%arg14 : memref<!tpu.dma_semaphore, #tpu.memory_space<semaphore_mem>>)
      }
      %scan3A_55 = arith.constant 7 : i32
      %dma_wait3A = arith.constant 0 : i32
      %dma_wait3A_56 = arith.constant 0 : i32
      %dma_wait3A_57 = tpu.memref_slice %arg6[%dma_wait3A, %dma_wait3A_56] : memref<25x80xi32, #tpu.memory_space<vmem>> -> memref<1x80xi32, #tpu.memory_space<vmem>>
      %dma_wait3A_58 = tpu.memref_squeeze %dma_wait3A_57 : memref<1x80xi32, #tpu.memory_space<vmem>> -> memref<80xi32, #tpu.memory_space<vmem>>
      %dma_wait3A_59 = arith.constant 0 : i32
      %dma_wait3A_60 = arith.constant 0 : i32
      %dma_wait3A_61 = tpu.memref_slice %arg2[%dma_wait3A_59, %dma_wait3A_60] : memref<10000x128xf32, #tpu.memory_space<hbm>> -> memref<10000x128xf32, #tpu.memory_space<hbm>>
      tpu.wait_indirect_dma semaphore(%arg12 : memref<!tpu.dma_semaphore, #tpu.memory_space<semaphore_mem>>) src(%dma_wait3A_61 : memref<10000x128xf32, #tpu.memory_space<hbm>>) dst(%arg8 : memref<80x128xf32, #tpu.memory_space<vmem>>)
      %run_scoped3A = arith.constant 21 : i32
      "tpu.region"() ({
        %run_scoped3A_93 = tpu.sem_alloc : memref<!tpu.dma_semaphore, #tpu.memory_space<semaphore_mem>>
        %dma_start3A_94 = arith.constant 0 : i32
        %dma_start3A_95 = tpu.memref_slice %arg7[%run_scoped3A, %dma_start3A_94] : memref<25x80xi32, #tpu.memory_space<vmem>> -> memref<1x80xi32, #tpu.memory_space<vmem>>
        %dma_start3A_96 = tpu.memref_squeeze %dma_start3A_95 : memref<1x80xi32, #tpu.memory_space<vmem>> -> memref<80xi32, #tpu.memory_space<vmem>>
        %dma_start3A_97 = arith.constant 0 : i32
        %dma_start3A_98 = arith.constant 0 : i32
        %dma_start3A_99 = tpu.memref_slice %arg11[%dma_start3A_97, %dma_start3A_98] : memref<10240x128xf32, #tpu.memory_space<vmem_shared>> -> memref<10240x128xf32, #tpu.memory_space<vmem_shared>>
        tpu.enqueue_indirect_dma source(%arg8 : memref<80x128xf32, #tpu.memory_space<vmem>>) target(%dma_start3A_99 : memref<10240x128xf32, #tpu.memory_space<vmem_shared>>) offsets(%dma_start3A_96 : memref<80xi32, #tpu.memory_space<vmem>>) semaphore(%run_scoped3A_93 : memref<!tpu.dma_semaphore, #tpu.memory_space<semaphore_mem>>) {add = true}
        %dma_wait3A_100 = arith.constant 0 : i32
        %dma_wait3A_101 = tpu.memref_slice %arg7[%run_scoped3A, %dma_wait3A_100] : memref<25x80xi32, #tpu.memory_space<vmem>> -> memref<1x80xi32, #tpu.memory_space<vmem>>
        %dma_wait3A_102 = tpu.memref_squeeze %dma_wait3A_101 : memref<1x80xi32, #tpu.memory_space<vmem>> -> memref<80xi32, #tpu.memory_space<vmem>>
        %dma_wait3A_103 = arith.constant 0 : i32
        %dma_wait3A_104 = arith.constant 0 : i32
        %dma_wait3A_105 = tpu.memref_slice %arg11[%dma_wait3A_103, %dma_wait3A_104] : memref<10240x128xf32, #tpu.memory_space<vmem_shared>> -> memref<10240x128xf32, #tpu.memory_space<vmem_shared>>
        tpu.wait_indirect_dma semaphore(%run_scoped3A_93 : memref<!tpu.dma_semaphore, #tpu.memory_space<semaphore_mem>>) src(%arg8 : memref<80x128xf32, #tpu.memory_space<vmem>>) dst(%dma_wait3A_105 : memref<10240x128xf32, #tpu.memory_space<vmem_shared>>)
        tpu.yield
      }) : () -> ()
      %dma_start3A_62 = arith.constant 24 : i32
      %dma_start3A_63 = arith.constant 0 : i32
      %dma_start3A_64 = tpu.memref_slice %arg6[%dma_start3A_62, %dma_start3A_63] : memref<25x80xi32, #tpu.memory_space<vmem>> -> memref<1x80xi32, #tpu.memory_space<vmem>>
      %dma_start3A_65 = tpu.memref_squeeze %dma_start3A_64 : memref<1x80xi32, #tpu.memory_space<vmem>> -> memref<80xi32, #tpu.memory_space<vmem>>
      %dma_start3A_66 = arith.constant 0 : i32
      %dma_start3A_67 = arith.constant 0 : i32
      %dma_start3A_68 = tpu.memref_slice %arg2[%dma_start3A_66, %dma_start3A_67] : memref<10000x128xf32, #tpu.memory_space<hbm>> -> memref<10000x128xf32, #tpu.memory_space<hbm>>
      tpu.enqueue_indirect_dma source(%dma_start3A_68 : memref<10000x128xf32, #tpu.memory_space<hbm>>) target(%arg8 : memref<80x128xf32, #tpu.memory_space<vmem>>) offsets(%dma_start3A_65 : memref<80xi32, #tpu.memory_space<vmem>>) semaphore(%arg12 : memref<!tpu.dma_semaphore, #tpu.memory_space<semaphore_mem>>)
      %dma_wait3A_69 = arith.constant 0 : i32
      %dma_wait3A_70 = arith.constant 0 : i32
      %dma_wait3A_71 = tpu.memref_slice %arg6[%dma_wait3A_69, %dma_wait3A_70] : memref<25x80xi32, #tpu.memory_space<vmem>> -> memref<1x80xi32, #tpu.memory_space<vmem>>
      %dma_wait3A_72 = tpu.memref_squeeze %dma_wait3A_71 : memref<1x80xi32, #tpu.memory_space<vmem>> -> memref<80xi32, #tpu.memory_space<vmem>>
      %dma_wait3A_73 = arith.constant 0 : i32
      %dma_wait3A_74 = arith.constant 0 : i32
      %dma_wait3A_75 = tpu.memref_slice %arg2[%dma_wait3A_73, %dma_wait3A_74] : memref<10000x128xf32, #tpu.memory_space<hbm>> -> memref<10000x128xf32, #tpu.memory_space<hbm>>
      tpu.wait_indirect_dma semaphore(%arg13 : memref<!tpu.dma_semaphore, #tpu.memory_space<semaphore_mem>>) src(%dma_wait3A_75 : memref<10000x128xf32, #tpu.memory_space<hbm>>) dst(%arg9 : memref<80x128xf32, #tpu.memory_space<vmem>>)
      %run_scoped3A_76 = arith.constant 22 : i32
      "tpu.region"() ({
        %run_scoped3A_93 = tpu.sem_alloc : memref<!tpu.dma_semaphore, #tpu.memory_space<semaphore_mem>>
        %dma_start3A_94 = arith.constant 0 : i32
        %dma_start3A_95 = tpu.memref_slice %arg7[%run_scoped3A_76, %dma_start3A_94] : memref<25x80xi32, #tpu.memory_space<vmem>> -> memref<1x80xi32, #tpu.memory_space<vmem>>
        %dma_start3A_96 = tpu.memref_squeeze %dma_start3A_95 : memref<1x80xi32, #tpu.memory_space<vmem>> -> memref<80xi32, #tpu.memory_space<vmem>>
        %dma_start3A_97 = arith.constant 0 : i32
        %dma_start3A_98 = arith.constant 0 : i32
        %dma_start3A_99 = tpu.memref_slice %arg11[%dma_start3A_97, %dma_start3A_98] : memref<10240x128xf32, #tpu.memory_space<vmem_shared>> -> memref<10240x128xf32, #tpu.memory_space<vmem_shared>>
        tpu.enqueue_indirect_dma source(%arg9 : memref<80x128xf32, #tpu.memory_space<vmem>>) target(%dma_start3A_99 : memref<10240x128xf32, #tpu.memory_space<vmem_shared>>) offsets(%dma_start3A_96 : memref<80xi32, #tpu.memory_space<vmem>>) semaphore(%run_scoped3A_93 : memref<!tpu.dma_semaphore, #tpu.memory_space<semaphore_mem>>) {add = true}
        %dma_wait3A_100 = arith.constant 0 : i32
        %dma_wait3A_101 = tpu.memref_slice %arg7[%run_scoped3A_76, %dma_wait3A_100] : memref<25x80xi32, #tpu.memory_space<vmem>> -> memref<1x80xi32, #tpu.memory_space<vmem>>
        %dma_wait3A_102 = tpu.memref_squeeze %dma_wait3A_101 : memref<1x80xi32, #tpu.memory_space<vmem>> -> memref<80xi32, #tpu.memory_space<vmem>>
        %dma_wait3A_103 = arith.constant 0 : i32
        %dma_wait3A_104 = arith.constant 0 : i32
        %dma_wait3A_105 = tpu.memref_slice %arg11[%dma_wait3A_103, %dma_wait3A_104] : memref<10240x128xf32, #tpu.memory_space<vmem_shared>> -> memref<10240x128xf32, #tpu.memory_space<vmem_shared>>
        tpu.wait_indirect_dma semaphore(%run_scoped3A_93 : memref<!tpu.dma_semaphore, #tpu.memory_space<semaphore_mem>>) src(%arg9 : memref<80x128xf32, #tpu.memory_space<vmem>>) dst(%dma_wait3A_105 : memref<10240x128xf32, #tpu.memory_space<vmem_shared>>)
        tpu.yield
      }) : () -> ()
      %dma_wait3A_77 = arith.constant 0 : i32
      %dma_wait3A_78 = arith.constant 0 : i32
      %dma_wait3A_79 = tpu.memref_slice %arg6[%dma_wait3A_77, %dma_wait3A_78] : memref<25x80xi32, #tpu.memory_space<vmem>> -> memref<1x80xi32, #tpu.memory_space<vmem>>
      %dma_wait3A_80 = tpu.memref_squeeze %dma_wait3A_79 : memref<1x80xi32, #tpu.memory_space<vmem>> -> memref<80xi32, #tpu.memory_space<vmem>>
      %dma_wait3A_81 = arith.constant 0 : i32
      %dma_wait3A_82 = arith.constant 0 : i32
      %dma_wait3A_83 = tpu.memref_slice %arg2[%dma_wait3A_81, %dma_wait3A_82] : memref<10000x128xf32, #tpu.memory_space<hbm>> -> memref<10000x128xf32, #tpu.memory_space<hbm>>
      tpu.wait_indirect_dma semaphore(%arg14 : memref<!tpu.dma_semaphore, #tpu.memory_space<semaphore_mem>>) src(%dma_wait3A_83 : memref<10000x128xf32, #tpu.memory_space<hbm>>) dst(%arg10 : memref<80x128xf32, #tpu.memory_space<vmem>>)
      %run_scoped3A_84 = arith.constant 23 : i32
      "tpu.region"() ({
        %run_scoped3A_93 = tpu.sem_alloc : memref<!tpu.dma_semaphore, #tpu.memory_space<semaphore_mem>>
        %dma_start3A_94 = arith.constant 0 : i32
        %dma_start3A_95 = tpu.memref_slice %arg7[%run_scoped3A_84, %dma_start3A_94] : memref<25x80xi32, #tpu.memory_space<vmem>> -> memref<1x80xi32, #tpu.memory_space<vmem>>
        %dma_start3A_96 = tpu.memref_squeeze %dma_start3A_95 : memref<1x80xi32, #tpu.memory_space<vmem>> -> memref<80xi32, #tpu.memory_space<vmem>>
        %dma_start3A_97 = arith.constant 0 : i32
        %dma_start3A_98 = arith.constant 0 : i32
        %dma_start3A_99 = tpu.memref_slice %arg11[%dma_start3A_97, %dma_start3A_98] : memref<10240x128xf32, #tpu.memory_space<vmem_shared>> -> memref<10240x128xf32, #tpu.memory_space<vmem_shared>>
        tpu.enqueue_indirect_dma source(%arg10 : memref<80x128xf32, #tpu.memory_space<vmem>>) target(%dma_start3A_99 : memref<10240x128xf32, #tpu.memory_space<vmem_shared>>) offsets(%dma_start3A_96 : memref<80xi32, #tpu.memory_space<vmem>>) semaphore(%run_scoped3A_93 : memref<!tpu.dma_semaphore, #tpu.memory_space<semaphore_mem>>) {add = true}
        %dma_wait3A_100 = arith.constant 0 : i32
        %dma_wait3A_101 = tpu.memref_slice %arg7[%run_scoped3A_84, %dma_wait3A_100] : memref<25x80xi32, #tpu.memory_space<vmem>> -> memref<1x80xi32, #tpu.memory_space<vmem>>
        %dma_wait3A_102 = tpu.memref_squeeze %dma_wait3A_101 : memref<1x80xi32, #tpu.memory_space<vmem>> -> memref<80xi32, #tpu.memory_space<vmem>>
        %dma_wait3A_103 = arith.constant 0 : i32
        %dma_wait3A_104 = arith.constant 0 : i32
        %dma_wait3A_105 = tpu.memref_slice %arg11[%dma_wait3A_103, %dma_wait3A_104] : memref<10240x128xf32, #tpu.memory_space<vmem_shared>> -> memref<10240x128xf32, #tpu.memory_space<vmem_shared>>
        tpu.wait_indirect_dma semaphore(%run_scoped3A_93 : memref<!tpu.dma_semaphore, #tpu.memory_space<semaphore_mem>>) src(%arg10 : memref<80x128xf32, #tpu.memory_space<vmem>>) dst(%dma_wait3A_105 : memref<10240x128xf32, #tpu.memory_space<vmem_shared>>)
        tpu.yield
      }) : () -> ()
      %dma_wait3A_85 = arith.constant 0 : i32
      %dma_wait3A_86 = arith.constant 0 : i32
      %dma_wait3A_87 = tpu.memref_slice %arg6[%dma_wait3A_85, %dma_wait3A_86] : memref<25x80xi32, #tpu.memory_space<vmem>> -> memref<1x80xi32, #tpu.memory_space<vmem>>
      %dma_wait3A_88 = tpu.memref_squeeze %dma_wait3A_87 : memref<1x80xi32, #tpu.memory_space<vmem>> -> memref<80xi32, #tpu.memory_space<vmem>>
      %dma_wait3A_89 = arith.constant 0 : i32
      %dma_wait3A_90 = arith.constant 0 : i32
      %dma_wait3A_91 = tpu.memref_slice %arg2[%dma_wait3A_89, %dma_wait3A_90] : memref<10000x128xf32, #tpu.memory_space<hbm>> -> memref<10000x128xf32, #tpu.memory_space<hbm>>
      tpu.wait_indirect_dma semaphore(%arg12 : memref<!tpu.dma_semaphore, #tpu.memory_space<semaphore_mem>>) src(%dma_wait3A_91 : memref<10000x128xf32, #tpu.memory_space<hbm>>) dst(%arg8 : memref<80x128xf32, #tpu.memory_space<vmem>>)
      %run_scoped3A_92 = arith.constant 24 : i32
      "tpu.region"() ({
        %run_scoped3A_93 = tpu.sem_alloc : memref<!tpu.dma_semaphore, #tpu.memory_space<semaphore_mem>>
        %dma_start3A_94 = arith.constant 0 : i32
        %dma_start3A_95 = tpu.memref_slice %arg7[%run_scoped3A_92, %dma_start3A_94] : memref<25x80xi32, #tpu.memory_space<vmem>> -> memref<1x80xi32, #tpu.memory_space<vmem>>
        %dma_start3A_96 = tpu.memref_squeeze %dma_start3A_95 : memref<1x80xi32, #tpu.memory_space<vmem>> -> memref<80xi32, #tpu.memory_space<vmem>>
        %dma_start3A_97 = arith.constant 0 : i32
        %dma_start3A_98 = arith.constant 0 : i32
        %dma_start3A_99 = tpu.memref_slice %arg11[%dma_start3A_97, %dma_start3A_98] : memref<10240x128xf32, #tpu.memory_space<vmem_shared>> -> memref<10240x128xf32, #tpu.memory_space<vmem_shared>>
        tpu.enqueue_indirect_dma source(%arg8 : memref<80x128xf32, #tpu.memory_space<vmem>>) target(%dma_start3A_99 : memref<10240x128xf32, #tpu.memory_space<vmem_shared>>) offsets(%dma_start3A_96 : memref<80xi32, #tpu.memory_space<vmem>>) semaphore(%run_scoped3A_93 : memref<!tpu.dma_semaphore, #tpu.memory_space<semaphore_mem>>) {add = true}
        %dma_wait3A_100 = arith.constant 0 : i32
        %dma_wait3A_101 = tpu.memref_slice %arg7[%run_scoped3A_92, %dma_wait3A_100] : memref<25x80xi32, #tpu.memory_space<vmem>> -> memref<1x80xi32, #tpu.memory_space<vmem>>
        %dma_wait3A_102 = tpu.memref_squeeze %dma_wait3A_101 : memref<1x80xi32, #tpu.memory_space<vmem>> -> memref<80xi32, #tpu.memory_space<vmem>>
        %dma_wait3A_103 = arith.constant 0 : i32
        %dma_wait3A_104 = arith.constant 0 : i32
        %dma_wait3A_105 = tpu.memref_slice %arg11[%dma_wait3A_103, %dma_wait3A_104] : memref<10240x128xf32, #tpu.memory_space<vmem_shared>> -> memref<10240x128xf32, #tpu.memory_space<vmem_shared>>
        tpu.wait_indirect_dma semaphore(%run_scoped3A_93 : memref<!tpu.dma_semaphore, #tpu.memory_space<semaphore_mem>>) src(%arg8 : memref<80x128xf32, #tpu.memory_space<vmem>>) dst(%dma_wait3A_105 : memref<10240x128xf32, #tpu.memory_space<vmem_shared>>)
        tpu.yield
      }) : () -> ()
    }
    %scan3A_28 = arith.constant 5 : i32
    %barrier3A_29 = arith.constant 0 : index
    tpu.barrier barrier_id(%barrier3A_29)
    "tpu.region"() ({
      %run_scoped3A = tpu.sem_alloc : memref<!tpu.dma_semaphore, #tpu.memory_space<semaphore_mem>>
      %dma_start3A = arith.constant 0 : i32
      %dma_start3A_30 = tpu.memref_slice %arg5[%arg0, %mul3A_7, %dma_start3A] : memref<2x10240x128xf32, #tpu.memory_space<hbm>> -> memref<1x640x128xf32, #tpu.memory_space<hbm>>
      %dma_start3A_31 = tpu.memref_squeeze %dma_start3A_30 : memref<1x640x128xf32, #tpu.memory_space<hbm>> -> memref<640x128xf32, #tpu.memory_space<hbm>>
      %dma_start3A_32 = arith.constant 0 : i32
      %dma_start3A_33 = tpu.memref_slice %arg11[%mul3A_7, %dma_start3A_32] : memref<10240x128xf32, #tpu.memory_space<vmem_shared>> -> memref<640x128xf32, #tpu.memory_space<vmem_shared>>
      tpu.enqueue_dma source(%dma_start3A_33 : memref<640x128xf32, #tpu.memory_space<vmem_shared>>) target(%dma_start3A_31 : memref<640x128xf32, #tpu.memory_space<hbm>>) target_semaphore(%run_scoped3A : memref<!tpu.dma_semaphore, #tpu.memory_space<semaphore_mem>>)
      %dma_wait3A = arith.constant 0 : i32
      %dma_wait3A_34 = tpu.memref_slice %arg5[%arg0, %mul3A_7, %dma_wait3A] : memref<2x10240x128xf32, #tpu.memory_space<hbm>> -> memref<1x640x128xf32, #tpu.memory_space<hbm>>
      %dma_wait3A_35 = tpu.memref_squeeze %dma_wait3A_34 : memref<1x640x128xf32, #tpu.memory_space<hbm>> -> memref<640x128xf32, #tpu.memory_space<hbm>>
      %dma_wait3A_36 = arith.constant 0 : i32
      %dma_wait3A_37 = tpu.memref_slice %arg11[%mul3A_7, %dma_wait3A_36] : memref<10240x128xf32, #tpu.memory_space<vmem_shared>> -> memref<640x128xf32, #tpu.memory_space<vmem_shared>>
      tpu.wait_dma2 semaphore(%run_scoped3A : memref<!tpu.dma_semaphore, #tpu.memory_space<semaphore_mem>>) src(%dma_wait3A_37 : memref<640x128xf32, #tpu.memory_space<vmem_shared>>) dst(%dma_wait3A_35 : memref<640x128xf32, #tpu.memory_space<hbm>>)
      tpu.yield
    }) : () -> ()
    return
  }
}

#map = affine_map<(d0, d1) -> (0, 0)>
#map1 = affine_map<(d0, d1) -> (0, 0, 0, 0)>
#map2 = affine_map<(d0, d1) -> (0, 0, 0)>
module attributes {stable_mosaic.version = 14 : i64} {
  func.func @_sc_agg_body(%arg0: i32, %arg1: i32, %arg2: memref<10000x128xf32, #tpu.memory_space<hbm>>, %arg3: memref<32x5x25x80xi32, #tpu.memory_space<hbm>>, %arg4: memref<32x5x25x80xi32, #tpu.memory_space<hbm>>, %arg5: memref<2x10240x128xf32, #tpu.memory_space<hbm>>, %arg6: memref<25x80xi32, #tpu.memory_space<vmem>>, %arg7: memref<25x80xi32, #tpu.memory_space<vmem>>, %arg8: memref<80x128xf32, #tpu.memory_space<vmem>>, %arg9: memref<80x128xf32, #tpu.memory_space<vmem>>, %arg10: memref<80x128xf32, #tpu.memory_space<vmem>>, %arg11: memref<10240x128xf32, #tpu.memory_space<vmem_shared>>, %arg12: memref<!tpu.dma_semaphore, #tpu.memory_space<semaphore_mem>>, %arg13: memref<!tpu.dma_semaphore, #tpu.memory_space<semaphore_mem>>, %arg14: memref<!tpu.dma_semaphore, #tpu.memory_space<semaphore_mem>>) attributes {dimension_semantics = [#tpu.dimension_semantics<core_parallel>, #tpu.dimension_semantics<subcore_parallel>], iteration_bounds = array<i64: 2, 16>, scalar_prefetch = 0 : i64, scratch_operands = 9 : i64, tpu.core_type = #tpu.core_type<sc_vector_subcore>, window_params = [{transform_indices = #map}, {transform_indices = #map1}, {transform_indices = #map1}, {transform_indices = #map2}]} {
    %mul3A = arith.constant 2 : i32
    %mul3A_0 = arith.muli %arg1, %mul3A : i32
    %add3A = arith.addi %mul3A_0, %arg0 : i32
    %broadcast_in_dim3A = arith.constant 0.000000e+00 : f32
    %broadcast_in_dim3A_1 = vector.broadcast %broadcast_in_dim3A : f32 to vector<16xf32>
    %scan3A = arith.constant 0 : i32
    %scan3A_2 = arith.constant 80 : i32
    %scan3A_3 = arith.addi %scan3A, %scan3A_2 : i32
    %scan3A_4 = arith.constant 1 : i32
    scf.for %scan3A_30 = %scan3A to %scan3A_3 step %scan3A_4  : i32 {
      %swap3A = arith.index_cast %scan3A_30 : i32 to index
      %swap3A_31 = arith.constant 0 : index
      %swap3A_32 = tpu.vector_load %arg8[%swap3A, %swap3A_31] {strides = array<i32>} : memref<80x128xf32, #tpu.memory_space<vmem>>, vector<1x16xf32>,
      %swap3A_33 = vector.shape_cast %swap3A_32 : vector<1x16xf32> to vector<16xf32>
      %swap3A_34 = vector.shape_cast %broadcast_in_dim3A_1 : vector<16xf32> to vector<1x16xf32>
      tpu.vector_store %arg8[%swap3A, %swap3A_31], %swap3A_34 {strides = array<i32>} : memref<80x128xf32, #tpu.memory_space<vmem>>, vector<1x16xf32>,
      %swap3A_35 = arith.index_cast %scan3A_30 : i32 to index
      %swap3A_36 = arith.constant 16 : index
      %swap3A_37 = tpu.vector_load %arg8[%swap3A_35, %swap3A_36] {strides = array<i32>} : memref<80x128xf32, #tpu.memory_space<vmem>>, vector<1x16xf32>,
      %swap3A_38 = vector.shape_cast %swap3A_37 : vector<1x16xf32> to vector<16xf32>
      %swap3A_39 = vector.shape_cast %broadcast_in_dim3A_1 : vector<16xf32> to vector<1x16xf32>
      tpu.vector_store %arg8[%swap3A_35, %swap3A_36], %swap3A_39 {strides = array<i32>} : memref<80x128xf32, #tpu.memory_space<vmem>>, vector<1x16xf32>,
      %swap3A_40 = arith.index_cast %scan3A_30 : i32 to index
      %swap3A_41 = arith.constant 32 : index
      %swap3A_42 = tpu.vector_load %arg8[%swap3A_40, %swap3A_41] {strides = array<i32>} : memref<80x128xf32, #tpu.memory_space<vmem>>, vector<1x16xf32>,
      %swap3A_43 = vector.shape_cast %swap3A_42 : vector<1x16xf32> to vector<16xf32>
      %swap3A_44 = vector.shape_cast %broadcast_in_dim3A_1 : vector<16xf32> to vector<1x16xf32>
      tpu.vector_store %arg8[%swap3A_40, %swap3A_41], %swap3A_44 {strides = array<i32>} : memref<80x128xf32, #tpu.memory_space<vmem>>, vector<1x16xf32>,
      %swap3A_45 = arith.index_cast %scan3A_30 : i32 to index
      %swap3A_46 = arith.constant 48 : index
      %swap3A_47 = tpu.vector_load %arg8[%swap3A_45, %swap3A_46] {strides = array<i32>} : memref<80x128xf32, #tpu.memory_space<vmem>>, vector<1x16xf32>,
      %swap3A_48 = vector.shape_cast %swap3A_47 : vector<1x16xf32> to vector<16xf32>
      %swap3A_49 = vector.shape_cast %broadcast_in_dim3A_1 : vector<16xf32> to vector<1x16xf32>
      tpu.vector_store %arg8[%swap3A_45, %swap3A_46], %swap3A_49 {strides = array<i32>} : memref<80x128xf32, #tpu.memory_space<vmem>>, vector<1x16xf32>,
      %swap3A_50 = arith.index_cast %scan3A_30 : i32 to index
      %swap3A_51 = arith.constant 64 : index
      %swap3A_52 = tpu.vector_load %arg8[%swap3A_50, %swap3A_51] {strides = array<i32>} : memref<80x128xf32, #tpu.memory_space<vmem>>, vector<1x16xf32>,
      %swap3A_53 = vector.shape_cast %swap3A_52 : vector<1x16xf32> to vector<16xf32>
      %swap3A_54 = vector.shape_cast %broadcast_in_dim3A_1 : vector<16xf32> to vector<1x16xf32>
      tpu.vector_store %arg8[%swap3A_50, %swap3A_51], %swap3A_54 {strides = array<i32>} : memref<80x128xf32, #tpu.memory_space<vmem>>, vector<1x16xf32>,
      %swap3A_55 = arith.index_cast %scan3A_30 : i32 to index
      %swap3A_56 = arith.constant 80 : index
      %swap3A_57 = tpu.vector_load %arg8[%swap3A_55, %swap3A_56] {strides = array<i32>} : memref<80x128xf32, #tpu.memory_space<vmem>>, vector<1x16xf32>,
      %swap3A_58 = vector.shape_cast %swap3A_57 : vector<1x16xf32> to vector<16xf32>
      %swap3A_59 = vector.shape_cast %broadcast_in_dim3A_1 : vector<16xf32> to vector<1x16xf32>
      tpu.vector_store %arg8[%swap3A_55, %swap3A_56], %swap3A_59 {strides = array<i32>} : memref<80x128xf32, #tpu.memory_space<vmem>>, vector<1x16xf32>,
      %swap3A_60 = arith.index_cast %scan3A_30 : i32 to index
      %swap3A_61 = arith.constant 96 : index
      %swap3A_62 = tpu.vector_load %arg8[%swap3A_60, %swap3A_61] {strides = array<i32>} : memref<80x128xf32, #tpu.memory_space<vmem>>, vector<1x16xf32>,
      %swap3A_63 = vector.shape_cast %swap3A_62 : vector<1x16xf32> to vector<16xf32>
      %swap3A_64 = vector.shape_cast %broadcast_in_dim3A_1 : vector<16xf32> to vector<1x16xf32>
      tpu.vector_store %arg8[%swap3A_60, %swap3A_61], %swap3A_64 {strides = array<i32>} : memref<80x128xf32, #tpu.memory_space<vmem>>, vector<1x16xf32>,
      %swap3A_65 = arith.index_cast %scan3A_30 : i32 to index
      %swap3A_66 = arith.constant 112 : index
      %swap3A_67 = tpu.vector_load %arg8[%swap3A_65, %swap3A_66] {strides = array<i32>} : memref<80x128xf32, #tpu.memory_space<vmem>>, vector<1x16xf32>,
      %swap3A_68 = vector.shape_cast %swap3A_67 : vector<1x16xf32> to vector<16xf32>
      %swap3A_69 = vector.shape_cast %broadcast_in_dim3A_1 : vector<16xf32> to vector<1x16xf32>
      tpu.vector_store %arg8[%swap3A_65, %swap3A_66], %swap3A_69 {strides = array<i32>} : memref<80x128xf32, #tpu.memory_space<vmem>>, vector<1x16xf32>,
    }
    %scan3A_5 = arith.constant 80 : i32
    %mul3A_6 = arith.constant 640 : i32
    %mul3A_7 = arith.muli %arg1, %mul3A_6 : i32
    %add3A_8 = arith.constant 0 : i32
    %add3A_9 = arith.addi %mul3A_7, %add3A_8 : i32
    "tpu.region"() ({
      %run_scoped3A = tpu.sem_alloc : memref<!tpu.dma_semaphore, #tpu.memory_space<semaphore_mem>>
      %dma_start3A = arith.constant 0 : i32
      %dma_start3A_30 = tpu.memref_slice %arg11[%add3A_9, %dma_start3A] : memref<10240x128xf32, #tpu.memory_space<vmem_shared>> -> memref<80x128xf32, #tpu.memory_space<vmem_shared>>
      %dma_start3A_31 = arith.constant 0 : i32
      %dma_start3A_32 = tpu.memref_slice %arg11[%add3A_9, %dma_start3A_31] : memref<10240x128xf32, #tpu.memory_space<vmem_shared>> -> memref<80x128xf32, #tpu.memory_space<vmem_shared>>
      tpu.enqueue_dma source(%arg8 : memref<80x128xf32, #tpu.memory_space<vmem>>) target(%dma_start3A_32 : memref<80x128xf32, #tpu.memory_space<vmem_shared>>) target_semaphore(%run_scoped3A : memref<!tpu.dma_semaphore, #tpu.memory_space<semaphore_mem>>)
      %dma_wait3A = arith.constant 0 : i32
      %dma_wait3A_33 = tpu.memref_slice %arg11[%add3A_9, %dma_wait3A] : memref<10240x128xf32, #tpu.memory_space<vmem_shared>> -> memref<80x128xf32, #tpu.memory_space<vmem_shared>>
      %dma_wait3A_34 = arith.constant 0 : i32
      %dma_wait3A_35 = tpu.memref_slice %arg11[%add3A_9, %dma_wait3A_34] : memref<10240x128xf32, #tpu.memory_space<vmem_shared>> -> memref<80x128xf32, #tpu.memory_space<vmem_shared>>
      tpu.wait_dma2 semaphore(%run_scoped3A : memref<!tpu.dma_semaphore, #tpu.memory_space<semaphore_mem>>) src(%arg8 : memref<80x128xf32, #tpu.memory_space<vmem>>) dst(%dma_wait3A_35 : memref<80x128xf32, #tpu.memory_space<vmem_shared>>)
      tpu.yield
    }) : () -> ()
    %add3A_10 = arith.constant 80 : i32
    %add3A_11 = arith.addi %mul3A_7, %add3A_10 : i32
    "tpu.region"() ({
      %run_scoped3A = tpu.sem_alloc : memref<!tpu.dma_semaphore, #tpu.memory_space<semaphore_mem>>
      %dma_start3A = arith.constant 0 : i32
      %dma_start3A_30 = tpu.memref_slice %arg11[%add3A_11, %dma_start3A] : memref<10240x128xf32, #tpu.memory_space<vmem_shared>> -> memref<80x128xf32, #tpu.memory_space<vmem_shared>>
      %dma_start3A_31 = arith.constant 0 : i32
      %dma_start3A_32 = tpu.memref_slice %arg11[%add3A_11, %dma_start3A_31] : memref<10240x128xf32, #tpu.memory_space<vmem_shared>> -> memref<80x128xf32, #tpu.memory_space<vmem_shared>>
      tpu.enqueue_dma source(%arg8 : memref<80x128xf32, #tpu.memory_space<vmem>>) target(%dma_start3A_32 : memref<80x128xf32, #tpu.memory_space<vmem_shared>>) target_semaphore(%run_scoped3A : memref<!tpu.dma_semaphore, #tpu.memory_space<semaphore_mem>>)
      %dma_wait3A = arith.constant 0 : i32
      %dma_wait3A_33 = tpu.memref_slice %arg11[%add3A_11, %dma_wait3A] : memref<10240x128xf32, #tpu.memory_space<vmem_shared>> -> memref<80x128xf32, #tpu.memory_space<vmem_shared>>
      %dma_wait3A_34 = arith.constant 0 : i32
      %dma_wait3A_35 = tpu.memref_slice %arg11[%add3A_11, %dma_wait3A_34] : memref<10240x128xf32, #tpu.memory_space<vmem_shared>> -> memref<80x128xf32, #tpu.memory_space<vmem_shared>>
      tpu.wait_dma2 semaphore(%run_scoped3A : memref<!tpu.dma_semaphore, #tpu.memory_space<semaphore_mem>>) src(%arg8 : memref<80x128xf32, #tpu.memory_space<vmem>>) dst(%dma_wait3A_35 : memref<80x128xf32, #tpu.memory_space<vmem_shared>>)
      tpu.yield
    }) : () -> ()
    %add3A_12 = arith.constant 160 : i32
    %add3A_13 = arith.addi %mul3A_7, %add3A_12 : i32
    "tpu.region"() ({
      %run_scoped3A = tpu.sem_alloc : memref<!tpu.dma_semaphore, #tpu.memory_space<semaphore_mem>>
      %dma_start3A = arith.constant 0 : i32
      %dma_start3A_30 = tpu.memref_slice %arg11[%add3A_13, %dma_start3A] : memref<10240x128xf32, #tpu.memory_space<vmem_shared>> -> memref<80x128xf32, #tpu.memory_space<vmem_shared>>
      %dma_start3A_31 = arith.constant 0 : i32
      %dma_start3A_32 = tpu.memref_slice %arg11[%add3A_13, %dma_start3A_31] : memref<10240x128xf32, #tpu.memory_space<vmem_shared>> -> memref<80x128xf32, #tpu.memory_space<vmem_shared>>
      tpu.enqueue_dma source(%arg8 : memref<80x128xf32, #tpu.memory_space<vmem>>) target(%dma_start3A_32 : memref<80x128xf32, #tpu.memory_space<vmem_shared>>) target_semaphore(%run_scoped3A : memref<!tpu.dma_semaphore, #tpu.memory_space<semaphore_mem>>)
      %dma_wait3A = arith.constant 0 : i32
      %dma_wait3A_33 = tpu.memref_slice %arg11[%add3A_13, %dma_wait3A] : memref<10240x128xf32, #tpu.memory_space<vmem_shared>> -> memref<80x128xf32, #tpu.memory_space<vmem_shared>>
      %dma_wait3A_34 = arith.constant 0 : i32
      %dma_wait3A_35 = tpu.memref_slice %arg11[%add3A_13, %dma_wait3A_34] : memref<10240x128xf32, #tpu.memory_space<vmem_shared>> -> memref<80x128xf32, #tpu.memory_space<vmem_shared>>
      tpu.wait_dma2 semaphore(%run_scoped3A : memref<!tpu.dma_semaphore, #tpu.memory_space<semaphore_mem>>) src(%arg8 : memref<80x128xf32, #tpu.memory_space<vmem>>) dst(%dma_wait3A_35 : memref<80x128xf32, #tpu.memory_space<vmem_shared>>)
      tpu.yield
    }) : () -> ()
    %add3A_14 = arith.constant 240 : i32
    %add3A_15 = arith.addi %mul3A_7, %add3A_14 : i32
    "tpu.region"() ({
      %run_scoped3A = tpu.sem_alloc : memref<!tpu.dma_semaphore, #tpu.memory_space<semaphore_mem>>
      %dma_start3A = arith.constant 0 : i32
      %dma_start3A_30 = tpu.memref_slice %arg11[%add3A_15, %dma_start3A] : memref<10240x128xf32, #tpu.memory_space<vmem_shared>> -> memref<80x128xf32, #tpu.memory_space<vmem_shared>>
      %dma_start3A_31 = arith.constant 0 : i32
      %dma_start3A_32 = tpu.memref_slice %arg11[%add3A_15, %dma_start3A_31] : memref<10240x128xf32, #tpu.memory_space<vmem_shared>> -> memref<80x128xf32, #tpu.memory_space<vmem_shared>>
      tpu.enqueue_dma source(%arg8 : memref<80x128xf32, #tpu.memory_space<vmem>>) target(%dma_start3A_32 : memref<80x128xf32, #tpu.memory_space<vmem_shared>>) target_semaphore(%run_scoped3A : memref<!tpu.dma_semaphore, #tpu.memory_space<semaphore_mem>>)
      %dma_wait3A = arith.constant 0 : i32
      %dma_wait3A_33 = tpu.memref_slice %arg11[%add3A_15, %dma_wait3A] : memref<10240x128xf32, #tpu.memory_space<vmem_shared>> -> memref<80x128xf32, #tpu.memory_space<vmem_shared>>
      %dma_wait3A_34 = arith.constant 0 : i32
      %dma_wait3A_35 = tpu.memref_slice %arg11[%add3A_15, %dma_wait3A_34] : memref<10240x128xf32, #tpu.memory_space<vmem_shared>> -> memref<80x128xf32, #tpu.memory_space<vmem_shared>>
      tpu.wait_dma2 semaphore(%run_scoped3A : memref<!tpu.dma_semaphore, #tpu.memory_space<semaphore_mem>>) src(%arg8 : memref<80x128xf32, #tpu.memory_space<vmem>>) dst(%dma_wait3A_35 : memref<80x128xf32, #tpu.memory_space<vmem_shared>>)
      tpu.yield
    }) : () -> ()
    %add3A_16 = arith.constant 320 : i32
    %add3A_17 = arith.addi %mul3A_7, %add3A_16 : i32
    "tpu.region"() ({
      %run_scoped3A = tpu.sem_alloc : memref<!tpu.dma_semaphore, #tpu.memory_space<semaphore_mem>>
      %dma_start3A = arith.constant 0 : i32
      %dma_start3A_30 = tpu.memref_slice %arg11[%add3A_17, %dma_start3A] : memref<10240x128xf32, #tpu.memory_space<vmem_shared>> -> memref<80x128xf32, #tpu.memory_space<vmem_shared>>
      %dma_start3A_31 = arith.constant 0 : i32
      %dma_start3A_32 = tpu.memref_slice %arg11[%add3A_17, %dma_start3A_31] : memref<10240x128xf32, #tpu.memory_space<vmem_shared>> -> memref<80x128xf32, #tpu.memory_space<vmem_shared>>
      tpu.enqueue_dma source(%arg8 : memref<80x128xf32, #tpu.memory_space<vmem>>) target(%dma_start3A_32 : memref<80x128xf32, #tpu.memory_space<vmem_shared>>) target_semaphore(%run_scoped3A : memref<!tpu.dma_semaphore, #tpu.memory_space<semaphore_mem>>)
      %dma_wait3A = arith.constant 0 : i32
      %dma_wait3A_33 = tpu.memref_slice %arg11[%add3A_17, %dma_wait3A] : memref<10240x128xf32, #tpu.memory_space<vmem_shared>> -> memref<80x128xf32, #tpu.memory_space<vmem_shared>>
      %dma_wait3A_34 = arith.constant 0 : i32
      %dma_wait3A_35 = tpu.memref_slice %arg11[%add3A_17, %dma_wait3A_34] : memref<10240x128xf32, #tpu.memory_space<vmem_shared>> -> memref<80x128xf32, #tpu.memory_space<vmem_shared>>
      tpu.wait_dma2 semaphore(%run_scoped3A : memref<!tpu.dma_semaphore, #tpu.memory_space<semaphore_mem>>) src(%arg8 : memref<80x128xf32, #tpu.memory_space<vmem>>) dst(%dma_wait3A_35 : memref<80x128xf32, #tpu.memory_space<vmem_shared>>)
      tpu.yield
    }) : () -> ()
    %add3A_18 = arith.constant 400 : i32
    %add3A_19 = arith.addi %mul3A_7, %add3A_18 : i32
    "tpu.region"() ({
      %run_scoped3A = tpu.sem_alloc : memref<!tpu.dma_semaphore, #tpu.memory_space<semaphore_mem>>
      %dma_start3A = arith.constant 0 : i32
      %dma_start3A_30 = tpu.memref_slice %arg11[%add3A_19, %dma_start3A] : memref<10240x128xf32, #tpu.memory_space<vmem_shared>> -> memref<80x128xf32, #tpu.memory_space<vmem_shared>>
      %dma_start3A_31 = arith.constant 0 : i32
      %dma_start3A_32 = tpu.memref_slice %arg11[%add3A_19, %dma_start3A_31] : memref<10240x128xf32, #tpu.memory_space<vmem_shared>> -> memref<80x128xf32, #tpu.memory_space<vmem_shared>>
      tpu.enqueue_dma source(%arg8 : memref<80x128xf32, #tpu.memory_space<vmem>>) target(%dma_start3A_32 : memref<80x128xf32, #tpu.memory_space<vmem_shared>>) target_semaphore(%run_scoped3A : memref<!tpu.dma_semaphore, #tpu.memory_space<semaphore_mem>>)
      %dma_wait3A = arith.constant 0 : i32
      %dma_wait3A_33 = tpu.memref_slice %arg11[%add3A_19, %dma_wait3A] : memref<10240x128xf32, #tpu.memory_space<vmem_shared>> -> memref<80x128xf32, #tpu.memory_space<vmem_shared>>
      %dma_wait3A_34 = arith.constant 0 : i32
      %dma_wait3A_35 = tpu.memref_slice %arg11[%add3A_19, %dma_wait3A_34] : memref<10240x128xf32, #tpu.memory_space<vmem_shared>> -> memref<80x128xf32, #tpu.memory_space<vmem_shared>>
      tpu.wait_dma2 semaphore(%run_scoped3A : memref<!tpu.dma_semaphore, #tpu.memory_space<semaphore_mem>>) src(%arg8 : memref<80x128xf32, #tpu.memory_space<vmem>>) dst(%dma_wait3A_35 : memref<80x128xf32, #tpu.memory_space<vmem_shared>>)
      tpu.yield
    }) : () -> ()
    %add3A_20 = arith.constant 480 : i32
    %add3A_21 = arith.addi %mul3A_7, %add3A_20 : i32
    "tpu.region"() ({
      %run_scoped3A = tpu.sem_alloc : memref<!tpu.dma_semaphore, #tpu.memory_space<semaphore_mem>>
      %dma_start3A = arith.constant 0 : i32
      %dma_start3A_30 = tpu.memref_slice %arg11[%add3A_21, %dma_start3A] : memref<10240x128xf32, #tpu.memory_space<vmem_shared>> -> memref<80x128xf32, #tpu.memory_space<vmem_shared>>
      %dma_start3A_31 = arith.constant 0 : i32
      %dma_start3A_32 = tpu.memref_slice %arg11[%add3A_21, %dma_start3A_31] : memref<10240x128xf32, #tpu.memory_space<vmem_shared>> -> memref<80x128xf32, #tpu.memory_space<vmem_shared>>
      tpu.enqueue_dma source(%arg8 : memref<80x128xf32, #tpu.memory_space<vmem>>) target(%dma_start3A_32 : memref<80x128xf32, #tpu.memory_space<vmem_shared>>) target_semaphore(%run_scoped3A : memref<!tpu.dma_semaphore, #tpu.memory_space<semaphore_mem>>)
      %dma_wait3A = arith.constant 0 : i32
      %dma_wait3A_33 = tpu.memref_slice %arg11[%add3A_21, %dma_wait3A] : memref<10240x128xf32, #tpu.memory_space<vmem_shared>> -> memref<80x128xf32, #tpu.memory_space<vmem_shared>>
      %dma_wait3A_34 = arith.constant 0 : i32
      %dma_wait3A_35 = tpu.memref_slice %arg11[%add3A_21, %dma_wait3A_34] : memref<10240x128xf32, #tpu.memory_space<vmem_shared>> -> memref<80x128xf32, #tpu.memory_space<vmem_shared>>
      tpu.wait_dma2 semaphore(%run_scoped3A : memref<!tpu.dma_semaphore, #tpu.memory_space<semaphore_mem>>) src(%arg8 : memref<80x128xf32, #tpu.memory_space<vmem>>) dst(%dma_wait3A_35 : memref<80x128xf32, #tpu.memory_space<vmem_shared>>)
      tpu.yield
    }) : () -> ()
    %add3A_22 = arith.constant 560 : i32
    %add3A_23 = arith.addi %mul3A_7, %add3A_22 : i32
    "tpu.region"() ({
      %run_scoped3A = tpu.sem_alloc : memref<!tpu.dma_semaphore, #tpu.memory_space<semaphore_mem>>
      %dma_start3A = arith.constant 0 : i32
      %dma_start3A_30 = tpu.memref_slice %arg11[%add3A_23, %dma_start3A] : memref<10240x128xf32, #tpu.memory_space<vmem_shared>> -> memref<80x128xf32, #tpu.memory_space<vmem_shared>>
      %dma_start3A_31 = arith.constant 0 : i32
      %dma_start3A_32 = tpu.memref_slice %arg11[%add3A_23, %dma_start3A_31] : memref<10240x128xf32, #tpu.memory_space<vmem_shared>> -> memref<80x128xf32, #tpu.memory_space<vmem_shared>>
      tpu.enqueue_dma source(%arg8 : memref<80x128xf32, #tpu.memory_space<vmem>>) target(%dma_start3A_32 : memref<80x128xf32, #tpu.memory_space<vmem_shared>>) target_semaphore(%run_scoped3A : memref<!tpu.dma_semaphore, #tpu.memory_space<semaphore_mem>>)
      %dma_wait3A = arith.constant 0 : i32
      %dma_wait3A_33 = tpu.memref_slice %arg11[%add3A_23, %dma_wait3A] : memref<10240x128xf32, #tpu.memory_space<vmem_shared>> -> memref<80x128xf32, #tpu.memory_space<vmem_shared>>
      %dma_wait3A_34 = arith.constant 0 : i32
      %dma_wait3A_35 = tpu.memref_slice %arg11[%add3A_23, %dma_wait3A_34] : memref<10240x128xf32, #tpu.memory_space<vmem_shared>> -> memref<80x128xf32, #tpu.memory_space<vmem_shared>>
      tpu.wait_dma2 semaphore(%run_scoped3A : memref<!tpu.dma_semaphore, #tpu.memory_space<semaphore_mem>>) src(%arg8 : memref<80x128xf32, #tpu.memory_space<vmem>>) dst(%dma_wait3A_35 : memref<80x128xf32, #tpu.memory_space<vmem_shared>>)
      tpu.yield
    }) : () -> ()
    %barrier3A = arith.constant 0 : index
    tpu.barrier barrier_id(%barrier3A)
    %scan3A_24 = arith.constant 0 : i32
    %scan3A_25 = arith.constant 5 : i32
    %scan3A_26 = arith.addi %scan3A_24, %scan3A_25 : i32
    %scan3A_27 = arith.constant 1 : i32
    scf.for %scan3A_30 = %scan3A_24 to %scan3A_26 step %scan3A_27  : i32 {
      "tpu.region"() ({
        %run_scoped3A_93 = tpu.sem_alloc : memref<!tpu.dma_semaphore, #tpu.memory_space<semaphore_mem>>
        %dma_start3A_94 = arith.constant 0 : i32
        %dma_start3A_95 = arith.constant 0 : i32
        %dma_start3A_96 = tpu.memref_slice %arg3[%add3A, %scan3A_30, %dma_start3A_94, %dma_start3A_95] : memref<32x5x25x80xi32, #tpu.memory_space<hbm>> -> memref<1x1x25x80xi32, #tpu.memory_space<hbm>>
        %dma_start3A_97 = tpu.memref_squeeze %dma_start3A_96 : memref<1x1x25x80xi32, #tpu.memory_space<hbm>> -> memref<25x80xi32, #tpu.memory_space<hbm>>
        %dma_start3A_98 = arith.constant 0 : i32
        %dma_start3A_99 = arith.constant 0 : i32
        %dma_start3A_100 = tpu.memref_slice %arg3[%add3A, %scan3A_30, %dma_start3A_98, %dma_start3A_99] : memref<32x5x25x80xi32, #tpu.memory_space<hbm>> -> memref<1x1x25x80xi32, #tpu.memory_space<hbm>>
        %dma_start3A_101 = tpu.memref_squeeze %dma_start3A_100 : memref<1x1x25x80xi32, #tpu.memory_space<hbm>> -> memref<25x80xi32, #tpu.memory_space<hbm>>
        tpu.enqueue_dma source(%dma_start3A_101 : memref<25x80xi32, #tpu.memory_space<hbm>>) target(%arg6 : memref<25x80xi32, #tpu.memory_space<vmem>>) target_semaphore(%run_scoped3A_93 : memref<!tpu.dma_semaphore, #tpu.memory_space<semaphore_mem>>)
        %dma_wait3A_102 = arith.constant 0 : i32
        %dma_wait3A_103 = arith.constant 0 : i32
        %dma_wait3A_104 = tpu.memref_slice %arg3[%add3A, %scan3A_30, %dma_wait3A_102, %dma_wait3A_103] : memref<32x5x25x80xi32, #tpu.memory_space<hbm>> -> memref<1x1x25x80xi32, #tpu.memory_space<hbm>>
        %dma_wait3A_105 = tpu.memref_squeeze %dma_wait3A_104 : memref<1x1x25x80xi32, #tpu.memory_space<hbm>> -> memref<25x80xi32, #tpu.memory_space<hbm>>
        %dma_wait3A_106 = arith.constant 0 : i32
        %dma_wait3A_107 = arith.constant 0 : i32
        %dma_wait3A_108 = tpu.memref_slice %arg3[%add3A, %scan3A_30, %dma_wait3A_106, %dma_wait3A_107] : memref<32x5x25x80xi32, #tpu.memory_space<hbm>> -> memref<1x1x25x80xi32, #tpu.memory_space<hbm>>
        %dma_wait3A_109 = tpu.memref_squeeze %dma_wait3A_108 : memref<1x1x25x80xi32, #tpu.memory_space<hbm>> -> memref<25x80xi32, #tpu.memory_space<hbm>>
        tpu.wait_dma2 semaphore(%run_scoped3A_93 : memref<!tpu.dma_semaphore, #tpu.memory_space<semaphore_mem>>) src(%dma_wait3A_109 : memref<25x80xi32, #tpu.memory_space<hbm>>) dst(%arg6 : memref<25x80xi32, #tpu.memory_space<vmem>>)
        tpu.yield
      }) : () -> ()
      "tpu.region"() ({
        %run_scoped3A_93 = tpu.sem_alloc : memref<!tpu.dma_semaphore, #tpu.memory_space<semaphore_mem>>
        %dma_start3A_94 = arith.constant 0 : i32
        %dma_start3A_95 = arith.constant 0 : i32
        %dma_start3A_96 = tpu.memref_slice %arg4[%add3A, %scan3A_30, %dma_start3A_94, %dma_start3A_95] : memref<32x5x25x80xi32, #tpu.memory_space<hbm>> -> memref<1x1x25x80xi32, #tpu.memory_space<hbm>>
        %dma_start3A_97 = tpu.memref_squeeze %dma_start3A_96 : memref<1x1x25x80xi32, #tpu.memory_space<hbm>> -> memref<25x80xi32, #tpu.memory_space<hbm>>
        %dma_start3A_98 = arith.constant 0 : i32
        %dma_start3A_99 = arith.constant 0 : i32
        %dma_start3A_100 = tpu.memref_slice %arg4[%add3A, %scan3A_30, %dma_start3A_98, %dma_start3A_99] : memref<32x5x25x80xi32, #tpu.memory_space<hbm>> -> memref<1x1x25x80xi32, #tpu.memory_space<hbm>>
        %dma_start3A_101 = tpu.memref_squeeze %dma_start3A_100 : memref<1x1x25x80xi32, #tpu.memory_space<hbm>> -> memref<25x80xi32, #tpu.memory_space<hbm>>
        tpu.enqueue_dma source(%dma_start3A_101 : memref<25x80xi32, #tpu.memory_space<hbm>>) target(%arg7 : memref<25x80xi32, #tpu.memory_space<vmem>>) target_semaphore(%run_scoped3A_93 : memref<!tpu.dma_semaphore, #tpu.memory_space<semaphore_mem>>)
        %dma_wait3A_102 = arith.constant 0 : i32
        %dma_wait3A_103 = arith.constant 0 : i32
        %dma_wait3A_104 = tpu.memref_slice %arg4[%add3A, %scan3A_30, %dma_wait3A_102, %dma_wait3A_103] : memref<32x5x25x80xi32, #tpu.memory_space<hbm>> -> memref<1x1x25x80xi32, #tpu.memory_space<hbm>>
        %dma_wait3A_105 = tpu.memref_squeeze %dma_wait3A_104 : memref<1x1x25x80xi32, #tpu.memory_space<hbm>> -> memref<25x80xi32, #tpu.memory_space<hbm>>
        %dma_wait3A_106 = arith.constant 0 : i32
        %dma_wait3A_107 = arith.constant 0 : i32
        %dma_wait3A_108 = tpu.memref_slice %arg4[%add3A, %scan3A_30, %dma_wait3A_106, %dma_wait3A_107] : memref<32x5x25x80xi32, #tpu.memory_space<hbm>> -> memref<1x1x25x80xi32, #tpu.memory_space<hbm>>
        %dma_wait3A_109 = tpu.memref_squeeze %dma_wait3A_108 : memref<1x1x25x80xi32, #tpu.memory_space<hbm>> -> memref<25x80xi32, #tpu.memory_space<hbm>>
        tpu.wait_dma2 semaphore(%run_scoped3A_93 : memref<!tpu.dma_semaphore, #tpu.memory_space<semaphore_mem>>) src(%dma_wait3A_109 : memref<25x80xi32, #tpu.memory_space<hbm>>) dst(%arg7 : memref<25x80xi32, #tpu.memory_space<vmem>>)
        tpu.yield
      }) : () -> ()
      %dma_start3A = arith.constant 0 : i32
      %dma_start3A_31 = arith.constant 0 : i32
      %dma_start3A_32 = tpu.memref_slice %arg6[%dma_start3A, %dma_start3A_31] : memref<25x80xi32, #tpu.memory_space<vmem>> -> memref<1x80xi32, #tpu.memory_space<vmem>>
      %dma_start3A_33 = tpu.memref_squeeze %dma_start3A_32 : memref<1x80xi32, #tpu.memory_space<vmem>> -> memref<80xi32, #tpu.memory_space<vmem>>
      %dma_start3A_34 = arith.constant 0 : i32
      %dma_start3A_35 = arith.constant 0 : i32
      %dma_start3A_36 = tpu.memref_slice %arg2[%dma_start3A_34, %dma_start3A_35] : memref<10000x128xf32, #tpu.memory_space<hbm>> -> memref<10000x128xf32, #tpu.memory_space<hbm>>
      tpu.enqueue_indirect_dma source(%dma_start3A_36 : memref<10000x128xf32, #tpu.memory_space<hbm>>) target(%arg8 : memref<80x128xf32, #tpu.memory_space<vmem>>) offsets(%dma_start3A_33 : memref<80xi32, #tpu.memory_space<vmem>>) semaphore(%arg12 : memref<!tpu.dma_semaphore, #tpu.memory_space<semaphore_mem>>)
      %dma_start3A_37 = arith.constant 1 : i32
      %dma_start3A_38 = arith.constant 0 : i32
      %dma_start3A_39 = tpu.memref_slice %arg6[%dma_start3A_37, %dma_start3A_38] : memref<25x80xi32, #tpu.memory_space<vmem>> -> memref<1x80xi32, #tpu.memory_space<vmem>>
      %dma_start3A_40 = tpu.memref_squeeze %dma_start3A_39 : memref<1x80xi32, #tpu.memory_space<vmem>> -> memref<80xi32, #tpu.memory_space<vmem>>
      %dma_start3A_41 = arith.constant 0 : i32
      %dma_start3A_42 = arith.constant 0 : i32
      %dma_start3A_43 = tpu.memref_slice %arg2[%dma_start3A_41, %dma_start3A_42] : memref<10000x128xf32, #tpu.memory_space<hbm>> -> memref<10000x128xf32, #tpu.memory_space<hbm>>
      tpu.enqueue_indirect_dma source(%dma_start3A_43 : memref<10000x128xf32, #tpu.memory_space<hbm>>) target(%arg9 : memref<80x128xf32, #tpu.memory_space<vmem>>) offsets(%dma_start3A_40 : memref<80xi32, #tpu.memory_space<vmem>>) semaphore(%arg13 : memref<!tpu.dma_semaphore, #tpu.memory_space<semaphore_mem>>)
      %dma_start3A_44 = arith.constant 2 : i32
      %dma_start3A_45 = arith.constant 0 : i32
      %dma_start3A_46 = tpu.memref_slice %arg6[%dma_start3A_44, %dma_start3A_45] : memref<25x80xi32, #tpu.memory_space<vmem>> -> memref<1x80xi32, #tpu.memory_space<vmem>>
      %dma_start3A_47 = tpu.memref_squeeze %dma_start3A_46 : memref<1x80xi32, #tpu.memory_space<vmem>> -> memref<80xi32, #tpu.memory_space<vmem>>
      %dma_start3A_48 = arith.constant 0 : i32
      %dma_start3A_49 = arith.constant 0 : i32
      %dma_start3A_50 = tpu.memref_slice %arg2[%dma_start3A_48, %dma_start3A_49] : memref<10000x128xf32, #tpu.memory_space<hbm>> -> memref<10000x128xf32, #tpu.memory_space<hbm>>
      tpu.enqueue_indirect_dma source(%dma_start3A_50 : memref<10000x128xf32, #tpu.memory_space<hbm>>) target(%arg10 : memref<80x128xf32, #tpu.memory_space<vmem>>) offsets(%dma_start3A_47 : memref<80xi32, #tpu.memory_space<vmem>>) semaphore(%arg14 : memref<!tpu.dma_semaphore, #tpu.memory_space<semaphore_mem>>)
      %scan3A_51 = arith.constant 0 : i32
      %scan3A_52 = arith.constant 7 : i32
      %scan3A_53 = arith.addi %scan3A_51, %scan3A_52 : i32
      %scan3A_54 = arith.constant 1 : i32
      scf.for %scan3A_93 = %scan3A_51 to %scan3A_53 step %scan3A_54  : i32 {
        %mul3A_94 = arith.constant 3 : i32
        %mul3A_95 = arith.muli %mul3A_94, %scan3A_93 : i32
        %dma_wait3A_96 = arith.constant 0 : i32
        %dma_wait3A_97 = arith.constant 0 : i32
        %dma_wait3A_98 = tpu.memref_slice %arg6[%dma_wait3A_96, %dma_wait3A_97] : memref<25x80xi32, #tpu.memory_space<vmem>> -> memref<1x80xi32, #tpu.memory_space<vmem>>
        %dma_wait3A_99 = tpu.memref_squeeze %dma_wait3A_98 : memref<1x80xi32, #tpu.memory_space<vmem>> -> memref<80xi32, #tpu.memory_space<vmem>>
        %dma_wait3A_100 = arith.constant 0 : i32
        %dma_wait3A_101 = arith.constant 0 : i32
        %dma_wait3A_102 = tpu.memref_slice %arg2[%dma_wait3A_100, %dma_wait3A_101] : memref<10000x128xf32, #tpu.memory_space<hbm>> -> memref<10000x128xf32, #tpu.memory_space<hbm>>
        tpu.wait_indirect_dma semaphore(%arg12 : memref<!tpu.dma_semaphore, #tpu.memory_space<semaphore_mem>>) src(%dma_wait3A_102 : memref<10000x128xf32, #tpu.memory_space<hbm>>) dst(%arg8 : memref<80x128xf32, #tpu.memory_space<vmem>>)
        "tpu.region"() ({
          %run_scoped3A_145 = tpu.sem_alloc : memref<!tpu.dma_semaphore, #tpu.memory_space<semaphore_mem>>
          %dma_start3A_146 = arith.constant 0 : i32
          %dma_start3A_147 = tpu.memref_slice %arg7[%mul3A_95, %dma_start3A_146] : memref<25x80xi32, #tpu.memory_space<vmem>> -> memref<1x80xi32, #tpu.memory_space<vmem>>
          %dma_start3A_148 = tpu.memref_squeeze %dma_start3A_147 : memref<1x80xi32, #tpu.memory_space<vmem>> -> memref<80xi32, #tpu.memory_space<vmem>>
          %dma_start3A_149 = arith.constant 0 : i32
          %dma_start3A_150 = arith.constant 0 : i32
          %dma_start3A_151 = tpu.memref_slice %arg11[%dma_start3A_149, %dma_start3A_150] : memref<10240x128xf32, #tpu.memory_space<vmem_shared>> -> memref<10240x128xf32, #tpu.memory_space<vmem_shared>>
          tpu.enqueue_indirect_dma source(%arg8 : memref<80x128xf32, #tpu.memory_space<vmem>>) target(%dma_start3A_151 : memref<10240x128xf32, #tpu.memory_space<vmem_shared>>) offsets(%dma_start3A_148 : memref<80xi32, #tpu.memory_space<vmem>>) semaphore(%run_scoped3A_145 : memref<!tpu.dma_semaphore, #tpu.memory_space<semaphore_mem>>) {add = true}
          %dma_wait3A_152 = arith.constant 0 : i32
          %dma_wait3A_153 = tpu.memref_slice %arg7[%mul3A_95, %dma_wait3A_152] : memref<25x80xi32, #tpu.memory_space<vmem>> -> memref<1x80xi32, #tpu.memory_space<vmem>>
          %dma_wait3A_154 = tpu.memref_squeeze %dma_wait3A_153 : memref<1x80xi32, #tpu.memory_space<vmem>> -> memref<80xi32, #tpu.memory_space<vmem>>
          %dma_wait3A_155 = arith.constant 0 : i32
          %dma_wait3A_156 = arith.constant 0 : i32
          %dma_wait3A_157 = tpu.memref_slice %arg11[%dma_wait3A_155, %dma_wait3A_156] : memref<10240x128xf32, #tpu.memory_space<vmem_shared>> -> memref<10240x128xf32, #tpu.memory_space<vmem_shared>>
          tpu.wait_indirect_dma semaphore(%run_scoped3A_145 : memref<!tpu.dma_semaphore, #tpu.memory_space<semaphore_mem>>) src(%arg8 : memref<80x128xf32, #tpu.memory_space<vmem>>) dst(%dma_wait3A_157 : memref<10240x128xf32, #tpu.memory_space<vmem_shared>>)
          tpu.yield
        }) : () -> ()
        %add3A_103 = arith.constant 3 : i32
        %add3A_104 = arith.addi %mul3A_95, %add3A_103 : i32
        %dma_start3A_105 = arith.constant 0 : i32
        %dma_start3A_106 = tpu.memref_slice %arg6[%add3A_104, %dma_start3A_105] : memref<25x80xi32, #tpu.memory_space<vmem>> -> memref<1x80xi32, #tpu.memory_space<vmem>>
        %dma_start3A_107 = tpu.memref_squeeze %dma_start3A_106 : memref<1x80xi32, #tpu.memory_space<vmem>> -> memref<80xi32, #tpu.memory_space<vmem>>
        %dma_start3A_108 = arith.constant 0 : i32
        %dma_start3A_109 = arith.constant 0 : i32
        %dma_start3A_110 = tpu.memref_slice %arg2[%dma_start3A_108, %dma_start3A_109] : memref<10000x128xf32, #tpu.memory_space<hbm>> -> memref<10000x128xf32, #tpu.memory_space<hbm>>
        tpu.enqueue_indirect_dma source(%dma_start3A_110 : memref<10000x128xf32, #tpu.memory_space<hbm>>) target(%arg8 : memref<80x128xf32, #tpu.memory_space<vmem>>) offsets(%dma_start3A_107 : memref<80xi32, #tpu.memory_space<vmem>>) semaphore(%arg12 : memref<!tpu.dma_semaphore, #tpu.memory_space<semaphore_mem>>)
        %add3A_111 = arith.constant 1 : i32
        %add3A_112 = arith.addi %mul3A_95, %add3A_111 : i32
        %dma_wait3A_113 = arith.constant 0 : i32
        %dma_wait3A_114 = arith.constant 0 : i32
        %dma_wait3A_115 = tpu.memref_slice %arg6[%dma_wait3A_113, %dma_wait3A_114] : memref<25x80xi32, #tpu.memory_space<vmem>> -> memref<1x80xi32, #tpu.memory_space<vmem>>
        %dma_wait3A_116 = tpu.memref_squeeze %dma_wait3A_115 : memref<1x80xi32, #tpu.memory_space<vmem>> -> memref<80xi32, #tpu.memory_space<vmem>>
        %dma_wait3A_117 = arith.constant 0 : i32
        %dma_wait3A_118 = arith.constant 0 : i32
        %dma_wait3A_119 = tpu.memref_slice %arg2[%dma_wait3A_117, %dma_wait3A_118] : memref<10000x128xf32, #tpu.memory_space<hbm>> -> memref<10000x128xf32, #tpu.memory_space<hbm>>
        tpu.wait_indirect_dma semaphore(%arg13 : memref<!tpu.dma_semaphore, #tpu.memory_space<semaphore_mem>>) src(%dma_wait3A_119 : memref<10000x128xf32, #tpu.memory_space<hbm>>) dst(%arg9 : memref<80x128xf32, #tpu.memory_space<vmem>>)
        "tpu.region"() ({
          %run_scoped3A_145 = tpu.sem_alloc : memref<!tpu.dma_semaphore, #tpu.memory_space<semaphore_mem>>
          %dma_start3A_146 = arith.constant 0 : i32
          %dma_start3A_147 = tpu.memref_slice %arg7[%add3A_112, %dma_start3A_146] : memref<25x80xi32, #tpu.memory_space<vmem>> -> memref<1x80xi32, #tpu.memory_space<vmem>>
          %dma_start3A_148 = tpu.memref_squeeze %dma_start3A_147 : memref<1x80xi32, #tpu.memory_space<vmem>> -> memref<80xi32, #tpu.memory_space<vmem>>
          %dma_start3A_149 = arith.constant 0 : i32
          %dma_start3A_150 = arith.constant 0 : i32
          %dma_start3A_151 = tpu.memref_slice %arg11[%dma_start3A_149, %dma_start3A_150] : memref<10240x128xf32, #tpu.memory_space<vmem_shared>> -> memref<10240x128xf32, #tpu.memory_space<vmem_shared>>
          tpu.enqueue_indirect_dma source(%arg9 : memref<80x128xf32, #tpu.memory_space<vmem>>) target(%dma_start3A_151 : memref<10240x128xf32, #tpu.memory_space<vmem_shared>>) offsets(%dma_start3A_148 : memref<80xi32, #tpu.memory_space<vmem>>) semaphore(%run_scoped3A_145 : memref<!tpu.dma_semaphore, #tpu.memory_space<semaphore_mem>>) {add = true}
          %dma_wait3A_152 = arith.constant 0 : i32
          %dma_wait3A_153 = tpu.memref_slice %arg7[%add3A_112, %dma_wait3A_152] : memref<25x80xi32, #tpu.memory_space<vmem>> -> memref<1x80xi32, #tpu.memory_space<vmem>>
          %dma_wait3A_154 = tpu.memref_squeeze %dma_wait3A_153 : memref<1x80xi32, #tpu.memory_space<vmem>> -> memref<80xi32, #tpu.memory_space<vmem>>
          %dma_wait3A_155 = arith.constant 0 : i32
          %dma_wait3A_156 = arith.constant 0 : i32
          %dma_wait3A_157 = tpu.memref_slice %arg11[%dma_wait3A_155, %dma_wait3A_156] : memref<10240x128xf32, #tpu.memory_space<vmem_shared>> -> memref<10240x128xf32, #tpu.memory_space<vmem_shared>>
          tpu.wait_indirect_dma semaphore(%run_scoped3A_145 : memref<!tpu.dma_semaphore, #tpu.memory_space<semaphore_mem>>) src(%arg9 : memref<80x128xf32, #tpu.memory_space<vmem>>) dst(%dma_wait3A_157 : memref<10240x128xf32, #tpu.memory_space<vmem_shared>>)
          tpu.yield
        }) : () -> ()
        %add3A_120 = arith.constant 4 : i32
        %add3A_121 = arith.addi %mul3A_95, %add3A_120 : i32
        %dma_start3A_122 = arith.constant 0 : i32
        %dma_start3A_123 = tpu.memref_slice %arg6[%add3A_121, %dma_start3A_122] : memref<25x80xi32, #tpu.memory_space<vmem>> -> memref<1x80xi32, #tpu.memory_space<vmem>>
        %dma_start3A_124 = tpu.memref_squeeze %dma_start3A_123 : memref<1x80xi32, #tpu.memory_space<vmem>> -> memref<80xi32, #tpu.memory_space<vmem>>
        %dma_start3A_125 = arith.constant 0 : i32
        %dma_start3A_126 = arith.constant 0 : i32
        %dma_start3A_127 = tpu.memref_slice %arg2[%dma_start3A_125, %dma_start3A_126] : memref<10000x128xf32, #tpu.memory_space<hbm>> -> memref<10000x128xf32, #tpu.memory_space<hbm>>
        tpu.enqueue_indirect_dma source(%dma_start3A_127 : memref<10000x128xf32, #tpu.memory_space<hbm>>) target(%arg9 : memref<80x128xf32, #tpu.memory_space<vmem>>) offsets(%dma_start3A_124 : memref<80xi32, #tpu.memory_space<vmem>>) semaphore(%arg13 : memref<!tpu.dma_semaphore, #tpu.memory_space<semaphore_mem>>)
        %add3A_128 = arith.constant 2 : i32
        %add3A_129 = arith.addi %mul3A_95, %add3A_128 : i32
        %dma_wait3A_130 = arith.constant 0 : i32
        %dma_wait3A_131 = arith.constant 0 : i32
        %dma_wait3A_132 = tpu.memref_slice %arg6[%dma_wait3A_130, %dma_wait3A_131] : memref<25x80xi32, #tpu.memory_space<vmem>> -> memref<1x80xi32, #tpu.memory_space<vmem>>
        %dma_wait3A_133 = tpu.memref_squeeze %dma_wait3A_132 : memref<1x80xi32, #tpu.memory_space<vmem>> -> memref<80xi32, #tpu.memory_space<vmem>>
        %dma_wait3A_134 = arith.constant 0 : i32
        %dma_wait3A_135 = arith.constant 0 : i32
        %dma_wait3A_136 = tpu.memref_slice %arg2[%dma_wait3A_134, %dma_wait3A_135] : memref<10000x128xf32, #tpu.memory_space<hbm>> -> memref<10000x128xf32, #tpu.memory_space<hbm>>
        tpu.wait_indirect_dma semaphore(%arg14 : memref<!tpu.dma_semaphore, #tpu.memory_space<semaphore_mem>>) src(%dma_wait3A_136 : memref<10000x128xf32, #tpu.memory_space<hbm>>) dst(%arg10 : memref<80x128xf32, #tpu.memory_space<vmem>>)
        "tpu.region"() ({
          %run_scoped3A_145 = tpu.sem_alloc : memref<!tpu.dma_semaphore, #tpu.memory_space<semaphore_mem>>
          %dma_start3A_146 = arith.constant 0 : i32
          %dma_start3A_147 = tpu.memref_slice %arg7[%add3A_129, %dma_start3A_146] : memref<25x80xi32, #tpu.memory_space<vmem>> -> memref<1x80xi32, #tpu.memory_space<vmem>>
          %dma_start3A_148 = tpu.memref_squeeze %dma_start3A_147 : memref<1x80xi32, #tpu.memory_space<vmem>> -> memref<80xi32, #tpu.memory_space<vmem>>
          %dma_start3A_149 = arith.constant 0 : i32
          %dma_start3A_150 = arith.constant 0 : i32
          %dma_start3A_151 = tpu.memref_slice %arg11[%dma_start3A_149, %dma_start3A_150] : memref<10240x128xf32, #tpu.memory_space<vmem_shared>> -> memref<10240x128xf32, #tpu.memory_space<vmem_shared>>
          tpu.enqueue_indirect_dma source(%arg10 : memref<80x128xf32, #tpu.memory_space<vmem>>) target(%dma_start3A_151 : memref<10240x128xf32, #tpu.memory_space<vmem_shared>>) offsets(%dma_start3A_148 : memref<80xi32, #tpu.memory_space<vmem>>) semaphore(%run_scoped3A_145 : memref<!tpu.dma_semaphore, #tpu.memory_space<semaphore_mem>>) {add = true}
          %dma_wait3A_152 = arith.constant 0 : i32
          %dma_wait3A_153 = tpu.memref_slice %arg7[%add3A_129, %dma_wait3A_152] : memref<25x80xi32, #tpu.memory_space<vmem>> -> memref<1x80xi32, #tpu.memory_space<vmem>>
          %dma_wait3A_154 = tpu.memref_squeeze %dma_wait3A_153 : memref<1x80xi32, #tpu.memory_space<vmem>> -> memref<80xi32, #tpu.memory_space<vmem>>
          %dma_wait3A_155 = arith.constant 0 : i32
          %dma_wait3A_156 = arith.constant 0 : i32
          %dma_wait3A_157 = tpu.memref_slice %arg11[%dma_wait3A_155, %dma_wait3A_156] : memref<10240x128xf32, #tpu.memory_space<vmem_shared>> -> memref<10240x128xf32, #tpu.memory_space<vmem_shared>>
          tpu.wait_indirect_dma semaphore(%run_scoped3A_145 : memref<!tpu.dma_semaphore, #tpu.memory_space<semaphore_mem>>) src(%arg10 : memref<80x128xf32, #tpu.memory_space<vmem>>) dst(%dma_wait3A_157 : memref<10240x128xf32, #tpu.memory_space<vmem_shared>>)
          tpu.yield
        }) : () -> ()
        %add3A_137 = arith.constant 5 : i32
        %add3A_138 = arith.addi %mul3A_95, %add3A_137 : i32
        %dma_start3A_139 = arith.constant 0 : i32
        %dma_start3A_140 = tpu.memref_slice %arg6[%add3A_138, %dma_start3A_139] : memref<25x80xi32, #tpu.memory_space<vmem>> -> memref<1x80xi32, #tpu.memory_space<vmem>>
        %dma_start3A_141 = tpu.memref_squeeze %dma_start3A_140 : memref<1x80xi32, #tpu.memory_space<vmem>> -> memref<80xi32, #tpu.memory_space<vmem>>
        %dma_start3A_142 = arith.constant 0 : i32
        %dma_start3A_143 = arith.constant 0 : i32
        %dma_start3A_144 = tpu.memref_slice %arg2[%dma_start3A_142, %dma_start3A_143] : memref<10000x128xf32, #tpu.memory_space<hbm>> -> memref<10000x128xf32, #tpu.memory_space<hbm>>
        tpu.enqueue_indirect_dma source(%dma_start3A_144 : memref<10000x128xf32, #tpu.memory_space<hbm>>) target(%arg10 : memref<80x128xf32, #tpu.memory_space<vmem>>) offsets(%dma_start3A_141 : memref<80xi32, #tpu.memory_space<vmem>>) semaphore(%arg14 : memref<!tpu.dma_semaphore, #tpu.memory_space<semaphore_mem>>)
      }
      %scan3A_55 = arith.constant 7 : i32
      %dma_wait3A = arith.constant 0 : i32
      %dma_wait3A_56 = arith.constant 0 : i32
      %dma_wait3A_57 = tpu.memref_slice %arg6[%dma_wait3A, %dma_wait3A_56] : memref<25x80xi32, #tpu.memory_space<vmem>> -> memref<1x80xi32, #tpu.memory_space<vmem>>
      %dma_wait3A_58 = tpu.memref_squeeze %dma_wait3A_57 : memref<1x80xi32, #tpu.memory_space<vmem>> -> memref<80xi32, #tpu.memory_space<vmem>>
      %dma_wait3A_59 = arith.constant 0 : i32
      %dma_wait3A_60 = arith.constant 0 : i32
      %dma_wait3A_61 = tpu.memref_slice %arg2[%dma_wait3A_59, %dma_wait3A_60] : memref<10000x128xf32, #tpu.memory_space<hbm>> -> memref<10000x128xf32, #tpu.memory_space<hbm>>
      tpu.wait_indirect_dma semaphore(%arg12 : memref<!tpu.dma_semaphore, #tpu.memory_space<semaphore_mem>>) src(%dma_wait3A_61 : memref<10000x128xf32, #tpu.memory_space<hbm>>) dst(%arg8 : memref<80x128xf32, #tpu.memory_space<vmem>>)
      %run_scoped3A = arith.constant 21 : i32
      "tpu.region"() ({
        %run_scoped3A_93 = tpu.sem_alloc : memref<!tpu.dma_semaphore, #tpu.memory_space<semaphore_mem>>
        %dma_start3A_94 = arith.constant 0 : i32
        %dma_start3A_95 = tpu.memref_slice %arg7[%run_scoped3A, %dma_start3A_94] : memref<25x80xi32, #tpu.memory_space<vmem>> -> memref<1x80xi32, #tpu.memory_space<vmem>>
        %dma_start3A_96 = tpu.memref_squeeze %dma_start3A_95 : memref<1x80xi32, #tpu.memory_space<vmem>> -> memref<80xi32, #tpu.memory_space<vmem>>
        %dma_start3A_97 = arith.constant 0 : i32
        %dma_start3A_98 = arith.constant 0 : i32
        %dma_start3A_99 = tpu.memref_slice %arg11[%dma_start3A_97, %dma_start3A_98] : memref<10240x128xf32, #tpu.memory_space<vmem_shared>> -> memref<10240x128xf32, #tpu.memory_space<vmem_shared>>
        tpu.enqueue_indirect_dma source(%arg8 : memref<80x128xf32, #tpu.memory_space<vmem>>) target(%dma_start3A_99 : memref<10240x128xf32, #tpu.memory_space<vmem_shared>>) offsets(%dma_start3A_96 : memref<80xi32, #tpu.memory_space<vmem>>) semaphore(%run_scoped3A_93 : memref<!tpu.dma_semaphore, #tpu.memory_space<semaphore_mem>>) {add = true}
        %dma_wait3A_100 = arith.constant 0 : i32
        %dma_wait3A_101 = tpu.memref_slice %arg7[%run_scoped3A, %dma_wait3A_100] : memref<25x80xi32, #tpu.memory_space<vmem>> -> memref<1x80xi32, #tpu.memory_space<vmem>>
        %dma_wait3A_102 = tpu.memref_squeeze %dma_wait3A_101 : memref<1x80xi32, #tpu.memory_space<vmem>> -> memref<80xi32, #tpu.memory_space<vmem>>
        %dma_wait3A_103 = arith.constant 0 : i32
        %dma_wait3A_104 = arith.constant 0 : i32
        %dma_wait3A_105 = tpu.memref_slice %arg11[%dma_wait3A_103, %dma_wait3A_104] : memref<10240x128xf32, #tpu.memory_space<vmem_shared>> -> memref<10240x128xf32, #tpu.memory_space<vmem_shared>>
        tpu.wait_indirect_dma semaphore(%run_scoped3A_93 : memref<!tpu.dma_semaphore, #tpu.memory_space<semaphore_mem>>) src(%arg8 : memref<80x128xf32, #tpu.memory_space<vmem>>) dst(%dma_wait3A_105 : memref<10240x128xf32, #tpu.memory_space<vmem_shared>>)
        tpu.yield
      }) : () -> ()
      %dma_start3A_62 = arith.constant 24 : i32
      %dma_start3A_63 = arith.constant 0 : i32
      %dma_start3A_64 = tpu.memref_slice %arg6[%dma_start3A_62, %dma_start3A_63] : memref<25x80xi32, #tpu.memory_space<vmem>> -> memref<1x80xi32, #tpu.memory_space<vmem>>
      %dma_start3A_65 = tpu.memref_squeeze %dma_start3A_64 : memref<1x80xi32, #tpu.memory_space<vmem>> -> memref<80xi32, #tpu.memory_space<vmem>>
      %dma_start3A_66 = arith.constant 0 : i32
      %dma_start3A_67 = arith.constant 0 : i32
      %dma_start3A_68 = tpu.memref_slice %arg2[%dma_start3A_66, %dma_start3A_67] : memref<10000x128xf32, #tpu.memory_space<hbm>> -> memref<10000x128xf32, #tpu.memory_space<hbm>>
      tpu.enqueue_indirect_dma source(%dma_start3A_68 : memref<10000x128xf32, #tpu.memory_space<hbm>>) target(%arg8 : memref<80x128xf32, #tpu.memory_space<vmem>>) offsets(%dma_start3A_65 : memref<80xi32, #tpu.memory_space<vmem>>) semaphore(%arg12 : memref<!tpu.dma_semaphore, #tpu.memory_space<semaphore_mem>>)
      %dma_wait3A_69 = arith.constant 0 : i32
      %dma_wait3A_70 = arith.constant 0 : i32
      %dma_wait3A_71 = tpu.memref_slice %arg6[%dma_wait3A_69, %dma_wait3A_70] : memref<25x80xi32, #tpu.memory_space<vmem>> -> memref<1x80xi32, #tpu.memory_space<vmem>>
      %dma_wait3A_72 = tpu.memref_squeeze %dma_wait3A_71 : memref<1x80xi32, #tpu.memory_space<vmem>> -> memref<80xi32, #tpu.memory_space<vmem>>
      %dma_wait3A_73 = arith.constant 0 : i32
      %dma_wait3A_74 = arith.constant 0 : i32
      %dma_wait3A_75 = tpu.memref_slice %arg2[%dma_wait3A_73, %dma_wait3A_74] : memref<10000x128xf32, #tpu.memory_space<hbm>> -> memref<10000x128xf32, #tpu.memory_space<hbm>>
      tpu.wait_indirect_dma semaphore(%arg13 : memref<!tpu.dma_semaphore, #tpu.memory_space<semaphore_mem>>) src(%dma_wait3A_75 : memref<10000x128xf32, #tpu.memory_space<hbm>>) dst(%arg9 : memref<80x128xf32, #tpu.memory_space<vmem>>)
      %run_scoped3A_76 = arith.constant 22 : i32
      "tpu.region"() ({
        %run_scoped3A_93 = tpu.sem_alloc : memref<!tpu.dma_semaphore, #tpu.memory_space<semaphore_mem>>
        %dma_start3A_94 = arith.constant 0 : i32
        %dma_start3A_95 = tpu.memref_slice %arg7[%run_scoped3A_76, %dma_start3A_94] : memref<25x80xi32, #tpu.memory_space<vmem>> -> memref<1x80xi32, #tpu.memory_space<vmem>>
        %dma_start3A_96 = tpu.memref_squeeze %dma_start3A_95 : memref<1x80xi32, #tpu.memory_space<vmem>> -> memref<80xi32, #tpu.memory_space<vmem>>
        %dma_start3A_97 = arith.constant 0 : i32
        %dma_start3A_98 = arith.constant 0 : i32
        %dma_start3A_99 = tpu.memref_slice %arg11[%dma_start3A_97, %dma_start3A_98] : memref<10240x128xf32, #tpu.memory_space<vmem_shared>> -> memref<10240x128xf32, #tpu.memory_space<vmem_shared>>
        tpu.enqueue_indirect_dma source(%arg9 : memref<80x128xf32, #tpu.memory_space<vmem>>) target(%dma_start3A_99 : memref<10240x128xf32, #tpu.memory_space<vmem_shared>>) offsets(%dma_start3A_96 : memref<80xi32, #tpu.memory_space<vmem>>) semaphore(%run_scoped3A_93 : memref<!tpu.dma_semaphore, #tpu.memory_space<semaphore_mem>>) {add = true}
        %dma_wait3A_100 = arith.constant 0 : i32
        %dma_wait3A_101 = tpu.memref_slice %arg7[%run_scoped3A_76, %dma_wait3A_100] : memref<25x80xi32, #tpu.memory_space<vmem>> -> memref<1x80xi32, #tpu.memory_space<vmem>>
        %dma_wait3A_102 = tpu.memref_squeeze %dma_wait3A_101 : memref<1x80xi32, #tpu.memory_space<vmem>> -> memref<80xi32, #tpu.memory_space<vmem>>
        %dma_wait3A_103 = arith.constant 0 : i32
        %dma_wait3A_104 = arith.constant 0 : i32
        %dma_wait3A_105 = tpu.memref_slice %arg11[%dma_wait3A_103, %dma_wait3A_104] : memref<10240x128xf32, #tpu.memory_space<vmem_shared>> -> memref<10240x128xf32, #tpu.memory_space<vmem_shared>>
        tpu.wait_indirect_dma semaphore(%run_scoped3A_93 : memref<!tpu.dma_semaphore, #tpu.memory_space<semaphore_mem>>) src(%arg9 : memref<80x128xf32, #tpu.memory_space<vmem>>) dst(%dma_wait3A_105 : memref<10240x128xf32, #tpu.memory_space<vmem_shared>>)
        tpu.yield
      }) : () -> ()
      %dma_wait3A_77 = arith.constant 0 : i32
      %dma_wait3A_78 = arith.constant 0 : i32
      %dma_wait3A_79 = tpu.memref_slice %arg6[%dma_wait3A_77, %dma_wait3A_78] : memref<25x80xi32, #tpu.memory_space<vmem>> -> memref<1x80xi32, #tpu.memory_space<vmem>>
      %dma_wait3A_80 = tpu.memref_squeeze %dma_wait3A_79 : memref<1x80xi32, #tpu.memory_space<vmem>> -> memref<80xi32, #tpu.memory_space<vmem>>
      %dma_wait3A_81 = arith.constant 0 : i32
      %dma_wait3A_82 = arith.constant 0 : i32
      %dma_wait3A_83 = tpu.memref_slice %arg2[%dma_wait3A_81, %dma_wait3A_82] : memref<10000x128xf32, #tpu.memory_space<hbm>> -> memref<10000x128xf32, #tpu.memory_space<hbm>>
      tpu.wait_indirect_dma semaphore(%arg14 : memref<!tpu.dma_semaphore, #tpu.memory_space<semaphore_mem>>) src(%dma_wait3A_83 : memref<10000x128xf32, #tpu.memory_space<hbm>>) dst(%arg10 : memref<80x128xf32, #tpu.memory_space<vmem>>)
      %run_scoped3A_84 = arith.constant 23 : i32
      "tpu.region"() ({
        %run_scoped3A_93 = tpu.sem_alloc : memref<!tpu.dma_semaphore, #tpu.memory_space<semaphore_mem>>
        %dma_start3A_94 = arith.constant 0 : i32
        %dma_start3A_95 = tpu.memref_slice %arg7[%run_scoped3A_84, %dma_start3A_94] : memref<25x80xi32, #tpu.memory_space<vmem>> -> memref<1x80xi32, #tpu.memory_space<vmem>>
        %dma_start3A_96 = tpu.memref_squeeze %dma_start3A_95 : memref<1x80xi32, #tpu.memory_space<vmem>> -> memref<80xi32, #tpu.memory_space<vmem>>
        %dma_start3A_97 = arith.constant 0 : i32
        %dma_start3A_98 = arith.constant 0 : i32
        %dma_start3A_99 = tpu.memref_slice %arg11[%dma_start3A_97, %dma_start3A_98] : memref<10240x128xf32, #tpu.memory_space<vmem_shared>> -> memref<10240x128xf32, #tpu.memory_space<vmem_shared>>
        tpu.enqueue_indirect_dma source(%arg10 : memref<80x128xf32, #tpu.memory_space<vmem>>) target(%dma_start3A_99 : memref<10240x128xf32, #tpu.memory_space<vmem_shared>>) offsets(%dma_start3A_96 : memref<80xi32, #tpu.memory_space<vmem>>) semaphore(%run_scoped3A_93 : memref<!tpu.dma_semaphore, #tpu.memory_space<semaphore_mem>>) {add = true}
        %dma_wait3A_100 = arith.constant 0 : i32
        %dma_wait3A_101 = tpu.memref_slice %arg7[%run_scoped3A_84, %dma_wait3A_100] : memref<25x80xi32, #tpu.memory_space<vmem>> -> memref<1x80xi32, #tpu.memory_space<vmem>>
        %dma_wait3A_102 = tpu.memref_squeeze %dma_wait3A_101 : memref<1x80xi32, #tpu.memory_space<vmem>> -> memref<80xi32, #tpu.memory_space<vmem>>
        %dma_wait3A_103 = arith.constant 0 : i32
        %dma_wait3A_104 = arith.constant 0 : i32
        %dma_wait3A_105 = tpu.memref_slice %arg11[%dma_wait3A_103, %dma_wait3A_104] : memref<10240x128xf32, #tpu.memory_space<vmem_shared>> -> memref<10240x128xf32, #tpu.memory_space<vmem_shared>>
        tpu.wait_indirect_dma semaphore(%run_scoped3A_93 : memref<!tpu.dma_semaphore, #tpu.memory_space<semaphore_mem>>) src(%arg10 : memref<80x128xf32, #tpu.memory_space<vmem>>) dst(%dma_wait3A_105 : memref<10240x128xf32, #tpu.memory_space<vmem_shared>>)
        tpu.yield
      }) : () -> ()
      %dma_wait3A_85 = arith.constant 0 : i32
      %dma_wait3A_86 = arith.constant 0 : i32
      %dma_wait3A_87 = tpu.memref_slice %arg6[%dma_wait3A_85, %dma_wait3A_86] : memref<25x80xi32, #tpu.memory_space<vmem>> -> memref<1x80xi32, #tpu.memory_space<vmem>>
      %dma_wait3A_88 = tpu.memref_squeeze %dma_wait3A_87 : memref<1x80xi32, #tpu.memory_space<vmem>> -> memref<80xi32, #tpu.memory_space<vmem>>
      %dma_wait3A_89 = arith.constant 0 : i32
      %dma_wait3A_90 = arith.constant 0 : i32
      %dma_wait3A_91 = tpu.memref_slice %arg2[%dma_wait3A_89, %dma_wait3A_90] : memref<10000x128xf32, #tpu.memory_space<hbm>> -> memref<10000x128xf32, #tpu.memory_space<hbm>>
      tpu.wait_indirect_dma semaphore(%arg12 : memref<!tpu.dma_semaphore, #tpu.memory_space<semaphore_mem>>) src(%dma_wait3A_91 : memref<10000x128xf32, #tpu.memory_space<hbm>>) dst(%arg8 : memref<80x128xf32, #tpu.memory_space<vmem>>)
      %run_scoped3A_92 = arith.constant 24 : i32
      "tpu.region"() ({
        %run_scoped3A_93 = tpu.sem_alloc : memref<!tpu.dma_semaphore, #tpu.memory_space<semaphore_mem>>
        %dma_start3A_94 = arith.constant 0 : i32
        %dma_start3A_95 = tpu.memref_slice %arg7[%run_scoped3A_92, %dma_start3A_94] : memref<25x80xi32, #tpu.memory_space<vmem>> -> memref<1x80xi32, #tpu.memory_space<vmem>>
        %dma_start3A_96 = tpu.memref_squeeze %dma_start3A_95 : memref<1x80xi32, #tpu.memory_space<vmem>> -> memref<80xi32, #tpu.memory_space<vmem>>
        %dma_start3A_97 = arith.constant 0 : i32
        %dma_start3A_98 = arith.constant 0 : i32
        %dma_start3A_99 = tpu.memref_slice %arg11[%dma_start3A_97, %dma_start3A_98] : memref<10240x128xf32, #tpu.memory_space<vmem_shared>> -> memref<10240x128xf32, #tpu.memory_space<vmem_shared>>
        tpu.enqueue_indirect_dma source(%arg8 : memref<80x128xf32, #tpu.memory_space<vmem>>) target(%dma_start3A_99 : memref<10240x128xf32, #tpu.memory_space<vmem_shared>>) offsets(%dma_start3A_96 : memref<80xi32, #tpu.memory_space<vmem>>) semaphore(%run_scoped3A_93 : memref<!tpu.dma_semaphore, #tpu.memory_space<semaphore_mem>>) {add = true}
        %dma_wait3A_100 = arith.constant 0 : i32
        %dma_wait3A_101 = tpu.memref_slice %arg7[%run_scoped3A_92, %dma_wait3A_100] : memref<25x80xi32, #tpu.memory_space<vmem>> -> memref<1x80xi32, #tpu.memory_space<vmem>>
        %dma_wait3A_102 = tpu.memref_squeeze %dma_wait3A_101 : memref<1x80xi32, #tpu.memory_space<vmem>> -> memref<80xi32, #tpu.memory_space<vmem>>
        %dma_wait3A_103 = arith.constant 0 : i32
        %dma_wait3A_104 = arith.constant 0 : i32
        %dma_wait3A_105 = tpu.memref_slice %arg11[%dma_wait3A_103, %dma_wait3A_104] : memref<10240x128xf32, #tpu.memory_space<vmem_shared>> -> memref<10240x128xf32, #tpu.memory_space<vmem_shared>>
        tpu.wait_indirect_dma semaphore(%run_scoped3A_93 : memref<!tpu.dma_semaphore, #tpu.memory_space<semaphore_mem>>) src(%arg8 : memref<80x128xf32, #tpu.memory_space<vmem>>) dst(%dma_wait3A_105 : memref<10240x128xf32, #tpu.memory_space<vmem_shared>>)
        tpu.yield
      }) : () -> ()
    }
    %scan3A_28 = arith.constant 5 : i32
    %barrier3A_29 = arith.constant 0 : index
    tpu.barrier barrier_id(%barrier3A_29)
    "tpu.region"() ({
      %run_scoped3A = tpu.sem_alloc : memref<!tpu.dma_semaphore, #tpu.memory_space<semaphore_mem>>
      %dma_start3A = arith.constant 0 : i32
      %dma_start3A_30 = tpu.memref_slice %arg5[%arg0, %mul3A_7, %dma_start3A] : memref<2x10240x128xf32, #tpu.memory_space<hbm>> -> memref<1x640x128xf32, #tpu.memory_space<hbm>>
      %dma_start3A_31 = tpu.memref_squeeze %dma_start3A_30 : memref<1x640x128xf32, #tpu.memory_space<hbm>> -> memref<640x128xf32, #tpu.memory_space<hbm>>
      %dma_start3A_32 = arith.constant 0 : i32
      %dma_start3A_33 = tpu.memref_slice %arg11[%mul3A_7, %dma_start3A_32] : memref<10240x128xf32, #tpu.memory_space<vmem_shared>> -> memref<640x128xf32, #tpu.memory_space<vmem_shared>>
      tpu.enqueue_dma source(%dma_start3A_33 : memref<640x128xf32, #tpu.memory_space<vmem_shared>>) target(%dma_start3A_31 : memref<640x128xf32, #tpu.memory_space<hbm>>) target_semaphore(%run_scoped3A : memref<!tpu.dma_semaphore, #tpu.memory_space<semaphore_mem>>)
      %dma_wait3A = arith.constant 0 : i32
      %dma_wait3A_34 = tpu.memref_slice %arg5[%arg0, %mul3A_7, %dma_wait3A] : memref<2x10240x128xf32, #tpu.memory_space<hbm>> -> memref<1x640x128xf32, #tpu.memory_space<hbm>>
      %dma_wait3A_35 = tpu.memref_squeeze %dma_wait3A_34 : memref<1x640x128xf32, #tpu.memory_space<hbm>> -> memref<640x128xf32, #tpu.memory_space<hbm>>
      %dma_wait3A_36 = arith.constant 0 : i32
      %dma_wait3A_37 = tpu.memref_slice %arg11[%mul3A_7, %dma_wait3A_36] : memref<10240x128xf32, #tpu.memory_space<vmem_shared>> -> memref<640x128xf32, #tpu.memory_space<vmem_shared>>
      tpu.wait_dma2 semaphore(%run_scoped3A : memref<!tpu.dma_semaphore, #tpu.memory_space<semaphore_mem>>) src(%dma_wait3A_37 : memref<640x128xf32, #tpu.memory_space<vmem_shared>>) dst(%dma_wait3A_35 : memref<640x128xf32, #tpu.memory_space<hbm>>)
      tpu.yield
    }) : () -> ()
    return
  }
}

module attributes {stable_mosaic.version = 14 : i64} {
  func.func @_k0_body(%arg0: i32, %arg1: memref<10000x128xf32, #tpu.memory_space<vmem>>, %arg2: memref<128x128xf32, #tpu.memory_space<vmem>>, %arg3: memref<1x128xf32, #tpu.memory_space<vmem>>, %arg4: memref<10000x128xf32, #tpu.memory_space<vmem>>, %arg5: memref<10000x128xf32, #tpu.memory_space<vmem>>) attributes {dimension_semantics = [#tpu.dimension_semantics<arbitrary>], iteration_bounds = array<i64: 1>, scalar_prefetch = 0 : i64, scratch_operands = 0 : i64, tpu.core_type = #tpu.core_type<tc>, window_params = [{transform_indices = @transform_0, window_bounds = array<i64: 10000, 128>}, {pipeline_mode = #tpu.pipeline_mode<synchronous>, transform_indices = @transform_1, window_bounds = array<i64: 128, 128>}, {pipeline_mode = #tpu.pipeline_mode<synchronous>, transform_indices = @transform_2, window_bounds = array<i64: 1, 128>}, {transform_indices = @transform_3, window_bounds = array<i64: 10000, 128>}, {transform_indices = @transform_4, window_bounds = array<i64: 10000, 128>}]} {
    %get3A = arith.constant 0 : index
    %get3A_0 = arith.constant 0 : index
    %get3A_1 = vector.load %arg1[%get3A, %get3A_0] : memref<10000x128xf32, #tpu.memory_space<vmem>>, vector<10000x128xf32>
    %get3A_2 = arith.constant 0 : index
    %get3A_3 = arith.constant 0 : index
    %get3A_4 = vector.load %arg2[%get3A_2, %get3A_3] : memref<128x128xf32, #tpu.memory_space<vmem>>, vector<128x128xf32>
    %dot_general3A = arith.constant dense<0.000000e+00> : vector<10000x128xf32>
    %dot_general3A_5 = tpu.matmul %get3A_1, %get3A_4, %dot_general3A {dimension_numbers = #tpu.dot_dimension_numbers<[1], [0], [0], [1], [0, 0, 1, 1], [], []>, transpose_lhs_hint = false} : vector<10000x128xf32>, vector<128x128xf32>, vector<10000x128xf32> -> vector<10000x128xf32>
    %get3A_6 = arith.constant 0 : index
    %get3A_7 = arith.constant 0 : index
    %get3A_8 = vector.load %arg3[%get3A_6, %get3A_7] : memref<1x128xf32, #tpu.memory_space<vmem>>, vector<1x128xf32>
    %add3A = vector.broadcast %get3A_8 : vector<1x128xf32> to vector<10000x128xf32>
    %add3A_9 = arith.addf %dot_general3A_5, %add3A : vector<10000x128xf32>
    %swap3A = arith.constant 0 : index
    %swap3A_10 = arith.constant 0 : index
    %swap3A_11 = vector.load %arg4[%swap3A, %swap3A_10] : memref<10000x128xf32, #tpu.memory_space<vmem>>, vector<10000x128xf32>
    tpu.vector_store %arg4[%swap3A, %swap3A_10], %add3A_9 {strides = array<i32>} : memref<10000x128xf32, #tpu.memory_space<vmem>>, vector<10000x128xf32>,
    %max3A = arith.constant 0.000000e+00 : f32
    %max3A_12 = vector.broadcast %max3A : f32 to vector<10000x128xf32>
    %max3A_13 = arith.maximumf %add3A_9, %max3A_12 : vector<10000x128xf32>
    %swap3A_14 = arith.constant 0 : index
    %swap3A_15 = arith.constant 0 : index
    %swap3A_16 = vector.load %arg5[%swap3A_14, %swap3A_15] : memref<10000x128xf32, #tpu.memory_space<vmem>>, vector<10000x128xf32>
    tpu.vector_store %arg5[%swap3A_14, %swap3A_15], %max3A_13 {strides = array<i32>} : memref<10000x128xf32, #tpu.memory_space<vmem>>, vector<10000x128xf32>,
    return
  }
  func.func @transform_0(%arg0: i32) -> (i32, i32) {
    %c0_i32 = arith.constant 0 : i32
    %c0_i32_0 = arith.constant 0 : i32
    return %arg0, %c0_i32 : i32, i32
  }
  func.func @transform_1(%arg0: i32) -> (i32, i32) {
    %c0_i32 = arith.constant 0 : i32
    %c0_i32_0 = arith.constant 0 : i32
    %c0_i32_1 = arith.constant 0 : i32
    return %c0_i32, %c0_i32_0 : i32, i32
  }
  func.func @transform_2(%arg0: i32) -> (i32, i32) {
    %c0_i32 = arith.constant 0 : i32
    %c0_i32_0 = arith.constant 0 : i32
    %c0_i32_1 = arith.constant 0 : i32
    return %c0_i32, %c0_i32_0 : i32, i32
  }
  func.func @transform_3(%arg0: i32) -> (i32, i32) {
    %c0_i32 = arith.constant 0 : i32
    %c0_i32_0 = arith.constant 0 : i32
    return %arg0, %c0_i32 : i32, i32
  }
  func.func @transform_4(%arg0: i32) -> (i32, i32) {
    %c0_i32 = arith.constant 0 : i32
    %c0_i32_0 = arith.constant 0 : i32
    return %arg0, %c0_i32 : i32, i32
  }
}

module attributes {stable_mosaic.version = 14 : i64} {
  func.func @_k1_body(%arg0: i32, %arg1: memref<1x128xf32, #tpu.memory_space<vmem>>, %arg2: memref<10000x128xf32, #tpu.memory_space<vmem>>, %arg3: memref<2x10000x128xf32, #tpu.memory_space<vmem>>, %arg4: memref<128x256xf32, #tpu.memory_space<vmem>>, %arg5: memref<1x256xf32, #tpu.memory_space<vmem>>, %arg6: memref<10000x256xf32, #tpu.memory_space<vmem>>, %arg7: memref<2x256xf32, #tpu.memory_space<vmem>>) attributes {dimension_semantics = [#tpu.dimension_semantics<arbitrary>], iteration_bounds = array<i64: 1>, scalar_prefetch = 0 : i64, scratch_operands = 0 : i64, tpu.core_type = #tpu.core_type<tc>, window_params = [{pipeline_mode = #tpu.pipeline_mode<synchronous>, transform_indices = @transform_0, window_bounds = array<i64: 1, 128>}, {transform_indices = @transform_1, window_bounds = array<i64: 10000, 128>}, {transform_indices = @transform_2, window_bounds = array<i64: 2, 10000, 128>}, {pipeline_mode = #tpu.pipeline_mode<synchronous>, transform_indices = @transform_3, window_bounds = array<i64: 128, 256>}, {pipeline_mode = #tpu.pipeline_mode<synchronous>, transform_indices = @transform_4, window_bounds = array<i64: 1, 256>}, {transform_indices = @transform_5, window_bounds = array<i64: 10000, 256>}, {pipeline_mode = #tpu.pipeline_mode<synchronous>, transform_indices = @transform_6, window_bounds = array<i64: 2, 256>}]} {
    %get3A = arith.constant 0 : index
    %get3A_0 = arith.constant 0 : index
    %get3A_1 = vector.load %arg1[%get3A, %get3A_0] : memref<1x128xf32, #tpu.memory_space<vmem>>, vector<1x128xf32>
    %get3A_2 = arith.constant 0 : index
    %get3A_3 = arith.constant 0 : index
    %get3A_4 = vector.load %arg2[%get3A_2, %get3A_3] : memref<10000x128xf32, #tpu.memory_space<vmem>>, vector<10000x128xf32>
    %mul3A = vector.broadcast %get3A_1 : vector<1x128xf32> to vector<10000x128xf32>
    %mul3A_5 = arith.mulf %mul3A, %get3A_4 : vector<10000x128xf32>
    %get3A_6 = arith.constant 0 : index
    %get3A_7 = arith.constant 0 : index
    %get3A_8 = arith.constant 0 : index
    %get3A_9 = vector.load %arg3[%get3A_6, %get3A_7, %get3A_8] : memref<2x10000x128xf32, #tpu.memory_space<vmem>>, vector<1x10000x128xf32>
    %get3A_10 = vector.shape_cast %get3A_9 : vector<1x10000x128xf32> to vector<10000x128xf32>
    %add3A = arith.addf %mul3A_5, %get3A_10 : vector<10000x128xf32>
    %get3A_11 = arith.constant 1 : index
    %get3A_12 = arith.constant 0 : index
    %get3A_13 = arith.constant 0 : index
    %get3A_14 = vector.load %arg3[%get3A_11, %get3A_12, %get3A_13] : memref<2x10000x128xf32, #tpu.memory_space<vmem>>, vector<1x10000x128xf32>
    %get3A_15 = vector.shape_cast %get3A_14 : vector<1x10000x128xf32> to vector<10000x128xf32>
    %add3A_16 = arith.addf %add3A, %get3A_15 : vector<10000x128xf32>
    %get3A_17 = arith.constant 0 : index
    %get3A_18 = arith.constant 0 : index
    %get3A_19 = vector.load %arg4[%get3A_17, %get3A_18] : memref<128x256xf32, #tpu.memory_space<vmem>>, vector<128x256xf32>
    %dot_general3A = arith.constant dense<0.000000e+00> : vector<10000x256xf32>
    %dot_general3A_20 = tpu.matmul %add3A_16, %get3A_19, %dot_general3A {dimension_numbers = #tpu.dot_dimension_numbers<[1], [0], [0], [1], [0, 0, 1, 1], [], []>, transpose_lhs_hint = false} : vector<10000x128xf32>, vector<128x256xf32>, vector<10000x256xf32> -> vector<10000x256xf32>
    %get3A_21 = arith.constant 0 : index
    %get3A_22 = arith.constant 0 : index
    %get3A_23 = vector.load %arg5[%get3A_21, %get3A_22] : memref<1x256xf32, #tpu.memory_space<vmem>>, vector<1x256xf32>
    %add3A_24 = vector.broadcast %get3A_23 : vector<1x256xf32> to vector<10000x256xf32>
    %add3A_25 = arith.addf %dot_general3A_20, %add3A_24 : vector<10000x256xf32>
    %swap3A = arith.constant 0 : index
    %swap3A_26 = arith.constant 0 : index
    %swap3A_27 = vector.load %arg6[%swap3A, %swap3A_26] : memref<10000x256xf32, #tpu.memory_space<vmem>>, vector<10000x256xf32>
    tpu.vector_store %arg6[%swap3A, %swap3A_26], %add3A_25 {strides = array<i32>} : memref<10000x256xf32, #tpu.memory_space<vmem>>, vector<10000x256xf32>,
    %reduce_sum3A = arith.constant dense<0.000000e+00> : vector<256xf32>
    %reduce_sum3A_28 = vector.multi_reduction <add>, %add3A_25, %reduce_sum3A [0] : vector<10000x256xf32> to vector<256xf32>
    %broadcast_in_dim3A = vector.shape_cast %reduce_sum3A_28 : vector<256xf32> to vector<1x256xf32>
    %mul3A_29 = arith.mulf %add3A_25, %add3A_25 : vector<10000x256xf32>
    %reduce_sum3A_30 = arith.constant dense<0.000000e+00> : vector<256xf32>
    %reduce_sum3A_31 = vector.multi_reduction <add>, %mul3A_29, %reduce_sum3A_30 [0] : vector<10000x256xf32> to vector<256xf32>
    %broadcast_in_dim3A_32 = vector.shape_cast %reduce_sum3A_31 : vector<256xf32> to vector<1x256xf32>
    %concatenate3A = tpu.concatenate %broadcast_in_dim3A, %broadcast_in_dim3A_32 in 0 : vector<1x256xf32>, vector<1x256xf32> -> vector<2x256xf32>
    %eq3A = arith.constant 0 : i32
    %eq3A_33 = arith.cmpi eq, %arg0, %eq3A : i32
    %convert_element_type3A = arith.extui %eq3A_33 : i1 to i32
    %cond3A = arith.constant 0 : i32
    %cond3A_34 = arith.cmpi ne, %convert_element_type3A, %cond3A : i32
    scf.if %cond3A_34 {
      %swap3A_39 = arith.constant 0 : index
      %swap3A_40 = arith.constant 0 : index
      %swap3A_41 = vector.load %arg7[%swap3A_39, %swap3A_40] : memref<2x256xf32, #tpu.memory_space<vmem>>, vector<2x256xf32>
      tpu.vector_store %arg7[%swap3A_39, %swap3A_40], %concatenate3A {strides = array<i32>} : memref<2x256xf32, #tpu.memory_space<vmem>>, vector<2x256xf32>,
    } else {
    }
    %ne3A = arith.constant 0 : i32
    %ne3A_35 = arith.cmpi ne, %arg0, %ne3A : i32
    %convert_element_type3A_36 = arith.extui %ne3A_35 : i1 to i32
    %cond3A_37 = arith.constant 0 : i32
    %cond3A_38 = arith.cmpi ne, %convert_element_type3A_36, %cond3A_37 : i32
    scf.if %cond3A_38 {
      %get3A_39 = arith.constant 0 : index
      %get3A_40 = arith.constant 0 : index
      %get3A_41 = vector.load %arg7[%get3A_39, %get3A_40] : memref<2x256xf32, #tpu.memory_space<vmem>>, vector<2x256xf32>
      %add3A_42 = arith.addf %get3A_41, %concatenate3A : vector<2x256xf32>
      %swap3A_43 = arith.constant 0 : index
      %swap3A_44 = arith.constant 0 : index
      %swap3A_45 = vector.load %arg7[%swap3A_43, %swap3A_44] : memref<2x256xf32, #tpu.memory_space<vmem>>, vector<2x256xf32>
      tpu.vector_store %arg7[%swap3A_43, %swap3A_44], %add3A_42 {strides = array<i32>} : memref<2x256xf32, #tpu.memory_space<vmem>>, vector<2x256xf32>,
    } else {
    }
    return
  }
  func.func @transform_0(%arg0: i32) -> (i32, i32) {
    %c0_i32 = arith.constant 0 : i32
    %c0_i32_0 = arith.constant 0 : i32
    %c0_i32_1 = arith.constant 0 : i32
    return %c0_i32, %c0_i32_0 : i32, i32
  }
  func.func @transform_1(%arg0: i32) -> (i32, i32) {
    %c0_i32 = arith.constant 0 : i32
    %c0_i32_0 = arith.constant 0 : i32
    return %arg0, %c0_i32 : i32, i32
  }
  func.func @transform_2(%arg0: i32) -> (i32, i32, i32) {
    %c0_i32 = arith.constant 0 : i32
    %c0_i32_0 = arith.constant 0 : i32
    %c0_i32_1 = arith.constant 0 : i32
    return %c0_i32, %arg0, %c0_i32_0 : i32, i32, i32
  }
  func.func @transform_3(%arg0: i32) -> (i32, i32) {
    %c0_i32 = arith.constant 0 : i32
    %c0_i32_0 = arith.constant 0 : i32
    %c0_i32_1 = arith.constant 0 : i32
    return %c0_i32, %c0_i32_0 : i32, i32
  }
  func.func @transform_4(%arg0: i32) -> (i32, i32) {
    %c0_i32 = arith.constant 0 : i32
    %c0_i32_0 = arith.constant 0 : i32
    %c0_i32_1 = arith.constant 0 : i32
    return %c0_i32, %c0_i32_0 : i32, i32
  }
  func.func @transform_5(%arg0: i32) -> (i32, i32) {
    %c0_i32 = arith.constant 0 : i32
    %c0_i32_0 = arith.constant 0 : i32
    return %arg0, %c0_i32 : i32, i32
  }
  func.func @transform_6(%arg0: i32) -> (i32, i32) {
    %c0_i32 = arith.constant 0 : i32
    %c0_i32_0 = arith.constant 0 : i32
    %c0_i32_1 = arith.constant 0 : i32
    return %c0_i32, %c0_i32_0 : i32, i32
  }
}

module attributes {stable_mosaic.version = 14 : i64} {
  func.func @_k2_body(%arg0: i32, %arg1: memref<10000x256xf32, #tpu.memory_space<vmem>>, %arg2: memref<2x256xf32, #tpu.memory_space<vmem>>, %arg3: memref<1x256xf32, #tpu.memory_space<vmem>>, %arg4: memref<1x256xf32, #tpu.memory_space<vmem>>, %arg5: memref<256x128xf32, #tpu.memory_space<vmem>>, %arg6: memref<1x128xf32, #tpu.memory_space<vmem>>, %arg7: memref<10000x128xf32, #tpu.memory_space<vmem>>, %arg8: memref<2x128xf32, #tpu.memory_space<vmem>>) attributes {dimension_semantics = [#tpu.dimension_semantics<arbitrary>], iteration_bounds = array<i64: 1>, scalar_prefetch = 0 : i64, scratch_operands = 0 : i64, tpu.core_type = #tpu.core_type<tc>, window_params = [{transform_indices = @transform_0, window_bounds = array<i64: 10000, 256>}, {pipeline_mode = #tpu.pipeline_mode<synchronous>, transform_indices = @transform_1, window_bounds = array<i64: 2, 256>}, {pipeline_mode = #tpu.pipeline_mode<synchronous>, transform_indices = @transform_2, window_bounds = array<i64: 1, 256>}, {pipeline_mode = #tpu.pipeline_mode<synchronous>, transform_indices = @transform_3, window_bounds = array<i64: 1, 256>}, {pipeline_mode = #tpu.pipeline_mode<synchronous>, transform_indices = @transform_4, window_bounds = array<i64: 256, 128>}, {pipeline_mode = #tpu.pipeline_mode<synchronous>, transform_indices = @transform_5, window_bounds = array<i64: 1, 128>}, {transform_indices = @transform_6, window_bounds = array<i64: 10000, 128>}, {pipeline_mode = #tpu.pipeline_mode<synchronous>, transform_indices = @transform_7, window_bounds = array<i64: 2, 128>}]} {
    %get3A = arith.constant 0 : index
    %get3A_0 = arith.constant 0 : index
    %get3A_1 = vector.load %arg2[%get3A, %get3A_0] : memref<2x256xf32, #tpu.memory_space<vmem>>, vector<1x256xf32>
    %mul3A = arith.constant 9.99999974E-5 : f32
    %mul3A_2 = vector.broadcast %mul3A : f32 to vector<1x256xf32>
    %mul3A_3 = arith.mulf %get3A_1, %mul3A_2 : vector<1x256xf32>
    %get3A_4 = arith.constant 1 : index
    %get3A_5 = arith.constant 0 : index
    %get3A_6 = vector.load %arg2[%get3A_4, %get3A_5] : memref<2x256xf32, #tpu.memory_space<vmem>>, vector<1x256xf32>
    %mul3A_7 = arith.constant 9.99999974E-5 : f32
    %mul3A_8 = vector.broadcast %mul3A_7 : f32 to vector<1x256xf32>
    %mul3A_9 = arith.mulf %get3A_6, %mul3A_8 : vector<1x256xf32>
    %mul3A_10 = arith.mulf %mul3A_3, %mul3A_3 : vector<1x256xf32>
    %sub3A = arith.subf %mul3A_9, %mul3A_10 : vector<1x256xf32>
    %get3A_11 = arith.constant 0 : index
    %get3A_12 = arith.constant 0 : index
    %get3A_13 = vector.load %arg3[%get3A_11, %get3A_12] : memref<1x256xf32, #tpu.memory_space<vmem>>, vector<1x256xf32>
    %add3A = arith.constant 9.99999974E-6 : f32
    %add3A_14 = vector.broadcast %add3A : f32 to vector<1x256xf32>
    %add3A_15 = arith.addf %sub3A, %add3A_14 : vector<1x256xf32>
    %rsqrt3A = math.rsqrt %add3A_15 : vector<1x256xf32>
    %mul3A_16 = arith.mulf %get3A_13, %rsqrt3A : vector<1x256xf32>
    %get3A_17 = arith.constant 0 : index
    %get3A_18 = arith.constant 0 : index
    %get3A_19 = vector.load %arg4[%get3A_17, %get3A_18] : memref<1x256xf32, #tpu.memory_space<vmem>>, vector<1x256xf32>
    %mul3A_20 = arith.mulf %mul3A_3, %mul3A_16 : vector<1x256xf32>
    %sub3A_21 = arith.subf %get3A_19, %mul3A_20 : vector<1x256xf32>
    %get3A_22 = arith.constant 0 : index
    %get3A_23 = arith.constant 0 : index
    %get3A_24 = vector.load %arg1[%get3A_22, %get3A_23] : memref<10000x256xf32, #tpu.memory_space<vmem>>, vector<10000x256xf32>
    %mul3A_25 = vector.broadcast %mul3A_16 : vector<1x256xf32> to vector<10000x256xf32>
    %mul3A_26 = arith.mulf %get3A_24, %mul3A_25 : vector<10000x256xf32>
    %add3A_27 = vector.broadcast %sub3A_21 : vector<1x256xf32> to vector<10000x256xf32>
    %add3A_28 = arith.addf %mul3A_26, %add3A_27 : vector<10000x256xf32>
    %max3A = arith.constant 0.000000e+00 : f32
    %max3A_29 = vector.broadcast %max3A : f32 to vector<10000x256xf32>
    %max3A_30 = arith.maximumf %add3A_28, %max3A_29 : vector<10000x256xf32>
    %get3A_31 = arith.constant 0 : index
    %get3A_32 = arith.constant 0 : index
    %get3A_33 = vector.load %arg5[%get3A_31, %get3A_32] : memref<256x128xf32, #tpu.memory_space<vmem>>, vector<256x128xf32>
    %dot_general3A = arith.constant dense<0.000000e+00> : vector<10000x128xf32>
    %dot_general3A_34 = tpu.matmul %max3A_30, %get3A_33, %dot_general3A {dimension_numbers = #tpu.dot_dimension_numbers<[1], [0], [0], [1], [0, 0, 1, 1], [], []>, transpose_lhs_hint = false} : vector<10000x256xf32>, vector<256x128xf32>, vector<10000x128xf32> -> vector<10000x128xf32>
    %get3A_35 = arith.constant 0 : index
    %get3A_36 = arith.constant 0 : index
    %get3A_37 = vector.load %arg6[%get3A_35, %get3A_36] : memref<1x128xf32, #tpu.memory_space<vmem>>, vector<1x128xf32>
    %add3A_38 = vector.broadcast %get3A_37 : vector<1x128xf32> to vector<10000x128xf32>
    %add3A_39 = arith.addf %dot_general3A_34, %add3A_38 : vector<10000x128xf32>
    %swap3A = arith.constant 0 : index
    %swap3A_40 = arith.constant 0 : index
    %swap3A_41 = vector.load %arg7[%swap3A, %swap3A_40] : memref<10000x128xf32, #tpu.memory_space<vmem>>, vector<10000x128xf32>
    tpu.vector_store %arg7[%swap3A, %swap3A_40], %add3A_39 {strides = array<i32>} : memref<10000x128xf32, #tpu.memory_space<vmem>>, vector<10000x128xf32>,
    %reduce_sum3A = arith.constant dense<0.000000e+00> : vector<128xf32>
    %reduce_sum3A_42 = vector.multi_reduction <add>, %add3A_39, %reduce_sum3A [0] : vector<10000x128xf32> to vector<128xf32>
    %broadcast_in_dim3A = vector.shape_cast %reduce_sum3A_42 : vector<128xf32> to vector<1x128xf32>
    %mul3A_43 = arith.mulf %add3A_39, %add3A_39 : vector<10000x128xf32>
    %reduce_sum3A_44 = arith.constant dense<0.000000e+00> : vector<128xf32>
    %reduce_sum3A_45 = vector.multi_reduction <add>, %mul3A_43, %reduce_sum3A_44 [0] : vector<10000x128xf32> to vector<128xf32>
    %broadcast_in_dim3A_46 = vector.shape_cast %reduce_sum3A_45 : vector<128xf32> to vector<1x128xf32>
    %concatenate3A = tpu.concatenate %broadcast_in_dim3A, %broadcast_in_dim3A_46 in 0 : vector<1x128xf32>, vector<1x128xf32> -> vector<2x128xf32>
    %eq3A = arith.constant 0 : i32
    %eq3A_47 = arith.cmpi eq, %arg0, %eq3A : i32
    %convert_element_type3A = arith.extui %eq3A_47 : i1 to i32
    %cond3A = arith.constant 0 : i32
    %cond3A_48 = arith.cmpi ne, %convert_element_type3A, %cond3A : i32
    scf.if %cond3A_48 {
      %swap3A_53 = arith.constant 0 : index
      %swap3A_54 = arith.constant 0 : index
      %swap3A_55 = vector.load %arg8[%swap3A_53, %swap3A_54] : memref<2x128xf32, #tpu.memory_space<vmem>>, vector<2x128xf32>
      tpu.vector_store %arg8[%swap3A_53, %swap3A_54], %concatenate3A {strides = array<i32>} : memref<2x128xf32, #tpu.memory_space<vmem>>, vector<2x128xf32>,
    } else {
    }
    %ne3A = arith.constant 0 : i32
    %ne3A_49 = arith.cmpi ne, %arg0, %ne3A : i32
    %convert_element_type3A_50 = arith.extui %ne3A_49 : i1 to i32
    %cond3A_51 = arith.constant 0 : i32
    %cond3A_52 = arith.cmpi ne, %convert_element_type3A_50, %cond3A_51 : i32
    scf.if %cond3A_52 {
      %get3A_53 = arith.constant 0 : index
      %get3A_54 = arith.constant 0 : index
      %get3A_55 = vector.load %arg8[%get3A_53, %get3A_54] : memref<2x128xf32, #tpu.memory_space<vmem>>, vector<2x128xf32>
      %add3A_56 = arith.addf %get3A_55, %concatenate3A : vector<2x128xf32>
      %swap3A_57 = arith.constant 0 : index
      %swap3A_58 = arith.constant 0 : index
      %swap3A_59 = vector.load %arg8[%swap3A_57, %swap3A_58] : memref<2x128xf32, #tpu.memory_space<vmem>>, vector<2x128xf32>
      tpu.vector_store %arg8[%swap3A_57, %swap3A_58], %add3A_56 {strides = array<i32>} : memref<2x128xf32, #tpu.memory_space<vmem>>, vector<2x128xf32>,
    } else {
    }
    return
  }
  func.func @transform_0(%arg0: i32) -> (i32, i32) {
    %c0_i32 = arith.constant 0 : i32
    %c0_i32_0 = arith.constant 0 : i32
    return %arg0, %c0_i32 : i32, i32
  }
  func.func @transform_1(%arg0: i32) -> (i32, i32) {
    %c0_i32 = arith.constant 0 : i32
    %c0_i32_0 = arith.constant 0 : i32
    %c0_i32_1 = arith.constant 0 : i32
    return %c0_i32, %c0_i32_0 : i32, i32
  }
  func.func @transform_2(%arg0: i32) -> (i32, i32) {
    %c0_i32 = arith.constant 0 : i32
    %c0_i32_0 = arith.constant 0 : i32
    %c0_i32_1 = arith.constant 0 : i32
    return %c0_i32, %c0_i32_0 : i32, i32
  }
  func.func @transform_3(%arg0: i32) -> (i32, i32) {
    %c0_i32 = arith.constant 0 : i32
    %c0_i32_0 = arith.constant 0 : i32
    %c0_i32_1 = arith.constant 0 : i32
    return %c0_i32, %c0_i32_0 : i32, i32
  }
  func.func @transform_4(%arg0: i32) -> (i32, i32) {
    %c0_i32 = arith.constant 0 : i32
    %c0_i32_0 = arith.constant 0 : i32
    %c0_i32_1 = arith.constant 0 : i32
    return %c0_i32, %c0_i32_0 : i32, i32
  }
  func.func @transform_5(%arg0: i32) -> (i32, i32) {
    %c0_i32 = arith.constant 0 : i32
    %c0_i32_0 = arith.constant 0 : i32
    %c0_i32_1 = arith.constant 0 : i32
    return %c0_i32, %c0_i32_0 : i32, i32
  }
  func.func @transform_6(%arg0: i32) -> (i32, i32) {
    %c0_i32 = arith.constant 0 : i32
    %c0_i32_0 = arith.constant 0 : i32
    return %arg0, %c0_i32 : i32, i32
  }
  func.func @transform_7(%arg0: i32) -> (i32, i32) {
    %c0_i32 = arith.constant 0 : i32
    %c0_i32_0 = arith.constant 0 : i32
    %c0_i32_1 = arith.constant 0 : i32
    return %c0_i32, %c0_i32_0 : i32, i32
  }
}

module attributes {stable_mosaic.version = 14 : i64} {
  func.func @_k3_body(%arg0: i32, %arg1: memref<10000x128xf32, #tpu.memory_space<vmem>>, %arg2: memref<2x128xf32, #tpu.memory_space<vmem>>, %arg3: memref<1x128xf32, #tpu.memory_space<vmem>>, %arg4: memref<1x128xf32, #tpu.memory_space<vmem>>, %arg5: memref<10000x128xf32, #tpu.memory_space<vmem>>) attributes {dimension_semantics = [#tpu.dimension_semantics<arbitrary>], iteration_bounds = array<i64: 1>, scalar_prefetch = 0 : i64, scratch_operands = 0 : i64, tpu.core_type = #tpu.core_type<tc>, window_params = [{transform_indices = @transform_0, window_bounds = array<i64: 10000, 128>}, {pipeline_mode = #tpu.pipeline_mode<synchronous>, transform_indices = @transform_1, window_bounds = array<i64: 2, 128>}, {pipeline_mode = #tpu.pipeline_mode<synchronous>, transform_indices = @transform_2, window_bounds = array<i64: 1, 128>}, {pipeline_mode = #tpu.pipeline_mode<synchronous>, transform_indices = @transform_3, window_bounds = array<i64: 1, 128>}, {transform_indices = @transform_4, window_bounds = array<i64: 10000, 128>}]} {
    %get3A = arith.constant 0 : index
    %get3A_0 = arith.constant 0 : index
    %get3A_1 = vector.load %arg2[%get3A, %get3A_0] : memref<2x128xf32, #tpu.memory_space<vmem>>, vector<1x128xf32>
    %mul3A = arith.constant 9.99999974E-5 : f32
    %mul3A_2 = vector.broadcast %mul3A : f32 to vector<1x128xf32>
    %mul3A_3 = arith.mulf %get3A_1, %mul3A_2 : vector<1x128xf32>
    %get3A_4 = arith.constant 1 : index
    %get3A_5 = arith.constant 0 : index
    %get3A_6 = vector.load %arg2[%get3A_4, %get3A_5] : memref<2x128xf32, #tpu.memory_space<vmem>>, vector<1x128xf32>
    %mul3A_7 = arith.constant 9.99999974E-5 : f32
    %mul3A_8 = vector.broadcast %mul3A_7 : f32 to vector<1x128xf32>
    %mul3A_9 = arith.mulf %get3A_6, %mul3A_8 : vector<1x128xf32>
    %mul3A_10 = arith.mulf %mul3A_3, %mul3A_3 : vector<1x128xf32>
    %sub3A = arith.subf %mul3A_9, %mul3A_10 : vector<1x128xf32>
    %get3A_11 = arith.constant 0 : index
    %get3A_12 = arith.constant 0 : index
    %get3A_13 = vector.load %arg3[%get3A_11, %get3A_12] : memref<1x128xf32, #tpu.memory_space<vmem>>, vector<1x128xf32>
    %add3A = arith.constant 9.99999974E-6 : f32
    %add3A_14 = vector.broadcast %add3A : f32 to vector<1x128xf32>
    %add3A_15 = arith.addf %sub3A, %add3A_14 : vector<1x128xf32>
    %rsqrt3A = math.rsqrt %add3A_15 : vector<1x128xf32>
    %mul3A_16 = arith.mulf %get3A_13, %rsqrt3A : vector<1x128xf32>
    %get3A_17 = arith.constant 0 : index
    %get3A_18 = arith.constant 0 : index
    %get3A_19 = vector.load %arg4[%get3A_17, %get3A_18] : memref<1x128xf32, #tpu.memory_space<vmem>>, vector<1x128xf32>
    %mul3A_20 = arith.mulf %mul3A_3, %mul3A_16 : vector<1x128xf32>
    %sub3A_21 = arith.subf %get3A_19, %mul3A_20 : vector<1x128xf32>
    %get3A_22 = arith.constant 0 : index
    %get3A_23 = arith.constant 0 : index
    %get3A_24 = vector.load %arg1[%get3A_22, %get3A_23] : memref<10000x128xf32, #tpu.memory_space<vmem>>, vector<10000x128xf32>
    %mul3A_25 = vector.broadcast %mul3A_16 : vector<1x128xf32> to vector<10000x128xf32>
    %mul3A_26 = arith.mulf %get3A_24, %mul3A_25 : vector<10000x128xf32>
    %add3A_27 = vector.broadcast %sub3A_21 : vector<1x128xf32> to vector<10000x128xf32>
    %add3A_28 = arith.addf %mul3A_26, %add3A_27 : vector<10000x128xf32>
    %max3A = arith.constant 0.000000e+00 : f32
    %max3A_29 = vector.broadcast %max3A : f32 to vector<10000x128xf32>
    %max3A_30 = arith.maximumf %add3A_28, %max3A_29 : vector<10000x128xf32>
    %swap3A = arith.constant 0 : index
    %swap3A_31 = arith.constant 0 : index
    %swap3A_32 = vector.load %arg5[%swap3A, %swap3A_31] : memref<10000x128xf32, #tpu.memory_space<vmem>>, vector<10000x128xf32>
    tpu.vector_store %arg5[%swap3A, %swap3A_31], %max3A_30 {strides = array<i32>} : memref<10000x128xf32, #tpu.memory_space<vmem>>, vector<10000x128xf32>,
    return
  }
  func.func @transform_0(%arg0: i32) -> (i32, i32) {
    %c0_i32 = arith.constant 0 : i32
    %c0_i32_0 = arith.constant 0 : i32
    return %arg0, %c0_i32 : i32, i32
  }
  func.func @transform_1(%arg0: i32) -> (i32, i32) {
    %c0_i32 = arith.constant 0 : i32
    %c0_i32_0 = arith.constant 0 : i32
    %c0_i32_1 = arith.constant 0 : i32
    return %c0_i32, %c0_i32_0 : i32, i32
  }
  func.func @transform_2(%arg0: i32) -> (i32, i32) {
    %c0_i32 = arith.constant 0 : i32
    %c0_i32_0 = arith.constant 0 : i32
    %c0_i32_1 = arith.constant 0 : i32
    return %c0_i32, %c0_i32_0 : i32, i32
  }
  func.func @transform_3(%arg0: i32) -> (i32, i32) {
    %c0_i32 = arith.constant 0 : i32
    %c0_i32_0 = arith.constant 0 : i32
    %c0_i32_1 = arith.constant 0 : i32
    return %c0_i32, %c0_i32_0 : i32, i32
  }
  func.func @transform_4(%arg0: i32) -> (i32, i32) {
    %c0_i32 = arith.constant 0 : i32
    %c0_i32_0 = arith.constant 0 : i32
    return %arg0, %c0_i32 : i32, i32
  }
}

module attributes {stable_mosaic.version = 14 : i64} {
  func.func @_k3_body(%arg0: i32, %arg1: memref<10000x128xf32, #tpu.memory_space<vmem>>, %arg2: memref<2x128xf32, #tpu.memory_space<vmem>>, %arg3: memref<1x128xf32, #tpu.memory_space<vmem>>, %arg4: memref<1x128xf32, #tpu.memory_space<vmem>>, %arg5: memref<10000x128xf32, #tpu.memory_space<vmem>>) attributes {dimension_semantics = [#tpu.dimension_semantics<arbitrary>], iteration_bounds = array<i64: 1>, scalar_prefetch = 0 : i64, scratch_operands = 0 : i64, tpu.core_type = #tpu.core_type<tc>, window_params = [{transform_indices = @transform_0, window_bounds = array<i64: 10000, 128>}, {pipeline_mode = #tpu.pipeline_mode<synchronous>, transform_indices = @transform_1, window_bounds = array<i64: 2, 128>}, {pipeline_mode = #tpu.pipeline_mode<synchronous>, transform_indices = @transform_2, window_bounds = array<i64: 1, 128>}, {pipeline_mode = #tpu.pipeline_mode<synchronous>, transform_indices = @transform_3, window_bounds = array<i64: 1, 128>}, {transform_indices = @transform_4, window_bounds = array<i64: 10000, 128>}]} {
    %get3A = arith.constant 0 : index
    %get3A_0 = arith.constant 0 : index
    %get3A_1 = vector.load %arg2[%get3A, %get3A_0] : memref<2x128xf32, #tpu.memory_space<vmem>>, vector<1x128xf32>
    %mul3A = arith.constant 9.99999974E-5 : f32
    %mul3A_2 = vector.broadcast %mul3A : f32 to vector<1x128xf32>
    %mul3A_3 = arith.mulf %get3A_1, %mul3A_2 : vector<1x128xf32>
    %get3A_4 = arith.constant 1 : index
    %get3A_5 = arith.constant 0 : index
    %get3A_6 = vector.load %arg2[%get3A_4, %get3A_5] : memref<2x128xf32, #tpu.memory_space<vmem>>, vector<1x128xf32>
    %mul3A_7 = arith.constant 9.99999974E-5 : f32
    %mul3A_8 = vector.broadcast %mul3A_7 : f32 to vector<1x128xf32>
    %mul3A_9 = arith.mulf %get3A_6, %mul3A_8 : vector<1x128xf32>
    %mul3A_10 = arith.mulf %mul3A_3, %mul3A_3 : vector<1x128xf32>
    %sub3A = arith.subf %mul3A_9, %mul3A_10 : vector<1x128xf32>
    %get3A_11 = arith.constant 0 : index
    %get3A_12 = arith.constant 0 : index
    %get3A_13 = vector.load %arg3[%get3A_11, %get3A_12] : memref<1x128xf32, #tpu.memory_space<vmem>>, vector<1x128xf32>
    %add3A = arith.constant 9.99999974E-6 : f32
    %add3A_14 = vector.broadcast %add3A : f32 to vector<1x128xf32>
    %add3A_15 = arith.addf %sub3A, %add3A_14 : vector<1x128xf32>
    %rsqrt3A = math.rsqrt %add3A_15 : vector<1x128xf32>
    %mul3A_16 = arith.mulf %get3A_13, %rsqrt3A : vector<1x128xf32>
    %get3A_17 = arith.constant 0 : index
    %get3A_18 = arith.constant 0 : index
    %get3A_19 = vector.load %arg4[%get3A_17, %get3A_18] : memref<1x128xf32, #tpu.memory_space<vmem>>, vector<1x128xf32>
    %mul3A_20 = arith.mulf %mul3A_3, %mul3A_16 : vector<1x128xf32>
    %sub3A_21 = arith.subf %get3A_19, %mul3A_20 : vector<1x128xf32>
    %get3A_22 = arith.constant 0 : index
    %get3A_23 = arith.constant 0 : index
    %get3A_24 = vector.load %arg1[%get3A_22, %get3A_23] : memref<10000x128xf32, #tpu.memory_space<vmem>>, vector<10000x128xf32>
    %mul3A_25 = vector.broadcast %mul3A_16 : vector<1x128xf32> to vector<10000x128xf32>
    %mul3A_26 = arith.mulf %get3A_24, %mul3A_25 : vector<10000x128xf32>
    %add3A_27 = vector.broadcast %sub3A_21 : vector<1x128xf32> to vector<10000x128xf32>
    %add3A_28 = arith.addf %mul3A_26, %add3A_27 : vector<10000x128xf32>
    %swap3A = arith.constant 0 : index
    %swap3A_29 = arith.constant 0 : index
    %swap3A_30 = vector.load %arg5[%swap3A, %swap3A_29] : memref<10000x128xf32, #tpu.memory_space<vmem>>, vector<10000x128xf32>
    tpu.vector_store %arg5[%swap3A, %swap3A_29], %add3A_28 {strides = array<i32>} : memref<10000x128xf32, #tpu.memory_space<vmem>>, vector<10000x128xf32>,
    return
  }
  func.func @transform_0(%arg0: i32) -> (i32, i32) {
    %c0_i32 = arith.constant 0 : i32
    %c0_i32_0 = arith.constant 0 : i32
    return %arg0, %c0_i32 : i32, i32
  }
  func.func @transform_1(%arg0: i32) -> (i32, i32) {
    %c0_i32 = arith.constant 0 : i32
    %c0_i32_0 = arith.constant 0 : i32
    %c0_i32_1 = arith.constant 0 : i32
    return %c0_i32, %c0_i32_0 : i32, i32
  }
  func.func @transform_2(%arg0: i32) -> (i32, i32) {
    %c0_i32 = arith.constant 0 : i32
    %c0_i32_0 = arith.constant 0 : i32
    %c0_i32_1 = arith.constant 0 : i32
    return %c0_i32, %c0_i32_0 : i32, i32
  }
  func.func @transform_3(%arg0: i32) -> (i32, i32) {
    %c0_i32 = arith.constant 0 : i32
    %c0_i32_0 = arith.constant 0 : i32
    %c0_i32_1 = arith.constant 0 : i32
    return %c0_i32, %c0_i32_0 : i32, i32
  }
  func.func @transform_4(%arg0: i32) -> (i32, i32) {
    %c0_i32 = arith.constant 0 : i32
    %c0_i32_0 = arith.constant 0 : i32
    return %arg0, %c0_i32 : i32, i32
  }
}

</mosaic_0001>

<sc_bundles>
// kernel: kernel.15.cloned.1.call-start
scs
__scs_entry_jumppad:
0x0: {  	(pc) =	sbr.rel $0x88, $3  }
0x1: {  	(tag) =	ssettag $0x0;
	lr =	simm.s32 $0x1  }
0x2: {  	[smem:$0x3F94] =	sst lr;
	_ =	strace $0xD0000000  }
0x3: {  	_ = 	snop  }
0x4: {  	_ = 	snop  }
0x5: {  	_ = 	snop  }
0x6: {  	_ = 	snop  }
0x7: {  	_ = 	snop  }
__scs_overlays_trampoline_lowered:
0x8: {  	[smem:$0x3FA3] =	sst s0  }
0x9: {  	[smem:$0x3FA4] =	sst s1  }
0xa: {  	[smem:$0x3FA5] =	sst s2  }
0xb: {  	[smem:$0x3FA6] =	sst s3  }
0xc: {  	[smem:$0x3FA7] =	sst s4  }
0xd: {  	[smem:$0x3FA8] =	sst s5  }
0xe: {  	[smem:$0x3FA9] =	sst s6  }
0xf: {  	[smem:$0x3FAA] =	sst s7  }
0x10: {  	[smem:$0x3FAB] =	sst s8  }
0x11: {  	[smem:$0x3FAC] =	sst s9;
	s0 =	simm.s32 @!p0 $0x0  }
0x12: {  	s1 =	sld [smem:$0x3F92];
	s0 =	simm.s32 @p0 $0x1  }
0x13: {  	[smem:$0x3FAD] =	sst s0;
	s0 =	simm.s32 @!p1 $0x0  }
0x14: {  	s2 =	sld [smem:$0x3F91];
	s0 =	simm.s32 @p1 $0x1  }
0x15: {  	[smem:$0x3FAE] =	sst s0;
	s0 =	simm.s32 @!p2 $0x0  }
0x16: {  	s3 =	sld [smem:$0x3FDB];
	s0 =	simm.s32 @p2 $0x1  }
0x17: {  	s4 =	simm.s32 $0x1BF5;
	[smem:$0x3FB0] =	sst s0  }
0x18: {  	s0 =	sld [smem:$0x3F93];
	_ =	swait.ge [sflag:s4], $0x0  }
0x19: {  	s7 =	sld [smem:$0x3F94]  }
0x1a: {  	s8 =	sadd.s32 $0xFFFFE003, lr  }
0x1b: {  	s9 =	sadd.s32 $0xFFFFFEF7, lr;
	s5 =	simm.s32 $0xFFFFFFFF;
	p2 =	slt.u32 s8, $0xFFFFF086  }
0x1c: {  	p1 =	slt.u32 s9, $0xF7A;
	s5 =	simm.s32 @!p2 $0x0  }
0x1d: {  	s5 =	simm.s32 @p1 $0x1;
	p0 =	seq.s32 s7, s2  }
0x1e: {  	s7 =	smul.u32 @!p0 $0xF7A, s2;
	p2 =	seq.s32 @!p0 s5, $0x0  }
0x1f: {  	s9 =	smul.u32 $0xF7A, s1;
	s8 =	simm.s32 @!p0 $0x1BF5;
	p2 =	por !p2, p0  }
0x20: {  	[sflag:s8] =	ssyncset.s32 @!p0 $0xFFFFF086;
	s6 =	sadd.s32 @!p0 s3, s7;
	s7 =	simm.s32 @!p0 $0x108  }
0x21: {  	s3 =	sadd.s32 s3, s9;
	s6 =	sadd.s32 @!p0 $0x88, s6;
	s7 =	simm.s32 @p2 $0x1082  }
0x22: {  	[simem:s7], [sflag:s8] =	dma.local @!p0 [hbm:s6], $0xF7A  }
0x23: {  	s9 =	sor.u32 $0xD0000000, s2;
	s6 =	simm.s32 $0x108;
	_ =	swait.ge @!p0 [sflag:s8], $0x0  }
0x24: {  	s3 =	sadd.s32 $0x88, s3;
	s6 =	simm.s32 @!p1 $0x1082;
	[sflag:s4] =	ssyncset.s32 $0xFFFFF086  }
0x25: {  	[simem:s6], [sflag:s4] =	dma.local [hbm:s3], $0xF7A  }
0x26: {  	[smem:$0x3F94] =	sst s1;
	(tag) =	ssettag s2;
	_ =	strace s9  }
0x27: {  	s1 =	sld [smem:$0x3FA4]  }
0x28: {  	s2 =	sld [smem:$0x3FA5]  }
0x29: {  	s4 =	sld [smem:$0x3FA7]  }
0x2a: {  	p0 =	seq.s32 s5, $0x0;
	s5 =	sld [smem:$0x3FA8]  }
0x2b: {  	s6 =	sld [smem:$0x3FA9]  }
0x2c: {  	s7 =	sld [smem:$0x3FAA]  }
0x2d: {  	s3 =	simm.s32 $0x108;
	s8 =	sld [smem:$0x3FAB]  }
0x2e: {  	s3 =	simm.s32 @!p0 $0x1082;
	s9 =	sld [smem:$0x3FAC]  }
0x2f: {  	lr =	sadd.s32 s0, s3;
	s0 =	sld [smem:$0x3FA3]  }
0x30: {  	s3 =	sld [smem:$0x3FA6]  }
0x31: {  	[smem:$0x3FAF] =	sst s10  }
0x32: {  	s10 =	sld [smem:$0x3FAD];
	_ =	sdelay $0x3  }
0x33: {  	p0 =	seq.s32 s10, $0x1;
	s10 =	sld [smem:$0x3FAF];
	_ =	sdelay $0x3  }
0x34: {  	[smem:$0x3FAF] =	sst s10  }
0x35: {  	s10 =	sld [smem:$0x3FAE];
	_ =	sdelay $0x3  }
0x36: {  	p1 =	seq.s32 s10, $0x1;
	s10 =	sld [smem:$0x3FAF];
	_ =	sdelay $0x3  }
0x37: {  	[smem:$0x3FAF] =	sst s10  }
0x38: {  	s10 =	sld [smem:$0x3FB0]  }
0x39: {  	_ = 	snop;
	(pc) =	sbr.ind lr, $3  }
0x3a: {  	_ = 	snop  }
0x3b: {  	_ = 	snop  }
0x3c: {  	p2 =	seq.s32 s10, $0x1;
	s10 =	sld [smem:$0x3FAF]  }
0x3d: {  	_ =	shalt  }
0x3e: {  	_ =	shalt  }
0x3f: {  	_ =	shalt  }
0x40: {  	_ =	shalt  }
0x41: {  	_ =	shalt  }
0x42: {  	_ =	shalt  }
0x43: {  	_ =	shalt  }
0x44: {  	_ =	shalt  }
0x45: {  	_ =	shalt  }
0x46: {  	_ =	shalt  }
0x47: {  	_ =	shalt  }
0x48: {  	_ =	shalt  }
0x49: {  	_ =	shalt  }
0x4a: {  	_ =	shalt  }
0x4b: {  	_ =	shalt  }
0x4c: {  	_ =	shalt  }
0x4d: {  	_ =	shalt  }
0x4e: {  	_ =	shalt  }
0x4f: {  	_ =	shalt  }
0x50: {  	_ =	shalt  }
0x51: {  	_ =	shalt  }
0x52: {  	_ =	shalt  }
0x53: {  	_ =	shalt  }
0x54: {  	_ =	shalt  }
0x55: {  	_ =	shalt  }
0x56: {  	_ =	shalt  }
0x57: {  	_ =	shalt  }
0x58: {  	_ =	shalt  }
0x59: {  	_ =	shalt  }
0x5a: {  	_ =	shalt  }
0x5b: {  	_ =	shalt  }
0x5c: {  	_ =	shalt  }
0x5d: {  	_ =	shalt  }
0x5e: {  	_ =	shalt  }
0x5f: {  	_ =	shalt  }
0x60: {  	_ =	shalt  }
0x61: {  	_ =	shalt  }
0x62: {  	_ =	shalt  }
0x63: {  	_ =	shalt  }
0x64: {  	_ =	shalt  }
0x65: {  	_ =	shalt  }
0x66: {  	_ =	shalt  }
0x67: {  	_ =	shalt  }
0x68: {  	_ =	shalt  }
0x69: {  	_ =	shalt  }
0x6a: {  	_ =	shalt  }
0x6b: {  	_ =	shalt  }
0x6c: {  	_ =	shalt  }
0x6d: {  	_ =	shalt  }
0x6e: {  	_ =	shalt  }
0x6f: {  	_ =	shalt  }
0x70: {  	_ =	shalt  }
0x71: {  	_ =	shalt  }
0x72: {  	_ =	shalt  }
0x73: {  	_ =	shalt  }
0x74: {  	_ =	shalt  }
0x75: {  	_ =	shalt  }
0x76: {  	_ =	shalt  }
0x77: {  	_ =	shalt  }
0x78: {  	_ =	shalt  }
0x79: {  	_ =	shalt  }
0x7a: {  	_ =	shalt  }
0x7b: {  	_ =	shalt  }
0x7c: {  	_ =	shalt  }
0x7d: {  	_ =	shalt  }
0x7e: {  	_ =	shalt  }
0x7f: {  	_ =	shalt  }
0x80: {  	_ =	shalt  }
0x81: {  	_ =	shalt  }
0x82: {  	_ =	shalt  }
0x83: {  	_ =	shalt  }
0x84: {  	_ =	shalt  }
0x85: {  	_ =	shalt  }
0x86: {  	_ =	shalt  }
0x87: {  	_ =	shalt  }
.Lfunc_end0:
.L_simem_size_0:
called_computation_lowered:
.L_overlay_start_0:
0x88: {  	s2 =	sld [smem:$0x3FD9]  }
0x89: {  	s3 =	sld [smem:$0x3FFE];
	_ =	sdelay $0x1  }
0x8a: {  	s1 =	srdreg.scid  }
0x8b: {  	s0 =	sand.u32 $0x1, s1  }
0x8c: {  	s17 =	sshll.u32 s0, $0xA;
	s2 =	sadd.s32 s3, s2  }
0x8d: {  	s2 =	sadd.s32 s2, s17  }
0x8e: {  	[smem:$0x3FBB] =	sst s2  }
0x8f: {  	_ = 	snop  }
0x90: {  	s2 =	sld [smem:$0x3FD0];
	(tm) =	ssettm $0x1  }
0x91: {  	s18 =	sld [smem:$0x3FFB];
	_ =	sdelay $0x3  }
0x92: {  	_ =	strace s18  }
0x93: {  	s3 =	sld [smem:$0x3FFC];
	_ =	sdelay $0x3  }
0x94: {  	_ =	strace s3  }
0x95: {  	s3 =	sld [smem:$0x3FFD];
	_ =	sdelay $0x3  }
0x96: {  	_ =	strace s3  }
0x97: {  	_ =	strace $0x8FFFFFFF  }
0x98: {  	s19 =	sld [smem:$0x3FDB];
	_ =	sdelay $0x1  }
0x99: {  	s4 =	simm.s32 $_scs_section_size  }
0x9a: {  	s5 =	simm.s32 $_size__tile_overlayer_lowered;
	s6 =	simm.s32 $_tile_overlayer_lowered  }
0x9b: {  	s22 =	simm.s32 $0x1BFF;
	s21 =	sshll.u32 s6, $0x1;
	s3 =	sadd.s32 s4, s19  }
0x9c: {  	s7 =	simm.s32 $0x0;
	s20 =	sshll.u32 s5, $0x1;
	s5 =	sadd.s32 s21, s3  }
0x9d: {  	[timem:s7], [sflag:s22] =	dma.local [hbm:s5], s20  }
0x9e: {  	_ =	swait.ge [sflag:s22], s20  }
0x9f: {  	s4 =	ssub.s32 $0x0, s20;
	[sflag:s22] =	ssyncset.done $0x0  }
0xa0: {  	[sflag:s22] =	ssyncadd.s32 s4;
	_ =	sdelay $0x1  }
0xa1: {  	s23 =	simm.s32 $0x1B8B  }
0xa2: {  	_ =	swait.ge [sflag:s23], $0x1  }
0xa3: {  	[sflag:s23] =	ssyncset.done $0x0  }
0xa4: {  	s25 =	simm.s32 $0x1B8E;
	s24 =	sld [smem:$0x3FFE];
	[sflag:s23] =	ssyncadd.s32 $0xFFFFFFFF  }
0xa5: {  	s26 =	simm.s32 $execute0_lowered;
	[smem:$0x3FD2] =	sst s25  }
0xa6: {  	s5 =	sshll.u32 s26, $0x1;
	_ =	strace $0x80000046;
	[dreg:$0x1] =	wrdreg $0xFFFFFFFF  }
0xa7: {  	s28 =	simm.s32 $_size_execute0_lowered;
	s3 =	sadd.s32 s3, s5;
	[dreg:$0x0] =	wrdreg $0x0  }
0xa8: {  	s5 =	sshll.u32 s28, $0x1;
	[dreg:$0x2] =	wrdreg s3  }
0xa9: {  	[dreg:$0x3] =	wrdreg s5  }
0xaa: {  	[dreg:$0x4] =	wrdreg $0xC0  }
0xab: {  	_ =	task [dreg:s7], $0x5FFFF  }
0xac: {  	[dreg:$0x1] =	wrdreg $0xFFFFFFFF  }
0xad: {  	[dreg:$0x0] =	wrdreg $0x60  }
0xae: {  	[dreg:$0x2] =	wrdreg s2  }
0xaf: {  	[dreg:$0x3] =	wrdreg s24  }
0xb0: {  	[dreg:$0x4] =	wrdreg $0x98000  }
0xb1: {  	[dreg:$0x5] =	wrdreg $0x9  }
0xb2: {  	_ =	task.clear_ibuf [dreg:s7], $0x6FFFF;
	_ =	strace $0x90000046  }
0xb3: {  	s29 =	simm.s32 $0x9;
	_ =	strace $0x80000048  }
0xb4: {  	_ =	swait.ge [sflag:s29], $0x1  }
0xb5: {  	[sflag:s29] =	ssyncadd.s32 $0xFFFFFFFF  }
0xb6: {  	_ =	strace $0x90000048  }
0xb7: {  	_ =	sfence  }
0xb8: {  	s30 =	sld [smem:$0x0];
	_ =	sdelay $0x2  }
0xb9: {  	s31 =	sshll.u32 s1, $0xD;
	s1 =	sshrl.u32 s1, $0x2  }
0xba: {  	s3 =	sand.u32 $0x4000, s31;
	s1 =	sadd.s32 s1, s30  }
0xbb: {  	s0 =	sor.u32 s3, s0;
	s1 =	sshll.u32 s1, $0x11  }
0xbc: {  	s0 =	sor.u32 s1, s0  }
0xbd: {  	s0 =	sadd.s32 $0x8F2B, s0  }
0xbe: {  	[sflag:s0] =	ssyncadd.remote.s32 $0x1  }
0xbf: {  	_ =	sfence.sel $0xFFFF  }
0xc0: {  	[dreg:$0x0] =	wrdreg $0xFFFFFFFF;
	(pc) =	sbr.abs _section_cstart, $3  }
0xc1: {  	[dreg:$0x1] =	wrdreg $0xFFFFFFFF  }
0xc2: {  	_ =	task.clear_ibuf [dreg:s7], $0x2FFFF;
	_ =	strace $0x9FFFFFFF  }
0xc3: {  	(tm) =	ssettm $0x7FFFFFFF  }
tec
execute0_lowered:
.L_overlay_start_1:
0x0: {  	(tag) =	ssettag $0x1  }
0x1: {  	s0 =	srdreg.scid;
	s8 =	stileid.u32  }
0x2: {  	s0 =	sand.u32 $0x1, s0;
	s1 =	smul.u32 $0xA000, s8  }
0x3: {  	s2 =	rddreg [dreg:$0x0];
	s4 =	smul.u32 $0x5000, s0  }
0x4: {  	s5 =	rddreg [dreg:$0x1]  }
0x5: {  	s3 =	rddreg [dreg:$0x2];
	s1 =	sadd.s32 s4, s1;
	s4 =	simm.s32 $0x0  }
0x6: {  	s21 =	simm.s32 $0x80;
	[smem:$0x7FF] =	sst s4  }
0x7: {  	s22 =	simm.s32 $0x100;
	_ =	strace $0x80000047;
	[dreg:$0x6] =	wrdreg s21  }
0x8: {  	s23 =	simm.s32 $0x180;
	[dreg:$0x7] =	wrdreg s22  }
0x9: {  	s24 =	simm.s32 $0x1080;
	[dreg:$0x8] =	wrdreg s23  }
0xa: {  	s26 =	simm.s32 $0x200;
	[dreg:$0x9] =	wrdreg s24  }
0xb: {  	s9 =	simm.s32 $0x1100;
	[dreg:$0xa] =	wrdreg s26  }
0xc: {  	s10 =	simm.s32 $0x280;
	[dreg:$0xb] =	wrdreg s9  }
0xd: {  	s11 =	simm.s32 $0x1180;
	[dreg:$0xc] =	wrdreg s10  }
0xe: {  	s12 =	simm.s32 $0x300;
	[dreg:$0xd] =	wrdreg s11  }
0xf: {  	s13 =	simm.s32 $0x1200;
	[dreg:$0xe] =	wrdreg s12  }
0x10: {  	s14 =	simm.s32 $0x380;
	s16 =	simm.s32 $0x1280;
	[dreg:$0xf] =	wrdreg s13  }
0x11: {  	s18 =	simm.s32 $0x400;
	s19 =	simm.s32 $0x1300;
	[dreg:$0x10] =	wrdreg s14  }
0x12: {  	s25 =	smul.u32 $0x140000, s0;
	s0 =	ssub.s32 $0x2, s0;
	[dreg:$0x11] =	wrdreg s16  }
0x13: {  	s17 =	smul.u32 $0x50000, s8;
	s15 =	sshrl.u32 s0, $0x1;
	[dreg:$0x12] =	wrdreg s18  }
0x14: {  	s0 =	ssub.s32 s0, s15;
	s15 =	simm.s32 $0x1500;
	[dreg:$0x13] =	wrdreg s19  }
0x15: {  	s0 =	smax.u32 s0, $0x1;
	[dreg:$0x1b] =	wrdreg s15  }
0x16: {  	s20 =	sshrl.u32 s17, $0x2;
	s17 =	simm.s32 $0x1580;
	[smem:$0x7F6] =	sst s0  }
0x17: {  	s21 =	simm.s32 $0x480;
	[dreg:$0x1d] =	wrdreg s17  }
0x18: {  	s22 =	simm.s32 $0x1380;
	[dreg:$0x14] =	wrdreg s21  }
0x19: {  	s28 =	simm.s32 $0xA00;
	s24 =	simm.s32 $0x500;
	[dreg:$0x15] =	wrdreg s22  }
0x1a: {  	s29 =	simm.s32 $0x1900;
	s26 =	simm.s32 $0x1400;
	[dreg:$0x16] =	wrdreg s24  }
0x1b: {  	s30 =	simm.s32 $0xA80;
	s9 =	simm.s32 $0x580;
	[dreg:$0x17] =	wrdreg s26  }
0x1c: {  	s31 =	simm.s32 $0x1980;
	s11 =	simm.s32 $0x1480;
	[dreg:$0x18] =	wrdreg s9  }
0x1d: {  	s7 =	smul.u32 $0x14000, s8;
	s13 =	simm.s32 $0x600;
	[dreg:$0x19] =	wrdreg s11  }
0x1e: {  	s1 =	sshrl.u32 s1, $0x3;
	s16 =	simm.s32 $0x680;
	[dreg:$0x1a] =	wrdreg s13  }
0x1f: {  	s1 =	sadd.s32 s1, s5;
	s18 =	simm.s32 $0x700;
	[dreg:$0x1c] =	wrdreg s16  }
0x20: {  	s15 =	simm.s32 $0x2000;
	s19 =	simm.s32 $0x1600;
	[dreg:$0x1e] =	wrdreg s18  }
0x21: {  	s17 =	simm.s32 $0x1000;
	s6 =	sadd.s32 $0x18600, s1;
	[dreg:$0x1f] =	wrdreg s19  }
0x22: {  	s0 =	simm.s32 $0x1A00;
	s1 =	sadd.s32 $0x4600, s1;
	[dreg:$0x4] =	wrdreg s6  }
0x23: {  	s16 =	simm.s32 $0x4;
	s21 =	simm.s32 $0x1680;
	[dreg:$0x5] =	wrdreg s1  }
0x24: {  	s18 =	simm.s32 $0x50;
	s22 =	simm.s32 $0x800;
	[smem:$0x7F8] =	sst s21  }
0x25: {  	s24 =	simm.s32 $0x880;
	s6 =	sadd.s32 s7, s25;
	[smem:$0x7F9] =	sst s22  }
0x26: {  	s26 =	simm.s32 $0x900;
	[smem:$0x7FB] =	sst s24;
	s6 =	sshrl.u32 s6, $0x3  }
0x27: {  	[smem:$0x7FD] =	sst s26;
	s5 =	sadd.s32 s6, s5;
	s6 =	sadd.s32 s20, s3  }
0x28: {  	s19 =	simm.s32 $0x4800;
	s20 =	simm.s32 $0x780;
	[smem:$0x7F3] =	sst s6  }
0x29: {  	s9 =	simm.s32 $0x1B00;
	s23 =	sadd.s32 $0x2800, s6;
	[smem:$0x7F7] =	sst s20  }
0x2a: {  	s11 =	simm.s32 $0x1C00;
	s25 =	sadd.s32 $0x5000, s6;
	[smem:$0x7ED] =	sst s23  }
0x2b: {  	s21 =	simm.s32 $0x1;
	s8 =	sadd.s32 $0x7800, s6;
	[smem:$0x7EE] =	sst s25  }
0x2c: {  	s22 =	simm.s32 $0x2;
	s10 =	sadd.s32 $0xA000, s6;
	[smem:$0x7EF] =	sst s8  }
0x2d: {  	s24 =	simm.s32 $0x1800;
	s12 =	sadd.s32 $0xC800, s6;
	[smem:$0x7F0] =	sst s10  }
0x2e: {  	s26 =	simm.s32 $0x1880;
	s14 =	sadd.s32 $0xF000, s6;
	[smem:$0x7F1] =	sst s12  }
0x2f: {  	s1 =	simm.s32 $0xB00;
	s6 =	sadd.s32 $0x11800, s6;
	[smem:$0x7F2] =	sst s14  }
0x30: {  	s7 =	simm.s32 $0x1A80;
	s5 =	sadd.s32 $0x2C600, s5;
	[smem:$0x7F4] =	sst s6  }
0x31: {  	s20 =	simm.s32 $0x7000;
	[smem:$0x7F5] =	sst s5;
	s23 =	simm.s32 $0x1700  }
0x32: {  	s25 =	simm.s32 $0x1780;
	s6 =	simm.s32 $0xB80;
	s8 =	simm.s32 $0xC00  }
0x33: {  	s10 =	simm.s32 $0x1B80;
	s12 =	simm.s32 $0x0;
	[smem:$0x7FA] =	sst s23  }
0x34: {  	v0 =	vimm.f32 $0.0e+00;
	[smem:$0x7FC] =	sst s25;
	s23 =	simm.s32 $0x3;
	s25 =	simm.s32 $0x980  }
.LBB2_1:
0x35: {  	s13 =	simm.s32 $0x0;
	s14 =	simm.s32 $0x200  }
.LBB2_2:
0x36: {  	p0 =	sne.s32 s14, $0x9E00;
	[tilespmem:s13+$0x2070] =	vst v0  }
0x37: {  	[tilespmem:s13+$0x2000] =	vst v0  }
0x38: {  	[tilespmem:s13+$0x2010] =	vst v0  }
.Ltmp0:
0x39: {  	[tilespmem:s13+$0x2020] =	vst v0;
	(pc) =	sbr.rel @p0 .LBB2_2-.Ltmp0, $4  }
0x3a: {  	[tilespmem:s13+$0x2030] =	vst v0  }
0x3b: {  	[tilespmem:s13+$0x2040] =	vst v0  }
0x3c: {  	[tilespmem:s13+$0x2050] =	vst v0  }
0x3d: {  	[tilespmem:s13+$0x2060] =	vst v0;
	s13 =	sshra.s32 s14, $0x2;
	s14 =	sadd.s32 $0x200, s14  }
0x3e: {  	[tilespmem:s13+$0x2070] =	vst v0  }
0x3f: {  	[tilespmem:s13+$0x2000] =	vst v0  }
0x40: {  	[tilespmem:s13+$0x2010] =	vst v0  }
0x41: {  	[tilespmem:s13+$0x2020] =	vst v0  }
0x42: {  	[tilespmem:s13+$0x2030] =	vst v0  }
0x43: {  	[tilespmem:s13+$0x2040] =	vst v0;
	s5 =	sld [smem:$0x7F3]  }
0x44: {  	[tilespmem:s13+$0x2050] =	vst v0  }
0x45: {  	[smem:$0x7EC] =	sst s12;
	[tilespmem:s13+$0x2060] =	vst v0  }
0x46: {  	[spmem:s5] =	stream.linear.scatter [tilespmem:s15], [sflag:$0x4], $0x2800, $0x38;
	[tilespmem:$0x1D800] =	vst v63  }
0x47: {  	_ =	swait.ge [sflag:s16], $0x2800  }
0x48: {  	s14 =	sld [smem:$0x7ED]  }
0x49: {  	[sflag:s16] =	ssyncset.done $0x0  }
0x4a: {  	[sflag:s16] =	ssyncadd.s32 $0xFFFFD800  }
0x4b: {  	[spmem:s14] =	stream.linear.scatter [tilespmem:s15], [sflag:$0x4], $0x2800, $0x38;
	[tilespmem:$0x1D800] =	vst v63  }
0x4c: {  	_ =	swait.ge [sflag:s16], $0x2800  }
0x4d: {  	s12 =	sld [smem:$0x7EE]  }
0x4e: {  	[sflag:s16] =	ssyncset.done $0x0  }
0x4f: {  	[sflag:s16] =	ssyncadd.s32 $0xFFFFD800  }
0x50: {  	[spmem:s12] =	stream.linear.scatter [tilespmem:s15], [sflag:$0x4], $0x2800, $0x38;
	[tilespmem:$0x1D800] =	vst v63  }
0x51: {  	_ =	swait.ge [sflag:s16], $0x2800  }
0x52: {  	s13 =	sld [smem:$0x7EF]  }
0x53: {  	[sflag:s16] =	ssyncset.done $0x0  }
0x54: {  	[sflag:s16] =	ssyncadd.s32 $0xFFFFD800  }
0x55: {  	[spmem:s13] =	stream.linear.scatter [tilespmem:s15], [sflag:$0x4], $0x2800, $0x38;
	[tilespmem:$0x1D800] =	vst v63  }
0x56: {  	_ =	swait.ge [sflag:s16], $0x2800  }
0x57: {  	s14 =	sld [smem:$0x7F0]  }
0x58: {  	[sflag:s16] =	ssyncset.done $0x0  }
0x59: {  	[sflag:s16] =	ssyncadd.s32 $0xFFFFD800  }
0x5a: {  	[spmem:s14] =	stream.linear.scatter [tilespmem:s15], [sflag:$0x4], $0x2800, $0x38;
	[tilespmem:$0x1D800] =	vst v63  }
0x5b: {  	_ =	swait.ge [sflag:s16], $0x2800  }
0x5c: {  	s12 =	sld [smem:$0x7F1]  }
0x5d: {  	[sflag:s16] =	ssyncset.done $0x0  }
0x5e: {  	[sflag:s16] =	ssyncadd.s32 $0xFFFFD800  }
0x5f: {  	[spmem:s12] =	stream.linear.scatter [tilespmem:s15], [sflag:$0x4], $0x2800, $0x38;
	[tilespmem:$0x1D800] =	vst v63  }
0x60: {  	_ =	swait.ge [sflag:s16], $0x2800  }
0x61: {  	s13 =	sld [smem:$0x7F2]  }
0x62: {  	[sflag:s16] =	ssyncset.done $0x0  }
0x63: {  	[sflag:s16] =	ssyncadd.s32 $0xFFFFD800  }
0x64: {  	[spmem:s13] =	stream.linear.scatter [tilespmem:s15], [sflag:$0x4], $0x2800, $0x38;
	[tilespmem:$0x1D800] =	vst v63  }
0x65: {  	_ =	swait.ge [sflag:s16], $0x2800  }
0x66: {  	s14 =	sld [smem:$0x7F4]  }
0x67: {  	[sflag:s16] =	ssyncset.done $0x0  }
0x68: {  	[sflag:s16] =	ssyncadd.s32 $0xFFFFD800  }
0x69: {  	[spmem:s14] =	stream.linear.scatter [tilespmem:s15], [sflag:$0x4], $0x2800, $0x38;
	[tilespmem:$0x1D800] =	vst v63  }
0x6a: {  	_ =	swait.ge [sflag:s16], $0x2800  }
0x6b: {  	[sflag:s16] =	ssyncset.done $0x0  }
0x6c: {  	[sflag:s16] =	ssyncadd.s32 $0xFFFFD800  }
0x6d: {  	[bflag:$0x0] =	sbarrier.arrive $0xFFFF  }
0x6e: {  	s12 =	rddreg [dreg:$0x5]  }
0x6f: {  	s5 =	sadd.s32 $0x0, s12  }
0x70: {  	[tilespmem:s4], [sflag:$0x4] =	stream.linear.gather [hbm4b:s5+s4], $0xC80, $0x38;
	[tilespmem:$0x1D800] =	vst v63  }
0x71: {  	_ =	swait.ge [sflag:s16], $0xC80  }
0x72: {  	s13 =	rddreg [dreg:$0x4];
	[sflag:s16] =	ssyncset.done $0x0  }
0x73: {  	[sflag:s16] =	ssyncadd.s32 $0xFFFFF380;
	s5 =	sadd.s32 $0x0, s13  }
0x74: {  	[tilespmem:s17], [sflag:$0x4] =	stream.linear.gather [hbm4b:s5+s4], $0xC80, $0x38;
	[tilespmem:$0x1D800] =	vst v63  }
0x75: {  	_ =	swait.ge [sflag:s16], $0xC80  }
0x76: {  	[sflag:s16] =	ssyncset.done $0x0  }
0x77: {  	[sflag:s16] =	ssyncadd.s32 $0xFFFFF380  }
0x78: {  	[tilespmem:s15], [sflag:$0x1] =	stream.indirect.gather [hbm4b:s2+s18], $0x80, s4, s18, $0xb8;
	[tilespmem:$0x1D800] =	vst v63  }
0x79: {  	s14 =	rddreg [dreg:$0x6]  }
0x7a: {  	[tilespmem:s19], [sflag:$0x2] =	stream.indirect.gather [hbm4b:s2+s18], $0x80, s14, s18, $0xb8;
	[tilespmem:$0x1D800] =	vst v63  }
0x7b: {  	s12 =	rddreg [dreg:$0x7]  }
0x7c: {  	[tilespmem:s20], [sflag:$0x3] =	stream.indirect.gather [hbm4b:s2+s18], $0x80, s12, s18, $0xb8;
	[tilespmem:$0x1D800] =	vst v63  }
0x7d: {  	_ =	swait.ge [sflag:s21], $0x2800  }
0x7e: {  	[sflag:s21] =	ssyncset.done $0x0  }
0x7f: {  	[sflag:s21] =	ssyncadd.s32 $0xFFFFD800  }
0x80: {  	[spmem:s3] =	stream.indirect.scatter.add.f32 [tilespmem:s15], [sflag:$0x4], $0x80, s17, s18, $0xb8;
	[tilespmem:$0x1D800] =	vst v63  }
0x81: {  	_ =	swait.ge [sflag:s16], $0x2800  }
0x82: {  	[sflag:s16] =	ssyncset.done $0x0  }
0x83: {  	s14 =	rddreg [dreg:$0x8];
	[sflag:s16] =	ssyncadd.s32 $0xFFFFD800  }
0x84: {  	[tilespmem:s15], [sflag:$0x1] =	stream.indirect.gather [hbm4b:s2+s18], $0x80, s14, s18, $0xb8;
	[tilespmem:$0x1D800] =	vst v63  }
0x85: {  	_ =	swait.ge [sflag:s22], $0x2800  }
0x86: {  	[sflag:s22] =	ssyncset.done $0x0  }
0x87: {  	s12 =	rddreg [dreg:$0x9];
	[sflag:s22] =	ssyncadd.s32 $0xFFFFD800  }
0x88: {  	[spmem:s3] =	stream.indirect.scatter.add.f32 [tilespmem:s19], [sflag:$0x4], $0x80, s12, s18, $0xb8;
	[tilespmem:$0x1D800] =	vst v63  }
0x89: {  	_ =	swait.ge [sflag:s16], $0x2800  }
0x8a: {  	[sflag:s16] =	ssyncset.done $0x0  }
0x8b: {  	s13 =	rddreg [dreg:$0xa];
	[sflag:s16] =	ssyncadd.s32 $0xFFFFD800  }
0x8c: {  	[tilespmem:s19], [sflag:$0x2] =	stream.indirect.gather [hbm4b:s2+s18], $0x80, s13, s18, $0xb8;
	[tilespmem:$0x1D800] =	vst v63  }
0x8d: {  	_ =	swait.ge [sflag:s23], $0x2800  }
0x8e: {  	[sflag:s23] =	ssyncset.done $0x0  }
0x8f: {  	s14 =	rddreg [dreg:$0xb];
	[sflag:s23] =	ssyncadd.s32 $0xFFFFD800  }
0x90: {  	[spmem:s3] =	stream.indirect.scatter.add.f32 [tilespmem:s20], [sflag:$0x4], $0x80, s14, s18, $0xb8;
	[tilespmem:$0x1D800] =	vst v63  }
0x91: {  	_ =	swait.ge [sflag:s16], $0x2800  }
0x92: {  	[sflag:s16] =	ssyncset.done $0x0  }
0x93: {  	s12 =	rddreg [dreg:$0xc];
	[sflag:s16] =	ssyncadd.s32 $0xFFFFD800  }
0x94: {  	[tilespmem:s20], [sflag:$0x3] =	stream.indirect.gather [hbm4b:s2+s18], $0x80, s12, s18, $0xb8;
	[tilespmem:$0x1D800] =	vst v63  }
0x95: {  	_ =	swait.ge [sflag:s21], $0x2800  }
0x96: {  	[sflag:s21] =	ssyncset.done $0x0  }
0x97: {  	s13 =	rddreg [dreg:$0xd];
	[sflag:s21] =	ssyncadd.s32 $0xFFFFD800  }
0x98: {  	[spmem:s3] =	stream.indirect.scatter.add.f32 [tilespmem:s15], [sflag:$0x4], $0x80, s13, s18, $0xb8;
	[tilespmem:$0x1D800] =	vst v63  }
0x99: {  	_ =	swait.ge [sflag:s16], $0x2800  }
0x9a: {  	[sflag:s16] =	ssyncset.done $0x0  }
0x9b: {  	s14 =	rddreg [dreg:$0xe];
	[sflag:s16] =	ssyncadd.s32 $0xFFFFD800  }
0x9c: {  	[tilespmem:s15], [sflag:$0x1] =	stream.indirect.gather [hbm4b:s2+s18], $0x80, s14, s18, $0xb8;
	[tilespmem:$0x1D800] =	vst v63  }
0x9d: {  	_ =	swait.ge [sflag:s22], $0x2800  }
0x9e: {  	[sflag:s22] =	ssyncset.done $0x0  }
0x9f: {  	s12 =	rddreg [dreg:$0xf];
	[sflag:s22] =	ssyncadd.s32 $0xFFFFD800  }
0xa0: {  	[spmem:s3] =	stream.indirect.scatter.add.f32 [tilespmem:s19], [sflag:$0x4], $0x80, s12, s18, $0xb8;
	[tilespmem:$0x1D800] =	vst v63  }
0xa1: {  	_ =	swait.ge [sflag:s16], $0x2800  }
0xa2: {  	[sflag:s16] =	ssyncset.done $0x0  }
0xa3: {  	s13 =	rddreg [dreg:$0x10];
	[sflag:s16] =	ssyncadd.s32 $0xFFFFD800  }
0xa4: {  	[tilespmem:s19], [sflag:$0x2] =	stream.indirect.gather [hbm4b:s2+s18], $0x80, s13, s18, $0xb8;
	[tilespmem:$0x1D800] =	vst v63  }
0xa5: {  	_ =	swait.ge [sflag:s23], $0x2800  }
0xa6: {  	[sflag:s23] =	ssyncset.done $0x0  }
0xa7: {  	s14 =	rddreg [dreg:$0x11];
	[sflag:s23] =	ssyncadd.s32 $0xFFFFD800  }
0xa8: {  	[spmem:s3] =	stream.indirect.scatter.add.f32 [tilespmem:s20], [sflag:$0x4], $0x80, s14, s18, $0xb8;
	[tilespmem:$0x1D800] =	vst v63  }
0xa9: {  	_ =	swait.ge [sflag:s16], $0x2800  }
0xaa: {  	[sflag:s16] =	ssyncset.done $0x0  }
0xab: {  	s12 =	rddreg [dreg:$0x12];
	[sflag:s16] =	ssyncadd.s32 $0xFFFFD800  }
0xac: {  	[tilespmem:s20], [sflag:$0x3] =	stream.indirect.gather [hbm4b:s2+s18], $0x80, s12, s18, $0xb8;
	[tilespmem:$0x1D800] =	vst v63  }
0xad: {  	_ =	swait.ge [sflag:s21], $0x2800  }
0xae: {  	[sflag:s21] =	ssyncset.done $0x0  }
0xaf: {  	s13 =	rddreg [dreg:$0x13];
	[sflag:s21] =	ssyncadd.s32 $0xFFFFD800  }
0xb0: {  	[spmem:s3] =	stream.indirect.scatter.add.f32 [tilespmem:s15], [sflag:$0x4], $0x80, s13, s18, $0xb8;
	[tilespmem:$0x1D800] =	vst v63  }
0xb1: {  	_ =	swait.ge [sflag:s16], $0x2800  }
0xb2: {  	[sflag:s16] =	ssyncset.done $0x0  }
0xb3: {  	s14 =	rddreg [dreg:$0x14];
	[sflag:s16] =	ssyncadd.s32 $0xFFFFD800  }
0xb4: {  	[tilespmem:s15], [sflag:$0x1] =	stream.indirect.gather [hbm4b:s2+s18], $0x80, s14, s18, $0xb8;
	[tilespmem:$0x1D800] =	vst v63  }
0xb5: {  	_ =	swait.ge [sflag:s22], $0x2800  }
0xb6: {  	[sflag:s22] =	ssyncset.done $0x0  }
0xb7: {  	s12 =	rddreg [dreg:$0x15];
	[sflag:s22] =	ssyncadd.s32 $0xFFFFD800  }
0xb8: {  	[spmem:s3] =	stream.indirect.scatter.add.f32 [tilespmem:s19], [sflag:$0x4], $0x80, s12, s18, $0xb8;
	[tilespmem:$0x1D800] =	vst v63  }
0xb9: {  	_ =	swait.ge [sflag:s16], $0x2800  }
0xba: {  	[sflag:s16] =	ssyncset.done $0x0  }
0xbb: {  	s13 =	rddreg [dreg:$0x16];
	[sflag:s16] =	ssyncadd.s32 $0xFFFFD800  }
0xbc: {  	[tilespmem:s19], [sflag:$0x2] =	stream.indirect.gather [hbm4b:s2+s18], $0x80, s13, s18, $0xb8;
	[tilespmem:$0x1D800] =	vst v63  }
0xbd: {  	_ =	swait.ge [sflag:s23], $0x2800  }
0xbe: {  	[sflag:s23] =	ssyncset.done $0x0  }
0xbf: {  	s14 =	rddreg [dreg:$0x17];
	[sflag:s23] =	ssyncadd.s32 $0xFFFFD800  }
0xc0: {  	[spmem:s3] =	stream.indirect.scatter.add.f32 [tilespmem:s20], [sflag:$0x4], $0x80, s14, s18, $0xb8;
	[tilespmem:$0x1D800] =	vst v63  }
0xc1: {  	_ =	swait.ge [sflag:s16], $0x2800  }
0xc2: {  	[sflag:s16] =	ssyncset.done $0x0  }
0xc3: {  	s12 =	rddreg [dreg:$0x18];
	[sflag:s16] =	ssyncadd.s32 $0xFFFFD800  }
0xc4: {  	[tilespmem:s20], [sflag:$0x3] =	stream.indirect.gather [hbm4b:s2+s18], $0x80, s12, s18, $0xb8;
	[tilespmem:$0x1D800] =	vst v63  }
0xc5: {  	_ =	swait.ge [sflag:s21], $0x2800  }
0xc6: {  	[sflag:s21] =	ssyncset.done $0x0  }
0xc7: {  	s13 =	rddreg [dreg:$0x19];
	[sflag:s21] =	ssyncadd.s32 $0xFFFFD800  }
0xc8: {  	[spmem:s3] =	stream.indirect.scatter.add.f32 [tilespmem:s15], [sflag:$0x4], $0x80, s13, s18, $0xb8;
	[tilespmem:$0x1D800] =	vst v63  }
0xc9: {  	_ =	swait.ge [sflag:s16], $0x2800  }
0xca: {  	[sflag:s16] =	ssyncset.done $0x0  }
0xcb: {  	s14 =	rddreg [dreg:$0x1a];
	[sflag:s16] =	ssyncadd.s32 $0xFFFFD800  }
0xcc: {  	[tilespmem:s15], [sflag:$0x1] =	stream.indirect.gather [hbm4b:s2+s18], $0x80, s14, s18, $0xb8;
	[tilespmem:$0x1D800] =	vst v63  }
0xcd: {  	_ =	swait.ge [sflag:s22], $0x2800  }
0xce: {  	[sflag:s22] =	ssyncset.done $0x0  }
0xcf: {  	s12 =	rddreg [dreg:$0x1b];
	[sflag:s22] =	ssyncadd.s32 $0xFFFFD800  }
0xd0: {  	[spmem:s3] =	stream.indirect.scatter.add.f32 [tilespmem:s19], [sflag:$0x4], $0x80, s12, s18, $0xb8;
	[tilespmem:$0x1D800] =	vst v63  }
0xd1: {  	_ =	swait.ge [sflag:s16], $0x2800  }
0xd2: {  	[sflag:s16] =	ssyncset.done $0x0  }
0xd3: {  	s13 =	rddreg [dreg:$0x1c];
	[sflag:s16] =	ssyncadd.s32 $0xFFFFD800  }
0xd4: {  	[tilespmem:s19], [sflag:$0x2] =	stream.indirect.gather [hbm4b:s2+s18], $0x80, s13, s18, $0xb8;
	[tilespmem:$0x1D800] =	vst v63  }
0xd5: {  	_ =	swait.ge [sflag:s23], $0x2800  }
0xd6: {  	[sflag:s23] =	ssyncset.done $0x0  }
0xd7: {  	s14 =	rddreg [dreg:$0x1d];
	[sflag:s23] =	ssyncadd.s32 $0xFFFFD800  }
0xd8: {  	[spmem:s3] =	stream.indirect.scatter.add.f32 [tilespmem:s20], [sflag:$0x4], $0x80, s14, s18, $0xb8;
	[tilespmem:$0x1D800] =	vst v63  }
0xd9: {  	_ =	swait.ge [sflag:s16], $0x2800  }
0xda: {  	[sflag:s16] =	ssyncset.done $0x0  }
0xdb: {  	s12 =	rddreg [dreg:$0x1e];
	[sflag:s16] =	ssyncadd.s32 $0xFFFFD800  }
0xdc: {  	[tilespmem:s20], [sflag:$0x3] =	stream.indirect.gather [hbm4b:s2+s18], $0x80, s12, s18, $0xb8;
	[tilespmem:$0x1D800] =	vst v63  }
0xdd: {  	_ =	swait.ge [sflag:s21], $0x2800  }
0xde: {  	[sflag:s21] =	ssyncset.done $0x0  }
0xdf: {  	s13 =	rddreg [dreg:$0x1f];
	[sflag:s21] =	ssyncadd.s32 $0xFFFFD800  }
0xe0: {  	[spmem:s3] =	stream.indirect.scatter.add.f32 [tilespmem:s15], [sflag:$0x4], $0x80, s13, s18, $0xb8;
	[tilespmem:$0x1D800] =	vst v63  }
0xe1: {  	_ =	swait.ge [sflag:s16], $0x2800  }
0xe2: {  	s14 =	sld [smem:$0x7F7]  }
0xe3: {  	[sflag:s16] =	ssyncset.done $0x0  }
0xe4: {  	[sflag:s16] =	ssyncadd.s32 $0xFFFFD800  }
0xe5: {  	[tilespmem:s15], [sflag:$0x1] =	stream.indirect.gather [hbm4b:s2+s18], $0x80, s14, s18, $0xb8;
	[tilespmem:$0x1D800] =	vst v63  }
0xe6: {  	_ =	swait.ge [sflag:s22], $0x2800  }
0xe7: {  	s12 =	sld [smem:$0x7F8]  }
0xe8: {  	[sflag:s22] =	ssyncset.done $0x0  }
0xe9: {  	[sflag:s22] =	ssyncadd.s32 $0xFFFFD800  }
0xea: {  	[spmem:s3] =	stream.indirect.scatter.add.f32 [tilespmem:s19], [sflag:$0x4], $0x80, s12, s18, $0xb8;
	[tilespmem:$0x1D800] =	vst v63  }
0xeb: {  	_ =	swait.ge [sflag:s16], $0x2800  }
0xec: {  	s13 =	sld [smem:$0x7F9]  }
0xed: {  	[sflag:s16] =	ssyncset.done $0x0  }
0xee: {  	[sflag:s16] =	ssyncadd.s32 $0xFFFFD800  }
0xef: {  	[tilespmem:s19], [sflag:$0x2] =	stream.indirect.gather [hbm4b:s2+s18], $0x80, s13, s18, $0xb8;
	[tilespmem:$0x1D800] =	vst v63  }
0xf0: {  	_ =	swait.ge [sflag:s23], $0x2800  }
0xf1: {  	s14 =	sld [smem:$0x7FA]  }
0xf2: {  	[sflag:s23] =	ssyncset.done $0x0  }
0xf3: {  	[sflag:s23] =	ssyncadd.s32 $0xFFFFD800  }
0xf4: {  	[spmem:s3] =	stream.indirect.scatter.add.f32 [tilespmem:s20], [sflag:$0x4], $0x80, s14, s18, $0xb8;
	[tilespmem:$0x1D800] =	vst v63  }
0xf5: {  	_ =	swait.ge [sflag:s16], $0x2800  }
0xf6: {  	s12 =	sld [smem:$0x7FB]  }
0xf7: {  	[sflag:s16] =	ssyncset.done $0x0  }
0xf8: {  	[sflag:s16] =	ssyncadd.s32 $0xFFFFD800  }
0xf9: {  	[tilespmem:s20], [sflag:$0x3] =	stream.indirect.gather [hbm4b:s2+s18], $0x80, s12, s18, $0xb8;
	[tilespmem:$0x1D800] =	vst v63  }
0xfa: {  	_ =	swait.ge [sflag:s21], $0x2800  }
0xfb: {  	s13 =	sld [smem:$0x7FC]  }
0xfc: {  	[sflag:s21] =	ssyncset.done $0x0  }
0xfd: {  	[sflag:s21] =	ssyncadd.s32 $0xFFFFD800  }
0xfe: {  	[spmem:s3] =	stream.indirect.scatter.add.f32 [tilespmem:s15], [sflag:$0x4], $0x80, s13, s18, $0xb8;
	[tilespmem:$0x1D800] =	vst v63  }
0xff: {  	_ =	swait.ge [sflag:s16], $0x2800  }
0x100: {  	s14 =	sld [smem:$0x7FD]  }
0x101: {  	[sflag:s16] =	ssyncset.done $0x0  }
0x102: {  	[sflag:s16] =	ssyncadd.s32 $0xFFFFD800  }
0x103: {  	[tilespmem:s15], [sflag:$0x1] =	stream.indirect.gather [hbm4b:s2+s18], $0x80, s14, s18, $0xb8;
	[tilespmem:$0x1D800] =	vst v63  }
0x104: {  	_ =	swait.ge [sflag:s22], $0x2800  }
0x105: {  	[sflag:s22] =	ssyncset.done $0x0  }
0x106: {  	[sflag:s22] =	ssyncadd.s32 $0xFFFFD800  }
0x107: {  	[spmem:s3] =	stream.indirect.scatter.add.f32 [tilespmem:s19], [sflag:$0x4], $0x80, s24, s18, $0xb8;
	[tilespmem:$0x1D800] =	vst v63  }
0x108: {  	_ =	swait.ge [sflag:s16], $0x2800  }
0x109: {  	[sflag:s16] =	ssyncset.done $0x0  }
0x10a: {  	[sflag:s16] =	ssyncadd.s32 $0xFFFFD800  }
0x10b: {  	[tilespmem:s19], [sflag:$0x2] =	stream.indirect.gather [hbm4b:s2+s18], $0x80, s25, s18, $0xb8;
	[tilespmem:$0x1D800] =	vst v63  }
0x10c: {  	_ =	swait.ge [sflag:s23], $0x2800  }
0x10d: {  	[sflag:s23] =	ssyncset.done $0x0  }
0x10e: {  	[sflag:s23] =	ssyncadd.s32 $0xFFFFD800  }
0x10f: {  	[spmem:s3] =	stream.indirect.scatter.add.f32 [tilespmem:s20], [sflag:$0x4], $0x80, s26, s18, $0xb8;
	[tilespmem:$0x1D800] =	vst v63  }
0x110: {  	_ =	swait.ge [sflag:s16], $0x2800  }
0x111: {  	[sflag:s16] =	ssyncset.done $0x0  }
0x112: {  	[sflag:s16] =	ssyncadd.s32 $0xFFFFD800  }
0x113: {  	[tilespmem:s20], [sflag:$0x3] =	stream.indirect.gather [hbm4b:s2+s18], $0x80, s28, s18, $0xb8;
	[tilespmem:$0x1D800] =	vst v63  }
0x114: {  	_ =	swait.ge [sflag:s21], $0x2800  }
0x115: {  	[sflag:s21] =	ssyncset.done $0x0  }
0x116: {  	[sflag:s21] =	ssyncadd.s32 $0xFFFFD800  }
0x117: {  	[spmem:s3] =	stream.indirect.scatter.add.f32 [tilespmem:s15], [sflag:$0x4], $0x80, s29, s18, $0xb8;
	[tilespmem:$0x1D800] =	vst v63  }
0x118: {  	_ =	swait.ge [sflag:s16], $0x2800  }
0x119: {  	[sflag:s16] =	ssyncset.done $0x0  }
0x11a: {  	[sflag:s16] =	ssyncadd.s32 $0xFFFFD800  }
0x11b: {  	[tilespmem:s15], [sflag:$0x1] =	stream.indirect.gather [hbm4b:s2+s18], $0x80, s30, s18, $0xb8;
	[tilespmem:$0x1D800] =	vst v63  }
0x11c: {  	_ =	swait.ge [sflag:s22], $0x2800  }
0x11d: {  	[sflag:s22] =	ssyncset.done $0x0  }
0x11e: {  	[sflag:s22] =	ssyncadd.s32 $0xFFFFD800  }
0x11f: {  	[spmem:s3] =	stream.indirect.scatter.add.f32 [tilespmem:s19], [sflag:$0x4], $0x80, s31, s18, $0xb8;
	[tilespmem:$0x1D800] =	vst v63  }
0x120: {  	_ =	swait.ge [sflag:s16], $0x2800  }
0x121: {  	[sflag:s16] =	ssyncset.done $0x0  }
0x122: {  	[sflag:s16] =	ssyncadd.s32 $0xFFFFD800  }
0x123: {  	[tilespmem:s19], [sflag:$0x2] =	stream.indirect.gather [hbm4b:s2+s18], $0x80, s1, s18, $0xb8;
	[tilespmem:$0x1D800] =	vst v63  }
0x124: {  	_ =	swait.ge [sflag:s23], $0x2800  }
0x125: {  	[sflag:s23] =	ssyncset.done $0x0  }
0x126: {  	[sflag:s23] =	ssyncadd.s32 $0xFFFFD800  }
0x127: {  	[spmem:s3] =	stream.indirect.scatter.add.f32 [tilespmem:s20], [sflag:$0x4], $0x80, s0, s18, $0xb8;
	[tilespmem:$0x1D800] =	vst v63  }
0x128: {  	_ =	swait.ge [sflag:s16], $0x2800  }
0x129: {  	[sflag:s16] =	ssyncset.done $0x0  }
0x12a: {  	[sflag:s16] =	ssyncadd.s32 $0xFFFFD800  }
0x12b: {  	[tilespmem:s20], [sflag:$0x3] =	stream.indirect.gather [hbm4b:s2+s18], $0x80, s6, s18, $0xb8;
	[tilespmem:$0x1D800] =	vst v63  }
0x12c: {  	_ =	swait.ge [sflag:s21], $0x2800  }
0x12d: {  	[sflag:s21] =	ssyncset.done $0x0  }
0x12e: {  	[sflag:s21] =	ssyncadd.s32 $0xFFFFD800  }
0x12f: {  	[spmem:s3] =	stream.indirect.scatter.add.f32 [tilespmem:s15], [sflag:$0x4], $0x80, s7, s18, $0xb8;
	[tilespmem:$0x1D800] =	vst v63  }
0x130: {  	_ =	swait.ge [sflag:s16], $0x2800  }
0x131: {  	[sflag:s16] =	ssyncset.done $0x0  }
0x132: {  	[sflag:s16] =	ssyncadd.s32 $0xFFFFD800  }
0x133: {  	[tilespmem:s15], [sflag:$0x1] =	stream.indirect.gather [hbm4b:s2+s18], $0x80, s8, s18, $0xb8;
	[tilespmem:$0x1D800] =	vst v63  }
0x134: {  	_ =	swait.ge [sflag:s22], $0x2800  }
0x135: {  	[sflag:s22] =	ssyncset.done $0x0  }
0x136: {  	[sflag:s22] =	ssyncadd.s32 $0xFFFFD800  }
0x137: {  	[spmem:s3] =	stream.indirect.scatter.add.f32 [tilespmem:s19], [sflag:$0x4], $0x80, s9, s18, $0xb8;
	[tilespmem:$0x1D800] =	vst v63  }
0x138: {  	_ =	swait.ge [sflag:s16], $0x2800  }
0x139: {  	[sflag:s16] =	ssyncset.done $0x0  }
0x13a: {  	[sflag:s16] =	ssyncadd.s32 $0xFFFFD800  }
0x13b: {  	_ =	swait.ge [sflag:s23], $0x2800  }
0x13c: {  	[sflag:s23] =	ssyncset.done $0x0  }
0x13d: {  	[sflag:s23] =	ssyncadd.s32 $0xFFFFD800  }
0x13e: {  	[spmem:s3] =	stream.indirect.scatter.add.f32 [tilespmem:s20], [sflag:$0x4], $0x80, s10, s18, $0xb8;
	[tilespmem:$0x1D800] =	vst v63  }
0x13f: {  	_ =	swait.ge [sflag:s16], $0x2800  }
0x140: {  	[sflag:s16] =	ssyncset.done $0x0  }
0x141: {  	[sflag:s16] =	ssyncadd.s32 $0xFFFFD800  }
0x142: {  	_ =	swait.ge [sflag:s21], $0x2800  }
0x143: {  	[sflag:s21] =	ssyncset.done $0x0  }
0x144: {  	[sflag:s21] =	ssyncadd.s32 $0xFFFFD800  }
0x145: {  	[spmem:s3] =	stream.indirect.scatter.add.f32 [tilespmem:s15], [sflag:$0x4], $0x80, s11, s18, $0xb8;
	[tilespmem:$0x1D800] =	vst v63  }
0x146: {  	s13 =	simm.s32 $0x200;
	_ =	swait.ge [sflag:s16], $0x2800  }
0x147: {  	s14 =	simm.s32 $0x400;
	s5 =	rddreg [dreg:$0x5];
	[sflag:s16] =	ssyncset.done $0x0  }
.LBB2_4:
0x148: {  	[sflag:s16] =	ssyncadd.s32 $0xFFFFD800;
	s5 =	sadd.s32 s13, s5  }
0x149: {  	[tilespmem:s4], [sflag:$0x4] =	stream.linear.gather [hbm4b:s5+s4], $0xC80, $0x38;
	[tilespmem:$0x1D800] =	vst v63  }
0x14a: {  	_ =	swait.ge [sflag:s16], $0xC80  }
0x14b: {  	s5 =	rddreg [dreg:$0x4];
	[sflag:s16] =	ssyncset.done $0x0  }
0x14c: {  	[sflag:s16] =	ssyncadd.s32 $0xFFFFF380;
	s5 =	sadd.s32 s13, s5  }
0x14d: {  	[tilespmem:s17], [sflag:$0x4] =	stream.linear.gather [hbm4b:s5+s4], $0xC80, $0x38;
	[tilespmem:$0x1D800] =	vst v63  }
0x14e: {  	_ =	swait.ge [sflag:s16], $0xC80  }
0x14f: {  	[sflag:s16] =	ssyncset.done $0x0  }
0x150: {  	[sflag:s16] =	ssyncadd.s32 $0xFFFFF380  }
0x151: {  	[tilespmem:s15], [sflag:$0x1] =	stream.indirect.gather [hbm4b:s2+s18], $0x80, s4, s18, $0xb8;
	[tilespmem:$0x1D800] =	vst v63  }
0x152: {  	s12 =	smov.u32 s14;
	s5 =	rddreg [dreg:$0x6]  }
0x153: {  	[tilespmem:s19], [sflag:$0x2] =	stream.indirect.gather [hbm4b:s2+s18], $0x80, s5, s18, $0xb8;
	[tilespmem:$0x1D800] =	vst v63  }
0x154: {  	s13 =	smov.u32 s12;
	s12 =	rddreg [dreg:$0x7]  }
0x155: {  	[tilespmem:s20], [sflag:$0x3] =	stream.indirect.gather [hbm4b:s2+s18], $0x80, s12, s18, $0xb8;
	[tilespmem:$0x1D800] =	vst v63  }
0x156: {  	_ =	swait.ge [sflag:s21], $0x2800  }
0x157: {  	[sflag:s21] =	ssyncset.done $0x0  }
0x158: {  	[sflag:s21] =	ssyncadd.s32 $0xFFFFD800  }
0x159: {  	[spmem:s3] =	stream.indirect.scatter.add.f32 [tilespmem:s15], [sflag:$0x4], $0x80, s17, s18, $0xb8;
	[tilespmem:$0x1D800] =	vst v63  }
0x15a: {  	_ =	swait.ge [sflag:s16], $0x2800  }
0x15b: {  	[sflag:s16] =	ssyncset.done $0x0  }
0x15c: {  	s12 =	rddreg [dreg:$0x8];
	[sflag:s16] =	ssyncadd.s32 $0xFFFFD800  }
0x15d: {  	[tilespmem:s15], [sflag:$0x1] =	stream.indirect.gather [hbm4b:s2+s18], $0x80, s12, s18, $0xb8;
	[tilespmem:$0x1D800] =	vst v63  }
0x15e: {  	_ =	swait.ge [sflag:s22], $0x2800  }
0x15f: {  	[sflag:s22] =	ssyncset.done $0x0  }
0x160: {  	s12 =	rddreg [dreg:$0x9];
	[sflag:s22] =	ssyncadd.s32 $0xFFFFD800  }
0x161: {  	[spmem:s3] =	stream.indirect.scatter.add.f32 [tilespmem:s19], [sflag:$0x4], $0x80, s12, s18, $0xb8;
	[tilespmem:$0x1D800] =	vst v63  }
0x162: {  	_ =	swait.ge [sflag:s16], $0x2800  }
0x163: {  	[sflag:s16] =	ssyncset.done $0x0  }
0x164: {  	s12 =	rddreg [dreg:$0xa];
	[sflag:s16] =	ssyncadd.s32 $0xFFFFD800  }
0x165: {  	[tilespmem:s19], [sflag:$0x2] =	stream.indirect.gather [hbm4b:s2+s18], $0x80, s12, s18, $0xb8;
	[tilespmem:$0x1D800] =	vst v63  }
0x166: {  	_ =	swait.ge [sflag:s23], $0x2800  }
0x167: {  	[sflag:s23] =	ssyncset.done $0x0  }
0x168: {  	s12 =	rddreg [dreg:$0xb];
	[sflag:s23] =	ssyncadd.s32 $0xFFFFD800  }
0x169: {  	[spmem:s3] =	stream.indirect.scatter.add.f32 [tilespmem:s20], [sflag:$0x4], $0x80, s12, s18, $0xb8;
	[tilespmem:$0x1D800] =	vst v63  }
0x16a: {  	_ =	swait.ge [sflag:s16], $0x2800  }
0x16b: {  	[sflag:s16] =	ssyncset.done $0x0  }
0x16c: {  	s12 =	rddreg [dreg:$0xc];
	[sflag:s16] =	ssyncadd.s32 $0xFFFFD800  }
0x16d: {  	[tilespmem:s20], [sflag:$0x3] =	stream.indirect.gather [hbm4b:s2+s18], $0x80, s12, s18, $0xb8;
	[tilespmem:$0x1D800] =	vst v63  }
0x16e: {  	_ =	swait.ge [sflag:s21], $0x2800  }
0x16f: {  	[sflag:s21] =	ssyncset.done $0x0  }
0x170: {  	s12 =	rddreg [dreg:$0xd];
	[sflag:s21] =	ssyncadd.s32 $0xFFFFD800  }
0x171: {  	[spmem:s3] =	stream.indirect.scatter.add.f32 [tilespmem:s15], [sflag:$0x4], $0x80, s12, s18, $0xb8;
	[tilespmem:$0x1D800] =	vst v63  }
0x172: {  	_ =	swait.ge [sflag:s16], $0x2800  }
0x173: {  	[sflag:s16] =	ssyncset.done $0x0  }
0x174: {  	s12 =	rddreg [dreg:$0xe];
	[sflag:s16] =	ssyncadd.s32 $0xFFFFD800  }
0x175: {  	[tilespmem:s15], [sflag:$0x1] =	stream.indirect.gather [hbm4b:s2+s18], $0x80, s12, s18, $0xb8;
	[tilespmem:$0x1D800] =	vst v63  }
0x176: {  	_ =	swait.ge [sflag:s22], $0x2800  }
0x177: {  	[sflag:s22] =	ssyncset.done $0x0  }
0x178: {  	s12 =	rddreg [dreg:$0xf];
	[sflag:s22] =	ssyncadd.s32 $0xFFFFD800  }
0x179: {  	[spmem:s3] =	stream.indirect.scatter.add.f32 [tilespmem:s19], [sflag:$0x4], $0x80, s12, s18, $0xb8;
	[tilespmem:$0x1D800] =	vst v63  }
0x17a: {  	_ =	swait.ge [sflag:s16], $0x2800  }
0x17b: {  	[sflag:s16] =	ssyncset.done $0x0  }
0x17c: {  	s12 =	rddreg [dreg:$0x10];
	[sflag:s16] =	ssyncadd.s32 $0xFFFFD800  }
0x17d: {  	[tilespmem:s19], [sflag:$0x2] =	stream.indirect.gather [hbm4b:s2+s18], $0x80, s12, s18, $0xb8;
	[tilespmem:$0x1D800] =	vst v63  }
0x17e: {  	_ =	swait.ge [sflag:s23], $0x2800  }
0x17f: {  	[sflag:s23] =	ssyncset.done $0x0  }
0x180: {  	s12 =	rddreg [dreg:$0x11];
	[sflag:s23] =	ssyncadd.s32 $0xFFFFD800  }
0x181: {  	[spmem:s3] =	stream.indirect.scatter.add.f32 [tilespmem:s20], [sflag:$0x4], $0x80, s12, s18, $0xb8;
	[tilespmem:$0x1D800] =	vst v63  }
0x182: {  	_ =	swait.ge [sflag:s16], $0x2800  }
0x183: {  	[sflag:s16] =	ssyncset.done $0x0  }
0x184: {  	s12 =	rddreg [dreg:$0x12];
	[sflag:s16] =	ssyncadd.s32 $0xFFFFD800  }
0x185: {  	[tilespmem:s20], [sflag:$0x3] =	stream.indirect.gather [hbm4b:s2+s18], $0x80, s12, s18, $0xb8;
	[tilespmem:$0x1D800] =	vst v63  }
0x186: {  	_ =	swait.ge [sflag:s21], $0x2800  }
0x187: {  	[sflag:s21] =	ssyncset.done $0x0  }
0x188: {  	s12 =	rddreg [dreg:$0x13];
	[sflag:s21] =	ssyncadd.s32 $0xFFFFD800  }
0x189: {  	[spmem:s3] =	stream.indirect.scatter.add.f32 [tilespmem:s15], [sflag:$0x4], $0x80, s12, s18, $0xb8;
	[tilespmem:$0x1D800] =	vst v63  }
0x18a: {  	_ =	swait.ge [sflag:s16], $0x2800  }
0x18b: {  	[sflag:s16] =	ssyncset.done $0x0  }
0x18c: {  	s12 =	rddreg [dreg:$0x14];
	[sflag:s16] =	ssyncadd.s32 $0xFFFFD800  }
0x18d: {  	[tilespmem:s15], [sflag:$0x1] =	stream.indirect.gather [hbm4b:s2+s18], $0x80, s12, s18, $0xb8;
	[tilespmem:$0x1D800] =	vst v63  }
0x18e: {  	_ =	swait.ge [sflag:s22], $0x2800  }
0x18f: {  	[sflag:s22] =	ssyncset.done $0x0  }
0x190: {  	s12 =	rddreg [dreg:$0x15];
	[sflag:s22] =	ssyncadd.s32 $0xFFFFD800  }
0x191: {  	[spmem:s3] =	stream.indirect.scatter.add.f32 [tilespmem:s19], [sflag:$0x4], $0x80, s12, s18, $0xb8;
	[tilespmem:$0x1D800] =	vst v63  }
0x192: {  	_ =	swait.ge [sflag:s16], $0x2800  }
0x193: {  	[sflag:s16] =	ssyncset.done $0x0  }
0x194: {  	s12 =	rddreg [dreg:$0x16];
	[sflag:s16] =	ssyncadd.s32 $0xFFFFD800  }
0x195: {  	[tilespmem:s19], [sflag:$0x2] =	stream.indirect.gather [hbm4b:s2+s18], $0x80, s12, s18, $0xb8;
	[tilespmem:$0x1D800] =	vst v63  }
0x196: {  	_ =	swait.ge [sflag:s23], $0x2800  }
0x197: {  	[sflag:s23] =	ssyncset.done $0x0  }
0x198: {  	s12 =	rddreg [dreg:$0x17];
	[sflag:s23] =	ssyncadd.s32 $0xFFFFD800  }
0x199: {  	[spmem:s3] =	stream.indirect.scatter.add.f32 [tilespmem:s20], [sflag:$0x4], $0x80, s12, s18, $0xb8;
	[tilespmem:$0x1D800] =	vst v63  }
0x19a: {  	_ =	swait.ge [sflag:s16], $0x2800  }
0x19b: {  	[sflag:s16] =	ssyncset.done $0x0  }
0x19c: {  	s12 =	rddreg [dreg:$0x18];
	[sflag:s16] =	ssyncadd.s32 $0xFFFFD800  }
0x19d: {  	[tilespmem:s20], [sflag:$0x3] =	stream.indirect.gather [hbm4b:s2+s18], $0x80, s12, s18, $0xb8;
	[tilespmem:$0x1D800] =	vst v63  }
0x19e: {  	_ =	swait.ge [sflag:s21], $0x2800  }
0x19f: {  	[sflag:s21] =	ssyncset.done $0x0  }
0x1a0: {  	s12 =	rddreg [dreg:$0x19];
	[sflag:s21] =	ssyncadd.s32 $0xFFFFD800  }
0x1a1: {  	[spmem:s3] =	stream.indirect.scatter.add.f32 [tilespmem:s15], [sflag:$0x4], $0x80, s12, s18, $0xb8;
	[tilespmem:$0x1D800] =	vst v63  }
0x1a2: {  	_ =	swait.ge [sflag:s16], $0x2800  }
0x1a3: {  	[sflag:s16] =	ssyncset.done $0x0  }
0x1a4: {  	s12 =	rddreg [dreg:$0x1a];
	[sflag:s16] =	ssyncadd.s32 $0xFFFFD800  }
0x1a5: {  	[tilespmem:s15], [sflag:$0x1] =	stream.indirect.gather [hbm4b:s2+s18], $0x80, s12, s18, $0xb8;
	[tilespmem:$0x1D800] =	vst v63  }
0x1a6: {  	_ =	swait.ge [sflag:s22], $0x2800  }
0x1a7: {  	[sflag:s22] =	ssyncset.done $0x0  }
0x1a8: {  	s12 =	rddreg [dreg:$0x1b];
	[sflag:s22] =	ssyncadd.s32 $0xFFFFD800  }
0x1a9: {  	[spmem:s3] =	stream.indirect.scatter.add.f32 [tilespmem:s19], [sflag:$0x4], $0x80, s12, s18, $0xb8;
	[tilespmem:$0x1D800] =	vst v63  }
0x1aa: {  	_ =	swait.ge [sflag:s16], $0x2800  }
0x1ab: {  	[sflag:s16] =	ssyncset.done $0x0  }
0x1ac: {  	s12 =	rddreg [dreg:$0x1c];
	[sflag:s16] =	ssyncadd.s32 $0xFFFFD800  }
0x1ad: {  	[tilespmem:s19], [sflag:$0x2] =	stream.indirect.gather [hbm4b:s2+s18], $0x80, s12, s18, $0xb8;
	[tilespmem:$0x1D800] =	vst v63  }
0x1ae: {  	_ =	swait.ge [sflag:s23], $0x2800  }
0x1af: {  	[sflag:s23] =	ssyncset.done $0x0  }
0x1b0: {  	s12 =	rddreg [dreg:$0x1d];
	[sflag:s23] =	ssyncadd.s32 $0xFFFFD800  }
0x1b1: {  	[spmem:s3] =	stream.indirect.scatter.add.f32 [tilespmem:s20], [sflag:$0x4], $0x80, s12, s18, $0xb8;
	[tilespmem:$0x1D800] =	vst v63  }
0x1b2: {  	_ =	swait.ge [sflag:s16], $0x2800  }
0x1b3: {  	[sflag:s16] =	ssyncset.done $0x0  }
0x1b4: {  	s12 =	rddreg [dreg:$0x1e];
	[sflag:s16] =	ssyncadd.s32 $0xFFFFD800  }
0x1b5: {  	[tilespmem:s20], [sflag:$0x3] =	stream.indirect.gather [hbm4b:s2+s18], $0x80, s12, s18, $0xb8;
	[tilespmem:$0x1D800] =	vst v63  }
0x1b6: {  	_ =	swait.ge [sflag:s21], $0x2800  }
0x1b7: {  	[sflag:s21] =	ssyncset.done $0x0  }
0x1b8: {  	s12 =	rddreg [dreg:$0x1f];
	[sflag:s21] =	ssyncadd.s32 $0xFFFFD800  }
0x1b9: {  	[spmem:s3] =	stream.indirect.scatter.add.f32 [tilespmem:s15], [sflag:$0x4], $0x80, s12, s18, $0xb8;
	[tilespmem:$0x1D800] =	vst v63  }
0x1ba: {  	_ =	swait.ge [sflag:s16], $0x2800  }
0x1bb: {  	s12 =	sld [smem:$0x7F7]  }
0x1bc: {  	[sflag:s16] =	ssyncset.done $0x0  }
0x1bd: {  	[sflag:s16] =	ssyncadd.s32 $0xFFFFD800  }
0x1be: {  	[tilespmem:s15], [sflag:$0x1] =	stream.indirect.gather [hbm4b:s2+s18], $0x80, s12, s18, $0xb8;
	[tilespmem:$0x1D800] =	vst v63  }
0x1bf: {  	_ =	swait.ge [sflag:s22], $0x2800  }
0x1c0: {  	s12 =	sld [smem:$0x7F8]  }
0x1c1: {  	[sflag:s22] =	ssyncset.done $0x0  }
0x1c2: {  	[sflag:s22] =	ssyncadd.s32 $0xFFFFD800  }
0x1c3: {  	[spmem:s3] =	stream.indirect.scatter.add.f32 [tilespmem:s19], [sflag:$0x4], $0x80, s12, s18, $0xb8;
	[tilespmem:$0x1D800] =	vst v63  }
0x1c4: {  	_ =	swait.ge [sflag:s16], $0x2800  }
0x1c5: {  	s12 =	sld [smem:$0x7F9]  }
0x1c6: {  	[sflag:s16] =	ssyncset.done $0x0  }
0x1c7: {  	[sflag:s16] =	ssyncadd.s32 $0xFFFFD800  }
0x1c8: {  	[tilespmem:s19], [sflag:$0x2] =	stream.indirect.gather [hbm4b:s2+s18], $0x80, s12, s18, $0xb8;
	[tilespmem:$0x1D800] =	vst v63  }
0x1c9: {  	_ =	swait.ge [sflag:s23], $0x2800  }
0x1ca: {  	s12 =	sld [smem:$0x7FA]  }
0x1cb: {  	[sflag:s23] =	ssyncset.done $0x0  }
0x1cc: {  	[sflag:s23] =	ssyncadd.s32 $0xFFFFD800  }
0x1cd: {  	[spmem:s3] =	stream.indirect.scatter.add.f32 [tilespmem:s20], [sflag:$0x4], $0x80, s12, s18, $0xb8;
	[tilespmem:$0x1D800] =	vst v63  }
0x1ce: {  	_ =	swait.ge [sflag:s16], $0x2800  }
0x1cf: {  	s12 =	sld [smem:$0x7FB]  }
0x1d0: {  	[sflag:s16] =	ssyncset.done $0x0  }
0x1d1: {  	[sflag:s16] =	ssyncadd.s32 $0xFFFFD800  }
0x1d2: {  	[tilespmem:s20], [sflag:$0x3] =	stream.indirect.gather [hbm4b:s2+s18], $0x80, s12, s18, $0xb8;
	[tilespmem:$0x1D800] =	vst v63  }
0x1d3: {  	_ =	swait.ge [sflag:s21], $0x2800  }
0x1d4: {  	s12 =	sld [smem:$0x7FC]  }
0x1d5: {  	[sflag:s21] =	ssyncset.done $0x0  }
0x1d6: {  	[sflag:s21] =	ssyncadd.s32 $0xFFFFD800  }
0x1d7: {  	[spmem:s3] =	stream.indirect.scatter.add.f32 [tilespmem:s15], [sflag:$0x4], $0x80, s12, s18, $0xb8;
	[tilespmem:$0x1D800] =	vst v63  }
0x1d8: {  	_ =	swait.ge [sflag:s16], $0x2800  }
0x1d9: {  	s12 =	sld [smem:$0x7FD]  }
0x1da: {  	[sflag:s16] =	ssyncset.done $0x0  }
0x1db: {  	[sflag:s16] =	ssyncadd.s32 $0xFFFFD800  }
0x1dc: {  	[tilespmem:s15], [sflag:$0x1] =	stream.indirect.gather [hbm4b:s2+s18], $0x80, s12, s18, $0xb8;
	[tilespmem:$0x1D800] =	vst v63  }
0x1dd: {  	_ =	swait.ge [sflag:s22], $0x2800  }
0x1de: {  	[sflag:s22] =	ssyncset.done $0x0  }
0x1df: {  	[sflag:s22] =	ssyncadd.s32 $0xFFFFD800  }
0x1e0: {  	[spmem:s3] =	stream.indirect.scatter.add.f32 [tilespmem:s19], [sflag:$0x4], $0x80, s24, s18, $0xb8;
	[tilespmem:$0x1D800] =	vst v63  }
0x1e1: {  	_ =	swait.ge [sflag:s16], $0x2800  }
0x1e2: {  	[sflag:s16] =	ssyncset.done $0x0  }
0x1e3: {  	[sflag:s16] =	ssyncadd.s32 $0xFFFFD800  }
0x1e4: {  	[tilespmem:s19], [sflag:$0x2] =	stream.indirect.gather [hbm4b:s2+s18], $0x80, s25, s18, $0xb8;
	[tilespmem:$0x1D800] =	vst v63  }
0x1e5: {  	_ =	swait.ge [sflag:s23], $0x2800  }
0x1e6: {  	[sflag:s23] =	ssyncset.done $0x0  }
0x1e7: {  	[sflag:s23] =	ssyncadd.s32 $0xFFFFD800  }
0x1e8: {  	[spmem:s3] =	stream.indirect.scatter.add.f32 [tilespmem:s20], [sflag:$0x4], $0x80, s26, s18, $0xb8;
	[tilespmem:$0x1D800] =	vst v63  }
0x1e9: {  	_ =	swait.ge [sflag:s16], $0x2800  }
0x1ea: {  	[sflag:s16] =	ssyncset.done $0x0  }
0x1eb: {  	[sflag:s16] =	ssyncadd.s32 $0xFFFFD800  }
0x1ec: {  	[tilespmem:s20], [sflag:$0x3] =	stream.indirect.gather [hbm4b:s2+s18], $0x80, s28, s18, $0xb8;
	[tilespmem:$0x1D800] =	vst v63  }
0x1ed: {  	_ =	swait.ge [sflag:s21], $0x2800  }
0x1ee: {  	[sflag:s21] =	ssyncset.done $0x0  }
0x1ef: {  	[sflag:s21] =	ssyncadd.s32 $0xFFFFD800  }
0x1f0: {  	[spmem:s3] =	stream.indirect.scatter.add.f32 [tilespmem:s15], [sflag:$0x4], $0x80, s29, s18, $0xb8;
	[tilespmem:$0x1D800] =	vst v63  }
0x1f1: {  	_ =	swait.ge [sflag:s16], $0x2800  }
0x1f2: {  	[sflag:s16] =	ssyncset.done $0x0  }
0x1f3: {  	[sflag:s16] =	ssyncadd.s32 $0xFFFFD800  }
0x1f4: {  	[tilespmem:s15], [sflag:$0x1] =	stream.indirect.gather [hbm4b:s2+s18], $0x80, s30, s18, $0xb8;
	[tilespmem:$0x1D800] =	vst v63  }
0x1f5: {  	_ =	swait.ge [sflag:s22], $0x2800  }
0x1f6: {  	[sflag:s22] =	ssyncset.done $0x0  }
0x1f7: {  	[sflag:s22] =	ssyncadd.s32 $0xFFFFD800  }
0x1f8: {  	[spmem:s3] =	stream.indirect.scatter.add.f32 [tilespmem:s19], [sflag:$0x4], $0x80, s31, s18, $0xb8;
	[tilespmem:$0x1D800] =	vst v63  }
0x1f9: {  	_ =	swait.ge [sflag:s16], $0x2800  }
0x1fa: {  	[sflag:s16] =	ssyncset.done $0x0  }
0x1fb: {  	[sflag:s16] =	ssyncadd.s32 $0xFFFFD800  }
0x1fc: {  	[tilespmem:s19], [sflag:$0x2] =	stream.indirect.gather [hbm4b:s2+s18], $0x80, s1, s18, $0xb8;
	[tilespmem:$0x1D800] =	vst v63  }
0x1fd: {  	_ =	swait.ge [sflag:s23], $0x2800  }
0x1fe: {  	[sflag:s23] =	ssyncset.done $0x0  }
0x1ff: {  	[sflag:s23] =	ssyncadd.s32 $0xFFFFD800  }
0x200: {  	[spmem:s3] =	stream.indirect.scatter.add.f32 [tilespmem:s20], [sflag:$0x4], $0x80, s0, s18, $0xb8;
	[tilespmem:$0x1D800] =	vst v63  }
0x201: {  	_ =	swait.ge [sflag:s16], $0x2800  }
0x202: {  	[sflag:s16] =	ssyncset.done $0x0  }
0x203: {  	[sflag:s16] =	ssyncadd.s32 $0xFFFFD800  }
0x204: {  	[tilespmem:s20], [sflag:$0x3] =	stream.indirect.gather [hbm4b:s2+s18], $0x80, s6, s18, $0xb8;
	[tilespmem:$0x1D800] =	vst v63  }
0x205: {  	_ =	swait.ge [sflag:s21], $0x2800  }
0x206: {  	[sflag:s21] =	ssyncset.done $0x0  }
0x207: {  	[sflag:s21] =	ssyncadd.s32 $0xFFFFD800  }
0x208: {  	[spmem:s3] =	stream.indirect.scatter.add.f32 [tilespmem:s15], [sflag:$0x4], $0x80, s7, s18, $0xb8;
	[tilespmem:$0x1D800] =	vst v63  }
0x209: {  	_ =	swait.ge [sflag:s16], $0x2800  }
0x20a: {  	[sflag:s16] =	ssyncset.done $0x0  }
0x20b: {  	[sflag:s16] =	ssyncadd.s32 $0xFFFFD800  }
0x20c: {  	[tilespmem:s15], [sflag:$0x1] =	stream.indirect.gather [hbm4b:s2+s18], $0x80, s8, s18, $0xb8;
	[tilespmem:$0x1D800] =	vst v63  }
0x20d: {  	_ =	swait.ge [sflag:s22], $0x2800  }
0x20e: {  	[sflag:s22] =	ssyncset.done $0x0  }
0x20f: {  	[sflag:s22] =	ssyncadd.s32 $0xFFFFD800  }
0x210: {  	[spmem:s3] =	stream.indirect.scatter.add.f32 [tilespmem:s19], [sflag:$0x4], $0x80, s9, s18, $0xb8;
	[tilespmem:$0x1D800] =	vst v63  }
0x211: {  	_ =	swait.ge [sflag:s16], $0x2800  }
0x212: {  	[sflag:s16] =	ssyncset.done $0x0  }
0x213: {  	[sflag:s16] =	ssyncadd.s32 $0xFFFFD800  }
0x214: {  	_ =	swait.ge [sflag:s23], $0x2800  }
0x215: {  	[sflag:s23] =	ssyncset.done $0x0  }
0x216: {  	[sflag:s23] =	ssyncadd.s32 $0xFFFFD800  }
0x217: {  	[spmem:s3] =	stream.indirect.scatter.add.f32 [tilespmem:s20], [sflag:$0x4], $0x80, s10, s18, $0xb8;
	[tilespmem:$0x1D800] =	vst v63  }
0x218: {  	_ =	swait.ge [sflag:s16], $0x2800  }
0x219: {  	[sflag:s16] =	ssyncset.done $0x0  }
0x21a: {  	[sflag:s16] =	ssyncadd.s32 $0xFFFFD800  }
0x21b: {  	p0 =	sne.s32 s14, $0x800;
	_ =	swait.ge [sflag:s21], $0x2800  }
.Ltmp1:
0x21c: {  	[sflag:s21] =	ssyncset.done $0x0;
	(pc) =	sbr.rel @p0 .LBB2_4-.Ltmp1, $4  }
0x21d: {  	[sflag:s21] =	ssyncadd.s32 $0xFFFFD800  }
0x21e: {  	[spmem:s3] =	stream.indirect.scatter.add.f32 [tilespmem:s15], [sflag:$0x4], $0x80, s11, s18, $0xb8;
	[tilespmem:$0x1D800] =	vst v63  }
0x21f: {  	_ =	swait.ge [sflag:s16], $0x2800  }
0x220: {  	s14 =	sadd.s32 $0x200, s14;
	s5 =	rddreg [dreg:$0x5];
	[sflag:s16] =	ssyncset.done $0x0  }
0x221: {  	[sflag:s16] =	ssyncadd.s32 $0xFFFFD800;
	s5 =	sadd.s32 s13, s5  }
0x222: {  	[tilespmem:s4], [sflag:$0x4] =	stream.linear.gather [hbm4b:s5+s4], $0xC80, $0x38;
	[tilespmem:$0x1D800] =	vst v63  }
0x223: {  	_ =	swait.ge [sflag:s16], $0xC80  }
0x224: {  	s12 =	rddreg [dreg:$0x4];
	[sflag:s16] =	ssyncset.done $0x0  }
0x225: {  	[sflag:s16] =	ssyncadd.s32 $0xFFFFF380;
	s5 =	sadd.s32 s13, s12  }
0x226: {  	[tilespmem:s17], [sflag:$0x4] =	stream.linear.gather [hbm4b:s5+s4], $0xC80, $0x38;
	[tilespmem:$0x1D800] =	vst v63  }
0x227: {  	_ =	swait.ge [sflag:s16], $0xC80  }
0x228: {  	[sflag:s16] =	ssyncset.done $0x0  }
0x229: {  	[sflag:s16] =	ssyncadd.s32 $0xFFFFF380  }
0x22a: {  	[tilespmem:s15], [sflag:$0x1] =	stream.indirect.gather [hbm4b:s2+s18], $0x80, s4, s18, $0xb8;
	[tilespmem:$0x1D800] =	vst v63  }
0x22b: {  	s13 =	rddreg [dreg:$0x6]  }
0x22c: {  	[tilespmem:s19], [sflag:$0x2] =	stream.indirect.gather [hbm4b:s2+s18], $0x80, s13, s18, $0xb8;
	[tilespmem:$0x1D800] =	vst v63  }
0x22d: {  	s12 =	rddreg [dreg:$0x7]  }
0x22e: {  	[tilespmem:s20], [sflag:$0x3] =	stream.indirect.gather [hbm4b:s2+s18], $0x80, s12, s18, $0xb8;
	[tilespmem:$0x1D800] =	vst v63  }
0x22f: {  	_ =	swait.ge [sflag:s21], $0x2800  }
0x230: {  	[sflag:s21] =	ssyncset.done $0x0  }
0x231: {  	[sflag:s21] =	ssyncadd.s32 $0xFFFFD800  }
0x232: {  	[spmem:s3] =	stream.indirect.scatter.add.f32 [tilespmem:s15], [sflag:$0x4], $0x80, s17, s18, $0xb8;
	[tilespmem:$0x1D800] =	vst v63  }
0x233: {  	_ =	swait.ge [sflag:s16], $0x2800  }
0x234: {  	[sflag:s16] =	ssyncset.done $0x0  }
0x235: {  	s14 =	rddreg [dreg:$0x8];
	[sflag:s16] =	ssyncadd.s32 $0xFFFFD800  }
0x236: {  	[tilespmem:s15], [sflag:$0x1] =	stream.indirect.gather [hbm4b:s2+s18], $0x80, s14, s18, $0xb8;
	[tilespmem:$0x1D800] =	vst v63  }
0x237: {  	_ =	swait.ge [sflag:s22], $0x2800  }
0x238: {  	[sflag:s22] =	ssyncset.done $0x0  }
0x239: {  	s12 =	rddreg [dreg:$0x9];
	[sflag:s22] =	ssyncadd.s32 $0xFFFFD800  }
0x23a: {  	[spmem:s3] =	stream.indirect.scatter.add.f32 [tilespmem:s19], [sflag:$0x4], $0x80, s12, s18, $0xb8;
	[tilespmem:$0x1D800] =	vst v63  }
0x23b: {  	_ =	swait.ge [sflag:s16], $0x2800  }
0x23c: {  	[sflag:s16] =	ssyncset.done $0x0  }
0x23d: {  	s13 =	rddreg [dreg:$0xa];
	[sflag:s16] =	ssyncadd.s32 $0xFFFFD800  }
0x23e: {  	[tilespmem:s19], [sflag:$0x2] =	stream.indirect.gather [hbm4b:s2+s18], $0x80, s13, s18, $0xb8;
	[tilespmem:$0x1D800] =	vst v63  }
0x23f: {  	_ =	swait.ge [sflag:s23], $0x2800  }
0x240: {  	[sflag:s23] =	ssyncset.done $0x0  }
0x241: {  	s14 =	rddreg [dreg:$0xb];
	[sflag:s23] =	ssyncadd.s32 $0xFFFFD800  }
0x242: {  	[spmem:s3] =	stream.indirect.scatter.add.f32 [tilespmem:s20], [sflag:$0x4], $0x80, s14, s18, $0xb8;
	[tilespmem:$0x1D800] =	vst v63  }
0x243: {  	_ =	swait.ge [sflag:s16], $0x2800  }
0x244: {  	[sflag:s16] =	ssyncset.done $0x0  }
0x245: {  	s12 =	rddreg [dreg:$0xc];
	[sflag:s16] =	ssyncadd.s32 $0xFFFFD800  }
0x246: {  	[tilespmem:s20], [sflag:$0x3] =	stream.indirect.gather [hbm4b:s2+s18], $0x80, s12, s18, $0xb8;
	[tilespmem:$0x1D800] =	vst v63  }
0x247: {  	_ =	swait.ge [sflag:s21], $0x2800  }
0x248: {  	[sflag:s21] =	ssyncset.done $0x0  }
0x249: {  	s13 =	rddreg [dreg:$0xd];
	[sflag:s21] =	ssyncadd.s32 $0xFFFFD800  }
0x24a: {  	[spmem:s3] =	stream.indirect.scatter.add.f32 [tilespmem:s15], [sflag:$0x4], $0x80, s13, s18, $0xb8;
	[tilespmem:$0x1D800] =	vst v63  }
0x24b: {  	_ =	swait.ge [sflag:s16], $0x2800  }
0x24c: {  	[sflag:s16] =	ssyncset.done $0x0  }
0x24d: {  	s14 =	rddreg [dreg:$0xe];
	[sflag:s16] =	ssyncadd.s32 $0xFFFFD800  }
0x24e: {  	[tilespmem:s15], [sflag:$0x1] =	stream.indirect.gather [hbm4b:s2+s18], $0x80, s14, s18, $0xb8;
	[tilespmem:$0x1D800] =	vst v63  }
0x24f: {  	_ =	swait.ge [sflag:s22], $0x2800  }
0x250: {  	[sflag:s22] =	ssyncset.done $0x0  }
0x251: {  	s12 =	rddreg [dreg:$0xf];
	[sflag:s22] =	ssyncadd.s32 $0xFFFFD800  }
0x252: {  	[spmem:s3] =	stream.indirect.scatter.add.f32 [tilespmem:s19], [sflag:$0x4], $0x80, s12, s18, $0xb8;
	[tilespmem:$0x1D800] =	vst v63  }
0x253: {  	_ =	swait.ge [sflag:s16], $0x2800  }
0x254: {  	[sflag:s16] =	ssyncset.done $0x0  }
0x255: {  	s13 =	rddreg [dreg:$0x10];
	[sflag:s16] =	ssyncadd.s32 $0xFFFFD800  }
0x256: {  	[tilespmem:s19], [sflag:$0x2] =	stream.indirect.gather [hbm4b:s2+s18], $0x80, s13, s18, $0xb8;
	[tilespmem:$0x1D800] =	vst v63  }
0x257: {  	_ =	swait.ge [sflag:s23], $0x2800  }
0x258: {  	[sflag:s23] =	ssyncset.done $0x0  }
0x259: {  	s14 =	rddreg [dreg:$0x11];
	[sflag:s23] =	ssyncadd.s32 $0xFFFFD800  }
0x25a: {  	[spmem:s3] =	stream.indirect.scatter.add.f32 [tilespmem:s20], [sflag:$0x4], $0x80, s14, s18, $0xb8;
	[tilespmem:$0x1D800] =	vst v63  }
0x25b: {  	_ =	swait.ge [sflag:s16], $0x2800  }
0x25c: {  	[sflag:s16] =	ssyncset.done $0x0  }
0x25d: {  	s12 =	rddreg [dreg:$0x12];
	[sflag:s16] =	ssyncadd.s32 $0xFFFFD800  }
0x25e: {  	[tilespmem:s20], [sflag:$0x3] =	stream.indirect.gather [hbm4b:s2+s18], $0x80, s12, s18, $0xb8;
	[tilespmem:$0x1D800] =	vst v63  }
0x25f: {  	_ =	swait.ge [sflag:s21], $0x2800  }
0x260: {  	[sflag:s21] =	ssyncset.done $0x0  }
0x261: {  	s13 =	rddreg [dreg:$0x13];
	[sflag:s21] =	ssyncadd.s32 $0xFFFFD800  }
0x262: {  	[spmem:s3] =	stream.indirect.scatter.add.f32 [tilespmem:s15], [sflag:$0x4], $0x80, s13, s18, $0xb8;
	[tilespmem:$0x1D800] =	vst v63  }
0x263: {  	_ =	swait.ge [sflag:s16], $0x2800  }
0x264: {  	[sflag:s16] =	ssyncset.done $0x0  }
0x265: {  	s14 =	rddreg [dreg:$0x14];
	[sflag:s16] =	ssyncadd.s32 $0xFFFFD800  }
0x266: {  	[tilespmem:s15], [sflag:$0x1] =	stream.indirect.gather [hbm4b:s2+s18], $0x80, s14, s18, $0xb8;
	[tilespmem:$0x1D800] =	vst v63  }
0x267: {  	_ =	swait.ge [sflag:s22], $0x2800  }
0x268: {  	[sflag:s22] =	ssyncset.done $0x0  }
0x269: {  	s12 =	rddreg [dreg:$0x15];
	[sflag:s22] =	ssyncadd.s32 $0xFFFFD800  }
0x26a: {  	[spmem:s3] =	stream.indirect.scatter.add.f32 [tilespmem:s19], [sflag:$0x4], $0x80, s12, s18, $0xb8;
	[tilespmem:$0x1D800] =	vst v63  }
0x26b: {  	_ =	swait.ge [sflag:s16], $0x2800  }
0x26c: {  	[sflag:s16] =	ssyncset.done $0x0  }
0x26d: {  	s13 =	rddreg [dreg:$0x16];
	[sflag:s16] =	ssyncadd.s32 $0xFFFFD800  }
0x26e: {  	[tilespmem:s19], [sflag:$0x2] =	stream.indirect.gather [hbm4b:s2+s18], $0x80, s13, s18, $0xb8;
	[tilespmem:$0x1D800] =	vst v63  }
0x26f: {  	_ =	swait.ge [sflag:s23], $0x2800  }
0x270: {  	[sflag:s23] =	ssyncset.done $0x0  }
0x271: {  	s14 =	rddreg [dreg:$0x17];
	[sflag:s23] =	ssyncadd.s32 $0xFFFFD800  }
0x272: {  	[spmem:s3] =	stream.indirect.scatter.add.f32 [tilespmem:s20], [sflag:$0x4], $0x80, s14, s18, $0xb8;
	[tilespmem:$0x1D800] =	vst v63  }
0x273: {  	_ =	swait.ge [sflag:s16], $0x2800  }
0x274: {  	[sflag:s16] =	ssyncset.done $0x0  }
0x275: {  	s12 =	rddreg [dreg:$0x18];
	[sflag:s16] =	ssyncadd.s32 $0xFFFFD800  }
0x276: {  	[tilespmem:s20], [sflag:$0x3] =	stream.indirect.gather [hbm4b:s2+s18], $0x80, s12, s18, $0xb8;
	[tilespmem:$0x1D800] =	vst v63  }
0x277: {  	_ =	swait.ge [sflag:s21], $0x2800  }
0x278: {  	[sflag:s21] =	ssyncset.done $0x0  }
0x279: {  	s13 =	rddreg [dreg:$0x19];
	[sflag:s21] =	ssyncadd.s32 $0xFFFFD800  }
0x27a: {  	[spmem:s3] =	stream.indirect.scatter.add.f32 [tilespmem:s15], [sflag:$0x4], $0x80, s13, s18, $0xb8;
	[tilespmem:$0x1D800] =	vst v63  }
0x27b: {  	_ =	swait.ge [sflag:s16], $0x2800  }
0x27c: {  	[sflag:s16] =	ssyncset.done $0x0  }
0x27d: {  	s14 =	rddreg [dreg:$0x1a];
	[sflag:s16] =	ssyncadd.s32 $0xFFFFD800  }
0x27e: {  	[tilespmem:s15], [sflag:$0x1] =	stream.indirect.gather [hbm4b:s2+s18], $0x80, s14, s18, $0xb8;
	[tilespmem:$0x1D800] =	vst v63  }
0x27f: {  	_ =	swait.ge [sflag:s22], $0x2800  }
0x280: {  	[sflag:s22] =	ssyncset.done $0x0  }
0x281: {  	s12 =	rddreg [dreg:$0x1b];
	[sflag:s22] =	ssyncadd.s32 $0xFFFFD800  }
0x282: {  	[spmem:s3] =	stream.indirect.scatter.add.f32 [tilespmem:s19], [sflag:$0x4], $0x80, s12, s18, $0xb8;
	[tilespmem:$0x1D800] =	vst v63  }
0x283: {  	_ =	swait.ge [sflag:s16], $0x2800  }
0x284: {  	[sflag:s16] =	ssyncset.done $0x0  }
0x285: {  	s13 =	rddreg [dreg:$0x1c];
	[sflag:s16] =	ssyncadd.s32 $0xFFFFD800  }
0x286: {  	[tilespmem:s19], [sflag:$0x2] =	stream.indirect.gather [hbm4b:s2+s18], $0x80, s13, s18, $0xb8;
	[tilespmem:$0x1D800] =	vst v63  }
0x287: {  	_ =	swait.ge [sflag:s23], $0x2800  }
0x288: {  	[sflag:s23] =	ssyncset.done $0x0  }
0x289: {  	s14 =	rddreg [dreg:$0x1d];
	[sflag:s23] =	ssyncadd.s32 $0xFFFFD800  }
0x28a: {  	[spmem:s3] =	stream.indirect.scatter.add.f32 [tilespmem:s20], [sflag:$0x4], $0x80, s14, s18, $0xb8;
	[tilespmem:$0x1D800] =	vst v63  }
0x28b: {  	_ =	swait.ge [sflag:s16], $0x2800  }
0x28c: {  	[sflag:s16] =	ssyncset.done $0x0  }
0x28d: {  	s12 =	rddreg [dreg:$0x1e];
	[sflag:s16] =	ssyncadd.s32 $0xFFFFD800  }
0x28e: {  	[tilespmem:s20], [sflag:$0x3] =	stream.indirect.gather [hbm4b:s2+s18], $0x80, s12, s18, $0xb8;
	[tilespmem:$0x1D800] =	vst v63  }
0x28f: {  	_ =	swait.ge [sflag:s21], $0x2800  }
0x290: {  	[sflag:s21] =	ssyncset.done $0x0  }
0x291: {  	s13 =	rddreg [dreg:$0x1f];
	[sflag:s21] =	ssyncadd.s32 $0xFFFFD800  }
0x292: {  	[spmem:s3] =	stream.indirect.scatter.add.f32 [tilespmem:s15], [sflag:$0x4], $0x80, s13, s18, $0xb8;
	[tilespmem:$0x1D800] =	vst v63  }
0x293: {  	_ =	swait.ge [sflag:s16], $0x2800  }
0x294: {  	s14 =	sld [smem:$0x7F7]  }
0x295: {  	[sflag:s16] =	ssyncset.done $0x0  }
0x296: {  	[sflag:s16] =	ssyncadd.s32 $0xFFFFD800  }
0x297: {  	[tilespmem:s15], [sflag:$0x1] =	stream.indirect.gather [hbm4b:s2+s18], $0x80, s14, s18, $0xb8;
	[tilespmem:$0x1D800] =	vst v63  }
0x298: {  	_ =	swait.ge [sflag:s22], $0x2800  }
0x299: {  	s12 =	sld [smem:$0x7F8]  }
0x29a: {  	[sflag:s22] =	ssyncset.done $0x0  }
0x29b: {  	[sflag:s22] =	ssyncadd.s32 $0xFFFFD800  }
0x29c: {  	[spmem:s3] =	stream.indirect.scatter.add.f32 [tilespmem:s19], [sflag:$0x4], $0x80, s12, s18, $0xb8;
	[tilespmem:$0x1D800] =	vst v63  }
0x29d: {  	_ =	swait.ge [sflag:s16], $0x2800  }
0x29e: {  	s13 =	sld [smem:$0x7F9]  }
0x29f: {  	[sflag:s16] =	ssyncset.done $0x0  }
0x2a0: {  	[sflag:s16] =	ssyncadd.s32 $0xFFFFD800  }
0x2a1: {  	[tilespmem:s19], [sflag:$0x2] =	stream.indirect.gather [hbm4b:s2+s18], $0x80, s13, s18, $0xb8;
	[tilespmem:$0x1D800] =	vst v63  }
0x2a2: {  	_ =	swait.ge [sflag:s23], $0x2800  }
0x2a3: {  	s14 =	sld [smem:$0x7FA]  }
0x2a4: {  	[sflag:s23] =	ssyncset.done $0x0  }
0x2a5: {  	[sflag:s23] =	ssyncadd.s32 $0xFFFFD800  }
0x2a6: {  	[spmem:s3] =	stream.indirect.scatter.add.f32 [tilespmem:s20], [sflag:$0x4], $0x80, s14, s18, $0xb8;
	[tilespmem:$0x1D800] =	vst v63  }
0x2a7: {  	_ =	swait.ge [sflag:s16], $0x2800  }
0x2a8: {  	s12 =	sld [smem:$0x7FB]  }
0x2a9: {  	[sflag:s16] =	ssyncset.done $0x0  }
0x2aa: {  	[sflag:s16] =	ssyncadd.s32 $0xFFFFD800  }
0x2ab: {  	[tilespmem:s20], [sflag:$0x3] =	stream.indirect.gather [hbm4b:s2+s18], $0x80, s12, s18, $0xb8;
	[tilespmem:$0x1D800] =	vst v63  }
0x2ac: {  	_ =	swait.ge [sflag:s21], $0x2800  }
0x2ad: {  	s13 =	sld [smem:$0x7FC]  }
0x2ae: {  	[sflag:s21] =	ssyncset.done $0x0  }
0x2af: {  	[sflag:s21] =	ssyncadd.s32 $0xFFFFD800  }
0x2b0: {  	[spmem:s3] =	stream.indirect.scatter.add.f32 [tilespmem:s15], [sflag:$0x4], $0x80, s13, s18, $0xb8;
	[tilespmem:$0x1D800] =	vst v63  }
0x2b1: {  	_ =	swait.ge [sflag:s16], $0x2800  }
0x2b2: {  	s14 =	sld [smem:$0x7FD]  }
0x2b3: {  	[sflag:s16] =	ssyncset.done $0x0  }
0x2b4: {  	[sflag:s16] =	ssyncadd.s32 $0xFFFFD800  }
0x2b5: {  	[tilespmem:s15], [sflag:$0x1] =	stream.indirect.gather [hbm4b:s2+s18], $0x80, s14, s18, $0xb8;
	[tilespmem:$0x1D800] =	vst v63  }
0x2b6: {  	_ =	swait.ge [sflag:s22], $0x2800  }
0x2b7: {  	[sflag:s22] =	ssyncset.done $0x0  }
0x2b8: {  	[sflag:s22] =	ssyncadd.s32 $0xFFFFD800  }
0x2b9: {  	[spmem:s3] =	stream.indirect.scatter.add.f32 [tilespmem:s19], [sflag:$0x4], $0x80, s24, s18, $0xb8;
	[tilespmem:$0x1D800] =	vst v63  }
0x2ba: {  	_ =	swait.ge [sflag:s16], $0x2800  }
0x2bb: {  	[sflag:s16] =	ssyncset.done $0x0  }
0x2bc: {  	[sflag:s16] =	ssyncadd.s32 $0xFFFFD800  }
0x2bd: {  	[tilespmem:s19], [sflag:$0x2] =	stream.indirect.gather [hbm4b:s2+s18], $0x80, s25, s18, $0xb8;
	[tilespmem:$0x1D800] =	vst v63  }
0x2be: {  	_ =	swait.ge [sflag:s23], $0x2800  }
0x2bf: {  	[sflag:s23] =	ssyncset.done $0x0  }
0x2c0: {  	[sflag:s23] =	ssyncadd.s32 $0xFFFFD800  }
0x2c1: {  	[spmem:s3] =	stream.indirect.scatter.add.f32 [tilespmem:s20], [sflag:$0x4], $0x80, s26, s18, $0xb8;
	[tilespmem:$0x1D800] =	vst v63  }
0x2c2: {  	_ =	swait.ge [sflag:s16], $0x2800  }
0x2c3: {  	[sflag:s16] =	ssyncset.done $0x0  }
0x2c4: {  	[sflag:s16] =	ssyncadd.s32 $0xFFFFD800  }
0x2c5: {  	[tilespmem:s20], [sflag:$0x3] =	stream.indirect.gather [hbm4b:s2+s18], $0x80, s28, s18, $0xb8;
	[tilespmem:$0x1D800] =	vst v63  }
0x2c6: {  	_ =	swait.ge [sflag:s21], $0x2800  }
0x2c7: {  	[sflag:s21] =	ssyncset.done $0x0  }
0x2c8: {  	[sflag:s21] =	ssyncadd.s32 $0xFFFFD800  }
0x2c9: {  	[spmem:s3] =	stream.indirect.scatter.add.f32 [tilespmem:s15], [sflag:$0x4], $0x80, s29, s18, $0xb8;
	[tilespmem:$0x1D800] =	vst v63  }
0x2ca: {  	_ =	swait.ge [sflag:s16], $0x2800  }
0x2cb: {  	[sflag:s16] =	ssyncset.done $0x0  }
0x2cc: {  	[sflag:s16] =	ssyncadd.s32 $0xFFFFD800  }
0x2cd: {  	[tilespmem:s15], [sflag:$0x1] =	stream.indirect.gather [hbm4b:s2+s18], $0x80, s30, s18, $0xb8;
	[tilespmem:$0x1D800] =	vst v63  }
0x2ce: {  	_ =	swait.ge [sflag:s22], $0x2800  }
0x2cf: {  	[sflag:s22] =	ssyncset.done $0x0  }
0x2d0: {  	[sflag:s22] =	ssyncadd.s32 $0xFFFFD800  }
0x2d1: {  	[spmem:s3] =	stream.indirect.scatter.add.f32 [tilespmem:s19], [sflag:$0x4], $0x80, s31, s18, $0xb8;
	[tilespmem:$0x1D800] =	vst v63  }
0x2d2: {  	_ =	swait.ge [sflag:s16], $0x2800  }
0x2d3: {  	[sflag:s16] =	ssyncset.done $0x0  }
0x2d4: {  	[sflag:s16] =	ssyncadd.s32 $0xFFFFD800  }
0x2d5: {  	[tilespmem:s19], [sflag:$0x2] =	stream.indirect.gather [hbm4b:s2+s18], $0x80, s1, s18, $0xb8;
	[tilespmem:$0x1D800] =	vst v63  }
0x2d6: {  	_ =	swait.ge [sflag:s23], $0x2800  }
0x2d7: {  	[sflag:s23] =	ssyncset.done $0x0  }
0x2d8: {  	[sflag:s23] =	ssyncadd.s32 $0xFFFFD800  }
0x2d9: {  	[spmem:s3] =	stream.indirect.scatter.add.f32 [tilespmem:s20], [sflag:$0x4], $0x80, s0, s18, $0xb8;
	[tilespmem:$0x1D800] =	vst v63  }
0x2da: {  	_ =	swait.ge [sflag:s16], $0x2800  }
0x2db: {  	[sflag:s16] =	ssyncset.done $0x0  }
0x2dc: {  	[sflag:s16] =	ssyncadd.s32 $0xFFFFD800  }
0x2dd: {  	[tilespmem:s20], [sflag:$0x3] =	stream.indirect.gather [hbm4b:s2+s18], $0x80, s6, s18, $0xb8;
	[tilespmem:$0x1D800] =	vst v63  }
0x2de: {  	_ =	swait.ge [sflag:s21], $0x2800  }
0x2df: {  	[sflag:s21] =	ssyncset.done $0x0  }
0x2e0: {  	[sflag:s21] =	ssyncadd.s32 $0xFFFFD800  }
0x2e1: {  	[spmem:s3] =	stream.indirect.scatter.add.f32 [tilespmem:s15], [sflag:$0x4], $0x80, s7, s18, $0xb8;
	[tilespmem:$0x1D800] =	vst v63  }
0x2e2: {  	_ =	swait.ge [sflag:s16], $0x2800  }
0x2e3: {  	[sflag:s16] =	ssyncset.done $0x0  }
0x2e4: {  	[sflag:s16] =	ssyncadd.s32 $0xFFFFD800  }
0x2e5: {  	[tilespmem:s15], [sflag:$0x1] =	stream.indirect.gather [hbm4b:s2+s18], $0x80, s8, s18, $0xb8;
	[tilespmem:$0x1D800] =	vst v63  }
0x2e6: {  	_ =	swait.ge [sflag:s22], $0x2800  }
0x2e7: {  	[sflag:s22] =	ssyncset.done $0x0  }
0x2e8: {  	[sflag:s22] =	ssyncadd.s32 $0xFFFFD800  }
0x2e9: {  	[spmem:s3] =	stream.indirect.scatter.add.f32 [tilespmem:s19], [sflag:$0x4], $0x80, s9, s18, $0xb8;
	[tilespmem:$0x1D800] =	vst v63  }
0x2ea: {  	_ =	swait.ge [sflag:s16], $0x2800  }
0x2eb: {  	[sflag:s16] =	ssyncset.done $0x0  }
0x2ec: {  	[sflag:s16] =	ssyncadd.s32 $0xFFFFD800  }
0x2ed: {  	_ =	swait.ge [sflag:s23], $0x2800  }
0x2ee: {  	[sflag:s23] =	ssyncset.done $0x0  }
0x2ef: {  	[sflag:s23] =	ssyncadd.s32 $0xFFFFD800  }
0x2f0: {  	[spmem:s3] =	stream.indirect.scatter.add.f32 [tilespmem:s20], [sflag:$0x4], $0x80, s10, s18, $0xb8;
	[tilespmem:$0x1D800] =	vst v63  }
0x2f1: {  	_ =	swait.ge [sflag:s16], $0x2800  }
0x2f2: {  	[sflag:s16] =	ssyncset.done $0x0  }
0x2f3: {  	[sflag:s16] =	ssyncadd.s32 $0xFFFFD800  }
0x2f4: {  	_ =	swait.ge [sflag:s21], $0x2800  }
0x2f5: {  	[sflag:s21] =	ssyncset.done $0x0  }
0x2f6: {  	[sflag:s21] =	ssyncadd.s32 $0xFFFFD800  }
0x2f7: {  	[spmem:s3] =	stream.indirect.scatter.add.f32 [tilespmem:s15], [sflag:$0x4], $0x80, s11, s18, $0xb8;
	[tilespmem:$0x1D800] =	vst v63  }
0x2f8: {  	_ =	swait.ge [sflag:s16], $0x2800  }
0x2f9: {  	[sflag:s16] =	ssyncset.done $0x0  }
0x2fa: {  	[sflag:s16] =	ssyncadd.s32 $0xFFFFD800  }
0x2fb: {  	[bflag:$0x0] =	sbarrier.arrive $0xFFFF  }
0x2fc: {  	s13 =	sld [smem:$0x7F3]  }
0x2fd: {  	s12 =	stileid.u32;
	s14 =	sld [smem:$0x7F5]  }
0x2fe: {  	s5 =	sshll.u32 s12, $0x6  }
0x2ff: {  	s5 =	sor.u32 $0x1C04, s5;
	s12 =	sshrl.u32 s13, $0x3  }
0x300: {  	[hbm:s14], [sflag:s5] =	dma.local [spmem:s12], $0x2800  }
0x301: {  	_ =	swait.ge [sflag:s16], $0x2800  }
0x302: {  	s13 =	sld [smem:$0x7EC]  }
0x303: {  	s14 =	sld [smem:$0x7F6];
	_ =	sdelay $0x1  }
0x304: {  	s12 =	sadd.s32 $0x1, s13  }
0x305: {  	p0 =	sne.s32 s12, s14  }
.Ltmp2:
0x306: {  	_ = 	snop;
	(pc) =	sbr.rel @p0 .LBB2_1-.Ltmp2, $3  }
0x307: {  	_ =	sdelay $0x1  }
0x308: {  	[sflag:s16] =	ssyncset.done $0x0  }
0x309: {  	[sflag:s16] =	ssyncadd.s32 $0xFFFFD800  }
0x30a: {  	_ =	sfence.sel $0x180000  }
0x30b: {  	[bflag:$0x0] =	sbarrier.arrive $0xFFFF  }
0x30c: {  	_ =	strace $0x90000047  }
0x30d: {  	s0 =	stileid.u32;
	[bflag:$0x2] =	sbarrier.arrive $0xFFFF  }
0x30e: {  	p0 =	sne.s32 s0, $0x0;
	s0 =	rddreg [dreg:$0x3]  }
0x30f: {  	s0 =	sadd.s32 @!p0 $0x100000, s0  }
0x310: {  	[sflag:s0] =	ssyncadd.tile.s32 @!p0 $0x1;
	_ =	shalt  }
.Lfunc_end2:
_tile_overlayer_lowered:
.L_overlay_start_2:
0x311: {  	(tag) =	ssettag $0x2  }
0x312: {  	s0 =	rddreg [dreg:$0x0];
	s2 =	stileid.u32  }
0x313: {  	s1 =	rddreg [dreg:$0x1];
	p0 =	sne.s32 s2, $0x0  }
0x314: {  	s3 =	rddreg [dreg:$0x2];
	[bflag:$0x3] =	sbarrier.arrive $0xFFFF;
	s2 =	simm.s32 @!p0 $0x1C04  }
0x315: {  	[timem:s3], [sflag:s2] =	dma.local @!p0 [hbm:s0], s1  }
0x316: {  	s0 =	simm.s32 @!p0 $0x4  }
0x317: {  	_ =	swait.ge @!p0 [sflag:s0], s1  }
0x318: {  	s1 =	ssub.s32 @!p0 $0x0, s1;
	[sflag:s0] =	ssyncset.done @!p0 $0x0  }
0x319: {  	[sflag:s0] =	ssyncadd.s32 @!p0 s1  }
0x31a: {  	[bflag:$0x3] =	sbarrier.arrive $0xFFFF  }
0x31b: {  	_ =	shalt  }

// kernel: kernel.18.cloned.1.call-start
scs
__scs_entry_jumppad:
0x0: {  	(pc) =	sbr.rel $0x88, $3  }
0x1: {  	(tag) =	ssettag $0x0;
	lr =	simm.s32 $0x1  }
0x2: {  	[smem:$0x3F94] =	sst lr;
	_ =	strace $0xD0000000  }
0x3: {  	_ = 	snop  }
0x4: {  	_ = 	snop  }
0x5: {  	_ = 	snop  }
0x6: {  	_ = 	snop  }
0x7: {  	_ = 	snop  }
__scs_overlays_trampoline_lowered:
0x8: {  	[smem:$0x3FA3] =	sst s0  }
0x9: {  	[smem:$0x3FA4] =	sst s1  }
0xa: {  	[smem:$0x3FA5] =	sst s2  }
0xb: {  	[smem:$0x3FA6] =	sst s3  }
0xc: {  	[smem:$0x3FA7] =	sst s4  }
0xd: {  	[smem:$0x3FA8] =	sst s5  }
0xe: {  	[smem:$0x3FA9] =	sst s6  }
0xf: {  	[smem:$0x3FAA] =	sst s7  }
0x10: {  	[smem:$0x3FAB] =	sst s8  }
0x11: {  	[smem:$0x3FAC] =	sst s9;
	s0 =	simm.s32 @!p0 $0x0  }
0x12: {  	s1 =	sld [smem:$0x3F92];
	s0 =	simm.s32 @p0 $0x1  }
0x13: {  	[smem:$0x3FAD] =	sst s0;
	s0 =	simm.s32 @!p1 $0x0  }
0x14: {  	s2 =	sld [smem:$0x3F91];
	s0 =	simm.s32 @p1 $0x1  }
0x15: {  	[smem:$0x3FAE] =	sst s0;
	s0 =	simm.s32 @!p2 $0x0  }
0x16: {  	s3 =	sld [smem:$0x3FDB];
	s0 =	simm.s32 @p2 $0x1  }
0x17: {  	s4 =	simm.s32 $0x1BF5;
	[smem:$0x3FB0] =	sst s0  }
0x18: {  	s0 =	sld [smem:$0x3F93];
	_ =	swait.ge [sflag:s4], $0x0  }
0x19: {  	s7 =	sld [smem:$0x3F94]  }
0x1a: {  	s8 =	sadd.s32 $0xFFFFE003, lr  }
0x1b: {  	s9 =	sadd.s32 $0xFFFFFEF7, lr;
	s5 =	simm.s32 $0xFFFFFFFF;
	p2 =	slt.u32 s8, $0xFFFFF086  }
0x1c: {  	p1 =	slt.u32 s9, $0xF7A;
	s5 =	simm.s32 @!p2 $0x0  }
0x1d: {  	s5 =	simm.s32 @p1 $0x1;
	p0 =	seq.s32 s7, s2  }
0x1e: {  	s7 =	smul.u32 @!p0 $0xF7A, s2;
	p2 =	seq.s32 @!p0 s5, $0x0  }
0x1f: {  	s9 =	smul.u32 $0xF7A, s1;
	s8 =	simm.s32 @!p0 $0x1BF5;
	p2 =	por !p2, p0  }
0x20: {  	[sflag:s8] =	ssyncset.s32 @!p0 $0xFFFFF086;
	s6 =	sadd.s32 @!p0 s3, s7;
	s7 =	simm.s32 @!p0 $0x108  }
0x21: {  	s3 =	sadd.s32 s3, s9;
	s6 =	sadd.s32 @!p0 $0x88, s6;
	s7 =	simm.s32 @p2 $0x1082  }
0x22: {  	[simem:s7], [sflag:s8] =	dma.local @!p0 [hbm:s6], $0xF7A  }
0x23: {  	s9 =	sor.u32 $0xD0000000, s2;
	s6 =	simm.s32 $0x108;
	_ =	swait.ge @!p0 [sflag:s8], $0x0  }
0x24: {  	s3 =	sadd.s32 $0x88, s3;
	s6 =	simm.s32 @!p1 $0x1082;
	[sflag:s4] =	ssyncset.s32 $0xFFFFF086  }
0x25: {  	[simem:s6], [sflag:s4] =	dma.local [hbm:s3], $0xF7A  }
0x26: {  	[smem:$0x3F94] =	sst s1;
	(tag) =	ssettag s2;
	_ =	strace s9  }
0x27: {  	s1 =	sld [smem:$0x3FA4]  }
0x28: {  	s2 =	sld [smem:$0x3FA5]  }
0x29: {  	s4 =	sld [smem:$0x3FA7]  }
0x2a: {  	p0 =	seq.s32 s5, $0x0;
	s5 =	sld [smem:$0x3FA8]  }
0x2b: {  	s6 =	sld [smem:$0x3FA9]  }
0x2c: {  	s7 =	sld [smem:$0x3FAA]  }
0x2d: {  	s3 =	simm.s32 $0x108;
	s8 =	sld [smem:$0x3FAB]  }
0x2e: {  	s3 =	simm.s32 @!p0 $0x1082;
	s9 =	sld [smem:$0x3FAC]  }
0x2f: {  	lr =	sadd.s32 s0, s3;
	s0 =	sld [smem:$0x3FA3]  }
0x30: {  	s3 =	sld [smem:$0x3FA6]  }
0x31: {  	[smem:$0x3FAF] =	sst s10  }
0x32: {  	s10 =	sld [smem:$0x3FAD];
	_ =	sdelay $0x3  }
0x33: {  	p0 =	seq.s32 s10, $0x1;
	s10 =	sld [smem:$0x3FAF];
	_ =	sdelay $0x3  }
0x34: {  	[smem:$0x3FAF] =	sst s10  }
0x35: {  	s10 =	sld [smem:$0x3FAE];
	_ =	sdelay $0x3  }
0x36: {  	p1 =	seq.s32 s10, $0x1;
	s10 =	sld [smem:$0x3FAF];
	_ =	sdelay $0x3  }
0x37: {  	[smem:$0x3FAF] =	sst s10  }
0x38: {  	s10 =	sld [smem:$0x3FB0]  }
0x39: {  	_ = 	snop;
	(pc) =	sbr.ind lr, $3  }
0x3a: {  	_ = 	snop  }
0x3b: {  	_ = 	snop  }
0x3c: {  	p2 =	seq.s32 s10, $0x1;
	s10 =	sld [smem:$0x3FAF]  }
0x3d: {  	_ =	shalt  }
0x3e: {  	_ =	shalt  }
0x3f: {  	_ =	shalt  }
0x40: {  	_ =	shalt  }
0x41: {  	_ =	shalt  }
0x42: {  	_ =	shalt  }
0x43: {  	_ =	shalt  }
0x44: {  	_ =	shalt  }
0x45: {  	_ =	shalt  }
0x46: {  	_ =	shalt  }
0x47: {  	_ =	shalt  }
0x48: {  	_ =	shalt  }
0x49: {  	_ =	shalt  }
0x4a: {  	_ =	shalt  }
0x4b: {  	_ =	shalt  }
0x4c: {  	_ =	shalt  }
0x4d: {  	_ =	shalt  }
0x4e: {  	_ =	shalt  }
0x4f: {  	_ =	shalt  }
0x50: {  	_ =	shalt  }
0x51: {  	_ =	shalt  }
0x52: {  	_ =	shalt  }
0x53: {  	_ =	shalt  }
0x54: {  	_ =	shalt  }
0x55: {  	_ =	shalt  }
0x56: {  	_ =	shalt  }
0x57: {  	_ =	shalt  }
0x58: {  	_ =	shalt  }
0x59: {  	_ =	shalt  }
0x5a: {  	_ =	shalt  }
0x5b: {  	_ =	shalt  }
0x5c: {  	_ =	shalt  }
0x5d: {  	_ =	shalt  }
0x5e: {  	_ =	shalt  }
0x5f: {  	_ =	shalt  }
0x60: {  	_ =	shalt  }
0x61: {  	_ =	shalt  }
0x62: {  	_ =	shalt  }
0x63: {  	_ =	shalt  }
0x64: {  	_ =	shalt  }
0x65: {  	_ =	shalt  }
0x66: {  	_ =	shalt  }
0x67: {  	_ =	shalt  }
0x68: {  	_ =	shalt  }
0x69: {  	_ =	shalt  }
0x6a: {  	_ =	shalt  }
0x6b: {  	_ =	shalt  }
0x6c: {  	_ =	shalt  }
0x6d: {  	_ =	shalt  }
0x6e: {  	_ =	shalt  }
0x6f: {  	_ =	shalt  }
0x70: {  	_ =	shalt  }
0x71: {  	_ =	shalt  }
0x72: {  	_ =	shalt  }
0x73: {  	_ =	shalt  }
0x74: {  	_ =	shalt  }
0x75: {  	_ =	shalt  }
0x76: {  	_ =	shalt  }
0x77: {  	_ =	shalt  }
0x78: {  	_ =	shalt  }
0x79: {  	_ =	shalt  }
0x7a: {  	_ =	shalt  }
0x7b: {  	_ =	shalt  }
0x7c: {  	_ =	shalt  }
0x7d: {  	_ =	shalt  }
0x7e: {  	_ =	shalt  }
0x7f: {  	_ =	shalt  }
0x80: {  	_ =	shalt  }
0x81: {  	_ =	shalt  }
0x82: {  	_ =	shalt  }
0x83: {  	_ =	shalt  }
0x84: {  	_ =	shalt  }
0x85: {  	_ =	shalt  }
0x86: {  	_ =	shalt  }
0x87: {  	_ =	shalt  }
.Lfunc_end0:
.L_simem_size_0:
called_computation.1_lowered:
.L_overlay_start_0:
0x88: {  	s2 =	sld [smem:$0x3FD9]  }
0x89: {  	s3 =	sld [smem:$0x3FFE];
	_ =	sdelay $0x1  }
0x8a: {  	s1 =	srdreg.scid  }
0x8b: {  	s0 =	sand.u32 $0x1, s1  }
0x8c: {  	s17 =	sshll.u32 s0, $0xA;
	s2 =	sadd.s32 s3, s2  }
0x8d: {  	s2 =	sadd.s32 s2, s17  }
0x8e: {  	[smem:$0x3FBB] =	sst s2  }
0x8f: {  	_ = 	snop  }
0x90: {  	s2 =	sld [smem:$0x3FD0];
	(tm) =	ssettm $0x1  }
0x91: {  	s18 =	sld [smem:$0x3FFB];
	_ =	sdelay $0x3  }
0x92: {  	_ =	strace s18  }
0x93: {  	s3 =	sld [smem:$0x3FFC];
	_ =	sdelay $0x3  }
0x94: {  	_ =	strace s3  }
0x95: {  	s3 =	sld [smem:$0x3FFD];
	_ =	sdelay $0x3  }
0x96: {  	_ =	strace s3  }
0x97: {  	_ =	strace $0x8FFFFFFF  }
0x98: {  	s19 =	sld [smem:$0x3FDB];
	_ =	sdelay $0x1  }
0x99: {  	s4 =	simm.s32 $_scs_section_size  }
0x9a: {  	s5 =	simm.s32 $_size__tile_overlayer_lowered;
	s6 =	simm.s32 $_tile_overlayer_lowered  }
0x9b: {  	s22 =	simm.s32 $0x1BFF;
	s21 =	sshll.u32 s6, $0x1;
	s3 =	sadd.s32 s4, s19  }
0x9c: {  	s7 =	simm.s32 $0x0;
	s20 =	sshll.u32 s5, $0x1;
	s5 =	sadd.s32 s21, s3  }
0x9d: {  	[timem:s7], [sflag:s22] =	dma.local [hbm:s5], s20  }
0x9e: {  	_ =	swait.ge [sflag:s22], s20  }
0x9f: {  	s4 =	ssub.s32 $0x0, s20;
	[sflag:s22] =	ssyncset.done $0x0  }
0xa0: {  	[sflag:s22] =	ssyncadd.s32 s4;
	_ =	sdelay $0x1  }
0xa1: {  	s23 =	simm.s32 $0x1B8B  }
0xa2: {  	_ =	swait.ge [sflag:s23], $0x1  }
0xa3: {  	[sflag:s23] =	ssyncset.done $0x0  }
0xa4: {  	s25 =	simm.s32 $0x1B8E;
	s24 =	sld [smem:$0x3FFE];
	[sflag:s23] =	ssyncadd.s32 $0xFFFFFFFF  }
0xa5: {  	s26 =	simm.s32 $execute0_lowered;
	[smem:$0x3FD2] =	sst s25  }
0xa6: {  	s5 =	sshll.u32 s26, $0x1;
	_ =	strace $0x80000049;
	[dreg:$0x1] =	wrdreg $0xFFFFFFFF  }
0xa7: {  	s28 =	simm.s32 $_size_execute0_lowered;
	s3 =	sadd.s32 s3, s5;
	[dreg:$0x0] =	wrdreg $0x0  }
0xa8: {  	s5 =	sshll.u32 s28, $0x1;
	[dreg:$0x2] =	wrdreg s3  }
0xa9: {  	[dreg:$0x3] =	wrdreg s5  }
0xaa: {  	[dreg:$0x4] =	wrdreg $0xC0  }
0xab: {  	_ =	task [dreg:s7], $0x5FFFF  }
0xac: {  	[dreg:$0x1] =	wrdreg $0xFFFFFFFF  }
0xad: {  	[dreg:$0x0] =	wrdreg $0x60  }
0xae: {  	[dreg:$0x2] =	wrdreg s2  }
0xaf: {  	[dreg:$0x3] =	wrdreg s24  }
0xb0: {  	[dreg:$0x4] =	wrdreg $0x98000  }
0xb1: {  	[dreg:$0x5] =	wrdreg $0x9  }
0xb2: {  	_ =	task.clear_ibuf [dreg:s7], $0x6FFFF;
	_ =	strace $0x90000049  }
0xb3: {  	s29 =	simm.s32 $0x9;
	_ =	strace $0x8000004B  }
0xb4: {  	_ =	swait.ge [sflag:s29], $0x1  }
0xb5: {  	[sflag:s29] =	ssyncadd.s32 $0xFFFFFFFF  }
0xb6: {  	_ =	strace $0x9000004B  }
0xb7: {  	_ =	sfence  }
0xb8: {  	s30 =	sld [smem:$0x0];
	_ =	sdelay $0x2  }
0xb9: {  	s31 =	sshll.u32 s1, $0xD;
	s1 =	sshrl.u32 s1, $0x2  }
0xba: {  	s3 =	sand.u32 $0x4000, s31;
	s1 =	sadd.s32 s1, s30  }
0xbb: {  	s0 =	sor.u32 s3, s0;
	s1 =	sshll.u32 s1, $0x11  }
0xbc: {  	s0 =	sor.u32 s1, s0  }
0xbd: {  	s0 =	sadd.s32 $0x8F2B, s0  }
0xbe: {  	[sflag:s0] =	ssyncadd.remote.s32 $0x1  }
0xbf: {  	_ =	sfence.sel $0xFFFF  }
0xc0: {  	[dreg:$0x0] =	wrdreg $0xFFFFFFFF;
	(pc) =	sbr.abs _section_cstart, $3  }
0xc1: {  	[dreg:$0x1] =	wrdreg $0xFFFFFFFF  }
0xc2: {  	_ =	task.clear_ibuf [dreg:s7], $0x2FFFF;
	_ =	strace $0x9FFFFFFF  }
0xc3: {  	(tm) =	ssettm $0x7FFFFFFF  }
tec
execute0_lowered:
.L_overlay_start_1:
0x0: {  	(tag) =	ssettag $0x1  }
0x1: {  	s0 =	srdreg.scid;
	s8 =	stileid.u32  }
0x2: {  	s0 =	sand.u32 $0x1, s0;
	s1 =	smul.u32 $0xA000, s8  }
0x3: {  	s2 =	rddreg [dreg:$0x0];
	s4 =	smul.u32 $0x5000, s0  }
0x4: {  	s5 =	rddreg [dreg:$0x1]  }
0x5: {  	s3 =	rddreg [dreg:$0x2];
	s1 =	sadd.s32 s4, s1;
	s4 =	simm.s32 $0x0  }
0x6: {  	s21 =	simm.s32 $0x80;
	[smem:$0x7FF] =	sst s4  }
0x7: {  	s22 =	simm.s32 $0x100;
	_ =	strace $0x8000004A;
	[dreg:$0x6] =	wrdreg s21  }
0x8: {  	s23 =	simm.s32 $0x180;
	[dreg:$0x7] =	wrdreg s22  }
0x9: {  	s24 =	simm.s32 $0x1080;
	[dreg:$0x8] =	wrdreg s23  }
0xa: {  	s26 =	simm.s32 $0x200;
	[dreg:$0x9] =	wrdreg s24  }
0xb: {  	s9 =	simm.s32 $0x1100;
	[dreg:$0xa] =	wrdreg s26  }
0xc: {  	s10 =	simm.s32 $0x280;
	[dreg:$0xb] =	wrdreg s9  }
0xd: {  	s11 =	simm.s32 $0x1180;
	[dreg:$0xc] =	wrdreg s10  }
0xe: {  	s12 =	simm.s32 $0x300;
	[dreg:$0xd] =	wrdreg s11  }
0xf: {  	s13 =	simm.s32 $0x1200;
	[dreg:$0xe] =	wrdreg s12  }
0x10: {  	s14 =	simm.s32 $0x380;
	s16 =	simm.s32 $0x1280;
	[dreg:$0xf] =	wrdreg s13  }
0x11: {  	s18 =	simm.s32 $0x400;
	s19 =	simm.s32 $0x1300;
	[dreg:$0x10] =	wrdreg s14  }
0x12: {  	s25 =	smul.u32 $0x140000, s0;
	s0 =	ssub.s32 $0x2, s0;
	[dreg:$0x11] =	wrdreg s16  }
0x13: {  	s17 =	smul.u32 $0x50000, s8;
	s15 =	sshrl.u32 s0, $0x1;
	[dreg:$0x12] =	wrdreg s18  }
0x14: {  	s0 =	ssub.s32 s0, s15;
	s15 =	simm.s32 $0x1500;
	[dreg:$0x13] =	wrdreg s19  }
0x15: {  	s0 =	smax.u32 s0, $0x1;
	[dreg:$0x1b] =	wrdreg s15  }
0x16: {  	s20 =	sshrl.u32 s17, $0x2;
	s17 =	simm.s32 $0x1580;
	[smem:$0x7F6] =	sst s0  }
0x17: {  	s21 =	simm.s32 $0x480;
	[dreg:$0x1d] =	wrdreg s17  }
0x18: {  	s22 =	simm.s32 $0x1380;
	[dreg:$0x14] =	wrdreg s21  }
0x19: {  	s28 =	simm.s32 $0xA00;
	s24 =	simm.s32 $0x500;
	[dreg:$0x15] =	wrdreg s22  }
0x1a: {  	s29 =	simm.s32 $0x1900;
	s26 =	simm.s32 $0x1400;
	[dreg:$0x16] =	wrdreg s24  }
0x1b: {  	s30 =	simm.s32 $0xA80;
	s9 =	simm.s32 $0x580;
	[dreg:$0x17] =	wrdreg s26  }
0x1c: {  	s31 =	simm.s32 $0x1980;
	s11 =	simm.s32 $0x1480;
	[dreg:$0x18] =	wrdreg s9  }
0x1d: {  	s7 =	smul.u32 $0x14000, s8;
	s13 =	simm.s32 $0x600;
	[dreg:$0x19] =	wrdreg s11  }
0x1e: {  	s1 =	sshrl.u32 s1, $0x3;
	s16 =	simm.s32 $0x680;
	[dreg:$0x1a] =	wrdreg s13  }
0x1f: {  	s1 =	sadd.s32 s1, s5;
	s18 =	simm.s32 $0x700;
	[dreg:$0x1c] =	wrdreg s16  }
0x20: {  	s15 =	simm.s32 $0x2000;
	s19 =	simm.s32 $0x1600;
	[dreg:$0x1e] =	wrdreg s18  }
0x21: {  	s17 =	simm.s32 $0x1000;
	s6 =	sadd.s32 $0x18600, s1;
	[dreg:$0x1f] =	wrdreg s19  }
0x22: {  	s0 =	simm.s32 $0x1A00;
	s1 =	sadd.s32 $0x4600, s1;
	[dreg:$0x4] =	wrdreg s6  }
0x23: {  	s16 =	simm.s32 $0x4;
	s21 =	simm.s32 $0x1680;
	[dreg:$0x5] =	wrdreg s1  }
0x24: {  	s18 =	simm.s32 $0x50;
	s22 =	simm.s32 $0x800;
	[smem:$0x7F8] =	sst s21  }
0x25: {  	s24 =	simm.s32 $0x880;
	s6 =	sadd.s32 s7, s25;
	[smem:$0x7F9] =	sst s22  }
0x26: {  	s26 =	simm.s32 $0x900;
	[smem:$0x7FB] =	sst s24;
	s6 =	sshrl.u32 s6, $0x3  }
0x27: {  	[smem:$0x7FD] =	sst s26;
	s5 =	sadd.s32 s6, s5;
	s6 =	sadd.s32 s20, s3  }
0x28: {  	s19 =	simm.s32 $0x4800;
	s20 =	simm.s32 $0x780;
	[smem:$0x7F3] =	sst s6  }
0x29: {  	s9 =	simm.s32 $0x1B00;
	s23 =	sadd.s32 $0x2800, s6;
	[smem:$0x7F7] =	sst s20  }
0x2a: {  	s11 =	simm.s32 $0x1C00;
	s25 =	sadd.s32 $0x5000, s6;
	[smem:$0x7ED] =	sst s23  }
0x2b: {  	s21 =	simm.s32 $0x1;
	s8 =	sadd.s32 $0x7800, s6;
	[smem:$0x7EE] =	sst s25  }
0x2c: {  	s22 =	simm.s32 $0x2;
	s10 =	sadd.s32 $0xA000, s6;
	[smem:$0x7EF] =	sst s8  }
0x2d: {  	s24 =	simm.s32 $0x1800;
	s12 =	sadd.s32 $0xC800, s6;
	[smem:$0x7F0] =	sst s10  }
0x2e: {  	s26 =	simm.s32 $0x1880;
	s14 =	sadd.s32 $0xF000, s6;
	[smem:$0x7F1] =	sst s12  }
0x2f: {  	s1 =	simm.s32 $0xB00;
	s6 =	sadd.s32 $0x11800, s6;
	[smem:$0x7F2] =	sst s14  }
0x30: {  	s7 =	simm.s32 $0x1A80;
	s5 =	sadd.s32 $0x2C600, s5;
	[smem:$0x7F4] =	sst s6  }
0x31: {  	s20 =	simm.s32 $0x7000;
	[smem:$0x7F5] =	sst s5;
	s23 =	simm.s32 $0x1700  }
0x32: {  	s25 =	simm.s32 $0x1780;
	s6 =	simm.s32 $0xB80;
	s8 =	simm.s32 $0xC00  }
0x33: {  	s10 =	simm.s32 $0x1B80;
	s12 =	simm.s32 $0x0;
	[smem:$0x7FA] =	sst s23  }
0x34: {  	v0 =	vimm.f32 $0.0e+00;
	[smem:$0x7FC] =	sst s25;
	s23 =	simm.s32 $0x3;
	s25 =	simm.s32 $0x980  }
.LBB2_1:
0x35: {  	s13 =	simm.s32 $0x0;
	s14 =	simm.s32 $0x200  }
.LBB2_2:
0x36: {  	p0 =	sne.s32 s14, $0x9E00;
	[tilespmem:s13+$0x2070] =	vst v0  }
0x37: {  	[tilespmem:s13+$0x2000] =	vst v0  }
0x38: {  	[tilespmem:s13+$0x2010] =	vst v0  }
.Ltmp0:
0x39: {  	[tilespmem:s13+$0x2020] =	vst v0;
	(pc) =	sbr.rel @p0 .LBB2_2-.Ltmp0, $4  }
0x3a: {  	[tilespmem:s13+$0x2030] =	vst v0  }
0x3b: {  	[tilespmem:s13+$0x2040] =	vst v0  }
0x3c: {  	[tilespmem:s13+$0x2050] =	vst v0  }
0x3d: {  	[tilespmem:s13+$0x2060] =	vst v0;
	s13 =	sshra.s32 s14, $0x2;
	s14 =	sadd.s32 $0x200, s14  }
0x3e: {  	[tilespmem:s13+$0x2070] =	vst v0  }
0x3f: {  	[tilespmem:s13+$0x2000] =	vst v0  }
0x40: {  	[tilespmem:s13+$0x2010] =	vst v0  }
0x41: {  	[tilespmem:s13+$0x2020] =	vst v0  }
0x42: {  	[tilespmem:s13+$0x2030] =	vst v0  }
0x43: {  	[tilespmem:s13+$0x2040] =	vst v0;
	s5 =	sld [smem:$0x7F3]  }
0x44: {  	[tilespmem:s13+$0x2050] =	vst v0  }
0x45: {  	[smem:$0x7EC] =	sst s12;
	[tilespmem:s13+$0x2060] =	vst v0  }
0x46: {  	[spmem:s5] =	stream.linear.scatter [tilespmem:s15], [sflag:$0x4], $0x2800, $0x38;
	[tilespmem:$0x1D800] =	vst v63  }
0x47: {  	_ =	swait.ge [sflag:s16], $0x2800  }
0x48: {  	s14 =	sld [smem:$0x7ED]  }
0x49: {  	[sflag:s16] =	ssyncset.done $0x0  }
0x4a: {  	[sflag:s16] =	ssyncadd.s32 $0xFFFFD800  }
0x4b: {  	[spmem:s14] =	stream.linear.scatter [tilespmem:s15], [sflag:$0x4], $0x2800, $0x38;
	[tilespmem:$0x1D800] =	vst v63  }
0x4c: {  	_ =	swait.ge [sflag:s16], $0x2800  }
0x4d: {  	s12 =	sld [smem:$0x7EE]  }
0x4e: {  	[sflag:s16] =	ssyncset.done $0x0  }
0x4f: {  	[sflag:s16] =	ssyncadd.s32 $0xFFFFD800  }
0x50: {  	[spmem:s12] =	stream.linear.scatter [tilespmem:s15], [sflag:$0x4], $0x2800, $0x38;
	[tilespmem:$0x1D800] =	vst v63  }
0x51: {  	_ =	swait.ge [sflag:s16], $0x2800  }
0x52: {  	s13 =	sld [smem:$0x7EF]  }
0x53: {  	[sflag:s16] =	ssyncset.done $0x0  }
0x54: {  	[sflag:s16] =	ssyncadd.s32 $0xFFFFD800  }
0x55: {  	[spmem:s13] =	stream.linear.scatter [tilespmem:s15], [sflag:$0x4], $0x2800, $0x38;
	[tilespmem:$0x1D800] =	vst v63  }
0x56: {  	_ =	swait.ge [sflag:s16], $0x2800  }
0x57: {  	s14 =	sld [smem:$0x7F0]  }
0x58: {  	[sflag:s16] =	ssyncset.done $0x0  }
0x59: {  	[sflag:s16] =	ssyncadd.s32 $0xFFFFD800  }
0x5a: {  	[spmem:s14] =	stream.linear.scatter [tilespmem:s15], [sflag:$0x4], $0x2800, $0x38;
	[tilespmem:$0x1D800] =	vst v63  }
0x5b: {  	_ =	swait.ge [sflag:s16], $0x2800  }
0x5c: {  	s12 =	sld [smem:$0x7F1]  }
0x5d: {  	[sflag:s16] =	ssyncset.done $0x0  }
0x5e: {  	[sflag:s16] =	ssyncadd.s32 $0xFFFFD800  }
0x5f: {  	[spmem:s12] =	stream.linear.scatter [tilespmem:s15], [sflag:$0x4], $0x2800, $0x38;
	[tilespmem:$0x1D800] =	vst v63  }
0x60: {  	_ =	swait.ge [sflag:s16], $0x2800  }
0x61: {  	s13 =	sld [smem:$0x7F2]  }
0x62: {  	[sflag:s16] =	ssyncset.done $0x0  }
0x63: {  	[sflag:s16] =	ssyncadd.s32 $0xFFFFD800  }
0x64: {  	[spmem:s13] =	stream.linear.scatter [tilespmem:s15], [sflag:$0x4], $0x2800, $0x38;
	[tilespmem:$0x1D800] =	vst v63  }
0x65: {  	_ =	swait.ge [sflag:s16], $0x2800  }
0x66: {  	s14 =	sld [smem:$0x7F4]  }
0x67: {  	[sflag:s16] =	ssyncset.done $0x0  }
0x68: {  	[sflag:s16] =	ssyncadd.s32 $0xFFFFD800  }
0x69: {  	[spmem:s14] =	stream.linear.scatter [tilespmem:s15], [sflag:$0x4], $0x2800, $0x38;
	[tilespmem:$0x1D800] =	vst v63  }
0x6a: {  	_ =	swait.ge [sflag:s16], $0x2800  }
0x6b: {  	[sflag:s16] =	ssyncset.done $0x0  }
0x6c: {  	[sflag:s16] =	ssyncadd.s32 $0xFFFFD800  }
0x6d: {  	[bflag:$0x0] =	sbarrier.arrive $0xFFFF  }
0x6e: {  	s12 =	rddreg [dreg:$0x5]  }
0x6f: {  	s5 =	sadd.s32 $0x0, s12  }
0x70: {  	[tilespmem:s4], [sflag:$0x4] =	stream.linear.gather [hbm4b:s5+s4], $0xC80, $0x38;
	[tilespmem:$0x1D800] =	vst v63  }
0x71: {  	_ =	swait.ge [sflag:s16], $0xC80  }
0x72: {  	s13 =	rddreg [dreg:$0x4];
	[sflag:s16] =	ssyncset.done $0x0  }
0x73: {  	[sflag:s16] =	ssyncadd.s32 $0xFFFFF380;
	s5 =	sadd.s32 $0x0, s13  }
0x74: {  	[tilespmem:s17], [sflag:$0x4] =	stream.linear.gather [hbm4b:s5+s4], $0xC80, $0x38;
	[tilespmem:$0x1D800] =	vst v63  }
0x75: {  	_ =	swait.ge [sflag:s16], $0xC80  }
0x76: {  	[sflag:s16] =	ssyncset.done $0x0  }
0x77: {  	[sflag:s16] =	ssyncadd.s32 $0xFFFFF380  }
0x78: {  	[tilespmem:s15], [sflag:$0x1] =	stream.indirect.gather [hbm4b:s2+s18], $0x80, s4, s18, $0xb8;
	[tilespmem:$0x1D800] =	vst v63  }
0x79: {  	s14 =	rddreg [dreg:$0x6]  }
0x7a: {  	[tilespmem:s19], [sflag:$0x2] =	stream.indirect.gather [hbm4b:s2+s18], $0x80, s14, s18, $0xb8;
	[tilespmem:$0x1D800] =	vst v63  }
0x7b: {  	s12 =	rddreg [dreg:$0x7]  }
0x7c: {  	[tilespmem:s20], [sflag:$0x3] =	stream.indirect.gather [hbm4b:s2+s18], $0x80, s12, s18, $0xb8;
	[tilespmem:$0x1D800] =	vst v63  }
0x7d: {  	_ =	swait.ge [sflag:s21], $0x2800  }
0x7e: {  	[sflag:s21] =	ssyncset.done $0x0  }
0x7f: {  	[sflag:s21] =	ssyncadd.s32 $0xFFFFD800  }
0x80: {  	[spmem:s3] =	stream.indirect.scatter.add.f32 [tilespmem:s15], [sflag:$0x4], $0x80, s17, s18, $0xb8;
	[tilespmem:$0x1D800] =	vst v63  }
0x81: {  	_ =	swait.ge [sflag:s16], $0x2800  }
0x82: {  	[sflag:s16] =	ssyncset.done $0x0  }
0x83: {  	s14 =	rddreg [dreg:$0x8];
	[sflag:s16] =	ssyncadd.s32 $0xFFFFD800  }
0x84: {  	[tilespmem:s15], [sflag:$0x1] =	stream.indirect.gather [hbm4b:s2+s18], $0x80, s14, s18, $0xb8;
	[tilespmem:$0x1D800] =	vst v63  }
0x85: {  	_ =	swait.ge [sflag:s22], $0x2800  }
0x86: {  	[sflag:s22] =	ssyncset.done $0x0  }
0x87: {  	s12 =	rddreg [dreg:$0x9];
	[sflag:s22] =	ssyncadd.s32 $0xFFFFD800  }
0x88: {  	[spmem:s3] =	stream.indirect.scatter.add.f32 [tilespmem:s19], [sflag:$0x4], $0x80, s12, s18, $0xb8;
	[tilespmem:$0x1D800] =	vst v63  }
0x89: {  	_ =	swait.ge [sflag:s16], $0x2800  }
0x8a: {  	[sflag:s16] =	ssyncset.done $0x0  }
0x8b: {  	s13 =	rddreg [dreg:$0xa];
	[sflag:s16] =	ssyncadd.s32 $0xFFFFD800  }
0x8c: {  	[tilespmem:s19], [sflag:$0x2] =	stream.indirect.gather [hbm4b:s2+s18], $0x80, s13, s18, $0xb8;
	[tilespmem:$0x1D800] =	vst v63  }
0x8d: {  	_ =	swait.ge [sflag:s23], $0x2800  }
0x8e: {  	[sflag:s23] =	ssyncset.done $0x0  }
0x8f: {  	s14 =	rddreg [dreg:$0xb];
	[sflag:s23] =	ssyncadd.s32 $0xFFFFD800  }
0x90: {  	[spmem:s3] =	stream.indirect.scatter.add.f32 [tilespmem:s20], [sflag:$0x4], $0x80, s14, s18, $0xb8;
	[tilespmem:$0x1D800] =	vst v63  }
0x91: {  	_ =	swait.ge [sflag:s16], $0x2800  }
0x92: {  	[sflag:s16] =	ssyncset.done $0x0  }
0x93: {  	s12 =	rddreg [dreg:$0xc];
	[sflag:s16] =	ssyncadd.s32 $0xFFFFD800  }
0x94: {  	[tilespmem:s20], [sflag:$0x3] =	stream.indirect.gather [hbm4b:s2+s18], $0x80, s12, s18, $0xb8;
	[tilespmem:$0x1D800] =	vst v63  }
0x95: {  	_ =	swait.ge [sflag:s21], $0x2800  }
0x96: {  	[sflag:s21] =	ssyncset.done $0x0  }
0x97: {  	s13 =	rddreg [dreg:$0xd];
	[sflag:s21] =	ssyncadd.s32 $0xFFFFD800  }
0x98: {  	[spmem:s3] =	stream.indirect.scatter.add.f32 [tilespmem:s15], [sflag:$0x4], $0x80, s13, s18, $0xb8;
	[tilespmem:$0x1D800] =	vst v63  }
0x99: {  	_ =	swait.ge [sflag:s16], $0x2800  }
0x9a: {  	[sflag:s16] =	ssyncset.done $0x0  }
0x9b: {  	s14 =	rddreg [dreg:$0xe];
	[sflag:s16] =	ssyncadd.s32 $0xFFFFD800  }
0x9c: {  	[tilespmem:s15], [sflag:$0x1] =	stream.indirect.gather [hbm4b:s2+s18], $0x80, s14, s18, $0xb8;
	[tilespmem:$0x1D800] =	vst v63  }
0x9d: {  	_ =	swait.ge [sflag:s22], $0x2800  }
0x9e: {  	[sflag:s22] =	ssyncset.done $0x0  }
0x9f: {  	s12 =	rddreg [dreg:$0xf];
	[sflag:s22] =	ssyncadd.s32 $0xFFFFD800  }
0xa0: {  	[spmem:s3] =	stream.indirect.scatter.add.f32 [tilespmem:s19], [sflag:$0x4], $0x80, s12, s18, $0xb8;
	[tilespmem:$0x1D800] =	vst v63  }
0xa1: {  	_ =	swait.ge [sflag:s16], $0x2800  }
0xa2: {  	[sflag:s16] =	ssyncset.done $0x0  }
0xa3: {  	s13 =	rddreg [dreg:$0x10];
	[sflag:s16] =	ssyncadd.s32 $0xFFFFD800  }
0xa4: {  	[tilespmem:s19], [sflag:$0x2] =	stream.indirect.gather [hbm4b:s2+s18], $0x80, s13, s18, $0xb8;
	[tilespmem:$0x1D800] =	vst v63  }
0xa5: {  	_ =	swait.ge [sflag:s23], $0x2800  }
0xa6: {  	[sflag:s23] =	ssyncset.done $0x0  }
0xa7: {  	s14 =	rddreg [dreg:$0x11];
	[sflag:s23] =	ssyncadd.s32 $0xFFFFD800  }
0xa8: {  	[spmem:s3] =	stream.indirect.scatter.add.f32 [tilespmem:s20], [sflag:$0x4], $0x80, s14, s18, $0xb8;
	[tilespmem:$0x1D800] =	vst v63  }
0xa9: {  	_ =	swait.ge [sflag:s16], $0x2800  }
0xaa: {  	[sflag:s16] =	ssyncset.done $0x0  }
0xab: {  	s12 =	rddreg [dreg:$0x12];
	[sflag:s16] =	ssyncadd.s32 $0xFFFFD800  }
0xac: {  	[tilespmem:s20], [sflag:$0x3] =	stream.indirect.gather [hbm4b:s2+s18], $0x80, s12, s18, $0xb8;
	[tilespmem:$0x1D800] =	vst v63  }
0xad: {  	_ =	swait.ge [sflag:s21], $0x2800  }
0xae: {  	[sflag:s21] =	ssyncset.done $0x0  }
0xaf: {  	s13 =	rddreg [dreg:$0x13];
	[sflag:s21] =	ssyncadd.s32 $0xFFFFD800  }
0xb0: {  	[spmem:s3] =	stream.indirect.scatter.add.f32 [tilespmem:s15], [sflag:$0x4], $0x80, s13, s18, $0xb8;
	[tilespmem:$0x1D800] =	vst v63  }
0xb1: {  	_ =	swait.ge [sflag:s16], $0x2800  }
0xb2: {  	[sflag:s16] =	ssyncset.done $0x0  }
0xb3: {  	s14 =	rddreg [dreg:$0x14];
	[sflag:s16] =	ssyncadd.s32 $0xFFFFD800  }
0xb4: {  	[tilespmem:s15], [sflag:$0x1] =	stream.indirect.gather [hbm4b:s2+s18], $0x80, s14, s18, $0xb8;
	[tilespmem:$0x1D800] =	vst v63  }
0xb5: {  	_ =	swait.ge [sflag:s22], $0x2800  }
0xb6: {  	[sflag:s22] =	ssyncset.done $0x0  }
0xb7: {  	s12 =	rddreg [dreg:$0x15];
	[sflag:s22] =	ssyncadd.s32 $0xFFFFD800  }
0xb8: {  	[spmem:s3] =	stream.indirect.scatter.add.f32 [tilespmem:s19], [sflag:$0x4], $0x80, s12, s18, $0xb8;
	[tilespmem:$0x1D800] =	vst v63  }
0xb9: {  	_ =	swait.ge [sflag:s16], $0x2800  }
0xba: {  	[sflag:s16] =	ssyncset.done $0x0  }
0xbb: {  	s13 =	rddreg [dreg:$0x16];
	[sflag:s16] =	ssyncadd.s32 $0xFFFFD800  }
0xbc: {  	[tilespmem:s19], [sflag:$0x2] =	stream.indirect.gather [hbm4b:s2+s18], $0x80, s13, s18, $0xb8;
	[tilespmem:$0x1D800] =	vst v63  }
0xbd: {  	_ =	swait.ge [sflag:s23], $0x2800  }
0xbe: {  	[sflag:s23] =	ssyncset.done $0x0  }
0xbf: {  	s14 =	rddreg [dreg:$0x17];
	[sflag:s23] =	ssyncadd.s32 $0xFFFFD800  }
0xc0: {  	[spmem:s3] =	stream.indirect.scatter.add.f32 [tilespmem:s20], [sflag:$0x4], $0x80, s14, s18, $0xb8;
	[tilespmem:$0x1D800] =	vst v63  }
0xc1: {  	_ =	swait.ge [sflag:s16], $0x2800  }
0xc2: {  	[sflag:s16] =	ssyncset.done $0x0  }
0xc3: {  	s12 =	rddreg [dreg:$0x18];
	[sflag:s16] =	ssyncadd.s32 $0xFFFFD800  }
0xc4: {  	[tilespmem:s20], [sflag:$0x3] =	stream.indirect.gather [hbm4b:s2+s18], $0x80, s12, s18, $0xb8;
	[tilespmem:$0x1D800] =	vst v63  }
0xc5: {  	_ =	swait.ge [sflag:s21], $0x2800  }
0xc6: {  	[sflag:s21] =	ssyncset.done $0x0  }
0xc7: {  	s13 =	rddreg [dreg:$0x19];
	[sflag:s21] =	ssyncadd.s32 $0xFFFFD800  }
0xc8: {  	[spmem:s3] =	stream.indirect.scatter.add.f32 [tilespmem:s15], [sflag:$0x4], $0x80, s13, s18, $0xb8;
	[tilespmem:$0x1D800] =	vst v63  }
0xc9: {  	_ =	swait.ge [sflag:s16], $0x2800  }
0xca: {  	[sflag:s16] =	ssyncset.done $0x0  }
0xcb: {  	s14 =	rddreg [dreg:$0x1a];
	[sflag:s16] =	ssyncadd.s32 $0xFFFFD800  }
0xcc: {  	[tilespmem:s15], [sflag:$0x1] =	stream.indirect.gather [hbm4b:s2+s18], $0x80, s14, s18, $0xb8;
	[tilespmem:$0x1D800] =	vst v63  }
0xcd: {  	_ =	swait.ge [sflag:s22], $0x2800  }
0xce: {  	[sflag:s22] =	ssyncset.done $0x0  }
0xcf: {  	s12 =	rddreg [dreg:$0x1b];
	[sflag:s22] =	ssyncadd.s32 $0xFFFFD800  }
0xd0: {  	[spmem:s3] =	stream.indirect.scatter.add.f32 [tilespmem:s19], [sflag:$0x4], $0x80, s12, s18, $0xb8;
	[tilespmem:$0x1D800] =	vst v63  }
0xd1: {  	_ =	swait.ge [sflag:s16], $0x2800  }
0xd2: {  	[sflag:s16] =	ssyncset.done $0x0  }
0xd3: {  	s13 =	rddreg [dreg:$0x1c];
	[sflag:s16] =	ssyncadd.s32 $0xFFFFD800  }
0xd4: {  	[tilespmem:s19], [sflag:$0x2] =	stream.indirect.gather [hbm4b:s2+s18], $0x80, s13, s18, $0xb8;
	[tilespmem:$0x1D800] =	vst v63  }
0xd5: {  	_ =	swait.ge [sflag:s23], $0x2800  }
0xd6: {  	[sflag:s23] =	ssyncset.done $0x0  }
0xd7: {  	s14 =	rddreg [dreg:$0x1d];
	[sflag:s23] =	ssyncadd.s32 $0xFFFFD800  }
0xd8: {  	[spmem:s3] =	stream.indirect.scatter.add.f32 [tilespmem:s20], [sflag:$0x4], $0x80, s14, s18, $0xb8;
	[tilespmem:$0x1D800] =	vst v63  }
0xd9: {  	_ =	swait.ge [sflag:s16], $0x2800  }
0xda: {  	[sflag:s16] =	ssyncset.done $0x0  }
0xdb: {  	s12 =	rddreg [dreg:$0x1e];
	[sflag:s16] =	ssyncadd.s32 $0xFFFFD800  }
0xdc: {  	[tilespmem:s20], [sflag:$0x3] =	stream.indirect.gather [hbm4b:s2+s18], $0x80, s12, s18, $0xb8;
	[tilespmem:$0x1D800] =	vst v63  }
0xdd: {  	_ =	swait.ge [sflag:s21], $0x2800  }
0xde: {  	[sflag:s21] =	ssyncset.done $0x0  }
0xdf: {  	s13 =	rddreg [dreg:$0x1f];
	[sflag:s21] =	ssyncadd.s32 $0xFFFFD800  }
0xe0: {  	[spmem:s3] =	stream.indirect.scatter.add.f32 [tilespmem:s15], [sflag:$0x4], $0x80, s13, s18, $0xb8;
	[tilespmem:$0x1D800] =	vst v63  }
0xe1: {  	_ =	swait.ge [sflag:s16], $0x2800  }
0xe2: {  	s14 =	sld [smem:$0x7F7]  }
0xe3: {  	[sflag:s16] =	ssyncset.done $0x0  }
0xe4: {  	[sflag:s16] =	ssyncadd.s32 $0xFFFFD800  }
0xe5: {  	[tilespmem:s15], [sflag:$0x1] =	stream.indirect.gather [hbm4b:s2+s18], $0x80, s14, s18, $0xb8;
	[tilespmem:$0x1D800] =	vst v63  }
0xe6: {  	_ =	swait.ge [sflag:s22], $0x2800  }
0xe7: {  	s12 =	sld [smem:$0x7F8]  }
0xe8: {  	[sflag:s22] =	ssyncset.done $0x0  }
0xe9: {  	[sflag:s22] =	ssyncadd.s32 $0xFFFFD800  }
0xea: {  	[spmem:s3] =	stream.indirect.scatter.add.f32 [tilespmem:s19], [sflag:$0x4], $0x80, s12, s18, $0xb8;
	[tilespmem:$0x1D800] =	vst v63  }
0xeb: {  	_ =	swait.ge [sflag:s16], $0x2800  }
0xec: {  	s13 =	sld [smem:$0x7F9]  }
0xed: {  	[sflag:s16] =	ssyncset.done $0x0  }
0xee: {  	[sflag:s16] =	ssyncadd.s32 $0xFFFFD800  }
0xef: {  	[tilespmem:s19], [sflag:$0x2] =	stream.indirect.gather [hbm4b:s2+s18], $0x80, s13, s18, $0xb8;
	[tilespmem:$0x1D800] =	vst v63  }
0xf0: {  	_ =	swait.ge [sflag:s23], $0x2800  }
0xf1: {  	s14 =	sld [smem:$0x7FA]  }
0xf2: {  	[sflag:s23] =	ssyncset.done $0x0  }
0xf3: {  	[sflag:s23] =	ssyncadd.s32 $0xFFFFD800  }
0xf4: {  	[spmem:s3] =	stream.indirect.scatter.add.f32 [tilespmem:s20], [sflag:$0x4], $0x80, s14, s18, $0xb8;
	[tilespmem:$0x1D800] =	vst v63  }
0xf5: {  	_ =	swait.ge [sflag:s16], $0x2800  }
0xf6: {  	s12 =	sld [smem:$0x7FB]  }
0xf7: {  	[sflag:s16] =	ssyncset.done $0x0  }
0xf8: {  	[sflag:s16] =	ssyncadd.s32 $0xFFFFD800  }
0xf9: {  	[tilespmem:s20], [sflag:$0x3] =	stream.indirect.gather [hbm4b:s2+s18], $0x80, s12, s18, $0xb8;
	[tilespmem:$0x1D800] =	vst v63  }
0xfa: {  	_ =	swait.ge [sflag:s21], $0x2800  }
0xfb: {  	s13 =	sld [smem:$0x7FC]  }
0xfc: {  	[sflag:s21] =	ssyncset.done $0x0  }
0xfd: {  	[sflag:s21] =	ssyncadd.s32 $0xFFFFD800  }
0xfe: {  	[spmem:s3] =	stream.indirect.scatter.add.f32 [tilespmem:s15], [sflag:$0x4], $0x80, s13, s18, $0xb8;
	[tilespmem:$0x1D800] =	vst v63  }
0xff: {  	_ =	swait.ge [sflag:s16], $0x2800  }
0x100: {  	s14 =	sld [smem:$0x7FD]  }
0x101: {  	[sflag:s16] =	ssyncset.done $0x0  }
0x102: {  	[sflag:s16] =	ssyncadd.s32 $0xFFFFD800  }
0x103: {  	[tilespmem:s15], [sflag:$0x1] =	stream.indirect.gather [hbm4b:s2+s18], $0x80, s14, s18, $0xb8;
	[tilespmem:$0x1D800] =	vst v63  }
0x104: {  	_ =	swait.ge [sflag:s22], $0x2800  }
0x105: {  	[sflag:s22] =	ssyncset.done $0x0  }
0x106: {  	[sflag:s22] =	ssyncadd.s32 $0xFFFFD800  }
0x107: {  	[spmem:s3] =	stream.indirect.scatter.add.f32 [tilespmem:s19], [sflag:$0x4], $0x80, s24, s18, $0xb8;
	[tilespmem:$0x1D800] =	vst v63  }
0x108: {  	_ =	swait.ge [sflag:s16], $0x2800  }
0x109: {  	[sflag:s16] =	ssyncset.done $0x0  }
0x10a: {  	[sflag:s16] =	ssyncadd.s32 $0xFFFFD800  }
0x10b: {  	[tilespmem:s19], [sflag:$0x2] =	stream.indirect.gather [hbm4b:s2+s18], $0x80, s25, s18, $0xb8;
	[tilespmem:$0x1D800] =	vst v63  }
0x10c: {  	_ =	swait.ge [sflag:s23], $0x2800  }
0x10d: {  	[sflag:s23] =	ssyncset.done $0x0  }
0x10e: {  	[sflag:s23] =	ssyncadd.s32 $0xFFFFD800  }
0x10f: {  	[spmem:s3] =	stream.indirect.scatter.add.f32 [tilespmem:s20], [sflag:$0x4], $0x80, s26, s18, $0xb8;
	[tilespmem:$0x1D800] =	vst v63  }
0x110: {  	_ =	swait.ge [sflag:s16], $0x2800  }
0x111: {  	[sflag:s16] =	ssyncset.done $0x0  }
0x112: {  	[sflag:s16] =	ssyncadd.s32 $0xFFFFD800  }
0x113: {  	[tilespmem:s20], [sflag:$0x3] =	stream.indirect.gather [hbm4b:s2+s18], $0x80, s28, s18, $0xb8;
	[tilespmem:$0x1D800] =	vst v63  }
0x114: {  	_ =	swait.ge [sflag:s21], $0x2800  }
0x115: {  	[sflag:s21] =	ssyncset.done $0x0  }
0x116: {  	[sflag:s21] =	ssyncadd.s32 $0xFFFFD800  }
0x117: {  	[spmem:s3] =	stream.indirect.scatter.add.f32 [tilespmem:s15], [sflag:$0x4], $0x80, s29, s18, $0xb8;
	[tilespmem:$0x1D800] =	vst v63  }
0x118: {  	_ =	swait.ge [sflag:s16], $0x2800  }
0x119: {  	[sflag:s16] =	ssyncset.done $0x0  }
0x11a: {  	[sflag:s16] =	ssyncadd.s32 $0xFFFFD800  }
0x11b: {  	[tilespmem:s15], [sflag:$0x1] =	stream.indirect.gather [hbm4b:s2+s18], $0x80, s30, s18, $0xb8;
	[tilespmem:$0x1D800] =	vst v63  }
0x11c: {  	_ =	swait.ge [sflag:s22], $0x2800  }
0x11d: {  	[sflag:s22] =	ssyncset.done $0x0  }
0x11e: {  	[sflag:s22] =	ssyncadd.s32 $0xFFFFD800  }
0x11f: {  	[spmem:s3] =	stream.indirect.scatter.add.f32 [tilespmem:s19], [sflag:$0x4], $0x80, s31, s18, $0xb8;
	[tilespmem:$0x1D800] =	vst v63  }
0x120: {  	_ =	swait.ge [sflag:s16], $0x2800  }
0x121: {  	[sflag:s16] =	ssyncset.done $0x0  }
0x122: {  	[sflag:s16] =	ssyncadd.s32 $0xFFFFD800  }
0x123: {  	[tilespmem:s19], [sflag:$0x2] =	stream.indirect.gather [hbm4b:s2+s18], $0x80, s1, s18, $0xb8;
	[tilespmem:$0x1D800] =	vst v63  }
0x124: {  	_ =	swait.ge [sflag:s23], $0x2800  }
0x125: {  	[sflag:s23] =	ssyncset.done $0x0  }
0x126: {  	[sflag:s23] =	ssyncadd.s32 $0xFFFFD800  }
0x127: {  	[spmem:s3] =	stream.indirect.scatter.add.f32 [tilespmem:s20], [sflag:$0x4], $0x80, s0, s18, $0xb8;
	[tilespmem:$0x1D800] =	vst v63  }
0x128: {  	_ =	swait.ge [sflag:s16], $0x2800  }
0x129: {  	[sflag:s16] =	ssyncset.done $0x0  }
0x12a: {  	[sflag:s16] =	ssyncadd.s32 $0xFFFFD800  }
0x12b: {  	[tilespmem:s20], [sflag:$0x3] =	stream.indirect.gather [hbm4b:s2+s18], $0x80, s6, s18, $0xb8;
	[tilespmem:$0x1D800] =	vst v63  }
0x12c: {  	_ =	swait.ge [sflag:s21], $0x2800  }
0x12d: {  	[sflag:s21] =	ssyncset.done $0x0  }
0x12e: {  	[sflag:s21] =	ssyncadd.s32 $0xFFFFD800  }
0x12f: {  	[spmem:s3] =	stream.indirect.scatter.add.f32 [tilespmem:s15], [sflag:$0x4], $0x80, s7, s18, $0xb8;
	[tilespmem:$0x1D800] =	vst v63  }
0x130: {  	_ =	swait.ge [sflag:s16], $0x2800  }
0x131: {  	[sflag:s16] =	ssyncset.done $0x0  }
0x132: {  	[sflag:s16] =	ssyncadd.s32 $0xFFFFD800  }
0x133: {  	[tilespmem:s15], [sflag:$0x1] =	stream.indirect.gather [hbm4b:s2+s18], $0x80, s8, s18, $0xb8;
	[tilespmem:$0x1D800] =	vst v63  }
0x134: {  	_ =	swait.ge [sflag:s22], $0x2800  }
0x135: {  	[sflag:s22] =	ssyncset.done $0x0  }
0x136: {  	[sflag:s22] =	ssyncadd.s32 $0xFFFFD800  }
0x137: {  	[spmem:s3] =	stream.indirect.scatter.add.f32 [tilespmem:s19], [sflag:$0x4], $0x80, s9, s18, $0xb8;
	[tilespmem:$0x1D800] =	vst v63  }
0x138: {  	_ =	swait.ge [sflag:s16], $0x2800  }
0x139: {  	[sflag:s16] =	ssyncset.done $0x0  }
0x13a: {  	[sflag:s16] =	ssyncadd.s32 $0xFFFFD800  }
0x13b: {  	_ =	swait.ge [sflag:s23], $0x2800  }
0x13c: {  	[sflag:s23] =	ssyncset.done $0x0  }
0x13d: {  	[sflag:s23] =	ssyncadd.s32 $0xFFFFD800  }
0x13e: {  	[spmem:s3] =	stream.indirect.scatter.add.f32 [tilespmem:s20], [sflag:$0x4], $0x80, s10, s18, $0xb8;
	[tilespmem:$0x1D800] =	vst v63  }
0x13f: {  	_ =	swait.ge [sflag:s16], $0x2800  }
0x140: {  	[sflag:s16] =	ssyncset.done $0x0  }
0x141: {  	[sflag:s16] =	ssyncadd.s32 $0xFFFFD800  }
0x142: {  	_ =	swait.ge [sflag:s21], $0x2800  }
0x143: {  	[sflag:s21] =	ssyncset.done $0x0  }
0x144: {  	[sflag:s21] =	ssyncadd.s32 $0xFFFFD800  }
0x145: {  	[spmem:s3] =	stream.indirect.scatter.add.f32 [tilespmem:s15], [sflag:$0x4], $0x80, s11, s18, $0xb8;
	[tilespmem:$0x1D800] =	vst v63  }
0x146: {  	s13 =	simm.s32 $0x200;
	_ =	swait.ge [sflag:s16], $0x2800  }
0x147: {  	s14 =	simm.s32 $0x400;
	s5 =	rddreg [dreg:$0x5];
	[sflag:s16] =	ssyncset.done $0x0  }
.LBB2_4:
0x148: {  	[sflag:s16] =	ssyncadd.s32 $0xFFFFD800;
	s5 =	sadd.s32 s13, s5  }
0x149: {  	[tilespmem:s4], [sflag:$0x4] =	stream.linear.gather [hbm4b:s5+s4], $0xC80, $0x38;
	[tilespmem:$0x1D800] =	vst v63  }
0x14a: {  	_ =	swait.ge [sflag:s16], $0xC80  }
0x14b: {  	s5 =	rddreg [dreg:$0x4];
	[sflag:s16] =	ssyncset.done $0x0  }
0x14c: {  	[sflag:s16] =	ssyncadd.s32 $0xFFFFF380;
	s5 =	sadd.s32 s13, s5  }
0x14d: {  	[tilespmem:s17], [sflag:$0x4] =	stream.linear.gather [hbm4b:s5+s4], $0xC80, $0x38;
	[tilespmem:$0x1D800] =	vst v63  }
0x14e: {  	_ =	swait.ge [sflag:s16], $0xC80  }
0x14f: {  	[sflag:s16] =	ssyncset.done $0x0  }
0x150: {  	[sflag:s16] =	ssyncadd.s32 $0xFFFFF380  }
0x151: {  	[tilespmem:s15], [sflag:$0x1] =	stream.indirect.gather [hbm4b:s2+s18], $0x80, s4, s18, $0xb8;
	[tilespmem:$0x1D800] =	vst v63  }
0x152: {  	s12 =	smov.u32 s14;
	s5 =	rddreg [dreg:$0x6]  }
0x153: {  	[tilespmem:s19], [sflag:$0x2] =	stream.indirect.gather [hbm4b:s2+s18], $0x80, s5, s18, $0xb8;
	[tilespmem:$0x1D800] =	vst v63  }
0x154: {  	s13 =	smov.u32 s12;
	s12 =	rddreg [dreg:$0x7]  }
0x155: {  	[tilespmem:s20], [sflag:$0x3] =	stream.indirect.gather [hbm4b:s2+s18], $0x80, s12, s18, $0xb8;
	[tilespmem:$0x1D800] =	vst v63  }
0x156: {  	_ =	swait.ge [sflag:s21], $0x2800  }
0x157: {  	[sflag:s21] =	ssyncset.done $0x0  }
0x158: {  	[sflag:s21] =	ssyncadd.s32 $0xFFFFD800  }
0x159: {  	[spmem:s3] =	stream.indirect.scatter.add.f32 [tilespmem:s15], [sflag:$0x4], $0x80, s17, s18, $0xb8;
	[tilespmem:$0x1D800] =	vst v63  }
0x15a: {  	_ =	swait.ge [sflag:s16], $0x2800  }
0x15b: {  	[sflag:s16] =	ssyncset.done $0x0  }
0x15c: {  	s12 =	rddreg [dreg:$0x8];
	[sflag:s16] =	ssyncadd.s32 $0xFFFFD800  }
0x15d: {  	[tilespmem:s15], [sflag:$0x1] =	stream.indirect.gather [hbm4b:s2+s18], $0x80, s12, s18, $0xb8;
	[tilespmem:$0x1D800] =	vst v63  }
0x15e: {  	_ =	swait.ge [sflag:s22], $0x2800  }
0x15f: {  	[sflag:s22] =	ssyncset.done $0x0  }
0x160: {  	s12 =	rddreg [dreg:$0x9];
	[sflag:s22] =	ssyncadd.s32 $0xFFFFD800  }
0x161: {  	[spmem:s3] =	stream.indirect.scatter.add.f32 [tilespmem:s19], [sflag:$0x4], $0x80, s12, s18, $0xb8;
	[tilespmem:$0x1D800] =	vst v63  }
0x162: {  	_ =	swait.ge [sflag:s16], $0x2800  }
0x163: {  	[sflag:s16] =	ssyncset.done $0x0  }
0x164: {  	s12 =	rddreg [dreg:$0xa];
	[sflag:s16] =	ssyncadd.s32 $0xFFFFD800  }
0x165: {  	[tilespmem:s19], [sflag:$0x2] =	stream.indirect.gather [hbm4b:s2+s18], $0x80, s12, s18, $0xb8;
	[tilespmem:$0x1D800] =	vst v63  }
0x166: {  	_ =	swait.ge [sflag:s23], $0x2800  }
0x167: {  	[sflag:s23] =	ssyncset.done $0x0  }
0x168: {  	s12 =	rddreg [dreg:$0xb];
	[sflag:s23] =	ssyncadd.s32 $0xFFFFD800  }
0x169: {  	[spmem:s3] =	stream.indirect.scatter.add.f32 [tilespmem:s20], [sflag:$0x4], $0x80, s12, s18, $0xb8;
	[tilespmem:$0x1D800] =	vst v63  }
0x16a: {  	_ =	swait.ge [sflag:s16], $0x2800  }
0x16b: {  	[sflag:s16] =	ssyncset.done $0x0  }
0x16c: {  	s12 =	rddreg [dreg:$0xc];
	[sflag:s16] =	ssyncadd.s32 $0xFFFFD800  }
0x16d: {  	[tilespmem:s20], [sflag:$0x3] =	stream.indirect.gather [hbm4b:s2+s18], $0x80, s12, s18, $0xb8;
	[tilespmem:$0x1D800] =	vst v63  }
0x16e: {  	_ =	swait.ge [sflag:s21], $0x2800  }
0x16f: {  	[sflag:s21] =	ssyncset.done $0x0  }
0x170: {  	s12 =	rddreg [dreg:$0xd];
	[sflag:s21] =	ssyncadd.s32 $0xFFFFD800  }
0x171: {  	[spmem:s3] =	stream.indirect.scatter.add.f32 [tilespmem:s15], [sflag:$0x4], $0x80, s12, s18, $0xb8;
	[tilespmem:$0x1D800] =	vst v63  }
0x172: {  	_ =	swait.ge [sflag:s16], $0x2800  }
0x173: {  	[sflag:s16] =	ssyncset.done $0x0  }
0x174: {  	s12 =	rddreg [dreg:$0xe];
	[sflag:s16] =	ssyncadd.s32 $0xFFFFD800  }
0x175: {  	[tilespmem:s15], [sflag:$0x1] =	stream.indirect.gather [hbm4b:s2+s18], $0x80, s12, s18, $0xb8;
	[tilespmem:$0x1D800] =	vst v63  }
0x176: {  	_ =	swait.ge [sflag:s22], $0x2800  }
0x177: {  	[sflag:s22] =	ssyncset.done $0x0  }
0x178: {  	s12 =	rddreg [dreg:$0xf];
	[sflag:s22] =	ssyncadd.s32 $0xFFFFD800  }
0x179: {  	[spmem:s3] =	stream.indirect.scatter.add.f32 [tilespmem:s19], [sflag:$0x4], $0x80, s12, s18, $0xb8;
	[tilespmem:$0x1D800] =	vst v63  }
0x17a: {  	_ =	swait.ge [sflag:s16], $0x2800  }
0x17b: {  	[sflag:s16] =	ssyncset.done $0x0  }
0x17c: {  	s12 =	rddreg [dreg:$0x10];
	[sflag:s16] =	ssyncadd.s32 $0xFFFFD800  }
0x17d: {  	[tilespmem:s19], [sflag:$0x2] =	stream.indirect.gather [hbm4b:s2+s18], $0x80, s12, s18, $0xb8;
	[tilespmem:$0x1D800] =	vst v63  }
0x17e: {  	_ =	swait.ge [sflag:s23], $0x2800  }
0x17f: {  	[sflag:s23] =	ssyncset.done $0x0  }
0x180: {  	s12 =	rddreg [dreg:$0x11];
	[sflag:s23] =	ssyncadd.s32 $0xFFFFD800  }
0x181: {  	[spmem:s3] =	stream.indirect.scatter.add.f32 [tilespmem:s20], [sflag:$0x4], $0x80, s12, s18, $0xb8;
	[tilespmem:$0x1D800] =	vst v63  }
0x182: {  	_ =	swait.ge [sflag:s16], $0x2800  }
0x183: {  	[sflag:s16] =	ssyncset.done $0x0  }
0x184: {  	s12 =	rddreg [dreg:$0x12];
	[sflag:s16] =	ssyncadd.s32 $0xFFFFD800  }
0x185: {  	[tilespmem:s20], [sflag:$0x3] =	stream.indirect.gather [hbm4b:s2+s18], $0x80, s12, s18, $0xb8;
	[tilespmem:$0x1D800] =	vst v63  }
0x186: {  	_ =	swait.ge [sflag:s21], $0x2800  }
0x187: {  	[sflag:s21] =	ssyncset.done $0x0  }
0x188: {  	s12 =	rddreg [dreg:$0x13];
	[sflag:s21] =	ssyncadd.s32 $0xFFFFD800  }
0x189: {  	[spmem:s3] =	stream.indirect.scatter.add.f32 [tilespmem:s15], [sflag:$0x4], $0x80, s12, s18, $0xb8;
	[tilespmem:$0x1D800] =	vst v63  }
0x18a: {  	_ =	swait.ge [sflag:s16], $0x2800  }
0x18b: {  	[sflag:s16] =	ssyncset.done $0x0  }
0x18c: {  	s12 =	rddreg [dreg:$0x14];
	[sflag:s16] =	ssyncadd.s32 $0xFFFFD800  }
0x18d: {  	[tilespmem:s15], [sflag:$0x1] =	stream.indirect.gather [hbm4b:s2+s18], $0x80, s12, s18, $0xb8;
	[tilespmem:$0x1D800] =	vst v63  }
0x18e: {  	_ =	swait.ge [sflag:s22], $0x2800  }
0x18f: {  	[sflag:s22] =	ssyncset.done $0x0  }
0x190: {  	s12 =	rddreg [dreg:$0x15];
	[sflag:s22] =	ssyncadd.s32 $0xFFFFD800  }
0x191: {  	[spmem:s3] =	stream.indirect.scatter.add.f32 [tilespmem:s19], [sflag:$0x4], $0x80, s12, s18, $0xb8;
	[tilespmem:$0x1D800] =	vst v63  }
0x192: {  	_ =	swait.ge [sflag:s16], $0x2800  }
0x193: {  	[sflag:s16] =	ssyncset.done $0x0  }
0x194: {  	s12 =	rddreg [dreg:$0x16];
	[sflag:s16] =	ssyncadd.s32 $0xFFFFD800  }
0x195: {  	[tilespmem:s19], [sflag:$0x2] =	stream.indirect.gather [hbm4b:s2+s18], $0x80, s12, s18, $0xb8;
	[tilespmem:$0x1D800] =	vst v63  }
0x196: {  	_ =	swait.ge [sflag:s23], $0x2800  }
0x197: {  	[sflag:s23] =	ssyncset.done $0x0  }
0x198: {  	s12 =	rddreg [dreg:$0x17];
	[sflag:s23] =	ssyncadd.s32 $0xFFFFD800  }
0x199: {  	[spmem:s3] =	stream.indirect.scatter.add.f32 [tilespmem:s20], [sflag:$0x4], $0x80, s12, s18, $0xb8;
	[tilespmem:$0x1D800] =	vst v63  }
0x19a: {  	_ =	swait.ge [sflag:s16], $0x2800  }
0x19b: {  	[sflag:s16] =	ssyncset.done $0x0  }
0x19c: {  	s12 =	rddreg [dreg:$0x18];
	[sflag:s16] =	ssyncadd.s32 $0xFFFFD800  }
0x19d: {  	[tilespmem:s20], [sflag:$0x3] =	stream.indirect.gather [hbm4b:s2+s18], $0x80, s12, s18, $0xb8;
	[tilespmem:$0x1D800] =	vst v63  }
0x19e: {  	_ =	swait.ge [sflag:s21], $0x2800  }
0x19f: {  	[sflag:s21] =	ssyncset.done $0x0  }
0x1a0: {  	s12 =	rddreg [dreg:$0x19];
	[sflag:s21] =	ssyncadd.s32 $0xFFFFD800  }
0x1a1: {  	[spmem:s3] =	stream.indirect.scatter.add.f32 [tilespmem:s15], [sflag:$0x4], $0x80, s12, s18, $0xb8;
	[tilespmem:$0x1D800] =	vst v63  }
0x1a2: {  	_ =	swait.ge [sflag:s16], $0x2800  }
0x1a3: {  	[sflag:s16] =	ssyncset.done $0x0  }
0x1a4: {  	s12 =	rddreg [dreg:$0x1a];
	[sflag:s16] =	ssyncadd.s32 $0xFFFFD800  }
0x1a5: {  	[tilespmem:s15], [sflag:$0x1] =	stream.indirect.gather [hbm4b:s2+s18], $0x80, s12, s18, $0xb8;
	[tilespmem:$0x1D800] =	vst v63  }
0x1a6: {  	_ =	swait.ge [sflag:s22], $0x2800  }
0x1a7: {  	[sflag:s22] =	ssyncset.done $0x0  }
0x1a8: {  	s12 =	rddreg [dreg:$0x1b];
	[sflag:s22] =	ssyncadd.s32 $0xFFFFD800  }
0x1a9: {  	[spmem:s3] =	stream.indirect.scatter.add.f32 [tilespmem:s19], [sflag:$0x4], $0x80, s12, s18, $0xb8;
	[tilespmem:$0x1D800] =	vst v63  }
0x1aa: {  	_ =	swait.ge [sflag:s16], $0x2800  }
0x1ab: {  	[sflag:s16] =	ssyncset.done $0x0  }
0x1ac: {  	s12 =	rddreg [dreg:$0x1c];
	[sflag:s16] =	ssyncadd.s32 $0xFFFFD800  }
0x1ad: {  	[tilespmem:s19], [sflag:$0x2] =	stream.indirect.gather [hbm4b:s2+s18], $0x80, s12, s18, $0xb8;
	[tilespmem:$0x1D800] =	vst v63  }
0x1ae: {  	_ =	swait.ge [sflag:s23], $0x2800  }
0x1af: {  	[sflag:s23] =	ssyncset.done $0x0  }
0x1b0: {  	s12 =	rddreg [dreg:$0x1d];
	[sflag:s23] =	ssyncadd.s32 $0xFFFFD800  }
0x1b1: {  	[spmem:s3] =	stream.indirect.scatter.add.f32 [tilespmem:s20], [sflag:$0x4], $0x80, s12, s18, $0xb8;
	[tilespmem:$0x1D800] =	vst v63  }
0x1b2: {  	_ =	swait.ge [sflag:s16], $0x2800  }
0x1b3: {  	[sflag:s16] =	ssyncset.done $0x0  }
0x1b4: {  	s12 =	rddreg [dreg:$0x1e];
	[sflag:s16] =	ssyncadd.s32 $0xFFFFD800  }
0x1b5: {  	[tilespmem:s20], [sflag:$0x3] =	stream.indirect.gather [hbm4b:s2+s18], $0x80, s12, s18, $0xb8;
	[tilespmem:$0x1D800] =	vst v63  }
0x1b6: {  	_ =	swait.ge [sflag:s21], $0x2800  }
0x1b7: {  	[sflag:s21] =	ssyncset.done $0x0  }
0x1b8: {  	s12 =	rddreg [dreg:$0x1f];
	[sflag:s21] =	ssyncadd.s32 $0xFFFFD800  }
0x1b9: {  	[spmem:s3] =	stream.indirect.scatter.add.f32 [tilespmem:s15], [sflag:$0x4], $0x80, s12, s18, $0xb8;
	[tilespmem:$0x1D800] =	vst v63  }
0x1ba: {  	_ =	swait.ge [sflag:s16], $0x2800  }
0x1bb: {  	s12 =	sld [smem:$0x7F7]  }
0x1bc: {  	[sflag:s16] =	ssyncset.done $0x0  }
0x1bd: {  	[sflag:s16] =	ssyncadd.s32 $0xFFFFD800  }
0x1be: {  	[tilespmem:s15], [sflag:$0x1] =	stream.indirect.gather [hbm4b:s2+s18], $0x80, s12, s18, $0xb8;
	[tilespmem:$0x1D800] =	vst v63  }
0x1bf: {  	_ =	swait.ge [sflag:s22], $0x2800  }
0x1c0: {  	s12 =	sld [smem:$0x7F8]  }
0x1c1: {  	[sflag:s22] =	ssyncset.done $0x0  }
0x1c2: {  	[sflag:s22] =	ssyncadd.s32 $0xFFFFD800  }
0x1c3: {  	[spmem:s3] =	stream.indirect.scatter.add.f32 [tilespmem:s19], [sflag:$0x4], $0x80, s12, s18, $0xb8;
	[tilespmem:$0x1D800] =	vst v63  }
0x1c4: {  	_ =	swait.ge [sflag:s16], $0x2800  }
0x1c5: {  	s12 =	sld [smem:$0x7F9]  }
0x1c6: {  	[sflag:s16] =	ssyncset.done $0x0  }
0x1c7: {  	[sflag:s16] =	ssyncadd.s32 $0xFFFFD800  }
0x1c8: {  	[tilespmem:s19], [sflag:$0x2] =	stream.indirect.gather [hbm4b:s2+s18], $0x80, s12, s18, $0xb8;
	[tilespmem:$0x1D800] =	vst v63  }
0x1c9: {  	_ =	swait.ge [sflag:s23], $0x2800  }
0x1ca: {  	s12 =	sld [smem:$0x7FA]  }
0x1cb: {  	[sflag:s23] =	ssyncset.done $0x0  }
0x1cc: {  	[sflag:s23] =	ssyncadd.s32 $0xFFFFD800  }
0x1cd: {  	[spmem:s3] =	stream.indirect.scatter.add.f32 [tilespmem:s20], [sflag:$0x4], $0x80, s12, s18, $0xb8;
	[tilespmem:$0x1D800] =	vst v63  }
0x1ce: {  	_ =	swait.ge [sflag:s16], $0x2800  }
0x1cf: {  	s12 =	sld [smem:$0x7FB]  }
0x1d0: {  	[sflag:s16] =	ssyncset.done $0x0  }
0x1d1: {  	[sflag:s16] =	ssyncadd.s32 $0xFFFFD800  }
0x1d2: {  	[tilespmem:s20], [sflag:$0x3] =	stream.indirect.gather [hbm4b:s2+s18], $0x80, s12, s18, $0xb8;
	[tilespmem:$0x1D800] =	vst v63  }
0x1d3: {  	_ =	swait.ge [sflag:s21], $0x2800  }
0x1d4: {  	s12 =	sld [smem:$0x7FC]  }
0x1d5: {  	[sflag:s21] =	ssyncset.done $0x0  }
0x1d6: {  	[sflag:s21] =	ssyncadd.s32 $0xFFFFD800  }
0x1d7: {  	[spmem:s3] =	stream.indirect.scatter.add.f32 [tilespmem:s15], [sflag:$0x4], $0x80, s12, s18, $0xb8;
	[tilespmem:$0x1D800] =	vst v63  }
0x1d8: {  	_ =	swait.ge [sflag:s16], $0x2800  }
0x1d9: {  	s12 =	sld [smem:$0x7FD]  }
0x1da: {  	[sflag:s16] =	ssyncset.done $0x0  }
0x1db: {  	[sflag:s16] =	ssyncadd.s32 $0xFFFFD800  }
0x1dc: {  	[tilespmem:s15], [sflag:$0x1] =	stream.indirect.gather [hbm4b:s2+s18], $0x80, s12, s18, $0xb8;
	[tilespmem:$0x1D800] =	vst v63  }
0x1dd: {  	_ =	swait.ge [sflag:s22], $0x2800  }
0x1de: {  	[sflag:s22] =	ssyncset.done $0x0  }
0x1df: {  	[sflag:s22] =	ssyncadd.s32 $0xFFFFD800  }
0x1e0: {  	[spmem:s3] =	stream.indirect.scatter.add.f32 [tilespmem:s19], [sflag:$0x4], $0x80, s24, s18, $0xb8;
	[tilespmem:$0x1D800] =	vst v63  }
0x1e1: {  	_ =	swait.ge [sflag:s16], $0x2800  }
0x1e2: {  	[sflag:s16] =	ssyncset.done $0x0  }
0x1e3: {  	[sflag:s16] =	ssyncadd.s32 $0xFFFFD800  }
0x1e4: {  	[tilespmem:s19], [sflag:$0x2] =	stream.indirect.gather [hbm4b:s2+s18], $0x80, s25, s18, $0xb8;
	[tilespmem:$0x1D800] =	vst v63  }
0x1e5: {  	_ =	swait.ge [sflag:s23], $0x2800  }
0x1e6: {  	[sflag:s23] =	ssyncset.done $0x0  }
0x1e7: {  	[sflag:s23] =	ssyncadd.s32 $0xFFFFD800  }
0x1e8: {  	[spmem:s3] =	stream.indirect.scatter.add.f32 [tilespmem:s20], [sflag:$0x4], $0x80, s26, s18, $0xb8;
	[tilespmem:$0x1D800] =	vst v63  }
0x1e9: {  	_ =	swait.ge [sflag:s16], $0x2800  }
0x1ea: {  	[sflag:s16] =	ssyncset.done $0x0  }
0x1eb: {  	[sflag:s16] =	ssyncadd.s32 $0xFFFFD800  }
0x1ec: {  	[tilespmem:s20], [sflag:$0x3] =	stream.indirect.gather [hbm4b:s2+s18], $0x80, s28, s18, $0xb8;
	[tilespmem:$0x1D800] =	vst v63  }
0x1ed: {  	_ =	swait.ge [sflag:s21], $0x2800  }
0x1ee: {  	[sflag:s21] =	ssyncset.done $0x0  }
0x1ef: {  	[sflag:s21] =	ssyncadd.s32 $0xFFFFD800  }
0x1f0: {  	[spmem:s3] =	stream.indirect.scatter.add.f32 [tilespmem:s15], [sflag:$0x4], $0x80, s29, s18, $0xb8;
	[tilespmem:$0x1D800] =	vst v63  }
0x1f1: {  	_ =	swait.ge [sflag:s16], $0x2800  }
0x1f2: {  	[sflag:s16] =	ssyncset.done $0x0  }
0x1f3: {  	[sflag:s16] =	ssyncadd.s32 $0xFFFFD800  }
0x1f4: {  	[tilespmem:s15], [sflag:$0x1] =	stream.indirect.gather [hbm4b:s2+s18], $0x80, s30, s18, $0xb8;
	[tilespmem:$0x1D800] =	vst v63  }
0x1f5: {  	_ =	swait.ge [sflag:s22], $0x2800  }
0x1f6: {  	[sflag:s22] =	ssyncset.done $0x0  }
0x1f7: {  	[sflag:s22] =	ssyncadd.s32 $0xFFFFD800  }
0x1f8: {  	[spmem:s3] =	stream.indirect.scatter.add.f32 [tilespmem:s19], [sflag:$0x4], $0x80, s31, s18, $0xb8;
	[tilespmem:$0x1D800] =	vst v63  }
0x1f9: {  	_ =	swait.ge [sflag:s16], $0x2800  }
0x1fa: {  	[sflag:s16] =	ssyncset.done $0x0  }
0x1fb: {  	[sflag:s16] =	ssyncadd.s32 $0xFFFFD800  }
0x1fc: {  	[tilespmem:s19], [sflag:$0x2] =	stream.indirect.gather [hbm4b:s2+s18], $0x80, s1, s18, $0xb8;
	[tilespmem:$0x1D800] =	vst v63  }
0x1fd: {  	_ =	swait.ge [sflag:s23], $0x2800  }
0x1fe: {  	[sflag:s23] =	ssyncset.done $0x0  }
0x1ff: {  	[sflag:s23] =	ssyncadd.s32 $0xFFFFD800  }
0x200: {  	[spmem:s3] =	stream.indirect.scatter.add.f32 [tilespmem:s20], [sflag:$0x4], $0x80, s0, s18, $0xb8;
	[tilespmem:$0x1D800] =	vst v63  }
0x201: {  	_ =	swait.ge [sflag:s16], $0x2800  }
0x202: {  	[sflag:s16] =	ssyncset.done $0x0  }
0x203: {  	[sflag:s16] =	ssyncadd.s32 $0xFFFFD800  }
0x204: {  	[tilespmem:s20], [sflag:$0x3] =	stream.indirect.gather [hbm4b:s2+s18], $0x80, s6, s18, $0xb8;
	[tilespmem:$0x1D800] =	vst v63  }
0x205: {  	_ =	swait.ge [sflag:s21], $0x2800  }
0x206: {  	[sflag:s21] =	ssyncset.done $0x0  }
0x207: {  	[sflag:s21] =	ssyncadd.s32 $0xFFFFD800  }
0x208: {  	[spmem:s3] =	stream.indirect.scatter.add.f32 [tilespmem:s15], [sflag:$0x4], $0x80, s7, s18, $0xb8;
	[tilespmem:$0x1D800] =	vst v63  }
0x209: {  	_ =	swait.ge [sflag:s16], $0x2800  }
0x20a: {  	[sflag:s16] =	ssyncset.done $0x0  }
0x20b: {  	[sflag:s16] =	ssyncadd.s32 $0xFFFFD800  }
0x20c: {  	[tilespmem:s15], [sflag:$0x1] =	stream.indirect.gather [hbm4b:s2+s18], $0x80, s8, s18, $0xb8;
	[tilespmem:$0x1D800] =	vst v63  }
0x20d: {  	_ =	swait.ge [sflag:s22], $0x2800  }
0x20e: {  	[sflag:s22] =	ssyncset.done $0x0  }
0x20f: {  	[sflag:s22] =	ssyncadd.s32 $0xFFFFD800  }
0x210: {  	[spmem:s3] =	stream.indirect.scatter.add.f32 [tilespmem:s19], [sflag:$0x4], $0x80, s9, s18, $0xb8;
	[tilespmem:$0x1D800] =	vst v63  }
0x211: {  	_ =	swait.ge [sflag:s16], $0x2800  }
0x212: {  	[sflag:s16] =	ssyncset.done $0x0  }
0x213: {  	[sflag:s16] =	ssyncadd.s32 $0xFFFFD800  }
0x214: {  	_ =	swait.ge [sflag:s23], $0x2800  }
0x215: {  	[sflag:s23] =	ssyncset.done $0x0  }
0x216: {  	[sflag:s23] =	ssyncadd.s32 $0xFFFFD800  }
0x217: {  	[spmem:s3] =	stream.indirect.scatter.add.f32 [tilespmem:s20], [sflag:$0x4], $0x80, s10, s18, $0xb8;
	[tilespmem:$0x1D800] =	vst v63  }
0x218: {  	_ =	swait.ge [sflag:s16], $0x2800  }
0x219: {  	[sflag:s16] =	ssyncset.done $0x0  }
0x21a: {  	[sflag:s16] =	ssyncadd.s32 $0xFFFFD800  }
0x21b: {  	p0 =	sne.s32 s14, $0x800;
	_ =	swait.ge [sflag:s21], $0x2800  }
.Ltmp1:
0x21c: {  	[sflag:s21] =	ssyncset.done $0x0;
	(pc) =	sbr.rel @p0 .LBB2_4-.Ltmp1, $4  }
0x21d: {  	[sflag:s21] =	ssyncadd.s32 $0xFFFFD800  }
0x21e: {  	[spmem:s3] =	stream.indirect.scatter.add.f32 [tilespmem:s15], [sflag:$0x4], $0x80, s11, s18, $0xb8;
	[tilespmem:$0x1D800] =	vst v63  }
0x21f: {  	_ =	swait.ge [sflag:s16], $0x2800  }
0x220: {  	s14 =	sadd.s32 $0x200, s14;
	s5 =	rddreg [dreg:$0x5];
	[sflag:s16] =	ssyncset.done $0x0  }
0x221: {  	[sflag:s16] =	ssyncadd.s32 $0xFFFFD800;
	s5 =	sadd.s32 s13, s5  }
0x222: {  	[tilespmem:s4], [sflag:$0x4] =	stream.linear.gather [hbm4b:s5+s4], $0xC80, $0x38;
	[tilespmem:$0x1D800] =	vst v63  }
0x223: {  	_ =	swait.ge [sflag:s16], $0xC80  }
0x224: {  	s12 =	rddreg [dreg:$0x4];
	[sflag:s16] =	ssyncset.done $0x0  }
0x225: {  	[sflag:s16] =	ssyncadd.s32 $0xFFFFF380;
	s5 =	sadd.s32 s13, s12  }
0x226: {  	[tilespmem:s17], [sflag:$0x4] =	stream.linear.gather [hbm4b:s5+s4], $0xC80, $0x38;
	[tilespmem:$0x1D800] =	vst v63  }
0x227: {  	_ =	swait.ge [sflag:s16], $0xC80  }
0x228: {  	[sflag:s16] =	ssyncset.done $0x0  }
0x229: {  	[sflag:s16] =	ssyncadd.s32 $0xFFFFF380  }
0x22a: {  	[tilespmem:s15], [sflag:$0x1] =	stream.indirect.gather [hbm4b:s2+s18], $0x80, s4, s18, $0xb8;
	[tilespmem:$0x1D800] =	vst v63  }
0x22b: {  	s13 =	rddreg [dreg:$0x6]  }
0x22c: {  	[tilespmem:s19], [sflag:$0x2] =	stream.indirect.gather [hbm4b:s2+s18], $0x80, s13, s18, $0xb8;
	[tilespmem:$0x1D800] =	vst v63  }
0x22d: {  	s12 =	rddreg [dreg:$0x7]  }
0x22e: {  	[tilespmem:s20], [sflag:$0x3] =	stream.indirect.gather [hbm4b:s2+s18], $0x80, s12, s18, $0xb8;
	[tilespmem:$0x1D800] =	vst v63  }
0x22f: {  	_ =	swait.ge [sflag:s21], $0x2800  }
0x230: {  	[sflag:s21] =	ssyncset.done $0x0  }
0x231: {  	[sflag:s21] =	ssyncadd.s32 $0xFFFFD800  }
0x232: {  	[spmem:s3] =	stream.indirect.scatter.add.f32 [tilespmem:s15], [sflag:$0x4], $0x80, s17, s18, $0xb8;
	[tilespmem:$0x1D800] =	vst v63  }
0x233: {  	_ =	swait.ge [sflag:s16], $0x2800  }
0x234: {  	[sflag:s16] =	ssyncset.done $0x0  }
0x235: {  	s14 =	rddreg [dreg:$0x8];
	[sflag:s16] =	ssyncadd.s32 $0xFFFFD800  }
0x236: {  	[tilespmem:s15], [sflag:$0x1] =	stream.indirect.gather [hbm4b:s2+s18], $0x80, s14, s18, $0xb8;
	[tilespmem:$0x1D800] =	vst v63  }
0x237: {  	_ =	swait.ge [sflag:s22], $0x2800  }
0x238: {  	[sflag:s22] =	ssyncset.done $0x0  }
0x239: {  	s12 =	rddreg [dreg:$0x9];
	[sflag:s22] =	ssyncadd.s32 $0xFFFFD800  }
0x23a: {  	[spmem:s3] =	stream.indirect.scatter.add.f32 [tilespmem:s19], [sflag:$0x4], $0x80, s12, s18, $0xb8;
	[tilespmem:$0x1D800] =	vst v63  }
0x23b: {  	_ =	swait.ge [sflag:s16], $0x2800  }
0x23c: {  	[sflag:s16] =	ssyncset.done $0x0  }
0x23d: {  	s13 =	rddreg [dreg:$0xa];
	[sflag:s16] =	ssyncadd.s32 $0xFFFFD800  }
0x23e: {  	[tilespmem:s19], [sflag:$0x2] =	stream.indirect.gather [hbm4b:s2+s18], $0x80, s13, s18, $0xb8;
	[tilespmem:$0x1D800] =	vst v63  }
0x23f: {  	_ =	swait.ge [sflag:s23], $0x2800  }
0x240: {  	[sflag:s23] =	ssyncset.done $0x0  }
0x241: {  	s14 =	rddreg [dreg:$0xb];
	[sflag:s23] =	ssyncadd.s32 $0xFFFFD800  }
0x242: {  	[spmem:s3] =	stream.indirect.scatter.add.f32 [tilespmem:s20], [sflag:$0x4], $0x80, s14, s18, $0xb8;
	[tilespmem:$0x1D800] =	vst v63  }
0x243: {  	_ =	swait.ge [sflag:s16], $0x2800  }
0x244: {  	[sflag:s16] =	ssyncset.done $0x0  }
0x245: {  	s12 =	rddreg [dreg:$0xc];
	[sflag:s16] =	ssyncadd.s32 $0xFFFFD800  }
0x246: {  	[tilespmem:s20], [sflag:$0x3] =	stream.indirect.gather [hbm4b:s2+s18], $0x80, s12, s18, $0xb8;
	[tilespmem:$0x1D800] =	vst v63  }
0x247: {  	_ =	swait.ge [sflag:s21], $0x2800  }
0x248: {  	[sflag:s21] =	ssyncset.done $0x0  }
0x249: {  	s13 =	rddreg [dreg:$0xd];
	[sflag:s21] =	ssyncadd.s32 $0xFFFFD800  }
0x24a: {  	[spmem:s3] =	stream.indirect.scatter.add.f32 [tilespmem:s15], [sflag:$0x4], $0x80, s13, s18, $0xb8;
	[tilespmem:$0x1D800] =	vst v63  }
0x24b: {  	_ =	swait.ge [sflag:s16], $0x2800  }
0x24c: {  	[sflag:s16] =	ssyncset.done $0x0  }
0x24d: {  	s14 =	rddreg [dreg:$0xe];
	[sflag:s16] =	ssyncadd.s32 $0xFFFFD800  }
0x24e: {  	[tilespmem:s15], [sflag:$0x1] =	stream.indirect.gather [hbm4b:s2+s18], $0x80, s14, s18, $0xb8;
	[tilespmem:$0x1D800] =	vst v63  }
0x24f: {  	_ =	swait.ge [sflag:s22], $0x2800  }
0x250: {  	[sflag:s22] =	ssyncset.done $0x0  }
0x251: {  	s12 =	rddreg [dreg:$0xf];
	[sflag:s22] =	ssyncadd.s32 $0xFFFFD800  }
0x252: {  	[spmem:s3] =	stream.indirect.scatter.add.f32 [tilespmem:s19], [sflag:$0x4], $0x80, s12, s18, $0xb8;
	[tilespmem:$0x1D800] =	vst v63  }
0x253: {  	_ =	swait.ge [sflag:s16], $0x2800  }
0x254: {  	[sflag:s16] =	ssyncset.done $0x0  }
0x255: {  	s13 =	rddreg [dreg:$0x10];
	[sflag:s16] =	ssyncadd.s32 $0xFFFFD800  }
0x256: {  	[tilespmem:s19], [sflag:$0x2] =	stream.indirect.gather [hbm4b:s2+s18], $0x80, s13, s18, $0xb8;
	[tilespmem:$0x1D800] =	vst v63  }
0x257: {  	_ =	swait.ge [sflag:s23], $0x2800  }
0x258: {  	[sflag:s23] =	ssyncset.done $0x0  }
0x259: {  	s14 =	rddreg [dreg:$0x11];
	[sflag:s23] =	ssyncadd.s32 $0xFFFFD800  }
0x25a: {  	[spmem:s3] =	stream.indirect.scatter.add.f32 [tilespmem:s20], [sflag:$0x4], $0x80, s14, s18, $0xb8;
	[tilespmem:$0x1D800] =	vst v63  }
0x25b: {  	_ =	swait.ge [sflag:s16], $0x2800  }
0x25c: {  	[sflag:s16] =	ssyncset.done $0x0  }
0x25d: {  	s12 =	rddreg [dreg:$0x12];
	[sflag:s16] =	ssyncadd.s32 $0xFFFFD800  }
0x25e: {  	[tilespmem:s20], [sflag:$0x3] =	stream.indirect.gather [hbm4b:s2+s18], $0x80, s12, s18, $0xb8;
	[tilespmem:$0x1D800] =	vst v63  }
0x25f: {  	_ =	swait.ge [sflag:s21], $0x2800  }
0x260: {  	[sflag:s21] =	ssyncset.done $0x0  }
0x261: {  	s13 =	rddreg [dreg:$0x13];
	[sflag:s21] =	ssyncadd.s32 $0xFFFFD800  }
0x262: {  	[spmem:s3] =	stream.indirect.scatter.add.f32 [tilespmem:s15], [sflag:$0x4], $0x80, s13, s18, $0xb8;
	[tilespmem:$0x1D800] =	vst v63  }
0x263: {  	_ =	swait.ge [sflag:s16], $0x2800  }
0x264: {  	[sflag:s16] =	ssyncset.done $0x0  }
0x265: {  	s14 =	rddreg [dreg:$0x14];
	[sflag:s16] =	ssyncadd.s32 $0xFFFFD800  }
0x266: {  	[tilespmem:s15], [sflag:$0x1] =	stream.indirect.gather [hbm4b:s2+s18], $0x80, s14, s18, $0xb8;
	[tilespmem:$0x1D800] =	vst v63  }
0x267: {  	_ =	swait.ge [sflag:s22], $0x2800  }
0x268: {  	[sflag:s22] =	ssyncset.done $0x0  }
0x269: {  	s12 =	rddreg [dreg:$0x15];
	[sflag:s22] =	ssyncadd.s32 $0xFFFFD800  }
0x26a: {  	[spmem:s3] =	stream.indirect.scatter.add.f32 [tilespmem:s19], [sflag:$0x4], $0x80, s12, s18, $0xb8;
	[tilespmem:$0x1D800] =	vst v63  }
0x26b: {  	_ =	swait.ge [sflag:s16], $0x2800  }
0x26c: {  	[sflag:s16] =	ssyncset.done $0x0  }
0x26d: {  	s13 =	rddreg [dreg:$0x16];
	[sflag:s16] =	ssyncadd.s32 $0xFFFFD800  }
0x26e: {  	[tilespmem:s19], [sflag:$0x2] =	stream.indirect.gather [hbm4b:s2+s18], $0x80, s13, s18, $0xb8;
	[tilespmem:$0x1D800] =	vst v63  }
0x26f: {  	_ =	swait.ge [sflag:s23], $0x2800  }
0x270: {  	[sflag:s23] =	ssyncset.done $0x0  }
0x271: {  	s14 =	rddreg [dreg:$0x17];
	[sflag:s23] =	ssyncadd.s32 $0xFFFFD800  }
0x272: {  	[spmem:s3] =	stream.indirect.scatter.add.f32 [tilespmem:s20], [sflag:$0x4], $0x80, s14, s18, $0xb8;
	[tilespmem:$0x1D800] =	vst v63  }
0x273: {  	_ =	swait.ge [sflag:s16], $0x2800  }
0x274: {  	[sflag:s16] =	ssyncset.done $0x0  }
0x275: {  	s12 =	rddreg [dreg:$0x18];
	[sflag:s16] =	ssyncadd.s32 $0xFFFFD800  }
0x276: {  	[tilespmem:s20], [sflag:$0x3] =	stream.indirect.gather [hbm4b:s2+s18], $0x80, s12, s18, $0xb8;
	[tilespmem:$0x1D800] =	vst v63  }
0x277: {  	_ =	swait.ge [sflag:s21], $0x2800  }
0x278: {  	[sflag:s21] =	ssyncset.done $0x0  }
0x279: {  	s13 =	rddreg [dreg:$0x19];
	[sflag:s21] =	ssyncadd.s32 $0xFFFFD800  }
0x27a: {  	[spmem:s3] =	stream.indirect.scatter.add.f32 [tilespmem:s15], [sflag:$0x4], $0x80, s13, s18, $0xb8;
	[tilespmem:$0x1D800] =	vst v63  }
0x27b: {  	_ =	swait.ge [sflag:s16], $0x2800  }
0x27c: {  	[sflag:s16] =	ssyncset.done $0x0  }
0x27d: {  	s14 =	rddreg [dreg:$0x1a];
	[sflag:s16] =	ssyncadd.s32 $0xFFFFD800  }
0x27e: {  	[tilespmem:s15], [sflag:$0x1] =	stream.indirect.gather [hbm4b:s2+s18], $0x80, s14, s18, $0xb8;
	[tilespmem:$0x1D800] =	vst v63  }
0x27f: {  	_ =	swait.ge [sflag:s22], $0x2800  }
0x280: {  	[sflag:s22] =	ssyncset.done $0x0  }
0x281: {  	s12 =	rddreg [dreg:$0x1b];
	[sflag:s22] =	ssyncadd.s32 $0xFFFFD800  }
0x282: {  	[spmem:s3] =	stream.indirect.scatter.add.f32 [tilespmem:s19], [sflag:$0x4], $0x80, s12, s18, $0xb8;
	[tilespmem:$0x1D800] =	vst v63  }
0x283: {  	_ =	swait.ge [sflag:s16], $0x2800  }
0x284: {  	[sflag:s16] =	ssyncset.done $0x0  }
0x285: {  	s13 =	rddreg [dreg:$0x1c];
	[sflag:s16] =	ssyncadd.s32 $0xFFFFD800  }
0x286: {  	[tilespmem:s19], [sflag:$0x2] =	stream.indirect.gather [hbm4b:s2+s18], $0x80, s13, s18, $0xb8;
	[tilespmem:$0x1D800] =	vst v63  }
0x287: {  	_ =	swait.ge [sflag:s23], $0x2800  }
0x288: {  	[sflag:s23] =	ssyncset.done $0x0  }
0x289: {  	s14 =	rddreg [dreg:$0x1d];
	[sflag:s23] =	ssyncadd.s32 $0xFFFFD800  }
0x28a: {  	[spmem:s3] =	stream.indirect.scatter.add.f32 [tilespmem:s20], [sflag:$0x4], $0x80, s14, s18, $0xb8;
	[tilespmem:$0x1D800] =	vst v63  }
0x28b: {  	_ =	swait.ge [sflag:s16], $0x2800  }
0x28c: {  	[sflag:s16] =	ssyncset.done $0x0  }
0x28d: {  	s12 =	rddreg [dreg:$0x1e];
	[sflag:s16] =	ssyncadd.s32 $0xFFFFD800  }
0x28e: {  	[tilespmem:s20], [sflag:$0x3] =	stream.indirect.gather [hbm4b:s2+s18], $0x80, s12, s18, $0xb8;
	[tilespmem:$0x1D800] =	vst v63  }
0x28f: {  	_ =	swait.ge [sflag:s21], $0x2800  }
0x290: {  	[sflag:s21] =	ssyncset.done $0x0  }
0x291: {  	s13 =	rddreg [dreg:$0x1f];
	[sflag:s21] =	ssyncadd.s32 $0xFFFFD800  }
0x292: {  	[spmem:s3] =	stream.indirect.scatter.add.f32 [tilespmem:s15], [sflag:$0x4], $0x80, s13, s18, $0xb8;
	[tilespmem:$0x1D800] =	vst v63  }
0x293: {  	_ =	swait.ge [sflag:s16], $0x2800  }
0x294: {  	s14 =	sld [smem:$0x7F7]  }
0x295: {  	[sflag:s16] =	ssyncset.done $0x0  }
0x296: {  	[sflag:s16] =	ssyncadd.s32 $0xFFFFD800  }
0x297: {  	[tilespmem:s15], [sflag:$0x1] =	stream.indirect.gather [hbm4b:s2+s18], $0x80, s14, s18, $0xb8;
	[tilespmem:$0x1D800] =	vst v63  }
0x298: {  	_ =	swait.ge [sflag:s22], $0x2800  }
0x299: {  	s12 =	sld [smem:$0x7F8]  }
0x29a: {  	[sflag:s22] =	ssyncset.done $0x0  }
0x29b: {  	[sflag:s22] =	ssyncadd.s32 $0xFFFFD800  }
0x29c: {  	[spmem:s3] =	stream.indirect.scatter.add.f32 [tilespmem:s19], [sflag:$0x4], $0x80, s12, s18, $0xb8;
	[tilespmem:$0x1D800] =	vst v63  }
0x29d: {  	_ =	swait.ge [sflag:s16], $0x2800  }
0x29e: {  	s13 =	sld [smem:$0x7F9]  }
0x29f: {  	[sflag:s16] =	ssyncset.done $0x0  }
0x2a0: {  	[sflag:s16] =	ssyncadd.s32 $0xFFFFD800  }
0x2a1: {  	[tilespmem:s19], [sflag:$0x2] =	stream.indirect.gather [hbm4b:s2+s18], $0x80, s13, s18, $0xb8;
	[tilespmem:$0x1D800] =	vst v63  }
0x2a2: {  	_ =	swait.ge [sflag:s23], $0x2800  }
0x2a3: {  	s14 =	sld [smem:$0x7FA]  }
0x2a4: {  	[sflag:s23] =	ssyncset.done $0x0  }
0x2a5: {  	[sflag:s23] =	ssyncadd.s32 $0xFFFFD800  }
0x2a6: {  	[spmem:s3] =	stream.indirect.scatter.add.f32 [tilespmem:s20], [sflag:$0x4], $0x80, s14, s18, $0xb8;
	[tilespmem:$0x1D800] =	vst v63  }
0x2a7: {  	_ =	swait.ge [sflag:s16], $0x2800  }
0x2a8: {  	s12 =	sld [smem:$0x7FB]  }
0x2a9: {  	[sflag:s16] =	ssyncset.done $0x0  }
0x2aa: {  	[sflag:s16] =	ssyncadd.s32 $0xFFFFD800  }
0x2ab: {  	[tilespmem:s20], [sflag:$0x3] =	stream.indirect.gather [hbm4b:s2+s18], $0x80, s12, s18, $0xb8;
	[tilespmem:$0x1D800] =	vst v63  }
0x2ac: {  	_ =	swait.ge [sflag:s21], $0x2800  }
0x2ad: {  	s13 =	sld [smem:$0x7FC]  }
0x2ae: {  	[sflag:s21] =	ssyncset.done $0x0  }
0x2af: {  	[sflag:s21] =	ssyncadd.s32 $0xFFFFD800  }
0x2b0: {  	[spmem:s3] =	stream.indirect.scatter.add.f32 [tilespmem:s15], [sflag:$0x4], $0x80, s13, s18, $0xb8;
	[tilespmem:$0x1D800] =	vst v63  }
0x2b1: {  	_ =	swait.ge [sflag:s16], $0x2800  }
0x2b2: {  	s14 =	sld [smem:$0x7FD]  }
0x2b3: {  	[sflag:s16] =	ssyncset.done $0x0  }
0x2b4: {  	[sflag:s16] =	ssyncadd.s32 $0xFFFFD800  }
0x2b5: {  	[tilespmem:s15], [sflag:$0x1] =	stream.indirect.gather [hbm4b:s2+s18], $0x80, s14, s18, $0xb8;
	[tilespmem:$0x1D800] =	vst v63  }
0x2b6: {  	_ =	swait.ge [sflag:s22], $0x2800  }
0x2b7: {  	[sflag:s22] =	ssyncset.done $0x0  }
0x2b8: {  	[sflag:s22] =	ssyncadd.s32 $0xFFFFD800  }
0x2b9: {  	[spmem:s3] =	stream.indirect.scatter.add.f32 [tilespmem:s19], [sflag:$0x4], $0x80, s24, s18, $0xb8;
	[tilespmem:$0x1D800] =	vst v63  }
0x2ba: {  	_ =	swait.ge [sflag:s16], $0x2800  }
0x2bb: {  	[sflag:s16] =	ssyncset.done $0x0  }
0x2bc: {  	[sflag:s16] =	ssyncadd.s32 $0xFFFFD800  }
0x2bd: {  	[tilespmem:s19], [sflag:$0x2] =	stream.indirect.gather [hbm4b:s2+s18], $0x80, s25, s18, $0xb8;
	[tilespmem:$0x1D800] =	vst v63  }
0x2be: {  	_ =	swait.ge [sflag:s23], $0x2800  }
0x2bf: {  	[sflag:s23] =	ssyncset.done $0x0  }
0x2c0: {  	[sflag:s23] =	ssyncadd.s32 $0xFFFFD800  }
0x2c1: {  	[spmem:s3] =	stream.indirect.scatter.add.f32 [tilespmem:s20], [sflag:$0x4], $0x80, s26, s18, $0xb8;
	[tilespmem:$0x1D800] =	vst v63  }
0x2c2: {  	_ =	swait.ge [sflag:s16], $0x2800  }
0x2c3: {  	[sflag:s16] =	ssyncset.done $0x0  }
0x2c4: {  	[sflag:s16] =	ssyncadd.s32 $0xFFFFD800  }
0x2c5: {  	[tilespmem:s20], [sflag:$0x3] =	stream.indirect.gather [hbm4b:s2+s18], $0x80, s28, s18, $0xb8;
	[tilespmem:$0x1D800] =	vst v63  }
0x2c6: {  	_ =	swait.ge [sflag:s21], $0x2800  }
0x2c7: {  	[sflag:s21] =	ssyncset.done $0x0  }
0x2c8: {  	[sflag:s21] =	ssyncadd.s32 $0xFFFFD800  }
0x2c9: {  	[spmem:s3] =	stream.indirect.scatter.add.f32 [tilespmem:s15], [sflag:$0x4], $0x80, s29, s18, $0xb8;
	[tilespmem:$0x1D800] =	vst v63  }
0x2ca: {  	_ =	swait.ge [sflag:s16], $0x2800  }
0x2cb: {  	[sflag:s16] =	ssyncset.done $0x0  }
0x2cc: {  	[sflag:s16] =	ssyncadd.s32 $0xFFFFD800  }
0x2cd: {  	[tilespmem:s15], [sflag:$0x1] =	stream.indirect.gather [hbm4b:s2+s18], $0x80, s30, s18, $0xb8;
	[tilespmem:$0x1D800] =	vst v63  }
0x2ce: {  	_ =	swait.ge [sflag:s22], $0x2800  }
0x2cf: {  	[sflag:s22] =	ssyncset.done $0x0  }
0x2d0: {  	[sflag:s22] =	ssyncadd.s32 $0xFFFFD800  }
0x2d1: {  	[spmem:s3] =	stream.indirect.scatter.add.f32 [tilespmem:s19], [sflag:$0x4], $0x80, s31, s18, $0xb8;
	[tilespmem:$0x1D800] =	vst v63  }
0x2d2: {  	_ =	swait.ge [sflag:s16], $0x2800  }
0x2d3: {  	[sflag:s16] =	ssyncset.done $0x0  }
0x2d4: {  	[sflag:s16] =	ssyncadd.s32 $0xFFFFD800  }
0x2d5: {  	[tilespmem:s19], [sflag:$0x2] =	stream.indirect.gather [hbm4b:s2+s18], $0x80, s1, s18, $0xb8;
	[tilespmem:$0x1D800] =	vst v63  }
0x2d6: {  	_ =	swait.ge [sflag:s23], $0x2800  }
0x2d7: {  	[sflag:s23] =	ssyncset.done $0x0  }
0x2d8: {  	[sflag:s23] =	ssyncadd.s32 $0xFFFFD800  }
0x2d9: {  	[spmem:s3] =	stream.indirect.scatter.add.f32 [tilespmem:s20], [sflag:$0x4], $0x80, s0, s18, $0xb8;
	[tilespmem:$0x1D800] =	vst v63  }
0x2da: {  	_ =	swait.ge [sflag:s16], $0x2800  }
0x2db: {  	[sflag:s16] =	ssyncset.done $0x0  }
0x2dc: {  	[sflag:s16] =	ssyncadd.s32 $0xFFFFD800  }
0x2dd: {  	[tilespmem:s20], [sflag:$0x3] =	stream.indirect.gather [hbm4b:s2+s18], $0x80, s6, s18, $0xb8;
	[tilespmem:$0x1D800] =	vst v63  }
0x2de: {  	_ =	swait.ge [sflag:s21], $0x2800  }
0x2df: {  	[sflag:s21] =	ssyncset.done $0x0  }
0x2e0: {  	[sflag:s21] =	ssyncadd.s32 $0xFFFFD800  }
0x2e1: {  	[spmem:s3] =	stream.indirect.scatter.add.f32 [tilespmem:s15], [sflag:$0x4], $0x80, s7, s18, $0xb8;
	[tilespmem:$0x1D800] =	vst v63  }
0x2e2: {  	_ =	swait.ge [sflag:s16], $0x2800  }
0x2e3: {  	[sflag:s16] =	ssyncset.done $0x0  }
0x2e4: {  	[sflag:s16] =	ssyncadd.s32 $0xFFFFD800  }
0x2e5: {  	[tilespmem:s15], [sflag:$0x1] =	stream.indirect.gather [hbm4b:s2+s18], $0x80, s8, s18, $0xb8;
	[tilespmem:$0x1D800] =	vst v63  }
0x2e6: {  	_ =	swait.ge [sflag:s22], $0x2800  }
0x2e7: {  	[sflag:s22] =	ssyncset.done $0x0  }
0x2e8: {  	[sflag:s22] =	ssyncadd.s32 $0xFFFFD800  }
0x2e9: {  	[spmem:s3] =	stream.indirect.scatter.add.f32 [tilespmem:s19], [sflag:$0x4], $0x80, s9, s18, $0xb8;
	[tilespmem:$0x1D800] =	vst v63  }
0x2ea: {  	_ =	swait.ge [sflag:s16], $0x2800  }
0x2eb: {  	[sflag:s16] =	ssyncset.done $0x0  }
0x2ec: {  	[sflag:s16] =	ssyncadd.s32 $0xFFFFD800  }
0x2ed: {  	_ =	swait.ge [sflag:s23], $0x2800  }
0x2ee: {  	[sflag:s23] =	ssyncset.done $0x0  }
0x2ef: {  	[sflag:s23] =	ssyncadd.s32 $0xFFFFD800  }
0x2f0: {  	[spmem:s3] =	stream.indirect.scatter.add.f32 [tilespmem:s20], [sflag:$0x4], $0x80, s10, s18, $0xb8;
	[tilespmem:$0x1D800] =	vst v63  }
0x2f1: {  	_ =	swait.ge [sflag:s16], $0x2800  }
0x2f2: {  	[sflag:s16] =	ssyncset.done $0x0  }
0x2f3: {  	[sflag:s16] =	ssyncadd.s32 $0xFFFFD800  }
0x2f4: {  	_ =	swait.ge [sflag:s21], $0x2800  }
0x2f5: {  	[sflag:s21] =	ssyncset.done $0x0  }
0x2f6: {  	[sflag:s21] =	ssyncadd.s32 $0xFFFFD800  }
0x2f7: {  	[spmem:s3] =	stream.indirect.scatter.add.f32 [tilespmem:s15], [sflag:$0x4], $0x80, s11, s18, $0xb8;
	[tilespmem:$0x1D800] =	vst v63  }
0x2f8: {  	_ =	swait.ge [sflag:s16], $0x2800  }
0x2f9: {  	[sflag:s16] =	ssyncset.done $0x0  }
0x2fa: {  	[sflag:s16] =	ssyncadd.s32 $0xFFFFD800  }
0x2fb: {  	[bflag:$0x0] =	sbarrier.arrive $0xFFFF  }
0x2fc: {  	s13 =	sld [smem:$0x7F3]  }
0x2fd: {  	s12 =	stileid.u32;
	s14 =	sld [smem:$0x7F5]  }
0x2fe: {  	s5 =	sshll.u32 s12, $0x6  }
0x2ff: {  	s5 =	sor.u32 $0x1C04, s5;
	s12 =	sshrl.u32 s13, $0x3  }
0x300: {  	[hbm:s14], [sflag:s5] =	dma.local [spmem:s12], $0x2800  }
0x301: {  	_ =	swait.ge [sflag:s16], $0x2800  }
0x302: {  	s13 =	sld [smem:$0x7EC]  }
0x303: {  	s14 =	sld [smem:$0x7F6];
	_ =	sdelay $0x1  }
0x304: {  	s12 =	sadd.s32 $0x1, s13  }
0x305: {  	p0 =	sne.s32 s12, s14  }
.Ltmp2:
0x306: {  	_ = 	snop;
	(pc) =	sbr.rel @p0 .LBB2_1-.Ltmp2, $3  }
0x307: {  	_ =	sdelay $0x1  }
0x308: {  	[sflag:s16] =	ssyncset.done $0x0  }
0x309: {  	[sflag:s16] =	ssyncadd.s32 $0xFFFFD800  }
0x30a: {  	_ =	sfence.sel $0x180000  }
0x30b: {  	[bflag:$0x0] =	sbarrier.arrive $0xFFFF  }
0x30c: {  	_ =	strace $0x9000004A  }
0x30d: {  	s0 =	stileid.u32;
	[bflag:$0x2] =	sbarrier.arrive $0xFFFF  }
0x30e: {  	p0 =	sne.s32 s0, $0x0;
	s0 =	rddreg [dreg:$0x3]  }
0x30f: {  	s0 =	sadd.s32 @!p0 $0x100000, s0  }
0x310: {  	[sflag:s0] =	ssyncadd.tile.s32 @!p0 $0x1;
	_ =	shalt  }
.Lfunc_end2:
_tile_overlayer_lowered:
.L_overlay_start_2:
0x311: {  	(tag) =	ssettag $0x2  }
0x312: {  	s0 =	rddreg [dreg:$0x0];
	s2 =	stileid.u32  }
0x313: {  	s1 =	rddreg [dreg:$0x1];
	p0 =	sne.s32 s2, $0x0  }
0x314: {  	s3 =	rddreg [dreg:$0x2];
	[bflag:$0x3] =	sbarrier.arrive $0xFFFF;
	s2 =	simm.s32 @!p0 $0x1C04  }
0x315: {  	[timem:s3], [sflag:s2] =	dma.local @!p0 [hbm:s0], s1  }
0x316: {  	s0 =	simm.s32 @!p0 $0x4  }
0x317: {  	_ =	swait.ge @!p0 [sflag:s0], s1  }
0x318: {  	s1 =	ssub.s32 @!p0 $0x0, s1;
	[sflag:s0] =	ssyncset.done @!p0 $0x0  }
0x319: {  	[sflag:s0] =	ssyncadd.s32 @!p0 s1  }
0x31a: {  	[bflag:$0x3] =	sbarrier.arrive $0xFFFF  }
0x31b: {  	_ =	shalt  }

// kernel: kernel.21.cloned.1.call-start
scs
__scs_entry_jumppad:
0x0: {  	(pc) =	sbr.rel $0x88, $3  }
0x1: {  	(tag) =	ssettag $0x0;
	lr =	simm.s32 $0x1  }
0x2: {  	[smem:$0x3F94] =	sst lr;
	_ =	strace $0xD0000000  }
0x3: {  	_ = 	snop  }
0x4: {  	_ = 	snop  }
0x5: {  	_ = 	snop  }
0x6: {  	_ = 	snop  }
0x7: {  	_ = 	snop  }
__scs_overlays_trampoline_lowered:
0x8: {  	[smem:$0x3FA3] =	sst s0  }
0x9: {  	[smem:$0x3FA4] =	sst s1  }
0xa: {  	[smem:$0x3FA5] =	sst s2  }
0xb: {  	[smem:$0x3FA6] =	sst s3  }
0xc: {  	[smem:$0x3FA7] =	sst s4  }
0xd: {  	[smem:$0x3FA8] =	sst s5  }
0xe: {  	[smem:$0x3FA9] =	sst s6  }
0xf: {  	[smem:$0x3FAA] =	sst s7  }
0x10: {  	[smem:$0x3FAB] =	sst s8  }
0x11: {  	[smem:$0x3FAC] =	sst s9;
	s0 =	simm.s32 @!p0 $0x0  }
0x12: {  	s1 =	sld [smem:$0x3F92];
	s0 =	simm.s32 @p0 $0x1  }
0x13: {  	[smem:$0x3FAD] =	sst s0;
	s0 =	simm.s32 @!p1 $0x0  }
0x14: {  	s2 =	sld [smem:$0x3F91];
	s0 =	simm.s32 @p1 $0x1  }
0x15: {  	[smem:$0x3FAE] =	sst s0;
	s0 =	simm.s32 @!p2 $0x0  }
0x16: {  	s3 =	sld [smem:$0x3FDB];
	s0 =	simm.s32 @p2 $0x1  }
0x17: {  	s4 =	simm.s32 $0x1BF5;
	[smem:$0x3FB0] =	sst s0  }
0x18: {  	s0 =	sld [smem:$0x3F93];
	_ =	swait.ge [sflag:s4], $0x0  }
0x19: {  	s7 =	sld [smem:$0x3F94]  }
0x1a: {  	s8 =	sadd.s32 $0xFFFFE003, lr  }
0x1b: {  	s9 =	sadd.s32 $0xFFFFFEF7, lr;
	s5 =	simm.s32 $0xFFFFFFFF;
	p2 =	slt.u32 s8, $0xFFFFF086  }
0x1c: {  	p1 =	slt.u32 s9, $0xF7A;
	s5 =	simm.s32 @!p2 $0x0  }
0x1d: {  	s5 =	simm.s32 @p1 $0x1;
	p0 =	seq.s32 s7, s2  }
0x1e: {  	s7 =	smul.u32 @!p0 $0xF7A, s2;
	p2 =	seq.s32 @!p0 s5, $0x0  }
0x1f: {  	s9 =	smul.u32 $0xF7A, s1;
	s8 =	simm.s32 @!p0 $0x1BF5;
	p2 =	por !p2, p0  }
0x20: {  	[sflag:s8] =	ssyncset.s32 @!p0 $0xFFFFF086;
	s6 =	sadd.s32 @!p0 s3, s7;
	s7 =	simm.s32 @!p0 $0x108  }
0x21: {  	s3 =	sadd.s32 s3, s9;
	s6 =	sadd.s32 @!p0 $0x88, s6;
	s7 =	simm.s32 @p2 $0x1082  }
0x22: {  	[simem:s7], [sflag:s8] =	dma.local @!p0 [hbm:s6], $0xF7A  }
0x23: {  	s9 =	sor.u32 $0xD0000000, s2;
	s6 =	simm.s32 $0x108;
	_ =	swait.ge @!p0 [sflag:s8], $0x0  }
0x24: {  	s3 =	sadd.s32 $0x88, s3;
	s6 =	simm.s32 @!p1 $0x1082;
	[sflag:s4] =	ssyncset.s32 $0xFFFFF086  }
0x25: {  	[simem:s6], [sflag:s4] =	dma.local [hbm:s3], $0xF7A  }
0x26: {  	[smem:$0x3F94] =	sst s1;
	(tag) =	ssettag s2;
	_ =	strace s9  }
0x27: {  	s1 =	sld [smem:$0x3FA4]  }
0x28: {  	s2 =	sld [smem:$0x3FA5]  }
0x29: {  	s4 =	sld [smem:$0x3FA7]  }
0x2a: {  	p0 =	seq.s32 s5, $0x0;
	s5 =	sld [smem:$0x3FA8]  }
0x2b: {  	s6 =	sld [smem:$0x3FA9]  }
0x2c: {  	s7 =	sld [smem:$0x3FAA]  }
0x2d: {  	s3 =	simm.s32 $0x108;
	s8 =	sld [smem:$0x3FAB]  }
0x2e: {  	s3 =	simm.s32 @!p0 $0x1082;
	s9 =	sld [smem:$0x3FAC]  }
0x2f: {  	lr =	sadd.s32 s0, s3;
	s0 =	sld [smem:$0x3FA3]  }
0x30: {  	s3 =	sld [smem:$0x3FA6]  }
0x31: {  	[smem:$0x3FAF] =	sst s10  }
0x32: {  	s10 =	sld [smem:$0x3FAD];
	_ =	sdelay $0x3  }
0x33: {  	p0 =	seq.s32 s10, $0x1;
	s10 =	sld [smem:$0x3FAF];
	_ =	sdelay $0x3  }
0x34: {  	[smem:$0x3FAF] =	sst s10  }
0x35: {  	s10 =	sld [smem:$0x3FAE];
	_ =	sdelay $0x3  }
0x36: {  	p1 =	seq.s32 s10, $0x1;
	s10 =	sld [smem:$0x3FAF];
	_ =	sdelay $0x3  }
0x37: {  	[smem:$0x3FAF] =	sst s10  }
0x38: {  	s10 =	sld [smem:$0x3FB0]  }
0x39: {  	_ = 	snop;
	(pc) =	sbr.ind lr, $3  }
0x3a: {  	_ = 	snop  }
0x3b: {  	_ = 	snop  }
0x3c: {  	p2 =	seq.s32 s10, $0x1;
	s10 =	sld [smem:$0x3FAF]  }
0x3d: {  	_ =	shalt  }
0x3e: {  	_ =	shalt  }
0x3f: {  	_ =	shalt  }
0x40: {  	_ =	shalt  }
0x41: {  	_ =	shalt  }
0x42: {  	_ =	shalt  }
0x43: {  	_ =	shalt  }
0x44: {  	_ =	shalt  }
0x45: {  	_ =	shalt  }
0x46: {  	_ =	shalt  }
0x47: {  	_ =	shalt  }
0x48: {  	_ =	shalt  }
0x49: {  	_ =	shalt  }
0x4a: {  	_ =	shalt  }
0x4b: {  	_ =	shalt  }
0x4c: {  	_ =	shalt  }
0x4d: {  	_ =	shalt  }
0x4e: {  	_ =	shalt  }
0x4f: {  	_ =	shalt  }
0x50: {  	_ =	shalt  }
0x51: {  	_ =	shalt  }
0x52: {  	_ =	shalt  }
0x53: {  	_ =	shalt  }
0x54: {  	_ =	shalt  }
0x55: {  	_ =	shalt  }
0x56: {  	_ =	shalt  }
0x57: {  	_ =	shalt  }
0x58: {  	_ =	shalt  }
0x59: {  	_ =	shalt  }
0x5a: {  	_ =	shalt  }
0x5b: {  	_ =	shalt  }
0x5c: {  	_ =	shalt  }
0x5d: {  	_ =	shalt  }
0x5e: {  	_ =	shalt  }
0x5f: {  	_ =	shalt  }
0x60: {  	_ =	shalt  }
0x61: {  	_ =	shalt  }
0x62: {  	_ =	shalt  }
0x63: {  	_ =	shalt  }
0x64: {  	_ =	shalt  }
0x65: {  	_ =	shalt  }
0x66: {  	_ =	shalt  }
0x67: {  	_ =	shalt  }
0x68: {  	_ =	shalt  }
0x69: {  	_ =	shalt  }
0x6a: {  	_ =	shalt  }
0x6b: {  	_ =	shalt  }
0x6c: {  	_ =	shalt  }
0x6d: {  	_ =	shalt  }
0x6e: {  	_ =	shalt  }
0x6f: {  	_ =	shalt  }
0x70: {  	_ =	shalt  }
0x71: {  	_ =	shalt  }
0x72: {  	_ =	shalt  }
0x73: {  	_ =	shalt  }
0x74: {  	_ =	shalt  }
0x75: {  	_ =	shalt  }
0x76: {  	_ =	shalt  }
0x77: {  	_ =	shalt  }
0x78: {  	_ =	shalt  }
0x79: {  	_ =	shalt  }
0x7a: {  	_ =	shalt  }
0x7b: {  	_ =	shalt  }
0x7c: {  	_ =	shalt  }
0x7d: {  	_ =	shalt  }
0x7e: {  	_ =	shalt  }
0x7f: {  	_ =	shalt  }
0x80: {  	_ =	shalt  }
0x81: {  	_ =	shalt  }
0x82: {  	_ =	shalt  }
0x83: {  	_ =	shalt  }
0x84: {  	_ =	shalt  }
0x85: {  	_ =	shalt  }
0x86: {  	_ =	shalt  }
0x87: {  	_ =	shalt  }
.Lfunc_end0:
.L_simem_size_0:
called_computation.2_lowered:
.L_overlay_start_0:
0x88: {  	s2 =	sld [smem:$0x3FD9]  }
0x89: {  	s3 =	sld [smem:$0x3FFE];
	_ =	sdelay $0x1  }
0x8a: {  	s1 =	srdreg.scid  }
0x8b: {  	s0 =	sand.u32 $0x1, s1  }
0x8c: {  	s17 =	sshll.u32 s0, $0xA;
	s2 =	sadd.s32 s3, s2  }
0x8d: {  	s2 =	sadd.s32 s2, s17  }
0x8e: {  	[smem:$0x3FBB] =	sst s2  }
0x8f: {  	_ = 	snop  }
0x90: {  	s2 =	sld [smem:$0x3FD0];
	(tm) =	ssettm $0x1  }
0x91: {  	s18 =	sld [smem:$0x3FFB];
	_ =	sdelay $0x3  }
0x92: {  	_ =	strace s18  }
0x93: {  	s3 =	sld [smem:$0x3FFC];
	_ =	sdelay $0x3  }
0x94: {  	_ =	strace s3  }
0x95: {  	s3 =	sld [smem:$0x3FFD];
	_ =	sdelay $0x3  }
0x96: {  	_ =	strace s3  }
0x97: {  	_ =	strace $0x8FFFFFFF  }
0x98: {  	s19 =	sld [smem:$0x3FDB];
	_ =	sdelay $0x1  }
0x99: {  	s4 =	simm.s32 $_scs_section_size  }
0x9a: {  	s5 =	simm.s32 $_size__tile_overlayer_lowered;
	s6 =	simm.s32 $_tile_overlayer_lowered  }
0x9b: {  	s22 =	simm.s32 $0x1BFF;
	s21 =	sshll.u32 s6, $0x1;
	s3 =	sadd.s32 s4, s19  }
0x9c: {  	s7 =	simm.s32 $0x0;
	s20 =	sshll.u32 s5, $0x1;
	s5 =	sadd.s32 s21, s3  }
0x9d: {  	[timem:s7], [sflag:s22] =	dma.local [hbm:s5], s20  }
0x9e: {  	_ =	swait.ge [sflag:s22], s20  }
0x9f: {  	s4 =	ssub.s32 $0x0, s20;
	[sflag:s22] =	ssyncset.done $0x0  }
0xa0: {  	[sflag:s22] =	ssyncadd.s32 s4;
	_ =	sdelay $0x1  }
0xa1: {  	s23 =	simm.s32 $0x1B8B  }
0xa2: {  	_ =	swait.ge [sflag:s23], $0x1  }
0xa3: {  	[sflag:s23] =	ssyncset.done $0x0  }
0xa4: {  	s25 =	simm.s32 $0x1B8E;
	s24 =	sld [smem:$0x3FFE];
	[sflag:s23] =	ssyncadd.s32 $0xFFFFFFFF  }
0xa5: {  	s26 =	simm.s32 $execute0_lowered;
	[smem:$0x3FD2] =	sst s25  }
0xa6: {  	s5 =	sshll.u32 s26, $0x1;
	_ =	strace $0x8000004C;
	[dreg:$0x1] =	wrdreg $0xFFFFFFFF  }
0xa7: {  	s28 =	simm.s32 $_size_execute0_lowered;
	s3 =	sadd.s32 s3, s5;
	[dreg:$0x0] =	wrdreg $0x0  }
0xa8: {  	s5 =	sshll.u32 s28, $0x1;
	[dreg:$0x2] =	wrdreg s3  }
0xa9: {  	[dreg:$0x3] =	wrdreg s5  }
0xaa: {  	[dreg:$0x4] =	wrdreg $0xC0  }
0xab: {  	_ =	task [dreg:s7], $0x5FFFF  }
0xac: {  	[dreg:$0x1] =	wrdreg $0xFFFFFFFF  }
0xad: {  	[dreg:$0x0] =	wrdreg $0x60  }
0xae: {  	[dreg:$0x2] =	wrdreg s2  }
0xaf: {  	[dreg:$0x3] =	wrdreg s24  }
0xb0: {  	[dreg:$0x4] =	wrdreg $0x98000  }
0xb1: {  	[dreg:$0x5] =	wrdreg $0x9  }
0xb2: {  	_ =	task.clear_ibuf [dreg:s7], $0x6FFFF;
	_ =	strace $0x9000004C  }
0xb3: {  	s29 =	simm.s32 $0x9;
	_ =	strace $0x8000004E  }
0xb4: {  	_ =	swait.ge [sflag:s29], $0x1  }
0xb5: {  	[sflag:s29] =	ssyncadd.s32 $0xFFFFFFFF  }
0xb6: {  	_ =	strace $0x9000004E  }
0xb7: {  	_ =	sfence  }
0xb8: {  	s30 =	sld [smem:$0x0];
	_ =	sdelay $0x2  }
0xb9: {  	s31 =	sshll.u32 s1, $0xD;
	s1 =	sshrl.u32 s1, $0x2  }
0xba: {  	s3 =	sand.u32 $0x4000, s31;
	s1 =	sadd.s32 s1, s30  }
0xbb: {  	s0 =	sor.u32 s3, s0;
	s1 =	sshll.u32 s1, $0x11  }
0xbc: {  	s0 =	sor.u32 s1, s0  }
0xbd: {  	s0 =	sadd.s32 $0x8F2B, s0  }
0xbe: {  	[sflag:s0] =	ssyncadd.remote.s32 $0x1  }
0xbf: {  	_ =	sfence.sel $0xFFFF  }
0xc0: {  	[dreg:$0x0] =	wrdreg $0xFFFFFFFF;
	(pc) =	sbr.abs _section_cstart, $3  }
0xc1: {  	[dreg:$0x1] =	wrdreg $0xFFFFFFFF  }
0xc2: {  	_ =	task.clear_ibuf [dreg:s7], $0x2FFFF;
	_ =	strace $0x9FFFFFFF  }
0xc3: {  	(tm) =	ssettm $0x7FFFFFFF  }
tec
execute0_lowered:
.L_overlay_start_1:
0x0: {  	(tag) =	ssettag $0x1  }
0x1: {  	s0 =	srdreg.scid;
	s8 =	stileid.u32  }
0x2: {  	s0 =	sand.u32 $0x1, s0;
	s1 =	smul.u32 $0xA000, s8  }
0x3: {  	s2 =	rddreg [dreg:$0x0];
	s4 =	smul.u32 $0x5000, s0  }
0x4: {  	s5 =	rddreg [dreg:$0x1]  }
0x5: {  	s3 =	rddreg [dreg:$0x2];
	s1 =	sadd.s32 s4, s1;
	s4 =	simm.s32 $0x0  }
0x6: {  	s21 =	simm.s32 $0x80;
	[smem:$0x7FF] =	sst s4  }
0x7: {  	s22 =	simm.s32 $0x100;
	_ =	strace $0x8000004D;
	[dreg:$0x6] =	wrdreg s21  }
0x8: {  	s23 =	simm.s32 $0x180;
	[dreg:$0x7] =	wrdreg s22  }
0x9: {  	s24 =	simm.s32 $0x1080;
	[dreg:$0x8] =	wrdreg s23  }
0xa: {  	s26 =	simm.s32 $0x200;
	[dreg:$0x9] =	wrdreg s24  }
0xb: {  	s9 =	simm.s32 $0x1100;
	[dreg:$0xa] =	wrdreg s26  }
0xc: {  	s10 =	simm.s32 $0x280;
	[dreg:$0xb] =	wrdreg s9  }
0xd: {  	s11 =	simm.s32 $0x1180;
	[dreg:$0xc] =	wrdreg s10  }
0xe: {  	s12 =	simm.s32 $0x300;
	[dreg:$0xd] =	wrdreg s11  }
0xf: {  	s13 =	simm.s32 $0x1200;
	[dreg:$0xe] =	wrdreg s12  }
0x10: {  	s14 =	simm.s32 $0x380;
	s16 =	simm.s32 $0x1280;
	[dreg:$0xf] =	wrdreg s13  }
0x11: {  	s18 =	simm.s32 $0x400;
	s19 =	simm.s32 $0x1300;
	[dreg:$0x10] =	wrdreg s14  }
0x12: {  	s25 =	smul.u32 $0x140000, s0;
	s0 =	ssub.s32 $0x2, s0;
	[dreg:$0x11] =	wrdreg s16  }
0x13: {  	s17 =	smul.u32 $0x50000, s8;
	s15 =	sshrl.u32 s0, $0x1;
	[dreg:$0x12] =	wrdreg s18  }
0x14: {  	s0 =	ssub.s32 s0, s15;
	s15 =	simm.s32 $0x1500;
	[dreg:$0x13] =	wrdreg s19  }
0x15: {  	s0 =	smax.u32 s0, $0x1;
	[dreg:$0x1b] =	wrdreg s15  }
0x16: {  	s20 =	sshrl.u32 s17, $0x2;
	s17 =	simm.s32 $0x1580;
	[smem:$0x7F6] =	sst s0  }
0x17: {  	s21 =	simm.s32 $0x480;
	[dreg:$0x1d] =	wrdreg s17  }
0x18: {  	s22 =	simm.s32 $0x1380;
	[dreg:$0x14] =	wrdreg s21  }
0x19: {  	s28 =	simm.s32 $0xA00;
	s24 =	simm.s32 $0x500;
	[dreg:$0x15] =	wrdreg s22  }
0x1a: {  	s29 =	simm.s32 $0x1900;
	s26 =	simm.s32 $0x1400;
	[dreg:$0x16] =	wrdreg s24  }
0x1b: {  	s30 =	simm.s32 $0xA80;
	s9 =	simm.s32 $0x580;
	[dreg:$0x17] =	wrdreg s26  }
0x1c: {  	s31 =	simm.s32 $0x1980;
	s11 =	simm.s32 $0x1480;
	[dreg:$0x18] =	wrdreg s9  }
0x1d: {  	s7 =	smul.u32 $0x14000, s8;
	s13 =	simm.s32 $0x600;
	[dreg:$0x19] =	wrdreg s11  }
0x1e: {  	s1 =	sshrl.u32 s1, $0x3;
	s16 =	simm.s32 $0x680;
	[dreg:$0x1a] =	wrdreg s13  }
0x1f: {  	s1 =	sadd.s32 s1, s5;
	s18 =	simm.s32 $0x700;
	[dreg:$0x1c] =	wrdreg s16  }
0x20: {  	s15 =	simm.s32 $0x2000;
	s19 =	simm.s32 $0x1600;
	[dreg:$0x1e] =	wrdreg s18  }
0x21: {  	s17 =	simm.s32 $0x1000;
	s6 =	sadd.s32 $0x18600, s1;
	[dreg:$0x1f] =	wrdreg s19  }
0x22: {  	s0 =	simm.s32 $0x1A00;
	s1 =	sadd.s32 $0x4600, s1;
	[dreg:$0x4] =	wrdreg s6  }
0x23: {  	s16 =	simm.s32 $0x4;
	s21 =	simm.s32 $0x1680;
	[dreg:$0x5] =	wrdreg s1  }
0x24: {  	s18 =	simm.s32 $0x50;
	s22 =	simm.s32 $0x800;
	[smem:$0x7F8] =	sst s21  }
0x25: {  	s24 =	simm.s32 $0x880;
	s6 =	sadd.s32 s7, s25;
	[smem:$0x7F9] =	sst s22  }
0x26: {  	s26 =	simm.s32 $0x900;
	[smem:$0x7FB] =	sst s24;
	s6 =	sshrl.u32 s6, $0x3  }
0x27: {  	[smem:$0x7FD] =	sst s26;
	s5 =	sadd.s32 s6, s5;
	s6 =	sadd.s32 s20, s3  }
0x28: {  	s19 =	simm.s32 $0x4800;
	s20 =	simm.s32 $0x780;
	[smem:$0x7F3] =	sst s6  }
0x29: {  	s9 =	simm.s32 $0x1B00;
	s23 =	sadd.s32 $0x2800, s6;
	[smem:$0x7F7] =	sst s20  }
0x2a: {  	s11 =	simm.s32 $0x1C00;
	s25 =	sadd.s32 $0x5000, s6;
	[smem:$0x7ED] =	sst s23  }
0x2b: {  	s21 =	simm.s32 $0x1;
	s8 =	sadd.s32 $0x7800, s6;
	[smem:$0x7EE] =	sst s25  }
0x2c: {  	s22 =	simm.s32 $0x2;
	s10 =	sadd.s32 $0xA000, s6;
	[smem:$0x7EF] =	sst s8  }
0x2d: {  	s24 =	simm.s32 $0x1800;
	s12 =	sadd.s32 $0xC800, s6;
	[smem:$0x7F0] =	sst s10  }
0x2e: {  	s26 =	simm.s32 $0x1880;
	s14 =	sadd.s32 $0xF000, s6;
	[smem:$0x7F1] =	sst s12  }
0x2f: {  	s1 =	simm.s32 $0xB00;
	s6 =	sadd.s32 $0x11800, s6;
	[smem:$0x7F2] =	sst s14  }
0x30: {  	s7 =	simm.s32 $0x1A80;
	s5 =	sadd.s32 $0x2C600, s5;
	[smem:$0x7F4] =	sst s6  }
0x31: {  	s20 =	simm.s32 $0x7000;
	[smem:$0x7F5] =	sst s5;
	s23 =	simm.s32 $0x1700  }
0x32: {  	s25 =	simm.s32 $0x1780;
	s6 =	simm.s32 $0xB80;
	s8 =	simm.s32 $0xC00  }
0x33: {  	s10 =	simm.s32 $0x1B80;
	s12 =	simm.s32 $0x0;
	[smem:$0x7FA] =	sst s23  }
0x34: {  	v0 =	vimm.f32 $0.0e+00;
	[smem:$0x7FC] =	sst s25;
	s23 =	simm.s32 $0x3;
	s25 =	simm.s32 $0x980  }
.LBB2_1:
0x35: {  	s13 =	simm.s32 $0x0;
	s14 =	simm.s32 $0x200  }
.LBB2_2:
0x36: {  	p0 =	sne.s32 s14, $0x9E00;
	[tilespmem:s13+$0x2070] =	vst v0  }
0x37: {  	[tilespmem:s13+$0x2000] =	vst v0  }
0x38: {  	[tilespmem:s13+$0x2010] =	vst v0  }
.Ltmp0:
0x39: {  	[tilespmem:s13+$0x2020] =	vst v0;
	(pc) =	sbr.rel @p0 .LBB2_2-.Ltmp0, $4  }
0x3a: {  	[tilespmem:s13+$0x2030] =	vst v0  }
0x3b: {  	[tilespmem:s13+$0x2040] =	vst v0  }
0x3c: {  	[tilespmem:s13+$0x2050] =	vst v0  }
0x3d: {  	[tilespmem:s13+$0x2060] =	vst v0;
	s13 =	sshra.s32 s14, $0x2;
	s14 =	sadd.s32 $0x200, s14  }
0x3e: {  	[tilespmem:s13+$0x2070] =	vst v0  }
0x3f: {  	[tilespmem:s13+$0x2000] =	vst v0  }
0x40: {  	[tilespmem:s13+$0x2010] =	vst v0  }
0x41: {  	[tilespmem:s13+$0x2020] =	vst v0  }
0x42: {  	[tilespmem:s13+$0x2030] =	vst v0  }
0x43: {  	[tilespmem:s13+$0x2040] =	vst v0;
	s5 =	sld [smem:$0x7F3]  }
0x44: {  	[tilespmem:s13+$0x2050] =	vst v0  }
0x45: {  	[smem:$0x7EC] =	sst s12;
	[tilespmem:s13+$0x2060] =	vst v0  }
0x46: {  	[spmem:s5] =	stream.linear.scatter [tilespmem:s15], [sflag:$0x4], $0x2800, $0x38;
	[tilespmem:$0x1D800] =	vst v63  }
0x47: {  	_ =	swait.ge [sflag:s16], $0x2800  }
0x48: {  	s14 =	sld [smem:$0x7ED]  }
0x49: {  	[sflag:s16] =	ssyncset.done $0x0  }
0x4a: {  	[sflag:s16] =	ssyncadd.s32 $0xFFFFD800  }
0x4b: {  	[spmem:s14] =	stream.linear.scatter [tilespmem:s15], [sflag:$0x4], $0x2800, $0x38;
	[tilespmem:$0x1D800] =	vst v63  }
0x4c: {  	_ =	swait.ge [sflag:s16], $0x2800  }
0x4d: {  	s12 =	sld [smem:$0x7EE]  }
0x4e: {  	[sflag:s16] =	ssyncset.done $0x0  }
0x4f: {  	[sflag:s16] =	ssyncadd.s32 $0xFFFFD800  }
0x50: {  	[spmem:s12] =	stream.linear.scatter [tilespmem:s15], [sflag:$0x4], $0x2800, $0x38;
	[tilespmem:$0x1D800] =	vst v63  }
0x51: {  	_ =	swait.ge [sflag:s16], $0x2800  }
0x52: {  	s13 =	sld [smem:$0x7EF]  }
0x53: {  	[sflag:s16] =	ssyncset.done $0x0  }
0x54: {  	[sflag:s16] =	ssyncadd.s32 $0xFFFFD800  }
0x55: {  	[spmem:s13] =	stream.linear.scatter [tilespmem:s15], [sflag:$0x4], $0x2800, $0x38;
	[tilespmem:$0x1D800] =	vst v63  }
0x56: {  	_ =	swait.ge [sflag:s16], $0x2800  }
0x57: {  	s14 =	sld [smem:$0x7F0]  }
0x58: {  	[sflag:s16] =	ssyncset.done $0x0  }
0x59: {  	[sflag:s16] =	ssyncadd.s32 $0xFFFFD800  }
0x5a: {  	[spmem:s14] =	stream.linear.scatter [tilespmem:s15], [sflag:$0x4], $0x2800, $0x38;
	[tilespmem:$0x1D800] =	vst v63  }
0x5b: {  	_ =	swait.ge [sflag:s16], $0x2800  }
0x5c: {  	s12 =	sld [smem:$0x7F1]  }
0x5d: {  	[sflag:s16] =	ssyncset.done $0x0  }
0x5e: {  	[sflag:s16] =	ssyncadd.s32 $0xFFFFD800  }
0x5f: {  	[spmem:s12] =	stream.linear.scatter [tilespmem:s15], [sflag:$0x4], $0x2800, $0x38;
	[tilespmem:$0x1D800] =	vst v63  }
0x60: {  	_ =	swait.ge [sflag:s16], $0x2800  }
0x61: {  	s13 =	sld [smem:$0x7F2]  }
0x62: {  	[sflag:s16] =	ssyncset.done $0x0  }
0x63: {  	[sflag:s16] =	ssyncadd.s32 $0xFFFFD800  }
0x64: {  	[spmem:s13] =	stream.linear.scatter [tilespmem:s15], [sflag:$0x4], $0x2800, $0x38;
	[tilespmem:$0x1D800] =	vst v63  }
0x65: {  	_ =	swait.ge [sflag:s16], $0x2800  }
0x66: {  	s14 =	sld [smem:$0x7F4]  }
0x67: {  	[sflag:s16] =	ssyncset.done $0x0  }
0x68: {  	[sflag:s16] =	ssyncadd.s32 $0xFFFFD800  }
0x69: {  	[spmem:s14] =	stream.linear.scatter [tilespmem:s15], [sflag:$0x4], $0x2800, $0x38;
	[tilespmem:$0x1D800] =	vst v63  }
0x6a: {  	_ =	swait.ge [sflag:s16], $0x2800  }
0x6b: {  	[sflag:s16] =	ssyncset.done $0x0  }
0x6c: {  	[sflag:s16] =	ssyncadd.s32 $0xFFFFD800  }
0x6d: {  	[bflag:$0x0] =	sbarrier.arrive $0xFFFF  }
0x6e: {  	s12 =	rddreg [dreg:$0x5]  }
0x6f: {  	s5 =	sadd.s32 $0x0, s12  }
0x70: {  	[tilespmem:s4], [sflag:$0x4] =	stream.linear.gather [hbm4b:s5+s4], $0xC80, $0x38;
	[tilespmem:$0x1D800] =	vst v63  }
0x71: {  	_ =	swait.ge [sflag:s16], $0xC80  }
0x72: {  	s13 =	rddreg [dreg:$0x4];
	[sflag:s16] =	ssyncset.done $0x0  }
0x73: {  	[sflag:s16] =	ssyncadd.s32 $0xFFFFF380;
	s5 =	sadd.s32 $0x0, s13  }
0x74: {  	[tilespmem:s17], [sflag:$0x4] =	stream.linear.gather [hbm4b:s5+s4], $0xC80, $0x38;
	[tilespmem:$0x1D800] =	vst v63  }
0x75: {  	_ =	swait.ge [sflag:s16], $0xC80  }
0x76: {  	[sflag:s16] =	ssyncset.done $0x0  }
0x77: {  	[sflag:s16] =	ssyncadd.s32 $0xFFFFF380  }
0x78: {  	[tilespmem:s15], [sflag:$0x1] =	stream.indirect.gather [hbm4b:s2+s18], $0x80, s4, s18, $0xb8;
	[tilespmem:$0x1D800] =	vst v63  }
0x79: {  	s14 =	rddreg [dreg:$0x6]  }
0x7a: {  	[tilespmem:s19], [sflag:$0x2] =	stream.indirect.gather [hbm4b:s2+s18], $0x80, s14, s18, $0xb8;
	[tilespmem:$0x1D800] =	vst v63  }
0x7b: {  	s12 =	rddreg [dreg:$0x7]  }
0x7c: {  	[tilespmem:s20], [sflag:$0x3] =	stream.indirect.gather [hbm4b:s2+s18], $0x80, s12, s18, $0xb8;
	[tilespmem:$0x1D800] =	vst v63  }
0x7d: {  	_ =	swait.ge [sflag:s21], $0x2800  }
0x7e: {  	[sflag:s21] =	ssyncset.done $0x0  }
0x7f: {  	[sflag:s21] =	ssyncadd.s32 $0xFFFFD800  }
0x80: {  	[spmem:s3] =	stream.indirect.scatter.add.f32 [tilespmem:s15], [sflag:$0x4], $0x80, s17, s18, $0xb8;
	[tilespmem:$0x1D800] =	vst v63  }
0x81: {  	_ =	swait.ge [sflag:s16], $0x2800  }
0x82: {  	[sflag:s16] =	ssyncset.done $0x0  }
0x83: {  	s14 =	rddreg [dreg:$0x8];
	[sflag:s16] =	ssyncadd.s32 $0xFFFFD800  }
0x84: {  	[tilespmem:s15], [sflag:$0x1] =	stream.indirect.gather [hbm4b:s2+s18], $0x80, s14, s18, $0xb8;
	[tilespmem:$0x1D800] =	vst v63  }
0x85: {  	_ =	swait.ge [sflag:s22], $0x2800  }
0x86: {  	[sflag:s22] =	ssyncset.done $0x0  }
0x87: {  	s12 =	rddreg [dreg:$0x9];
	[sflag:s22] =	ssyncadd.s32 $0xFFFFD800  }
0x88: {  	[spmem:s3] =	stream.indirect.scatter.add.f32 [tilespmem:s19], [sflag:$0x4], $0x80, s12, s18, $0xb8;
	[tilespmem:$0x1D800] =	vst v63  }
0x89: {  	_ =	swait.ge [sflag:s16], $0x2800  }
0x8a: {  	[sflag:s16] =	ssyncset.done $0x0  }
0x8b: {  	s13 =	rddreg [dreg:$0xa];
	[sflag:s16] =	ssyncadd.s32 $0xFFFFD800  }
0x8c: {  	[tilespmem:s19], [sflag:$0x2] =	stream.indirect.gather [hbm4b:s2+s18], $0x80, s13, s18, $0xb8;
	[tilespmem:$0x1D800] =	vst v63  }
0x8d: {  	_ =	swait.ge [sflag:s23], $0x2800  }
0x8e: {  	[sflag:s23] =	ssyncset.done $0x0  }
0x8f: {  	s14 =	rddreg [dreg:$0xb];
	[sflag:s23] =	ssyncadd.s32 $0xFFFFD800  }
0x90: {  	[spmem:s3] =	stream.indirect.scatter.add.f32 [tilespmem:s20], [sflag:$0x4], $0x80, s14, s18, $0xb8;
	[tilespmem:$0x1D800] =	vst v63  }
0x91: {  	_ =	swait.ge [sflag:s16], $0x2800  }
0x92: {  	[sflag:s16] =	ssyncset.done $0x0  }
0x93: {  	s12 =	rddreg [dreg:$0xc];
	[sflag:s16] =	ssyncadd.s32 $0xFFFFD800  }
0x94: {  	[tilespmem:s20], [sflag:$0x3] =	stream.indirect.gather [hbm4b:s2+s18], $0x80, s12, s18, $0xb8;
	[tilespmem:$0x1D800] =	vst v63  }
0x95: {  	_ =	swait.ge [sflag:s21], $0x2800  }
0x96: {  	[sflag:s21] =	ssyncset.done $0x0  }
0x97: {  	s13 =	rddreg [dreg:$0xd];
	[sflag:s21] =	ssyncadd.s32 $0xFFFFD800  }
0x98: {  	[spmem:s3] =	stream.indirect.scatter.add.f32 [tilespmem:s15], [sflag:$0x4], $0x80, s13, s18, $0xb8;
	[tilespmem:$0x1D800] =	vst v63  }
0x99: {  	_ =	swait.ge [sflag:s16], $0x2800  }
0x9a: {  	[sflag:s16] =	ssyncset.done $0x0  }
0x9b: {  	s14 =	rddreg [dreg:$0xe];
	[sflag:s16] =	ssyncadd.s32 $0xFFFFD800  }
0x9c: {  	[tilespmem:s15], [sflag:$0x1] =	stream.indirect.gather [hbm4b:s2+s18], $0x80, s14, s18, $0xb8;
	[tilespmem:$0x1D800] =	vst v63  }
0x9d: {  	_ =	swait.ge [sflag:s22], $0x2800  }
0x9e: {  	[sflag:s22] =	ssyncset.done $0x0  }
0x9f: {  	s12 =	rddreg [dreg:$0xf];
	[sflag:s22] =	ssyncadd.s32 $0xFFFFD800  }
0xa0: {  	[spmem:s3] =	stream.indirect.scatter.add.f32 [tilespmem:s19], [sflag:$0x4], $0x80, s12, s18, $0xb8;
	[tilespmem:$0x1D800] =	vst v63  }
0xa1: {  	_ =	swait.ge [sflag:s16], $0x2800  }
0xa2: {  	[sflag:s16] =	ssyncset.done $0x0  }
0xa3: {  	s13 =	rddreg [dreg:$0x10];
	[sflag:s16] =	ssyncadd.s32 $0xFFFFD800  }
0xa4: {  	[tilespmem:s19], [sflag:$0x2] =	stream.indirect.gather [hbm4b:s2+s18], $0x80, s13, s18, $0xb8;
	[tilespmem:$0x1D800] =	vst v63  }
0xa5: {  	_ =	swait.ge [sflag:s23], $0x2800  }
0xa6: {  	[sflag:s23] =	ssyncset.done $0x0  }
0xa7: {  	s14 =	rddreg [dreg:$0x11];
	[sflag:s23] =	ssyncadd.s32 $0xFFFFD800  }
0xa8: {  	[spmem:s3] =	stream.indirect.scatter.add.f32 [tilespmem:s20], [sflag:$0x4], $0x80, s14, s18, $0xb8;
	[tilespmem:$0x1D800] =	vst v63  }
0xa9: {  	_ =	swait.ge [sflag:s16], $0x2800  }
0xaa: {  	[sflag:s16] =	ssyncset.done $0x0  }
0xab: {  	s12 =	rddreg [dreg:$0x12];
	[sflag:s16] =	ssyncadd.s32 $0xFFFFD800  }
0xac: {  	[tilespmem:s20], [sflag:$0x3] =	stream.indirect.gather [hbm4b:s2+s18], $0x80, s12, s18, $0xb8;
	[tilespmem:$0x1D800] =	vst v63  }
0xad: {  	_ =	swait.ge [sflag:s21], $0x2800  }
0xae: {  	[sflag:s21] =	ssyncset.done $0x0  }
0xaf: {  	s13 =	rddreg [dreg:$0x13];
	[sflag:s21] =	ssyncadd.s32 $0xFFFFD800  }
0xb0: {  	[spmem:s3] =	stream.indirect.scatter.add.f32 [tilespmem:s15], [sflag:$0x4], $0x80, s13, s18, $0xb8;
	[tilespmem:$0x1D800] =	vst v63  }
0xb1: {  	_ =	swait.ge [sflag:s16], $0x2800  }
0xb2: {  	[sflag:s16] =	ssyncset.done $0x0  }
0xb3: {  	s14 =	rddreg [dreg:$0x14];
	[sflag:s16] =	ssyncadd.s32 $0xFFFFD800  }
0xb4: {  	[tilespmem:s15], [sflag:$0x1] =	stream.indirect.gather [hbm4b:s2+s18], $0x80, s14, s18, $0xb8;
	[tilespmem:$0x1D800] =	vst v63  }
0xb5: {  	_ =	swait.ge [sflag:s22], $0x2800  }
0xb6: {  	[sflag:s22] =	ssyncset.done $0x0  }
0xb7: {  	s12 =	rddreg [dreg:$0x15];
	[sflag:s22] =	ssyncadd.s32 $0xFFFFD800  }
0xb8: {  	[spmem:s3] =	stream.indirect.scatter.add.f32 [tilespmem:s19], [sflag:$0x4], $0x80, s12, s18, $0xb8;
	[tilespmem:$0x1D800] =	vst v63  }
0xb9: {  	_ =	swait.ge [sflag:s16], $0x2800  }
0xba: {  	[sflag:s16] =	ssyncset.done $0x0  }
0xbb: {  	s13 =	rddreg [dreg:$0x16];
	[sflag:s16] =	ssyncadd.s32 $0xFFFFD800  }
0xbc: {  	[tilespmem:s19], [sflag:$0x2] =	stream.indirect.gather [hbm4b:s2+s18], $0x80, s13, s18, $0xb8;
	[tilespmem:$0x1D800] =	vst v63  }
0xbd: {  	_ =	swait.ge [sflag:s23], $0x2800  }
0xbe: {  	[sflag:s23] =	ssyncset.done $0x0  }
0xbf: {  	s14 =	rddreg [dreg:$0x17];
	[sflag:s23] =	ssyncadd.s32 $0xFFFFD800  }
0xc0: {  	[spmem:s3] =	stream.indirect.scatter.add.f32 [tilespmem:s20], [sflag:$0x4], $0x80, s14, s18, $0xb8;
	[tilespmem:$0x1D800] =	vst v63  }
0xc1: {  	_ =	swait.ge [sflag:s16], $0x2800  }
0xc2: {  	[sflag:s16] =	ssyncset.done $0x0  }
0xc3: {  	s12 =	rddreg [dreg:$0x18];
	[sflag:s16] =	ssyncadd.s32 $0xFFFFD800  }
0xc4: {  	[tilespmem:s20], [sflag:$0x3] =	stream.indirect.gather [hbm4b:s2+s18], $0x80, s12, s18, $0xb8;
	[tilespmem:$0x1D800] =	vst v63  }
0xc5: {  	_ =	swait.ge [sflag:s21], $0x2800  }
0xc6: {  	[sflag:s21] =	ssyncset.done $0x0  }
0xc7: {  	s13 =	rddreg [dreg:$0x19];
	[sflag:s21] =	ssyncadd.s32 $0xFFFFD800  }
0xc8: {  	[spmem:s3] =	stream.indirect.scatter.add.f32 [tilespmem:s15], [sflag:$0x4], $0x80, s13, s18, $0xb8;
	[tilespmem:$0x1D800] =	vst v63  }
0xc9: {  	_ =	swait.ge [sflag:s16], $0x2800  }
0xca: {  	[sflag:s16] =	ssyncset.done $0x0  }
0xcb: {  	s14 =	rddreg [dreg:$0x1a];
	[sflag:s16] =	ssyncadd.s32 $0xFFFFD800  }
0xcc: {  	[tilespmem:s15], [sflag:$0x1] =	stream.indirect.gather [hbm4b:s2+s18], $0x80, s14, s18, $0xb8;
	[tilespmem:$0x1D800] =	vst v63  }
0xcd: {  	_ =	swait.ge [sflag:s22], $0x2800  }
0xce: {  	[sflag:s22] =	ssyncset.done $0x0  }
0xcf: {  	s12 =	rddreg [dreg:$0x1b];
	[sflag:s22] =	ssyncadd.s32 $0xFFFFD800  }
0xd0: {  	[spmem:s3] =	stream.indirect.scatter.add.f32 [tilespmem:s19], [sflag:$0x4], $0x80, s12, s18, $0xb8;
	[tilespmem:$0x1D800] =	vst v63  }
0xd1: {  	_ =	swait.ge [sflag:s16], $0x2800  }
0xd2: {  	[sflag:s16] =	ssyncset.done $0x0  }
0xd3: {  	s13 =	rddreg [dreg:$0x1c];
	[sflag:s16] =	ssyncadd.s32 $0xFFFFD800  }
0xd4: {  	[tilespmem:s19], [sflag:$0x2] =	stream.indirect.gather [hbm4b:s2+s18], $0x80, s13, s18, $0xb8;
	[tilespmem:$0x1D800] =	vst v63  }
0xd5: {  	_ =	swait.ge [sflag:s23], $0x2800  }
0xd6: {  	[sflag:s23] =	ssyncset.done $0x0  }
0xd7: {  	s14 =	rddreg [dreg:$0x1d];
	[sflag:s23] =	ssyncadd.s32 $0xFFFFD800  }
0xd8: {  	[spmem:s3] =	stream.indirect.scatter.add.f32 [tilespmem:s20], [sflag:$0x4], $0x80, s14, s18, $0xb8;
	[tilespmem:$0x1D800] =	vst v63  }
0xd9: {  	_ =	swait.ge [sflag:s16], $0x2800  }
0xda: {  	[sflag:s16] =	ssyncset.done $0x0  }
0xdb: {  	s12 =	rddreg [dreg:$0x1e];
	[sflag:s16] =	ssyncadd.s32 $0xFFFFD800  }
0xdc: {  	[tilespmem:s20], [sflag:$0x3] =	stream.indirect.gather [hbm4b:s2+s18], $0x80, s12, s18, $0xb8;
	[tilespmem:$0x1D800] =	vst v63  }
0xdd: {  	_ =	swait.ge [sflag:s21], $0x2800  }
0xde: {  	[sflag:s21] =	ssyncset.done $0x0  }
0xdf: {  	s13 =	rddreg [dreg:$0x1f];
	[sflag:s21] =	ssyncadd.s32 $0xFFFFD800  }
0xe0: {  	[spmem:s3] =	stream.indirect.scatter.add.f32 [tilespmem:s15], [sflag:$0x4], $0x80, s13, s18, $0xb8;
	[tilespmem:$0x1D800] =	vst v63  }
0xe1: {  	_ =	swait.ge [sflag:s16], $0x2800  }
0xe2: {  	s14 =	sld [smem:$0x7F7]  }
0xe3: {  	[sflag:s16] =	ssyncset.done $0x0  }
0xe4: {  	[sflag:s16] =	ssyncadd.s32 $0xFFFFD800  }
0xe5: {  	[tilespmem:s15], [sflag:$0x1] =	stream.indirect.gather [hbm4b:s2+s18], $0x80, s14, s18, $0xb8;
	[tilespmem:$0x1D800] =	vst v63  }
0xe6: {  	_ =	swait.ge [sflag:s22], $0x2800  }
0xe7: {  	s12 =	sld [smem:$0x7F8]  }
0xe8: {  	[sflag:s22] =	ssyncset.done $0x0  }
0xe9: {  	[sflag:s22] =	ssyncadd.s32 $0xFFFFD800  }
0xea: {  	[spmem:s3] =	stream.indirect.scatter.add.f32 [tilespmem:s19], [sflag:$0x4], $0x80, s12, s18, $0xb8;
	[tilespmem:$0x1D800] =	vst v63  }
0xeb: {  	_ =	swait.ge [sflag:s16], $0x2800  }
0xec: {  	s13 =	sld [smem:$0x7F9]  }
0xed: {  	[sflag:s16] =	ssyncset.done $0x0  }
0xee: {  	[sflag:s16] =	ssyncadd.s32 $0xFFFFD800  }
0xef: {  	[tilespmem:s19], [sflag:$0x2] =	stream.indirect.gather [hbm4b:s2+s18], $0x80, s13, s18, $0xb8;
	[tilespmem:$0x1D800] =	vst v63  }
0xf0: {  	_ =	swait.ge [sflag:s23], $0x2800  }
0xf1: {  	s14 =	sld [smem:$0x7FA]  }
0xf2: {  	[sflag:s23] =	ssyncset.done $0x0  }
0xf3: {  	[sflag:s23] =	ssyncadd.s32 $0xFFFFD800  }
0xf4: {  	[spmem:s3] =	stream.indirect.scatter.add.f32 [tilespmem:s20], [sflag:$0x4], $0x80, s14, s18, $0xb8;
	[tilespmem:$0x1D800] =	vst v63  }
0xf5: {  	_ =	swait.ge [sflag:s16], $0x2800  }
0xf6: {  	s12 =	sld [smem:$0x7FB]  }
0xf7: {  	[sflag:s16] =	ssyncset.done $0x0  }
0xf8: {  	[sflag:s16] =	ssyncadd.s32 $0xFFFFD800  }
0xf9: {  	[tilespmem:s20], [sflag:$0x3] =	stream.indirect.gather [hbm4b:s2+s18], $0x80, s12, s18, $0xb8;
	[tilespmem:$0x1D800] =	vst v63  }
0xfa: {  	_ =	swait.ge [sflag:s21], $0x2800  }
0xfb: {  	s13 =	sld [smem:$0x7FC]  }
0xfc: {  	[sflag:s21] =	ssyncset.done $0x0  }
0xfd: {  	[sflag:s21] =	ssyncadd.s32 $0xFFFFD800  }
0xfe: {  	[spmem:s3] =	stream.indirect.scatter.add.f32 [tilespmem:s15], [sflag:$0x4], $0x80, s13, s18, $0xb8;
	[tilespmem:$0x1D800] =	vst v63  }
0xff: {  	_ =	swait.ge [sflag:s16], $0x2800  }
0x100: {  	s14 =	sld [smem:$0x7FD]  }
0x101: {  	[sflag:s16] =	ssyncset.done $0x0  }
0x102: {  	[sflag:s16] =	ssyncadd.s32 $0xFFFFD800  }
0x103: {  	[tilespmem:s15], [sflag:$0x1] =	stream.indirect.gather [hbm4b:s2+s18], $0x80, s14, s18, $0xb8;
	[tilespmem:$0x1D800] =	vst v63  }
0x104: {  	_ =	swait.ge [sflag:s22], $0x2800  }
0x105: {  	[sflag:s22] =	ssyncset.done $0x0  }
0x106: {  	[sflag:s22] =	ssyncadd.s32 $0xFFFFD800  }
0x107: {  	[spmem:s3] =	stream.indirect.scatter.add.f32 [tilespmem:s19], [sflag:$0x4], $0x80, s24, s18, $0xb8;
	[tilespmem:$0x1D800] =	vst v63  }
0x108: {  	_ =	swait.ge [sflag:s16], $0x2800  }
0x109: {  	[sflag:s16] =	ssyncset.done $0x0  }
0x10a: {  	[sflag:s16] =	ssyncadd.s32 $0xFFFFD800  }
0x10b: {  	[tilespmem:s19], [sflag:$0x2] =	stream.indirect.gather [hbm4b:s2+s18], $0x80, s25, s18, $0xb8;
	[tilespmem:$0x1D800] =	vst v63  }
0x10c: {  	_ =	swait.ge [sflag:s23], $0x2800  }
0x10d: {  	[sflag:s23] =	ssyncset.done $0x0  }
0x10e: {  	[sflag:s23] =	ssyncadd.s32 $0xFFFFD800  }
0x10f: {  	[spmem:s3] =	stream.indirect.scatter.add.f32 [tilespmem:s20], [sflag:$0x4], $0x80, s26, s18, $0xb8;
	[tilespmem:$0x1D800] =	vst v63  }
0x110: {  	_ =	swait.ge [sflag:s16], $0x2800  }
0x111: {  	[sflag:s16] =	ssyncset.done $0x0  }
0x112: {  	[sflag:s16] =	ssyncadd.s32 $0xFFFFD800  }
0x113: {  	[tilespmem:s20], [sflag:$0x3] =	stream.indirect.gather [hbm4b:s2+s18], $0x80, s28, s18, $0xb8;
	[tilespmem:$0x1D800] =	vst v63  }
0x114: {  	_ =	swait.ge [sflag:s21], $0x2800  }
0x115: {  	[sflag:s21] =	ssyncset.done $0x0  }
0x116: {  	[sflag:s21] =	ssyncadd.s32 $0xFFFFD800  }
0x117: {  	[spmem:s3] =	stream.indirect.scatter.add.f32 [tilespmem:s15], [sflag:$0x4], $0x80, s29, s18, $0xb8;
	[tilespmem:$0x1D800] =	vst v63  }
0x118: {  	_ =	swait.ge [sflag:s16], $0x2800  }
0x119: {  	[sflag:s16] =	ssyncset.done $0x0  }
0x11a: {  	[sflag:s16] =	ssyncadd.s32 $0xFFFFD800  }
0x11b: {  	[tilespmem:s15], [sflag:$0x1] =	stream.indirect.gather [hbm4b:s2+s18], $0x80, s30, s18, $0xb8;
	[tilespmem:$0x1D800] =	vst v63  }
0x11c: {  	_ =	swait.ge [sflag:s22], $0x2800  }
0x11d: {  	[sflag:s22] =	ssyncset.done $0x0  }
0x11e: {  	[sflag:s22] =	ssyncadd.s32 $0xFFFFD800  }
0x11f: {  	[spmem:s3] =	stream.indirect.scatter.add.f32 [tilespmem:s19], [sflag:$0x4], $0x80, s31, s18, $0xb8;
	[tilespmem:$0x1D800] =	vst v63  }
0x120: {  	_ =	swait.ge [sflag:s16], $0x2800  }
0x121: {  	[sflag:s16] =	ssyncset.done $0x0  }
0x122: {  	[sflag:s16] =	ssyncadd.s32 $0xFFFFD800  }
0x123: {  	[tilespmem:s19], [sflag:$0x2] =	stream.indirect.gather [hbm4b:s2+s18], $0x80, s1, s18, $0xb8;
	[tilespmem:$0x1D800] =	vst v63  }
0x124: {  	_ =	swait.ge [sflag:s23], $0x2800  }
0x125: {  	[sflag:s23] =	ssyncset.done $0x0  }
0x126: {  	[sflag:s23] =	ssyncadd.s32 $0xFFFFD800  }
0x127: {  	[spmem:s3] =	stream.indirect.scatter.add.f32 [tilespmem:s20], [sflag:$0x4], $0x80, s0, s18, $0xb8;
	[tilespmem:$0x1D800] =	vst v63  }
0x128: {  	_ =	swait.ge [sflag:s16], $0x2800  }
0x129: {  	[sflag:s16] =	ssyncset.done $0x0  }
0x12a: {  	[sflag:s16] =	ssyncadd.s32 $0xFFFFD800  }
0x12b: {  	[tilespmem:s20], [sflag:$0x3] =	stream.indirect.gather [hbm4b:s2+s18], $0x80, s6, s18, $0xb8;
	[tilespmem:$0x1D800] =	vst v63  }
0x12c: {  	_ =	swait.ge [sflag:s21], $0x2800  }
0x12d: {  	[sflag:s21] =	ssyncset.done $0x0  }
0x12e: {  	[sflag:s21] =	ssyncadd.s32 $0xFFFFD800  }
0x12f: {  	[spmem:s3] =	stream.indirect.scatter.add.f32 [tilespmem:s15], [sflag:$0x4], $0x80, s7, s18, $0xb8;
	[tilespmem:$0x1D800] =	vst v63  }
0x130: {  	_ =	swait.ge [sflag:s16], $0x2800  }
0x131: {  	[sflag:s16] =	ssyncset.done $0x0  }
0x132: {  	[sflag:s16] =	ssyncadd.s32 $0xFFFFD800  }
0x133: {  	[tilespmem:s15], [sflag:$0x1] =	stream.indirect.gather [hbm4b:s2+s18], $0x80, s8, s18, $0xb8;
	[tilespmem:$0x1D800] =	vst v63  }
0x134: {  	_ =	swait.ge [sflag:s22], $0x2800  }
0x135: {  	[sflag:s22] =	ssyncset.done $0x0  }
0x136: {  	[sflag:s22] =	ssyncadd.s32 $0xFFFFD800  }
0x137: {  	[spmem:s3] =	stream.indirect.scatter.add.f32 [tilespmem:s19], [sflag:$0x4], $0x80, s9, s18, $0xb8;
	[tilespmem:$0x1D800] =	vst v63  }
0x138: {  	_ =	swait.ge [sflag:s16], $0x2800  }
0x139: {  	[sflag:s16] =	ssyncset.done $0x0  }
0x13a: {  	[sflag:s16] =	ssyncadd.s32 $0xFFFFD800  }
0x13b: {  	_ =	swait.ge [sflag:s23], $0x2800  }
0x13c: {  	[sflag:s23] =	ssyncset.done $0x0  }
0x13d: {  	[sflag:s23] =	ssyncadd.s32 $0xFFFFD800  }
0x13e: {  	[spmem:s3] =	stream.indirect.scatter.add.f32 [tilespmem:s20], [sflag:$0x4], $0x80, s10, s18, $0xb8;
	[tilespmem:$0x1D800] =	vst v63  }
0x13f: {  	_ =	swait.ge [sflag:s16], $0x2800  }
0x140: {  	[sflag:s16] =	ssyncset.done $0x0  }
0x141: {  	[sflag:s16] =	ssyncadd.s32 $0xFFFFD800  }
0x142: {  	_ =	swait.ge [sflag:s21], $0x2800  }
0x143: {  	[sflag:s21] =	ssyncset.done $0x0  }
0x144: {  	[sflag:s21] =	ssyncadd.s32 $0xFFFFD800  }
0x145: {  	[spmem:s3] =	stream.indirect.scatter.add.f32 [tilespmem:s15], [sflag:$0x4], $0x80, s11, s18, $0xb8;
	[tilespmem:$0x1D800] =	vst v63  }
0x146: {  	s13 =	simm.s32 $0x200;
	_ =	swait.ge [sflag:s16], $0x2800  }
0x147: {  	s14 =	simm.s32 $0x400;
	s5 =	rddreg [dreg:$0x5];
	[sflag:s16] =	ssyncset.done $0x0  }
.LBB2_4:
0x148: {  	[sflag:s16] =	ssyncadd.s32 $0xFFFFD800;
	s5 =	sadd.s32 s13, s5  }
0x149: {  	[tilespmem:s4], [sflag:$0x4] =	stream.linear.gather [hbm4b:s5+s4], $0xC80, $0x38;
	[tilespmem:$0x1D800] =	vst v63  }
0x14a: {  	_ =	swait.ge [sflag:s16], $0xC80  }
0x14b: {  	s5 =	rddreg [dreg:$0x4];
	[sflag:s16] =	ssyncset.done $0x0  }
0x14c: {  	[sflag:s16] =	ssyncadd.s32 $0xFFFFF380;
	s5 =	sadd.s32 s13, s5  }
0x14d: {  	[tilespmem:s17], [sflag:$0x4] =	stream.linear.gather [hbm4b:s5+s4], $0xC80, $0x38;
	[tilespmem:$0x1D800] =	vst v63  }
0x14e: {  	_ =	swait.ge [sflag:s16], $0xC80  }
0x14f: {  	[sflag:s16] =	ssyncset.done $0x0  }
0x150: {  	[sflag:s16] =	ssyncadd.s32 $0xFFFFF380  }
0x151: {  	[tilespmem:s15], [sflag:$0x1] =	stream.indirect.gather [hbm4b:s2+s18], $0x80, s4, s18, $0xb8;
	[tilespmem:$0x1D800] =	vst v63  }
0x152: {  	s12 =	smov.u32 s14;
	s5 =	rddreg [dreg:$0x6]  }
0x153: {  	[tilespmem:s19], [sflag:$0x2] =	stream.indirect.gather [hbm4b:s2+s18], $0x80, s5, s18, $0xb8;
	[tilespmem:$0x1D800] =	vst v63  }
0x154: {  	s13 =	smov.u32 s12;
	s12 =	rddreg [dreg:$0x7]  }
0x155: {  	[tilespmem:s20], [sflag:$0x3] =	stream.indirect.gather [hbm4b:s2+s18], $0x80, s12, s18, $0xb8;
	[tilespmem:$0x1D800] =	vst v63  }
0x156: {  	_ =	swait.ge [sflag:s21], $0x2800  }
0x157: {  	[sflag:s21] =	ssyncset.done $0x0  }
0x158: {  	[sflag:s21] =	ssyncadd.s32 $0xFFFFD800  }
0x159: {  	[spmem:s3] =	stream.indirect.scatter.add.f32 [tilespmem:s15], [sflag:$0x4], $0x80, s17, s18, $0xb8;
	[tilespmem:$0x1D800] =	vst v63  }
0x15a: {  	_ =	swait.ge [sflag:s16], $0x2800  }
0x15b: {  	[sflag:s16] =	ssyncset.done $0x0  }
0x15c: {  	s12 =	rddreg [dreg:$0x8];
	[sflag:s16] =	ssyncadd.s32 $0xFFFFD800  }
0x15d: {  	[tilespmem:s15], [sflag:$0x1] =	stream.indirect.gather [hbm4b:s2+s18], $0x80, s12, s18, $0xb8;
	[tilespmem:$0x1D800] =	vst v63  }
0x15e: {  	_ =	swait.ge [sflag:s22], $0x2800  }
0x15f: {  	[sflag:s22] =	ssyncset.done $0x0  }
0x160: {  	s12 =	rddreg [dreg:$0x9];
	[sflag:s22] =	ssyncadd.s32 $0xFFFFD800  }
0x161: {  	[spmem:s3] =	stream.indirect.scatter.add.f32 [tilespmem:s19], [sflag:$0x4], $0x80, s12, s18, $0xb8;
	[tilespmem:$0x1D800] =	vst v63  }
0x162: {  	_ =	swait.ge [sflag:s16], $0x2800  }
0x163: {  	[sflag:s16] =	ssyncset.done $0x0  }
0x164: {  	s12 =	rddreg [dreg:$0xa];
	[sflag:s16] =	ssyncadd.s32 $0xFFFFD800  }
0x165: {  	[tilespmem:s19], [sflag:$0x2] =	stream.indirect.gather [hbm4b:s2+s18], $0x80, s12, s18, $0xb8;
	[tilespmem:$0x1D800] =	vst v63  }
0x166: {  	_ =	swait.ge [sflag:s23], $0x2800  }
0x167: {  	[sflag:s23] =	ssyncset.done $0x0  }
0x168: {  	s12 =	rddreg [dreg:$0xb];
	[sflag:s23] =	ssyncadd.s32 $0xFFFFD800  }
0x169: {  	[spmem:s3] =	stream.indirect.scatter.add.f32 [tilespmem:s20], [sflag:$0x4], $0x80, s12, s18, $0xb8;
	[tilespmem:$0x1D800] =	vst v63  }
0x16a: {  	_ =	swait.ge [sflag:s16], $0x2800  }
0x16b: {  	[sflag:s16] =	ssyncset.done $0x0  }
0x16c: {  	s12 =	rddreg [dreg:$0xc];
	[sflag:s16] =	ssyncadd.s32 $0xFFFFD800  }
0x16d: {  	[tilespmem:s20], [sflag:$0x3] =	stream.indirect.gather [hbm4b:s2+s18], $0x80, s12, s18, $0xb8;
	[tilespmem:$0x1D800] =	vst v63  }
0x16e: {  	_ =	swait.ge [sflag:s21], $0x2800  }
0x16f: {  	[sflag:s21] =	ssyncset.done $0x0  }
0x170: {  	s12 =	rddreg [dreg:$0xd];
	[sflag:s21] =	ssyncadd.s32 $0xFFFFD800  }
0x171: {  	[spmem:s3] =	stream.indirect.scatter.add.f32 [tilespmem:s15], [sflag:$0x4], $0x80, s12, s18, $0xb8;
	[tilespmem:$0x1D800] =	vst v63  }
0x172: {  	_ =	swait.ge [sflag:s16], $0x2800  }
0x173: {  	[sflag:s16] =	ssyncset.done $0x0  }
0x174: {  	s12 =	rddreg [dreg:$0xe];
	[sflag:s16] =	ssyncadd.s32 $0xFFFFD800  }
0x175: {  	[tilespmem:s15], [sflag:$0x1] =	stream.indirect.gather [hbm4b:s2+s18], $0x80, s12, s18, $0xb8;
	[tilespmem:$0x1D800] =	vst v63  }
0x176: {  	_ =	swait.ge [sflag:s22], $0x2800  }
0x177: {  	[sflag:s22] =	ssyncset.done $0x0  }
0x178: {  	s12 =	rddreg [dreg:$0xf];
	[sflag:s22] =	ssyncadd.s32 $0xFFFFD800  }
0x179: {  	[spmem:s3] =	stream.indirect.scatter.add.f32 [tilespmem:s19], [sflag:$0x4], $0x80, s12, s18, $0xb8;
	[tilespmem:$0x1D800] =	vst v63  }
0x17a: {  	_ =	swait.ge [sflag:s16], $0x2800  }
0x17b: {  	[sflag:s16] =	ssyncset.done $0x0  }
0x17c: {  	s12 =	rddreg [dreg:$0x10];
	[sflag:s16] =	ssyncadd.s32 $0xFFFFD800  }
0x17d: {  	[tilespmem:s19], [sflag:$0x2] =	stream.indirect.gather [hbm4b:s2+s18], $0x80, s12, s18, $0xb8;
	[tilespmem:$0x1D800] =	vst v63  }
0x17e: {  	_ =	swait.ge [sflag:s23], $0x2800  }
0x17f: {  	[sflag:s23] =	ssyncset.done $0x0  }
0x180: {  	s12 =	rddreg [dreg:$0x11];
	[sflag:s23] =	ssyncadd.s32 $0xFFFFD800  }
0x181: {  	[spmem:s3] =	stream.indirect.scatter.add.f32 [tilespmem:s20], [sflag:$0x4], $0x80, s12, s18, $0xb8;
	[tilespmem:$0x1D800] =	vst v63  }
0x182: {  	_ =	swait.ge [sflag:s16], $0x2800  }
0x183: {  	[sflag:s16] =	ssyncset.done $0x0  }
0x184: {  	s12 =	rddreg [dreg:$0x12];
	[sflag:s16] =	ssyncadd.s32 $0xFFFFD800  }
0x185: {  	[tilespmem:s20], [sflag:$0x3] =	stream.indirect.gather [hbm4b:s2+s18], $0x80, s12, s18, $0xb8;
	[tilespmem:$0x1D800] =	vst v63  }
0x186: {  	_ =	swait.ge [sflag:s21], $0x2800  }
0x187: {  	[sflag:s21] =	ssyncset.done $0x0  }
0x188: {  	s12 =	rddreg [dreg:$0x13];
	[sflag:s21] =	ssyncadd.s32 $0xFFFFD800  }
0x189: {  	[spmem:s3] =	stream.indirect.scatter.add.f32 [tilespmem:s15], [sflag:$0x4], $0x80, s12, s18, $0xb8;
	[tilespmem:$0x1D800] =	vst v63  }
0x18a: {  	_ =	swait.ge [sflag:s16], $0x2800  }
0x18b: {  	[sflag:s16] =	ssyncset.done $0x0  }
0x18c: {  	s12 =	rddreg [dreg:$0x14];
	[sflag:s16] =	ssyncadd.s32 $0xFFFFD800  }
0x18d: {  	[tilespmem:s15], [sflag:$0x1] =	stream.indirect.gather [hbm4b:s2+s18], $0x80, s12, s18, $0xb8;
	[tilespmem:$0x1D800] =	vst v63  }
0x18e: {  	_ =	swait.ge [sflag:s22], $0x2800  }
0x18f: {  	[sflag:s22] =	ssyncset.done $0x0  }
0x190: {  	s12 =	rddreg [dreg:$0x15];
	[sflag:s22] =	ssyncadd.s32 $0xFFFFD800  }
0x191: {  	[spmem:s3] =	stream.indirect.scatter.add.f32 [tilespmem:s19], [sflag:$0x4], $0x80, s12, s18, $0xb8;
	[tilespmem:$0x1D800] =	vst v63  }
0x192: {  	_ =	swait.ge [sflag:s16], $0x2800  }
0x193: {  	[sflag:s16] =	ssyncset.done $0x0  }
0x194: {  	s12 =	rddreg [dreg:$0x16];
	[sflag:s16] =	ssyncadd.s32 $0xFFFFD800  }
0x195: {  	[tilespmem:s19], [sflag:$0x2] =	stream.indirect.gather [hbm4b:s2+s18], $0x80, s12, s18, $0xb8;
	[tilespmem:$0x1D800] =	vst v63  }
0x196: {  	_ =	swait.ge [sflag:s23], $0x2800  }
0x197: {  	[sflag:s23] =	ssyncset.done $0x0  }
0x198: {  	s12 =	rddreg [dreg:$0x17];
	[sflag:s23] =	ssyncadd.s32 $0xFFFFD800  }
0x199: {  	[spmem:s3] =	stream.indirect.scatter.add.f32 [tilespmem:s20], [sflag:$0x4], $0x80, s12, s18, $0xb8;
	[tilespmem:$0x1D800] =	vst v63  }
0x19a: {  	_ =	swait.ge [sflag:s16], $0x2800  }
0x19b: {  	[sflag:s16] =	ssyncset.done $0x0  }
0x19c: {  	s12 =	rddreg [dreg:$0x18];
	[sflag:s16] =	ssyncadd.s32 $0xFFFFD800  }
0x19d: {  	[tilespmem:s20], [sflag:$0x3] =	stream.indirect.gather [hbm4b:s2+s18], $0x80, s12, s18, $0xb8;
	[tilespmem:$0x1D800] =	vst v63  }
0x19e: {  	_ =	swait.ge [sflag:s21], $0x2800  }
0x19f: {  	[sflag:s21] =	ssyncset.done $0x0  }
0x1a0: {  	s12 =	rddreg [dreg:$0x19];
	[sflag:s21] =	ssyncadd.s32 $0xFFFFD800  }
0x1a1: {  	[spmem:s3] =	stream.indirect.scatter.add.f32 [tilespmem:s15], [sflag:$0x4], $0x80, s12, s18, $0xb8;
	[tilespmem:$0x1D800] =	vst v63  }
0x1a2: {  	_ =	swait.ge [sflag:s16], $0x2800  }
0x1a3: {  	[sflag:s16] =	ssyncset.done $0x0  }
0x1a4: {  	s12 =	rddreg [dreg:$0x1a];
	[sflag:s16] =	ssyncadd.s32 $0xFFFFD800  }
0x1a5: {  	[tilespmem:s15], [sflag:$0x1] =	stream.indirect.gather [hbm4b:s2+s18], $0x80, s12, s18, $0xb8;
	[tilespmem:$0x1D800] =	vst v63  }
0x1a6: {  	_ =	swait.ge [sflag:s22], $0x2800  }
0x1a7: {  	[sflag:s22] =	ssyncset.done $0x0  }
0x1a8: {  	s12 =	rddreg [dreg:$0x1b];
	[sflag:s22] =	ssyncadd.s32 $0xFFFFD800  }
0x1a9: {  	[spmem:s3] =	stream.indirect.scatter.add.f32 [tilespmem:s19], [sflag:$0x4], $0x80, s12, s18, $0xb8;
	[tilespmem:$0x1D800] =	vst v63  }
0x1aa: {  	_ =	swait.ge [sflag:s16], $0x2800  }
0x1ab: {  	[sflag:s16] =	ssyncset.done $0x0  }
0x1ac: {  	s12 =	rddreg [dreg:$0x1c];
	[sflag:s16] =	ssyncadd.s32 $0xFFFFD800  }
0x1ad: {  	[tilespmem:s19], [sflag:$0x2] =	stream.indirect.gather [hbm4b:s2+s18], $0x80, s12, s18, $0xb8;
	[tilespmem:$0x1D800] =	vst v63  }
0x1ae: {  	_ =	swait.ge [sflag:s23], $0x2800  }
0x1af: {  	[sflag:s23] =	ssyncset.done $0x0  }
0x1b0: {  	s12 =	rddreg [dreg:$0x1d];
	[sflag:s23] =	ssyncadd.s32 $0xFFFFD800  }
0x1b1: {  	[spmem:s3] =	stream.indirect.scatter.add.f32 [tilespmem:s20], [sflag:$0x4], $0x80, s12, s18, $0xb8;
	[tilespmem:$0x1D800] =	vst v63  }
0x1b2: {  	_ =	swait.ge [sflag:s16], $0x2800  }
0x1b3: {  	[sflag:s16] =	ssyncset.done $0x0  }
0x1b4: {  	s12 =	rddreg [dreg:$0x1e];
	[sflag:s16] =	ssyncadd.s32 $0xFFFFD800  }
0x1b5: {  	[tilespmem:s20], [sflag:$0x3] =	stream.indirect.gather [hbm4b:s2+s18], $0x80, s12, s18, $0xb8;
	[tilespmem:$0x1D800] =	vst v63  }
0x1b6: {  	_ =	swait.ge [sflag:s21], $0x2800  }
0x1b7: {  	[sflag:s21] =	ssyncset.done $0x0  }
0x1b8: {  	s12 =	rddreg [dreg:$0x1f];
	[sflag:s21] =	ssyncadd.s32 $0xFFFFD800  }
0x1b9: {  	[spmem:s3] =	stream.indirect.scatter.add.f32 [tilespmem:s15], [sflag:$0x4], $0x80, s12, s18, $0xb8;
	[tilespmem:$0x1D800] =	vst v63  }
0x1ba: {  	_ =	swait.ge [sflag:s16], $0x2800  }
0x1bb: {  	s12 =	sld [smem:$0x7F7]  }
0x1bc: {  	[sflag:s16] =	ssyncset.done $0x0  }
0x1bd: {  	[sflag:s16] =	ssyncadd.s32 $0xFFFFD800  }
0x1be: {  	[tilespmem:s15], [sflag:$0x1] =	stream.indirect.gather [hbm4b:s2+s18], $0x80, s12, s18, $0xb8;
	[tilespmem:$0x1D800] =	vst v63  }
0x1bf: {  	_ =	swait.ge [sflag:s22], $0x2800  }
0x1c0: {  	s12 =	sld [smem:$0x7F8]  }
0x1c1: {  	[sflag:s22] =	ssyncset.done $0x0  }
0x1c2: {  	[sflag:s22] =	ssyncadd.s32 $0xFFFFD800  }
0x1c3: {  	[spmem:s3] =	stream.indirect.scatter.add.f32 [tilespmem:s19], [sflag:$0x4], $0x80, s12, s18, $0xb8;
	[tilespmem:$0x1D800] =	vst v63  }
0x1c4: {  	_ =	swait.ge [sflag:s16], $0x2800  }
0x1c5: {  	s12 =	sld [smem:$0x7F9]  }
0x1c6: {  	[sflag:s16] =	ssyncset.done $0x0  }
0x1c7: {  	[sflag:s16] =	ssyncadd.s32 $0xFFFFD800  }
0x1c8: {  	[tilespmem:s19], [sflag:$0x2] =	stream.indirect.gather [hbm4b:s2+s18], $0x80, s12, s18, $0xb8;
	[tilespmem:$0x1D800] =	vst v63  }
0x1c9: {  	_ =	swait.ge [sflag:s23], $0x2800  }
0x1ca: {  	s12 =	sld [smem:$0x7FA]  }
0x1cb: {  	[sflag:s23] =	ssyncset.done $0x0  }
0x1cc: {  	[sflag:s23] =	ssyncadd.s32 $0xFFFFD800  }
0x1cd: {  	[spmem:s3] =	stream.indirect.scatter.add.f32 [tilespmem:s20], [sflag:$0x4], $0x80, s12, s18, $0xb8;
	[tilespmem:$0x1D800] =	vst v63  }
0x1ce: {  	_ =	swait.ge [sflag:s16], $0x2800  }
0x1cf: {  	s12 =	sld [smem:$0x7FB]  }
0x1d0: {  	[sflag:s16] =	ssyncset.done $0x0  }
0x1d1: {  	[sflag:s16] =	ssyncadd.s32 $0xFFFFD800  }
0x1d2: {  	[tilespmem:s20], [sflag:$0x3] =	stream.indirect.gather [hbm4b:s2+s18], $0x80, s12, s18, $0xb8;
	[tilespmem:$0x1D800] =	vst v63  }
0x1d3: {  	_ =	swait.ge [sflag:s21], $0x2800  }
0x1d4: {  	s12 =	sld [smem:$0x7FC]  }
0x1d5: {  	[sflag:s21] =	ssyncset.done $0x0  }
0x1d6: {  	[sflag:s21] =	ssyncadd.s32 $0xFFFFD800  }
0x1d7: {  	[spmem:s3] =	stream.indirect.scatter.add.f32 [tilespmem:s15], [sflag:$0x4], $0x80, s12, s18, $0xb8;
	[tilespmem:$0x1D800] =	vst v63  }
0x1d8: {  	_ =	swait.ge [sflag:s16], $0x2800  }
0x1d9: {  	s12 =	sld [smem:$0x7FD]  }
0x1da: {  	[sflag:s16] =	ssyncset.done $0x0  }
0x1db: {  	[sflag:s16] =	ssyncadd.s32 $0xFFFFD800  }
0x1dc: {  	[tilespmem:s15], [sflag:$0x1] =	stream.indirect.gather [hbm4b:s2+s18], $0x80, s12, s18, $0xb8;
	[tilespmem:$0x1D800] =	vst v63  }
0x1dd: {  	_ =	swait.ge [sflag:s22], $0x2800  }
0x1de: {  	[sflag:s22] =	ssyncset.done $0x0  }
0x1df: {  	[sflag:s22] =	ssyncadd.s32 $0xFFFFD800  }
0x1e0: {  	[spmem:s3] =	stream.indirect.scatter.add.f32 [tilespmem:s19], [sflag:$0x4], $0x80, s24, s18, $0xb8;
	[tilespmem:$0x1D800] =	vst v63  }
0x1e1: {  	_ =	swait.ge [sflag:s16], $0x2800  }
0x1e2: {  	[sflag:s16] =	ssyncset.done $0x0  }
0x1e3: {  	[sflag:s16] =	ssyncadd.s32 $0xFFFFD800  }
0x1e4: {  	[tilespmem:s19], [sflag:$0x2] =	stream.indirect.gather [hbm4b:s2+s18], $0x80, s25, s18, $0xb8;
	[tilespmem:$0x1D800] =	vst v63  }
0x1e5: {  	_ =	swait.ge [sflag:s23], $0x2800  }
0x1e6: {  	[sflag:s23] =	ssyncset.done $0x0  }
0x1e7: {  	[sflag:s23] =	ssyncadd.s32 $0xFFFFD800  }
0x1e8: {  	[spmem:s3] =	stream.indirect.scatter.add.f32 [tilespmem:s20], [sflag:$0x4], $0x80, s26, s18, $0xb8;
	[tilespmem:$0x1D800] =	vst v63  }
0x1e9: {  	_ =	swait.ge [sflag:s16], $0x2800  }
0x1ea: {  	[sflag:s16] =	ssyncset.done $0x0  }
0x1eb: {  	[sflag:s16] =	ssyncadd.s32 $0xFFFFD800  }
0x1ec: {  	[tilespmem:s20], [sflag:$0x3] =	stream.indirect.gather [hbm4b:s2+s18], $0x80, s28, s18, $0xb8;
	[tilespmem:$0x1D800] =	vst v63  }
0x1ed: {  	_ =	swait.ge [sflag:s21], $0x2800  }
0x1ee: {  	[sflag:s21] =	ssyncset.done $0x0  }
0x1ef: {  	[sflag:s21] =	ssyncadd.s32 $0xFFFFD800  }
0x1f0: {  	[spmem:s3] =	stream.indirect.scatter.add.f32 [tilespmem:s15], [sflag:$0x4], $0x80, s29, s18, $0xb8;
	[tilespmem:$0x1D800] =	vst v63  }
0x1f1: {  	_ =	swait.ge [sflag:s16], $0x2800  }
0x1f2: {  	[sflag:s16] =	ssyncset.done $0x0  }
0x1f3: {  	[sflag:s16] =	ssyncadd.s32 $0xFFFFD800  }
0x1f4: {  	[tilespmem:s15], [sflag:$0x1] =	stream.indirect.gather [hbm4b:s2+s18], $0x80, s30, s18, $0xb8;
	[tilespmem:$0x1D800] =	vst v63  }
0x1f5: {  	_ =	swait.ge [sflag:s22], $0x2800  }
0x1f6: {  	[sflag:s22] =	ssyncset.done $0x0  }
0x1f7: {  	[sflag:s22] =	ssyncadd.s32 $0xFFFFD800  }
0x1f8: {  	[spmem:s3] =	stream.indirect.scatter.add.f32 [tilespmem:s19], [sflag:$0x4], $0x80, s31, s18, $0xb8;
	[tilespmem:$0x1D800] =	vst v63  }
0x1f9: {  	_ =	swait.ge [sflag:s16], $0x2800  }
0x1fa: {  	[sflag:s16] =	ssyncset.done $0x0  }
0x1fb: {  	[sflag:s16] =	ssyncadd.s32 $0xFFFFD800  }
0x1fc: {  	[tilespmem:s19], [sflag:$0x2] =	stream.indirect.gather [hbm4b:s2+s18], $0x80, s1, s18, $0xb8;
	[tilespmem:$0x1D800] =	vst v63  }
0x1fd: {  	_ =	swait.ge [sflag:s23], $0x2800  }
0x1fe: {  	[sflag:s23] =	ssyncset.done $0x0  }
0x1ff: {  	[sflag:s23] =	ssyncadd.s32 $0xFFFFD800  }
0x200: {  	[spmem:s3] =	stream.indirect.scatter.add.f32 [tilespmem:s20], [sflag:$0x4], $0x80, s0, s18, $0xb8;
	[tilespmem:$0x1D800] =	vst v63  }
0x201: {  	_ =	swait.ge [sflag:s16], $0x2800  }
0x202: {  	[sflag:s16] =	ssyncset.done $0x0  }
0x203: {  	[sflag:s16] =	ssyncadd.s32 $0xFFFFD800  }
0x204: {  	[tilespmem:s20], [sflag:$0x3] =	stream.indirect.gather [hbm4b:s2+s18], $0x80, s6, s18, $0xb8;
	[tilespmem:$0x1D800] =	vst v63  }
0x205: {  	_ =	swait.ge [sflag:s21], $0x2800  }
0x206: {  	[sflag:s21] =	ssyncset.done $0x0  }
0x207: {  	[sflag:s21] =	ssyncadd.s32 $0xFFFFD800  }
0x208: {  	[spmem:s3] =	stream.indirect.scatter.add.f32 [tilespmem:s15], [sflag:$0x4], $0x80, s7, s18, $0xb8;
	[tilespmem:$0x1D800] =	vst v63  }
0x209: {  	_ =	swait.ge [sflag:s16], $0x2800  }
0x20a: {  	[sflag:s16] =	ssyncset.done $0x0  }
0x20b: {  	[sflag:s16] =	ssyncadd.s32 $0xFFFFD800  }
0x20c: {  	[tilespmem:s15], [sflag:$0x1] =	stream.indirect.gather [hbm4b:s2+s18], $0x80, s8, s18, $0xb8;
	[tilespmem:$0x1D800] =	vst v63  }
0x20d: {  	_ =	swait.ge [sflag:s22], $0x2800  }
0x20e: {  	[sflag:s22] =	ssyncset.done $0x0  }
0x20f: {  	[sflag:s22] =	ssyncadd.s32 $0xFFFFD800  }
0x210: {  	[spmem:s3] =	stream.indirect.scatter.add.f32 [tilespmem:s19], [sflag:$0x4], $0x80, s9, s18, $0xb8;
	[tilespmem:$0x1D800] =	vst v63  }
0x211: {  	_ =	swait.ge [sflag:s16], $0x2800  }
0x212: {  	[sflag:s16] =	ssyncset.done $0x0  }
0x213: {  	[sflag:s16] =	ssyncadd.s32 $0xFFFFD800  }
0x214: {  	_ =	swait.ge [sflag:s23], $0x2800  }
0x215: {  	[sflag:s23] =	ssyncset.done $0x0  }
0x216: {  	[sflag:s23] =	ssyncadd.s32 $0xFFFFD800  }
0x217: {  	[spmem:s3] =	stream.indirect.scatter.add.f32 [tilespmem:s20], [sflag:$0x4], $0x80, s10, s18, $0xb8;
	[tilespmem:$0x1D800] =	vst v63  }
0x218: {  	_ =	swait.ge [sflag:s16], $0x2800  }
0x219: {  	[sflag:s16] =	ssyncset.done $0x0  }
0x21a: {  	[sflag:s16] =	ssyncadd.s32 $0xFFFFD800  }
0x21b: {  	p0 =	sne.s32 s14, $0x800;
	_ =	swait.ge [sflag:s21], $0x2800  }
.Ltmp1:
0x21c: {  	[sflag:s21] =	ssyncset.done $0x0;
	(pc) =	sbr.rel @p0 .LBB2_4-.Ltmp1, $4  }
0x21d: {  	[sflag:s21] =	ssyncadd.s32 $0xFFFFD800  }
0x21e: {  	[spmem:s3] =	stream.indirect.scatter.add.f32 [tilespmem:s15], [sflag:$0x4], $0x80, s11, s18, $0xb8;
	[tilespmem:$0x1D800] =	vst v63  }
0x21f: {  	_ =	swait.ge [sflag:s16], $0x2800  }
0x220: {  	s14 =	sadd.s32 $0x200, s14;
	s5 =	rddreg [dreg:$0x5];
	[sflag:s16] =	ssyncset.done $0x0  }
0x221: {  	[sflag:s16] =	ssyncadd.s32 $0xFFFFD800;
	s5 =	sadd.s32 s13, s5  }
0x222: {  	[tilespmem:s4], [sflag:$0x4] =	stream.linear.gather [hbm4b:s5+s4], $0xC80, $0x38;
	[tilespmem:$0x1D800] =	vst v63  }
0x223: {  	_ =	swait.ge [sflag:s16], $0xC80  }
0x224: {  	s12 =	rddreg [dreg:$0x4];
	[sflag:s16] =	ssyncset.done $0x0  }
0x225: {  	[sflag:s16] =	ssyncadd.s32 $0xFFFFF380;
	s5 =	sadd.s32 s13, s12  }
0x226: {  	[tilespmem:s17], [sflag:$0x4] =	stream.linear.gather [hbm4b:s5+s4], $0xC80, $0x38;
	[tilespmem:$0x1D800] =	vst v63  }
0x227: {  	_ =	swait.ge [sflag:s16], $0xC80  }
0x228: {  	[sflag:s16] =	ssyncset.done $0x0  }
0x229: {  	[sflag:s16] =	ssyncadd.s32 $0xFFFFF380  }
0x22a: {  	[tilespmem:s15], [sflag:$0x1] =	stream.indirect.gather [hbm4b:s2+s18], $0x80, s4, s18, $0xb8;
	[tilespmem:$0x1D800] =	vst v63  }
0x22b: {  	s13 =	rddreg [dreg:$0x6]  }
0x22c: {  	[tilespmem:s19], [sflag:$0x2] =	stream.indirect.gather [hbm4b:s2+s18], $0x80, s13, s18, $0xb8;
	[tilespmem:$0x1D800] =	vst v63  }
0x22d: {  	s12 =	rddreg [dreg:$0x7]  }
0x22e: {  	[tilespmem:s20], [sflag:$0x3] =	stream.indirect.gather [hbm4b:s2+s18], $0x80, s12, s18, $0xb8;
	[tilespmem:$0x1D800] =	vst v63  }
0x22f: {  	_ =	swait.ge [sflag:s21], $0x2800  }
0x230: {  	[sflag:s21] =	ssyncset.done $0x0  }
0x231: {  	[sflag:s21] =	ssyncadd.s32 $0xFFFFD800  }
0x232: {  	[spmem:s3] =	stream.indirect.scatter.add.f32 [tilespmem:s15], [sflag:$0x4], $0x80, s17, s18, $0xb8;
	[tilespmem:$0x1D800] =	vst v63  }
0x233: {  	_ =	swait.ge [sflag:s16], $0x2800  }
0x234: {  	[sflag:s16] =	ssyncset.done $0x0  }
0x235: {  	s14 =	rddreg [dreg:$0x8];
	[sflag:s16] =	ssyncadd.s32 $0xFFFFD800  }
0x236: {  	[tilespmem:s15], [sflag:$0x1] =	stream.indirect.gather [hbm4b:s2+s18], $0x80, s14, s18, $0xb8;
	[tilespmem:$0x1D800] =	vst v63  }
0x237: {  	_ =	swait.ge [sflag:s22], $0x2800  }
0x238: {  	[sflag:s22] =	ssyncset.done $0x0  }
0x239: {  	s12 =	rddreg [dreg:$0x9];
	[sflag:s22] =	ssyncadd.s32 $0xFFFFD800  }
0x23a: {  	[spmem:s3] =	stream.indirect.scatter.add.f32 [tilespmem:s19], [sflag:$0x4], $0x80, s12, s18, $0xb8;
	[tilespmem:$0x1D800] =	vst v63  }
0x23b: {  	_ =	swait.ge [sflag:s16], $0x2800  }
0x23c: {  	[sflag:s16] =	ssyncset.done $0x0  }
0x23d: {  	s13 =	rddreg [dreg:$0xa];
	[sflag:s16] =	ssyncadd.s32 $0xFFFFD800  }
0x23e: {  	[tilespmem:s19], [sflag:$0x2] =	stream.indirect.gather [hbm4b:s2+s18], $0x80, s13, s18, $0xb8;
	[tilespmem:$0x1D800] =	vst v63  }
0x23f: {  	_ =	swait.ge [sflag:s23], $0x2800  }
0x240: {  	[sflag:s23] =	ssyncset.done $0x0  }
0x241: {  	s14 =	rddreg [dreg:$0xb];
	[sflag:s23] =	ssyncadd.s32 $0xFFFFD800  }
0x242: {  	[spmem:s3] =	stream.indirect.scatter.add.f32 [tilespmem:s20], [sflag:$0x4], $0x80, s14, s18, $0xb8;
	[tilespmem:$0x1D800] =	vst v63  }
0x243: {  	_ =	swait.ge [sflag:s16], $0x2800  }
0x244: {  	[sflag:s16] =	ssyncset.done $0x0  }
0x245: {  	s12 =	rddreg [dreg:$0xc];
	[sflag:s16] =	ssyncadd.s32 $0xFFFFD800  }
0x246: {  	[tilespmem:s20], [sflag:$0x3] =	stream.indirect.gather [hbm4b:s2+s18], $0x80, s12, s18, $0xb8;
	[tilespmem:$0x1D800] =	vst v63  }
0x247: {  	_ =	swait.ge [sflag:s21], $0x2800  }
0x248: {  	[sflag:s21] =	ssyncset.done $0x0  }
0x249: {  	s13 =	rddreg [dreg:$0xd];
	[sflag:s21] =	ssyncadd.s32 $0xFFFFD800  }
0x24a: {  	[spmem:s3] =	stream.indirect.scatter.add.f32 [tilespmem:s15], [sflag:$0x4], $0x80, s13, s18, $0xb8;
	[tilespmem:$0x1D800] =	vst v63  }
0x24b: {  	_ =	swait.ge [sflag:s16], $0x2800  }
0x24c: {  	[sflag:s16] =	ssyncset.done $0x0  }
0x24d: {  	s14 =	rddreg [dreg:$0xe];
	[sflag:s16] =	ssyncadd.s32 $0xFFFFD800  }
0x24e: {  	[tilespmem:s15], [sflag:$0x1] =	stream.indirect.gather [hbm4b:s2+s18], $0x80, s14, s18, $0xb8;
	[tilespmem:$0x1D800] =	vst v63  }
0x24f: {  	_ =	swait.ge [sflag:s22], $0x2800  }
0x250: {  	[sflag:s22] =	ssyncset.done $0x0  }
0x251: {  	s12 =	rddreg [dreg:$0xf];
	[sflag:s22] =	ssyncadd.s32 $0xFFFFD800  }
0x252: {  	[spmem:s3] =	stream.indirect.scatter.add.f32 [tilespmem:s19], [sflag:$0x4], $0x80, s12, s18, $0xb8;
	[tilespmem:$0x1D800] =	vst v63  }
0x253: {  	_ =	swait.ge [sflag:s16], $0x2800  }
0x254: {  	[sflag:s16] =	ssyncset.done $0x0  }
0x255: {  	s13 =	rddreg [dreg:$0x10];
	[sflag:s16] =	ssyncadd.s32 $0xFFFFD800  }
0x256: {  	[tilespmem:s19], [sflag:$0x2] =	stream.indirect.gather [hbm4b:s2+s18], $0x80, s13, s18, $0xb8;
	[tilespmem:$0x1D800] =	vst v63  }
0x257: {  	_ =	swait.ge [sflag:s23], $0x2800  }
0x258: {  	[sflag:s23] =	ssyncset.done $0x0  }
0x259: {  	s14 =	rddreg [dreg:$0x11];
	[sflag:s23] =	ssyncadd.s32 $0xFFFFD800  }
0x25a: {  	[spmem:s3] =	stream.indirect.scatter.add.f32 [tilespmem:s20], [sflag:$0x4], $0x80, s14, s18, $0xb8;
	[tilespmem:$0x1D800] =	vst v63  }
0x25b: {  	_ =	swait.ge [sflag:s16], $0x2800  }
0x25c: {  	[sflag:s16] =	ssyncset.done $0x0  }
0x25d: {  	s12 =	rddreg [dreg:$0x12];
	[sflag:s16] =	ssyncadd.s32 $0xFFFFD800  }
0x25e: {  	[tilespmem:s20], [sflag:$0x3] =	stream.indirect.gather [hbm4b:s2+s18], $0x80, s12, s18, $0xb8;
	[tilespmem:$0x1D800] =	vst v63  }
0x25f: {  	_ =	swait.ge [sflag:s21], $0x2800  }
0x260: {  	[sflag:s21] =	ssyncset.done $0x0  }
0x261: {  	s13 =	rddreg [dreg:$0x13];
	[sflag:s21] =	ssyncadd.s32 $0xFFFFD800  }
0x262: {  	[spmem:s3] =	stream.indirect.scatter.add.f32 [tilespmem:s15], [sflag:$0x4], $0x80, s13, s18, $0xb8;
	[tilespmem:$0x1D800] =	vst v63  }
0x263: {  	_ =	swait.ge [sflag:s16], $0x2800  }
0x264: {  	[sflag:s16] =	ssyncset.done $0x0  }
0x265: {  	s14 =	rddreg [dreg:$0x14];
	[sflag:s16] =	ssyncadd.s32 $0xFFFFD800  }
0x266: {  	[tilespmem:s15], [sflag:$0x1] =	stream.indirect.gather [hbm4b:s2+s18], $0x80, s14, s18, $0xb8;
	[tilespmem:$0x1D800] =	vst v63  }
0x267: {  	_ =	swait.ge [sflag:s22], $0x2800  }
0x268: {  	[sflag:s22] =	ssyncset.done $0x0  }
0x269: {  	s12 =	rddreg [dreg:$0x15];
	[sflag:s22] =	ssyncadd.s32 $0xFFFFD800  }
0x26a: {  	[spmem:s3] =	stream.indirect.scatter.add.f32 [tilespmem:s19], [sflag:$0x4], $0x80, s12, s18, $0xb8;
	[tilespmem:$0x1D800] =	vst v63  }
0x26b: {  	_ =	swait.ge [sflag:s16], $0x2800  }
0x26c: {  	[sflag:s16] =	ssyncset.done $0x0  }
0x26d: {  	s13 =	rddreg [dreg:$0x16];
	[sflag:s16] =	ssyncadd.s32 $0xFFFFD800  }
0x26e: {  	[tilespmem:s19], [sflag:$0x2] =	stream.indirect.gather [hbm4b:s2+s18], $0x80, s13, s18, $0xb8;
	[tilespmem:$0x1D800] =	vst v63  }
0x26f: {  	_ =	swait.ge [sflag:s23], $0x2800  }
0x270: {  	[sflag:s23] =	ssyncset.done $0x0  }
0x271: {  	s14 =	rddreg [dreg:$0x17];
	[sflag:s23] =	ssyncadd.s32 $0xFFFFD800  }
0x272: {  	[spmem:s3] =	stream.indirect.scatter.add.f32 [tilespmem:s20], [sflag:$0x4], $0x80, s14, s18, $0xb8;
	[tilespmem:$0x1D800] =	vst v63  }
0x273: {  	_ =	swait.ge [sflag:s16], $0x2800  }
0x274: {  	[sflag:s16] =	ssyncset.done $0x0  }
0x275: {  	s12 =	rddreg [dreg:$0x18];
	[sflag:s16] =	ssyncadd.s32 $0xFFFFD800  }
0x276: {  	[tilespmem:s20], [sflag:$0x3] =	stream.indirect.gather [hbm4b:s2+s18], $0x80, s12, s18, $0xb8;
	[tilespmem:$0x1D800] =	vst v63  }
0x277: {  	_ =	swait.ge [sflag:s21], $0x2800  }
0x278: {  	[sflag:s21] =	ssyncset.done $0x0  }
0x279: {  	s13 =	rddreg [dreg:$0x19];
	[sflag:s21] =	ssyncadd.s32 $0xFFFFD800  }
0x27a: {  	[spmem:s3] =	stream.indirect.scatter.add.f32 [tilespmem:s15], [sflag:$0x4], $0x80, s13, s18, $0xb8;
	[tilespmem:$0x1D800] =	vst v63  }
0x27b: {  	_ =	swait.ge [sflag:s16], $0x2800  }
0x27c: {  	[sflag:s16] =	ssyncset.done $0x0  }
0x27d: {  	s14 =	rddreg [dreg:$0x1a];
	[sflag:s16] =	ssyncadd.s32 $0xFFFFD800  }
0x27e: {  	[tilespmem:s15], [sflag:$0x1] =	stream.indirect.gather [hbm4b:s2+s18], $0x80, s14, s18, $0xb8;
	[tilespmem:$0x1D800] =	vst v63  }
0x27f: {  	_ =	swait.ge [sflag:s22], $0x2800  }
0x280: {  	[sflag:s22] =	ssyncset.done $0x0  }
0x281: {  	s12 =	rddreg [dreg:$0x1b];
	[sflag:s22] =	ssyncadd.s32 $0xFFFFD800  }
0x282: {  	[spmem:s3] =	stream.indirect.scatter.add.f32 [tilespmem:s19], [sflag:$0x4], $0x80, s12, s18, $0xb8;
	[tilespmem:$0x1D800] =	vst v63  }
0x283: {  	_ =	swait.ge [sflag:s16], $0x2800  }
0x284: {  	[sflag:s16] =	ssyncset.done $0x0  }
0x285: {  	s13 =	rddreg [dreg:$0x1c];
	[sflag:s16] =	ssyncadd.s32 $0xFFFFD800  }
0x286: {  	[tilespmem:s19], [sflag:$0x2] =	stream.indirect.gather [hbm4b:s2+s18], $0x80, s13, s18, $0xb8;
	[tilespmem:$0x1D800] =	vst v63  }
0x287: {  	_ =	swait.ge [sflag:s23], $0x2800  }
0x288: {  	[sflag:s23] =	ssyncset.done $0x0  }
0x289: {  	s14 =	rddreg [dreg:$0x1d];
	[sflag:s23] =	ssyncadd.s32 $0xFFFFD800  }
0x28a: {  	[spmem:s3] =	stream.indirect.scatter.add.f32 [tilespmem:s20], [sflag:$0x4], $0x80, s14, s18, $0xb8;
	[tilespmem:$0x1D800] =	vst v63  }
0x28b: {  	_ =	swait.ge [sflag:s16], $0x2800  }
0x28c: {  	[sflag:s16] =	ssyncset.done $0x0  }
0x28d: {  	s12 =	rddreg [dreg:$0x1e];
	[sflag:s16] =	ssyncadd.s32 $0xFFFFD800  }
0x28e: {  	[tilespmem:s20], [sflag:$0x3] =	stream.indirect.gather [hbm4b:s2+s18], $0x80, s12, s18, $0xb8;
	[tilespmem:$0x1D800] =	vst v63  }
0x28f: {  	_ =	swait.ge [sflag:s21], $0x2800  }
0x290: {  	[sflag:s21] =	ssyncset.done $0x0  }
0x291: {  	s13 =	rddreg [dreg:$0x1f];
	[sflag:s21] =	ssyncadd.s32 $0xFFFFD800  }
0x292: {  	[spmem:s3] =	stream.indirect.scatter.add.f32 [tilespmem:s15], [sflag:$0x4], $0x80, s13, s18, $0xb8;
	[tilespmem:$0x1D800] =	vst v63  }
0x293: {  	_ =	swait.ge [sflag:s16], $0x2800  }
0x294: {  	s14 =	sld [smem:$0x7F7]  }
0x295: {  	[sflag:s16] =	ssyncset.done $0x0  }
0x296: {  	[sflag:s16] =	ssyncadd.s32 $0xFFFFD800  }
0x297: {  	[tilespmem:s15], [sflag:$0x1] =	stream.indirect.gather [hbm4b:s2+s18], $0x80, s14, s18, $0xb8;
	[tilespmem:$0x1D800] =	vst v63  }
0x298: {  	_ =	swait.ge [sflag:s22], $0x2800  }
0x299: {  	s12 =	sld [smem:$0x7F8]  }
0x29a: {  	[sflag:s22] =	ssyncset.done $0x0  }
0x29b: {  	[sflag:s22] =	ssyncadd.s32 $0xFFFFD800  }
0x29c: {  	[spmem:s3] =	stream.indirect.scatter.add.f32 [tilespmem:s19], [sflag:$0x4], $0x80, s12, s18, $0xb8;
	[tilespmem:$0x1D800] =	vst v63  }
0x29d: {  	_ =	swait.ge [sflag:s16], $0x2800  }
0x29e: {  	s13 =	sld [smem:$0x7F9]  }
0x29f: {  	[sflag:s16] =	ssyncset.done $0x0  }
0x2a0: {  	[sflag:s16] =	ssyncadd.s32 $0xFFFFD800  }
0x2a1: {  	[tilespmem:s19], [sflag:$0x2] =	stream.indirect.gather [hbm4b:s2+s18], $0x80, s13, s18, $0xb8;
	[tilespmem:$0x1D800] =	vst v63  }
0x2a2: {  	_ =	swait.ge [sflag:s23], $0x2800  }
0x2a3: {  	s14 =	sld [smem:$0x7FA]  }
0x2a4: {  	[sflag:s23] =	ssyncset.done $0x0  }
0x2a5: {  	[sflag:s23] =	ssyncadd.s32 $0xFFFFD800  }
0x2a6: {  	[spmem:s3] =	stream.indirect.scatter.add.f32 [tilespmem:s20], [sflag:$0x4], $0x80, s14, s18, $0xb8;
	[tilespmem:$0x1D800] =	vst v63  }
0x2a7: {  	_ =	swait.ge [sflag:s16], $0x2800  }
0x2a8: {  	s12 =	sld [smem:$0x7FB]  }
0x2a9: {  	[sflag:s16] =	ssyncset.done $0x0  }
0x2aa: {  	[sflag:s16] =	ssyncadd.s32 $0xFFFFD800  }
0x2ab: {  	[tilespmem:s20], [sflag:$0x3] =	stream.indirect.gather [hbm4b:s2+s18], $0x80, s12, s18, $0xb8;
	[tilespmem:$0x1D800] =	vst v63  }
0x2ac: {  	_ =	swait.ge [sflag:s21], $0x2800  }
0x2ad: {  	s13 =	sld [smem:$0x7FC]  }
0x2ae: {  	[sflag:s21] =	ssyncset.done $0x0  }
0x2af: {  	[sflag:s21] =	ssyncadd.s32 $0xFFFFD800  }
0x2b0: {  	[spmem:s3] =	stream.indirect.scatter.add.f32 [tilespmem:s15], [sflag:$0x4], $0x80, s13, s18, $0xb8;
	[tilespmem:$0x1D800] =	vst v63  }
0x2b1: {  	_ =	swait.ge [sflag:s16], $0x2800  }
0x2b2: {  	s14 =	sld [smem:$0x7FD]  }
0x2b3: {  	[sflag:s16] =	ssyncset.done $0x0  }
0x2b4: {  	[sflag:s16] =	ssyncadd.s32 $0xFFFFD800  }
0x2b5: {  	[tilespmem:s15], [sflag:$0x1] =	stream.indirect.gather [hbm4b:s2+s18], $0x80, s14, s18, $0xb8;
	[tilespmem:$0x1D800] =	vst v63  }
0x2b6: {  	_ =	swait.ge [sflag:s22], $0x2800  }
0x2b7: {  	[sflag:s22] =	ssyncset.done $0x0  }
0x2b8: {  	[sflag:s22] =	ssyncadd.s32 $0xFFFFD800  }
0x2b9: {  	[spmem:s3] =	stream.indirect.scatter.add.f32 [tilespmem:s19], [sflag:$0x4], $0x80, s24, s18, $0xb8;
	[tilespmem:$0x1D800] =	vst v63  }
0x2ba: {  	_ =	swait.ge [sflag:s16], $0x2800  }
0x2bb: {  	[sflag:s16] =	ssyncset.done $0x0  }
0x2bc: {  	[sflag:s16] =	ssyncadd.s32 $0xFFFFD800  }
0x2bd: {  	[tilespmem:s19], [sflag:$0x2] =	stream.indirect.gather [hbm4b:s2+s18], $0x80, s25, s18, $0xb8;
	[tilespmem:$0x1D800] =	vst v63  }
0x2be: {  	_ =	swait.ge [sflag:s23], $0x2800  }
0x2bf: {  	[sflag:s23] =	ssyncset.done $0x0  }
0x2c0: {  	[sflag:s23] =	ssyncadd.s32 $0xFFFFD800  }
0x2c1: {  	[spmem:s3] =	stream.indirect.scatter.add.f32 [tilespmem:s20], [sflag:$0x4], $0x80, s26, s18, $0xb8;
	[tilespmem:$0x1D800] =	vst v63  }
0x2c2: {  	_ =	swait.ge [sflag:s16], $0x2800  }
0x2c3: {  	[sflag:s16] =	ssyncset.done $0x0  }
0x2c4: {  	[sflag:s16] =	ssyncadd.s32 $0xFFFFD800  }
0x2c5: {  	[tilespmem:s20], [sflag:$0x3] =	stream.indirect.gather [hbm4b:s2+s18], $0x80, s28, s18, $0xb8;
	[tilespmem:$0x1D800] =	vst v63  }
0x2c6: {  	_ =	swait.ge [sflag:s21], $0x2800  }
0x2c7: {  	[sflag:s21] =	ssyncset.done $0x0  }
0x2c8: {  	[sflag:s21] =	ssyncadd.s32 $0xFFFFD800  }
0x2c9: {  	[spmem:s3] =	stream.indirect.scatter.add.f32 [tilespmem:s15], [sflag:$0x4], $0x80, s29, s18, $0xb8;
	[tilespmem:$0x1D800] =	vst v63  }
0x2ca: {  	_ =	swait.ge [sflag:s16], $0x2800  }
0x2cb: {  	[sflag:s16] =	ssyncset.done $0x0  }
0x2cc: {  	[sflag:s16] =	ssyncadd.s32 $0xFFFFD800  }
0x2cd: {  	[tilespmem:s15], [sflag:$0x1] =	stream.indirect.gather [hbm4b:s2+s18], $0x80, s30, s18, $0xb8;
	[tilespmem:$0x1D800] =	vst v63  }
0x2ce: {  	_ =	swait.ge [sflag:s22], $0x2800  }
0x2cf: {  	[sflag:s22] =	ssyncset.done $0x0  }
0x2d0: {  	[sflag:s22] =	ssyncadd.s32 $0xFFFFD800  }
0x2d1: {  	[spmem:s3] =	stream.indirect.scatter.add.f32 [tilespmem:s19], [sflag:$0x4], $0x80, s31, s18, $0xb8;
	[tilespmem:$0x1D800] =	vst v63  }
0x2d2: {  	_ =	swait.ge [sflag:s16], $0x2800  }
0x2d3: {  	[sflag:s16] =	ssyncset.done $0x0  }
0x2d4: {  	[sflag:s16] =	ssyncadd.s32 $0xFFFFD800  }
0x2d5: {  	[tilespmem:s19], [sflag:$0x2] =	stream.indirect.gather [hbm4b:s2+s18], $0x80, s1, s18, $0xb8;
	[tilespmem:$0x1D800] =	vst v63  }
0x2d6: {  	_ =	swait.ge [sflag:s23], $0x2800  }
0x2d7: {  	[sflag:s23] =	ssyncset.done $0x0  }
0x2d8: {  	[sflag:s23] =	ssyncadd.s32 $0xFFFFD800  }
0x2d9: {  	[spmem:s3] =	stream.indirect.scatter.add.f32 [tilespmem:s20], [sflag:$0x4], $0x80, s0, s18, $0xb8;
	[tilespmem:$0x1D800] =	vst v63  }
0x2da: {  	_ =	swait.ge [sflag:s16], $0x2800  }
0x2db: {  	[sflag:s16] =	ssyncset.done $0x0  }
0x2dc: {  	[sflag:s16] =	ssyncadd.s32 $0xFFFFD800  }
0x2dd: {  	[tilespmem:s20], [sflag:$0x3] =	stream.indirect.gather [hbm4b:s2+s18], $0x80, s6, s18, $0xb8;
	[tilespmem:$0x1D800] =	vst v63  }
0x2de: {  	_ =	swait.ge [sflag:s21], $0x2800  }
0x2df: {  	[sflag:s21] =	ssyncset.done $0x0  }
0x2e0: {  	[sflag:s21] =	ssyncadd.s32 $0xFFFFD800  }
0x2e1: {  	[spmem:s3] =	stream.indirect.scatter.add.f32 [tilespmem:s15], [sflag:$0x4], $0x80, s7, s18, $0xb8;
	[tilespmem:$0x1D800] =	vst v63  }
0x2e2: {  	_ =	swait.ge [sflag:s16], $0x2800  }
0x2e3: {  	[sflag:s16] =	ssyncset.done $0x0  }
0x2e4: {  	[sflag:s16] =	ssyncadd.s32 $0xFFFFD800  }
0x2e5: {  	[tilespmem:s15], [sflag:$0x1] =	stream.indirect.gather [hbm4b:s2+s18], $0x80, s8, s18, $0xb8;
	[tilespmem:$0x1D800] =	vst v63  }
0x2e6: {  	_ =	swait.ge [sflag:s22], $0x2800  }
0x2e7: {  	[sflag:s22] =	ssyncset.done $0x0  }
0x2e8: {  	[sflag:s22] =	ssyncadd.s32 $0xFFFFD800  }
0x2e9: {  	[spmem:s3] =	stream.indirect.scatter.add.f32 [tilespmem:s19], [sflag:$0x4], $0x80, s9, s18, $0xb8;
	[tilespmem:$0x1D800] =	vst v63  }
0x2ea: {  	_ =	swait.ge [sflag:s16], $0x2800  }
0x2eb: {  	[sflag:s16] =	ssyncset.done $0x0  }
0x2ec: {  	[sflag:s16] =	ssyncadd.s32 $0xFFFFD800  }
0x2ed: {  	_ =	swait.ge [sflag:s23], $0x2800  }
0x2ee: {  	[sflag:s23] =	ssyncset.done $0x0  }
0x2ef: {  	[sflag:s23] =	ssyncadd.s32 $0xFFFFD800  }
0x2f0: {  	[spmem:s3] =	stream.indirect.scatter.add.f32 [tilespmem:s20], [sflag:$0x4], $0x80, s10, s18, $0xb8;
	[tilespmem:$0x1D800] =	vst v63  }
0x2f1: {  	_ =	swait.ge [sflag:s16], $0x2800  }
0x2f2: {  	[sflag:s16] =	ssyncset.done $0x0  }
0x2f3: {  	[sflag:s16] =	ssyncadd.s32 $0xFFFFD800  }
0x2f4: {  	_ =	swait.ge [sflag:s21], $0x2800  }
0x2f5: {  	[sflag:s21] =	ssyncset.done $0x0  }
0x2f6: {  	[sflag:s21] =	ssyncadd.s32 $0xFFFFD800  }
0x2f7: {  	[spmem:s3] =	stream.indirect.scatter.add.f32 [tilespmem:s15], [sflag:$0x4], $0x80, s11, s18, $0xb8;
	[tilespmem:$0x1D800] =	vst v63  }
0x2f8: {  	_ =	swait.ge [sflag:s16], $0x2800  }
0x2f9: {  	[sflag:s16] =	ssyncset.done $0x0  }
0x2fa: {  	[sflag:s16] =	ssyncadd.s32 $0xFFFFD800  }
0x2fb: {  	[bflag:$0x0] =	sbarrier.arrive $0xFFFF  }
0x2fc: {  	s13 =	sld [smem:$0x7F3]  }
0x2fd: {  	s12 =	stileid.u32;
	s14 =	sld [smem:$0x7F5]  }
0x2fe: {  	s5 =	sshll.u32 s12, $0x6  }
0x2ff: {  	s5 =	sor.u32 $0x1C04, s5;
	s12 =	sshrl.u32 s13, $0x3  }
0x300: {  	[hbm:s14], [sflag:s5] =	dma.local [spmem:s12], $0x2800  }
0x301: {  	_ =	swait.ge [sflag:s16], $0x2800  }
0x302: {  	s13 =	sld [smem:$0x7EC]  }
0x303: {  	s14 =	sld [smem:$0x7F6];
	_ =	sdelay $0x1  }
0x304: {  	s12 =	sadd.s32 $0x1, s13  }
0x305: {  	p0 =	sne.s32 s12, s14  }
.Ltmp2:
0x306: {  	_ = 	snop;
	(pc) =	sbr.rel @p0 .LBB2_1-.Ltmp2, $3  }
0x307: {  	_ =	sdelay $0x1  }
0x308: {  	[sflag:s16] =	ssyncset.done $0x0  }
0x309: {  	[sflag:s16] =	ssyncadd.s32 $0xFFFFD800  }
0x30a: {  	_ =	sfence.sel $0x180000  }
0x30b: {  	[bflag:$0x0] =	sbarrier.arrive $0xFFFF  }
0x30c: {  	_ =	strace $0x9000004D  }
0x30d: {  	s0 =	stileid.u32;
	[bflag:$0x2] =	sbarrier.arrive $0xFFFF  }
0x30e: {  	p0 =	sne.s32 s0, $0x0;
	s0 =	rddreg [dreg:$0x3]  }
0x30f: {  	s0 =	sadd.s32 @!p0 $0x100000, s0  }
0x310: {  	[sflag:s0] =	ssyncadd.tile.s32 @!p0 $0x1;
	_ =	shalt  }
.Lfunc_end2:
_tile_overlayer_lowered:
.L_overlay_start_2:
0x311: {  	(tag) =	ssettag $0x2  }
0x312: {  	s0 =	rddreg [dreg:$0x0];
	s2 =	stileid.u32  }
0x313: {  	s1 =	rddreg [dreg:$0x1];
	p0 =	sne.s32 s2, $0x0  }
0x314: {  	s3 =	rddreg [dreg:$0x2];
	[bflag:$0x3] =	sbarrier.arrive $0xFFFF;
	s2 =	simm.s32 @!p0 $0x1C04  }
0x315: {  	[timem:s3], [sflag:s2] =	dma.local @!p0 [hbm:s0], s1  }
0x316: {  	s0 =	simm.s32 @!p0 $0x4  }
0x317: {  	_ =	swait.ge @!p0 [sflag:s0], s1  }
0x318: {  	s1 =	ssub.s32 @!p0 $0x0, s1;
	[sflag:s0] =	ssyncset.done @!p0 $0x0  }
0x319: {  	[sflag:s0] =	ssyncadd.s32 @!p0 s1  }
0x31a: {  	[bflag:$0x3] =	sbarrier.arrive $0xFFFF  }
0x31b: {  	_ =	shalt  }

</sc_bundles>
